<compile_context>
chip_gen: v7x
topology: tpu7x:2x2x1
jax: 0.10.2.dev20260603
libtpu: 0.0.44.dev20260713+nightly
codegen_flags: <defaults>
</compile_context>

<pallas_src>
import functools

import jax
import jax.numpy as jnp
from jax import lax
from jax.experimental import pallas as pl
from jax.experimental.pallas import tpu as pltpu
from jax.experimental.pallas import tpu_sc as plsc

N = 10000
E = 320000
IN = 128
HC = 64
TW = 2 * HC
EPS = 1e-5

NC, NS = 2, 16
NW = NC * NS
EPW = E // NW
GK = 200
SK = 3200
LANES = 16

_MESH = plsc.VectorSubcoreMesh(
    core_axis_name="c", subcore_axis_name="s", num_cores=NC, num_subcores=NS)

_BN_S = (1.0 + EPS) ** -0.5



def _tc_pre_body(agg_ref, g_ref, be_ref, t_out):
    a = jnp.max(agg_ref[...], axis=0)
    a = jnp.where(jnp.isfinite(a), a, 0.0)
    s = g_ref[...] * _BN_S
    h = jnp.maximum(a * s[:, None] + be_ref[...][:, None], 0.0)
    t_out[...] = jnp.concatenate(
        [h.T, jnp.zeros((N, HC), jnp.float32)], axis=1)


def _tc_pre(agg_t, g, be):
    return pl.pallas_call(
        _tc_pre_body,
        out_shape=jax.ShapeDtypeStruct((N, TW), jnp.float32),
    )(agg_t, g, be)


_EB = 3200


def _tc_edge_body(h_ref, wa_ref, ba_ref, wb_ref, bb_ref, o_ref):
    hb = h_ref[...]
    t = jnp.maximum(
        lax.dot_general(wa_ref[...], hb, (((1,), (1,)), ((), ())),
                        preferred_element_type=jnp.float32)
        + ba_ref[...][:, None], 0.0)
    m = lax.dot_general(wb_ref[...], t, (((1,), (0,)), ((), ())),
                        preferred_element_type=jnp.float32)
    o_ref[...] = m + bb_ref[...][:, None]


def _tc_edge(h, wa, ba, wb, bb):
    grid = E // _EB
    f2 = wa.shape[1]
    return pl.pallas_call(
        _tc_edge_body,
        grid=(grid,),
        in_specs=[
            pl.BlockSpec((_EB, f2), lambda i: (i, 0)),
            pl.BlockSpec((HC, f2), lambda i: (0, 0)),
            pl.BlockSpec((HC,), lambda i: (0,)),
            pl.BlockSpec((HC, HC), lambda i: (0, 0)),
            pl.BlockSpec((HC,), lambda i: (0,)),
        ],
        out_specs=pl.BlockSpec((HC, _EB), lambda i: (0, i)),
        out_shape=jax.ShapeDtypeStruct((HC, E), jnp.float32),
    )(h, wa, ba, wb, bb)


def _tc_head_body(agg_ref, g_ref, be_ref, w1_ref, b1_ref, w2_ref, b2_ref,
                  w3_ref, b3_ref, w4_ref, b4_ref, o_ref):
    a = jnp.max(agg_ref[...], axis=0)
    a = jnp.where(jnp.isfinite(a), a, 0.0)
    s = g_ref[...] * _BN_S
    h = jnp.maximum(a * s[:, None] + be_ref[...][:, None], 0.0)
    h = jnp.maximum(lax.dot_general(w1_ref[...], h, (((1,), (0,)), ((), ())),
                                    preferred_element_type=jnp.float32)
                    + b1_ref[...][:, None], 0.0)
    h = jnp.maximum(lax.dot_general(w2_ref[...], h, (((1,), (0,)), ((), ())),
                                    preferred_element_type=jnp.float32)
                    + b2_ref[...][:, None], 0.0)
    h = jnp.maximum(lax.dot_general(w3_ref[...], h, (((1,), (0,)), ((), ())),
                                    preferred_element_type=jnp.float32)
                    + b3_ref[...][:, None], 0.0)
    o_ref[...] = lax.dot_general(h, w4_ref[...], (((0,), (1,)), ((), ())),
                                 preferred_element_type=jnp.float32) \
        + b4_ref[...][None, :]


def _tc_head(agg_t, g, be, w1, b1, w2, b2, w3, b3, w4, b4):
    return pl.pallas_call(
        _tc_head_body,
        out_shape=jax.ShapeDtypeStruct((N, w4.shape[0]), jnp.float32),
    )(agg_t, g, be, w1, b1, w2, b2, w3, b3, w4, b4)



def _make_gather_body(fw):
    def _sc_gather_body(src_hbm, dst_hbm, t_hbm, out_hbm,
                        idxd, idxs, bufd, bufs, out_v, sem1, sem2):
        wid = lax.axis_index("s") * NC + lax.axis_index("c")
        base_w = wid * EPW

        @pl.loop(0, EPW // GK)
        def _chunk(j):
            base = pl.multiple_of(base_w + j * GK, 8)
            pltpu.sync_copy(dst_hbm.at[pl.ds(base, GK)], idxd)
            pltpu.sync_copy(src_hbm.at[pl.ds(base, GK)], idxs)
            cp1 = pltpu.async_copy(t_hbm.at[idxd], bufd, sem1)
            cp2 = pltpu.async_copy(t_hbm.at[idxs], bufs, sem2)
            cp1.wait()
            cp2.wait()

            @pl.loop(0, GK)
            def _row(r):
                for c in range(fw // LANES):
                    sl = pl.ds(c * LANES, LANES)
                    sr = pl.ds(fw + c * LANES, LANES)
                    xi = bufd[r, sl]
                    out_v[r, sl] = xi
                    out_v[r, sr] = bufs[r, sl] - xi

            pltpu.sync_copy(out_v, out_hbm.at[pl.ds(base, GK), :])

    return _sc_gather_body


def _sc_gather(src, dst, t_tab, fw):
    f = functools.partial(
        pl.kernel,
        mesh=_MESH,
        compiler_params=pltpu.CompilerParams(needs_layout_passes=False),
        out_type=jax.ShapeDtypeStruct((E, 2 * fw), jnp.float32),
        scratch_types=[
            pltpu.VMEM((GK,), jnp.int32),
            pltpu.VMEM((GK,), jnp.int32),
            pltpu.VMEM((GK, TW), jnp.float32),
            pltpu.VMEM((GK, TW), jnp.float32),
            pltpu.VMEM((GK, 2 * fw), jnp.float32),
            pltpu.SemaphoreType.DMA,
            pltpu.SemaphoreType.DMA,
        ],
    )(_make_gather_body(fw))
    return f(src, dst, t_tab)



NFP = 8
NEP = 4
EPQ = E // NEP


def _sc_scatmax_body(dst_hbm, mt_hbm, out_hbm, idxb, vals, scr, flags, *accs):
    wid = lax.axis_index("s") * NC + lax.axis_index("c")
    p = wid // NFP
    f0 = pl.multiple_of((wid % NFP) * NFP, 8)
    base_e = p * EPQ
    neg = jnp.full((LANES,), -jnp.inf, jnp.float32)

    @pl.loop(0, N // LANES)
    def _init(i):
        sl = pl.ds(i * LANES, LANES)
        for acc in accs:
            acc[sl] = neg

    @pl.loop(0, EPQ // SK)
    def _chunk(j):
        e0 = pl.multiple_of(base_e + j * SK, 128)
        pltpu.sync_copy(dst_hbm.at[pl.ds(e0, SK)], idxb)
        pltpu.sync_copy(mt_hbm.at[pl.ds(f0, NFP), pl.ds(e0, SK)], vals)

        @pl.loop(0, SK // LANES)
        def _probe(g):
            sl = pl.ds(g * LANES, LANES)
            idxv = idxb[sl]
            lanes = lax.iota(jnp.int32, LANES).astype(jnp.float32)
            plsc.store_scatter(scr, [idxv], lanes)
            rd = plsc.load_gather(scr, [idxv])
            flags[sl] = plsc.all_reduce_population_count(rd != lanes)

        @pl.loop(0, SK // LANES)
        def _grp(g):
            sl = pl.ds(g * LANES, LANES)
            idxv = idxb[sl]
            for f, acc in enumerate(accs):
                v = vals[f, sl]
                cur = plsc.load_gather(acc, [idxv])
                plsc.store_scatter(acc, [idxv], jnp.maximum(v, cur))

            @pl.when(flags[sl][0] > 0)
            def _repair():
                for f, acc in enumerate(accs):
                    v = vals[f, sl]
                    cur = plsc.load_gather(acc, [idxv])
                    m = jnp.maximum(v, cur)
                    back = plsc.load_gather(acc, [idxv])
                    cnt = jnp.sum((back < m).astype(jnp.int32))

                    def _cond(c):
                        return c > 0

                    def _body(c):
                        b1 = plsc.load_gather(acc, [idxv])
                        msk = b1 < m
                        plsc.store_scatter(acc, [idxv], m, mask=msk)
                        b2 = plsc.load_gather(acc, [idxv])
                        return jnp.sum((b2 < m).astype(jnp.int32))

                    lax.while_loop(_cond, _body, cnt)

    for f, acc in enumerate(accs):
        base = pl.multiple_of((p * HC + f0 + f) * N, 8)
        pltpu.sync_copy(acc, out_hbm.at[pl.ds(base, N)])


def _sc_scatmax(dst, m_t):
    f = functools.partial(
        pl.kernel,
        mesh=_MESH,
        compiler_params=pltpu.CompilerParams(needs_layout_passes=False),
        out_type=jax.ShapeDtypeStruct((NEP * HC * N,), jnp.float32),
        scratch_types=[
            pltpu.VMEM((SK,), jnp.int32),
            pltpu.VMEM((NFP, SK), jnp.float32),
            pltpu.VMEM((N,), jnp.float32),
            pltpu.VMEM((SK,), jnp.int32),
        ] + [pltpu.VMEM((N,), jnp.float32)] * NFP,
    )(_sc_scatmax_body)
    return jnp.reshape(f(dst, m_t), (NEP, HC, N))



def kernel(x, edge_index, W1a, b1a, W1b, b1b, W2a, b2a, W2b, b2b, W3a, b3a,
           W3b, b3b, g1, be1, g2, be2, g3, be3, L1w, L1b, L2w, L2b, L3w, L3b,
           L4w, L4b):
    src = edge_index[0]
    dst = edge_index[1]

    h_e = _sc_gather(src, dst, x, IN)
    m_t = _tc_edge(h_e, W1a, b1a, W1b, b1b)
    agg = _sc_scatmax(dst, m_t)

    t_tab = _tc_pre(agg, g1, be1)
    h_e = _sc_gather(src, dst, t_tab, HC)
    m_t = _tc_edge(h_e, W2a, b2a, W2b, b2b)
    agg = _sc_scatmax(dst, m_t)

    t_tab = _tc_pre(agg, g2, be2)
    h_e = _sc_gather(src, dst, t_tab, HC)
    m_t = _tc_edge(h_e, W3a, b3a, W3b, b3b)
    agg = _sc_scatmax(dst, m_t)

    return _tc_head(agg, g3, be3, L1w, L1b, L2w, L2b, L3w, L3b, L4w, L4b)

# --- scband reference (transcript-rebuilt; emitter-appended) ---
"""Pipeline reference for scband-bertha-static-16458314678865 (READ-ONLY COPY).

The authoritative reference and input builder live on the scoring server;
editing this copy changes nothing except your own understanding.
"""

import jax, jax.numpy as jnp
import numpy as np

N = 10000
E = 320000
IN = 128
HC = 64
FC1, FC2, FC3, OUT = 64, 32, 16, 8
EPS = 1e-5


def _lin_w(key, out_f, in_f):
    return jax.random.normal(key, (out_f, in_f), jnp.float32) * (2.0 / in_f) ** 0.5


def setup_inputs(seed: int = 0):
    key = jax.random.key(seed)
    ks = jax.random.split(key, 32)
    inp = {}
    inp['x'] = jax.random.normal(ks[0], (N, IN), jnp.float32)
    inp['edge_index'] = jax.random.randint(ks[1], (2, E), 0, N, jnp.int32)
    # EdgeConv MLP 1: Linear(2*IN, HC) -> ReLU -> Linear(HC, HC)
    inp['W1a'] = _lin_w(ks[2], HC, 2 * IN); inp['b1a'] = jnp.zeros((HC,), jnp.float32)
    inp['W1b'] = _lin_w(ks[3], HC, HC);     inp['b1b'] = jnp.zeros((HC,), jnp.float32)
    # EdgeConv MLP 2: Linear(2*HC, HC) -> ReLU -> Linear(HC, HC)
    inp['W2a'] = _lin_w(ks[4], HC, 2 * HC); inp['b2a'] = jnp.zeros((HC,), jnp.float32)
    inp['W2b'] = _lin_w(ks[5], HC, HC);     inp['b2b'] = jnp.zeros((HC,), jnp.float32)
    # EdgeConv MLP 3
    inp['W3a'] = _lin_w(ks[6], HC, 2 * HC); inp['b3a'] = jnp.zeros((HC,), jnp.float32)
    inp['W3b'] = _lin_w(ks[7], HC, HC);     inp['b3b'] = jnp.zeros((HC,), jnp.float32)
    # BatchNorm affine params (eval mode: running_mean=0, running_var=1)
    inp['g1'] = jnp.ones((HC,), jnp.float32); inp['be1'] = jnp.zeros((HC,), jnp.float32)
    inp['g2'] = jnp.ones((HC,), jnp.float32); inp['be2'] = jnp.zeros((HC,), jnp.float32)
    inp['g3'] = jnp.ones((HC,), jnp.float32); inp['be3'] = jnp.zeros((HC,), jnp.float32)
    # Head linears
    inp['L1w'] = _lin_w(ks[8], FC1, HC);   inp['L1b'] = jnp.zeros((FC1,), jnp.float32)
    inp['L2w'] = _lin_w(ks[9], FC2, FC1);  inp['L2b'] = jnp.zeros((FC2,), jnp.float32)
    inp['L3w'] = _lin_w(ks[10], FC3, FC2); inp['L3b'] = jnp.zeros((FC3,), jnp.float32)
    inp['L4w'] = _lin_w(ks[11], OUT, FC3); inp['L4b'] = jnp.zeros((OUT,), jnp.float32)
    return inp


def _edgeconv(x, src, dst, Wa, ba, Wb, bb):
    # PyG EdgeConv: msg = mlp(cat([x_i, x_j - x_i])), aggr='max' over dst nodes
    x_i = x[dst]
    x_j = x[src]
    h = jnp.concatenate([x_i, x_j - x_i], axis=-1)
    h = jax.nn.relu(h @ Wa.T + ba) @ Wb.T + bb
    agg = jax.ops.segment_max(h, dst, num_segments=N)
    # PyG scatter-max fills empty segments with 0
    return jnp.where(jnp.isfinite(agg), agg, 0.0)


def _bn(x, g, b):
    # eval-mode BatchNorm1d with fresh running stats (mean=0, var=1)
    return (x / jnp.sqrt(1.0 + EPS)) * g + b


def reference(x, edge_index, W1a, b1a, W1b, b1b, W2a, b2a, W2b, b2b, W3a, b3a, W3b, b3b, g1, be1, g2, be2, g3, be3, L1w, L1b, L2w, L2b, L3w, L3b, L4w, L4b):
    src = edge_index[0]
    dst = edge_index[1]
    h = _edgeconv(x, src, dst, W1a, b1a, W1b, b1b)
    h = jax.nn.relu(_bn(h, g1, be1))
    h = _edgeconv(h, src, dst, W2a, b2a, W2b, b2b)
    h = jax.nn.relu(_bn(h, g2, be2))
    h = _edgeconv(h, src, dst, W3a, b3a, W3b, b3b)
    h = jax.nn.relu(_bn(h, g3, be3))
    h = jax.nn.relu(h @ L1w.T + L1b)
    h = jax.nn.relu(h @ L2w.T + L2b)
    h = jax.nn.relu(h @ L3w.T + L3b)
    return h @ L4w.T + L4b

if __name__ == "__main__":
    import jax
    _d = setup_inputs()
    print(jax.jit(kernel)(*tuple(_d.values())))

</pallas_src>

<mosaic_0001>
#map = affine_map<(d0, d1) -> (0)>
#map1 = affine_map<(d0, d1) -> (0, 0)>
module attributes {stable_mosaic.version = 14 : i64} {
  func.func @_sc_gather_body(%arg0: i32, %arg1: i32, %arg2: memref<320000xi32, #tpu.memory_space<hbm>>, %arg3: memref<320000xi32, #tpu.memory_space<hbm>>, %arg4: memref<10000x128xf32, #tpu.memory_space<hbm>>, %arg5: memref<320000x128xf32, #tpu.memory_space<hbm>>, %arg6: memref<200xi32, #tpu.memory_space<vmem>>, %arg7: memref<200xi32, #tpu.memory_space<vmem>>, %arg8: memref<200x128xf32, #tpu.memory_space<vmem>>, %arg9: memref<200x128xf32, #tpu.memory_space<vmem>>, %arg10: memref<200x128xf32, #tpu.memory_space<vmem>>, %arg11: memref<!tpu.dma_semaphore, #tpu.memory_space<semaphore_mem>>, %arg12: memref<!tpu.dma_semaphore, #tpu.memory_space<semaphore_mem>>) attributes {dimension_semantics = [#tpu.dimension_semantics<core_parallel>, #tpu.dimension_semantics<subcore_parallel>], iteration_bounds = array<i64: 2, 16>, scalar_prefetch = 0 : i64, scratch_operands = 7 : i64, tpu.core_type = #tpu.core_type<sc_vector_subcore>, window_params = [{transform_indices = #map}, {transform_indices = #map}, {transform_indices = #map1}, {transform_indices = #map1}]} {
    %mul3A = arith.constant 2 : i32
    %mul3A_0 = arith.muli %arg1, %mul3A : i32
    %add3A = arith.addi %mul3A_0, %arg0 : i32
    %mul3A_1 = arith.constant 10000 : i32
    %mul3A_2 = arith.muli %add3A, %mul3A_1 : i32
    %scan3A = arith.constant 0 : i32
    %scan3A_3 = arith.constant 50 : i32
    %scan3A_4 = arith.addi %scan3A, %scan3A_3 : i32
    %scan3A_5 = arith.constant 1 : i32
    scf.for %scan3A_7 = %scan3A to %scan3A_4 step %scan3A_5  : i32 {
      %mul3A_8 = arith.constant 1 : i32
      %mul3A_9 = arith.muli %scan3A_7, %mul3A_8 : i32
      %add3A_10 = arith.constant 0 : i32
      %add3A_11 = arith.addi %add3A_10, %mul3A_9 : i32
      %mul3A_12 = arith.constant 200 : i32
      %mul3A_13 = arith.muli %add3A_11, %mul3A_12 : i32
      %add3A_14 = arith.addi %mul3A_2, %mul3A_13 : i32
      %multiple_of3A = tpu.assume_multiple %add3A_14, 8 : i32
      "tpu.region"() ({
        %run_scoped3A = tpu.sem_alloc : memref<!tpu.dma_semaphore, #tpu.memory_space<semaphore_mem>>
        %dma_start3A_30 = tpu.memref_slice %arg3[%multiple_of3A] : memref<320000xi32, #tpu.memory_space<hbm>> -> memref<200xi32, #tpu.memory_space<hbm>>
        %dma_start3A_31 = tpu.memref_slice %arg3[%multiple_of3A] : memref<320000xi32, #tpu.memory_space<hbm>> -> memref<200xi32, #tpu.memory_space<hbm>>
        tpu.enqueue_dma source(%dma_start3A_31 : memref<200xi32, #tpu.memory_space<hbm>>) target(%arg6 : memref<200xi32, #tpu.memory_space<vmem>>) target_semaphore(%run_scoped3A : memref<!tpu.dma_semaphore, #tpu.memory_space<semaphore_mem>>)
        %dma_wait3A_32 = tpu.memref_slice %arg3[%multiple_of3A] : memref<320000xi32, #tpu.memory_space<hbm>> -> memref<200xi32, #tpu.memory_space<hbm>>
        %dma_wait3A_33 = tpu.memref_slice %arg3[%multiple_of3A] : memref<320000xi32, #tpu.memory_space<hbm>> -> memref<200xi32, #tpu.memory_space<hbm>>
        tpu.wait_dma2 semaphore(%run_scoped3A : memref<!tpu.dma_semaphore, #tpu.memory_space<semaphore_mem>>) src(%dma_wait3A_33 : memref<200xi32, #tpu.memory_space<hbm>>) dst(%arg6 : memref<200xi32, #tpu.memory_space<vmem>>)
        tpu.yield
      }) : () -> ()
      "tpu.region"() ({
        %run_scoped3A = tpu.sem_alloc : memref<!tpu.dma_semaphore, #tpu.memory_space<semaphore_mem>>
        %dma_start3A_30 = tpu.memref_slice %arg2[%multiple_of3A] : memref<320000xi32, #tpu.memory_space<hbm>> -> memref<200xi32, #tpu.memory_space<hbm>>
        %dma_start3A_31 = tpu.memref_slice %arg2[%multiple_of3A] : memref<320000xi32, #tpu.memory_space<hbm>> -> memref<200xi32, #tpu.memory_space<hbm>>
        tpu.enqueue_dma source(%dma_start3A_31 : memref<200xi32, #tpu.memory_space<hbm>>) target(%arg7 : memref<200xi32, #tpu.memory_space<vmem>>) target_semaphore(%run_scoped3A : memref<!tpu.dma_semaphore, #tpu.memory_space<semaphore_mem>>)
        %dma_wait3A_32 = tpu.memref_slice %arg2[%multiple_of3A] : memref<320000xi32, #tpu.memory_space<hbm>> -> memref<200xi32, #tpu.memory_space<hbm>>
        %dma_wait3A_33 = tpu.memref_slice %arg2[%multiple_of3A] : memref<320000xi32, #tpu.memory_space<hbm>> -> memref<200xi32, #tpu.memory_space<hbm>>
        tpu.wait_dma2 semaphore(%run_scoped3A : memref<!tpu.dma_semaphore, #tpu.memory_space<semaphore_mem>>) src(%dma_wait3A_33 : memref<200xi32, #tpu.memory_space<hbm>>) dst(%arg7 : memref<200xi32, #tpu.memory_space<vmem>>)
        tpu.yield
      }) : () -> ()
      %dma_start3A = arith.constant 0 : i32
      %dma_start3A_15 = arith.constant 0 : i32
      %dma_start3A_16 = tpu.memref_slice %arg4[%dma_start3A, %dma_start3A_15] : memref<10000x128xf32, #tpu.memory_space<hbm>> -> memref<10000x128xf32, #tpu.memory_space<hbm>>
      tpu.enqueue_indirect_dma source(%dma_start3A_16 : memref<10000x128xf32, #tpu.memory_space<hbm>>) target(%arg8 : memref<200x128xf32, #tpu.memory_space<vmem>>) offsets(%arg6 : memref<200xi32, #tpu.memory_space<vmem>>) semaphore(%arg11 : memref<!tpu.dma_semaphore, #tpu.memory_space<semaphore_mem>>)
      %dma_start3A_17 = arith.constant 0 : i32
      %dma_start3A_18 = arith.constant 0 : i32
      %dma_start3A_19 = tpu.memref_slice %arg4[%dma_start3A_17, %dma_start3A_18] : memref<10000x128xf32, #tpu.memory_space<hbm>> -> memref<10000x128xf32, #tpu.memory_space<hbm>>
      tpu.enqueue_indirect_dma source(%dma_start3A_19 : memref<10000x128xf32, #tpu.memory_space<hbm>>) target(%arg9 : memref<200x128xf32, #tpu.memory_space<vmem>>) offsets(%arg7 : memref<200xi32, #tpu.memory_space<vmem>>) semaphore(%arg12 : memref<!tpu.dma_semaphore, #tpu.memory_space<semaphore_mem>>)
      %dma_wait3A = arith.constant 0 : i32
      %dma_wait3A_20 = arith.constant 0 : i32
      %dma_wait3A_21 = tpu.memref_slice %arg4[%dma_wait3A, %dma_wait3A_20] : memref<10000x128xf32, #tpu.memory_space<hbm>> -> memref<10000x128xf32, #tpu.memory_space<hbm>>
      tpu.wait_indirect_dma semaphore(%arg11 : memref<!tpu.dma_semaphore, #tpu.memory_space<semaphore_mem>>) src(%dma_wait3A_21 : memref<10000x128xf32, #tpu.memory_space<hbm>>) dst(%arg8 : memref<200x128xf32, #tpu.memory_space<vmem>>)
      %dma_wait3A_22 = arith.constant 0 : i32
      %dma_wait3A_23 = arith.constant 0 : i32
      %dma_wait3A_24 = tpu.memref_slice %arg4[%dma_wait3A_22, %dma_wait3A_23] : memref<10000x128xf32, #tpu.memory_space<hbm>> -> memref<10000x128xf32, #tpu.memory_space<hbm>>
      tpu.wait_indirect_dma semaphore(%arg12 : memref<!tpu.dma_semaphore, #tpu.memory_space<semaphore_mem>>) src(%dma_wait3A_24 : memref<10000x128xf32, #tpu.memory_space<hbm>>) dst(%arg9 : memref<200x128xf32, #tpu.memory_space<vmem>>)
      %scan3A_25 = arith.constant 0 : i32
      %scan3A_26 = arith.constant 200 : i32
      %scan3A_27 = arith.addi %scan3A_25, %scan3A_26 : i32
      %scan3A_28 = arith.constant 1 : i32
      scf.for %scan3A_30 = %scan3A_25 to %scan3A_27 step %scan3A_28  : i32 {
        %mul3A_31 = arith.constant 1 : i32
        %mul3A_32 = arith.muli %scan3A_30, %mul3A_31 : i32
        %add3A_33 = arith.constant 0 : i32
        %add3A_34 = arith.addi %add3A_33, %mul3A_32 : i32
        %get3A = arith.index_cast %add3A_34 : i32 to index
        %get3A_35 = arith.constant 0 : index
        %get3A_36 = tpu.vector_load %arg8[%get3A, %get3A_35] {strides = array<i32>} : memref<200x128xf32, #tpu.memory_space<vmem>>, vector<16xf32>,
        %swap3A = arith.index_cast %add3A_34 : i32 to index
        %swap3A_37 = arith.constant 0 : index
        %swap3A_38 = tpu.vector_load %arg10[%swap3A, %swap3A_37] {strides = array<i32>} : memref<200x128xf32, #tpu.memory_space<vmem>>, vector<16xf32>,
        tpu.vector_store %arg10[%swap3A, %swap3A_37], %get3A_36 {strides = array<i32>} : memref<200x128xf32, #tpu.memory_space<vmem>>, vector<16xf32>,
        %get3A_39 = arith.index_cast %add3A_34 : i32 to index
        %get3A_40 = arith.constant 0 : index
        %get3A_41 = tpu.vector_load %arg9[%get3A_39, %get3A_40] {strides = array<i32>} : memref<200x128xf32, #tpu.memory_space<vmem>>, vector<16xf32>,
        %sub3A = arith.subf %get3A_41, %get3A_36 : vector<16xf32>
        %swap3A_42 = arith.index_cast %add3A_34 : i32 to index
        %swap3A_43 = arith.constant 64 : index
        %swap3A_44 = tpu.vector_load %arg10[%swap3A_42, %swap3A_43] {strides = array<i32>} : memref<200x128xf32, #tpu.memory_space<vmem>>, vector<16xf32>,
        tpu.vector_store %arg10[%swap3A_42, %swap3A_43], %sub3A {strides = array<i32>} : memref<200x128xf32, #tpu.memory_space<vmem>>, vector<16xf32>,
        %get3A_45 = arith.index_cast %add3A_34 : i32 to index
        %get3A_46 = arith.constant 16 : index
        %get3A_47 = tpu.vector_load %arg8[%get3A_45, %get3A_46] {strides = array<i32>} : memref<200x128xf32, #tpu.memory_space<vmem>>, vector<16xf32>,
        %swap3A_48 = arith.index_cast %add3A_34 : i32 to index
        %swap3A_49 = arith.constant 16 : index
        %swap3A_50 = tpu.vector_load %arg10[%swap3A_48, %swap3A_49] {strides = array<i32>} : memref<200x128xf32, #tpu.memory_space<vmem>>, vector<16xf32>,
        tpu.vector_store %arg10[%swap3A_48, %swap3A_49], %get3A_47 {strides = array<i32>} : memref<200x128xf32, #tpu.memory_space<vmem>>, vector<16xf32>,
        %get3A_51 = arith.index_cast %add3A_34 : i32 to index
        %get3A_52 = arith.constant 16 : index
        %get3A_53 = tpu.vector_load %arg9[%get3A_51, %get3A_52] {strides = array<i32>} : memref<200x128xf32, #tpu.memory_space<vmem>>, vector<16xf32>,
        %sub3A_54 = arith.subf %get3A_53, %get3A_47 : vector<16xf32>
        %swap3A_55 = arith.index_cast %add3A_34 : i32 to index
        %swap3A_56 = arith.constant 80 : index
        %swap3A_57 = tpu.vector_load %arg10[%swap3A_55, %swap3A_56] {strides = array<i32>} : memref<200x128xf32, #tpu.memory_space<vmem>>, vector<16xf32>,
        tpu.vector_store %arg10[%swap3A_55, %swap3A_56], %sub3A_54 {strides = array<i32>} : memref<200x128xf32, #tpu.memory_space<vmem>>, vector<16xf32>,
        %get3A_58 = arith.index_cast %add3A_34 : i32 to index
        %get3A_59 = arith.constant 32 : index
        %get3A_60 = tpu.vector_load %arg8[%get3A_58, %get3A_59] {strides = array<i32>} : memref<200x128xf32, #tpu.memory_space<vmem>>, vector<16xf32>,
        %swap3A_61 = arith.index_cast %add3A_34 : i32 to index
        %swap3A_62 = arith.constant 32 : index
        %swap3A_63 = tpu.vector_load %arg10[%swap3A_61, %swap3A_62] {strides = array<i32>} : memref<200x128xf32, #tpu.memory_space<vmem>>, vector<16xf32>,
        tpu.vector_store %arg10[%swap3A_61, %swap3A_62], %get3A_60 {strides = array<i32>} : memref<200x128xf32, #tpu.memory_space<vmem>>, vector<16xf32>,
        %get3A_64 = arith.index_cast %add3A_34 : i32 to index
        %get3A_65 = arith.constant 32 : index
        %get3A_66 = tpu.vector_load %arg9[%get3A_64, %get3A_65] {strides = array<i32>} : memref<200x128xf32, #tpu.memory_space<vmem>>, vector<16xf32>,
        %sub3A_67 = arith.subf %get3A_66, %get3A_60 : vector<16xf32>
        %swap3A_68 = arith.index_cast %add3A_34 : i32 to index
        %swap3A_69 = arith.constant 96 : index
        %swap3A_70 = tpu.vector_load %arg10[%swap3A_68, %swap3A_69] {strides = array<i32>} : memref<200x128xf32, #tpu.memory_space<vmem>>, vector<16xf32>,
        tpu.vector_store %arg10[%swap3A_68, %swap3A_69], %sub3A_67 {strides = array<i32>} : memref<200x128xf32, #tpu.memory_space<vmem>>, vector<16xf32>,
        %get3A_71 = arith.index_cast %add3A_34 : i32 to index
        %get3A_72 = arith.constant 48 : index
        %get3A_73 = tpu.vector_load %arg8[%get3A_71, %get3A_72] {strides = array<i32>} : memref<200x128xf32, #tpu.memory_space<vmem>>, vector<16xf32>,
        %swap3A_74 = arith.index_cast %add3A_34 : i32 to index
        %swap3A_75 = arith.constant 48 : index
        %swap3A_76 = tpu.vector_load %arg10[%swap3A_74, %swap3A_75] {strides = array<i32>} : memref<200x128xf32, #tpu.memory_space<vmem>>, vector<16xf32>,
        tpu.vector_store %arg10[%swap3A_74, %swap3A_75], %get3A_73 {strides = array<i32>} : memref<200x128xf32, #tpu.memory_space<vmem>>, vector<16xf32>,
        %get3A_77 = arith.index_cast %add3A_34 : i32 to index
        %get3A_78 = arith.constant 48 : index
        %get3A_79 = tpu.vector_load %arg9[%get3A_77, %get3A_78] {strides = array<i32>} : memref<200x128xf32, #tpu.memory_space<vmem>>, vector<16xf32>,
        %sub3A_80 = arith.subf %get3A_79, %get3A_73 : vector<16xf32>
        %swap3A_81 = arith.index_cast %add3A_34 : i32 to index
        %swap3A_82 = arith.constant 112 : index
        %swap3A_83 = tpu.vector_load %arg10[%swap3A_81, %swap3A_82] {strides = array<i32>} : memref<200x128xf32, #tpu.memory_space<vmem>>, vector<16xf32>,
        tpu.vector_store %arg10[%swap3A_81, %swap3A_82], %sub3A_80 {strides = array<i32>} : memref<200x128xf32, #tpu.memory_space<vmem>>, vector<16xf32>,
      }
      %scan3A_29 = arith.constant 200 : i32
      "tpu.region"() ({
        %run_scoped3A = tpu.sem_alloc : memref<!tpu.dma_semaphore, #tpu.memory_space<semaphore_mem>>
        %dma_start3A_30 = arith.constant 0 : i32
        %dma_start3A_31 = tpu.memref_slice %arg5[%multiple_of3A, %dma_start3A_30] : memref<320000x128xf32, #tpu.memory_space<hbm>> -> memref<200x128xf32, #tpu.memory_space<hbm>>
        %dma_start3A_32 = arith.constant 0 : i32
        %dma_start3A_33 = tpu.memref_slice %arg5[%multiple_of3A, %dma_start3A_32] : memref<320000x128xf32, #tpu.memory_space<hbm>> -> memref<200x128xf32, #tpu.memory_space<hbm>>
        tpu.enqueue_dma source(%arg10 : memref<200x128xf32, #tpu.memory_space<vmem>>) target(%dma_start3A_33 : memref<200x128xf32, #tpu.memory_space<hbm>>) target_semaphore(%run_scoped3A : memref<!tpu.dma_semaphore, #tpu.memory_space<semaphore_mem>>)
        %dma_wait3A_34 = arith.constant 0 : i32
        %dma_wait3A_35 = tpu.memref_slice %arg5[%multiple_of3A, %dma_wait3A_34] : memref<320000x128xf32, #tpu.memory_space<hbm>> -> memref<200x128xf32, #tpu.memory_space<hbm>>
        %dma_wait3A_36 = arith.constant 0 : i32
        %dma_wait3A_37 = tpu.memref_slice %arg5[%multiple_of3A, %dma_wait3A_36] : memref<320000x128xf32, #tpu.memory_space<hbm>> -> memref<200x128xf32, #tpu.memory_space<hbm>>
        tpu.wait_dma2 semaphore(%run_scoped3A : memref<!tpu.dma_semaphore, #tpu.memory_space<semaphore_mem>>) src(%arg10 : memref<200x128xf32, #tpu.memory_space<vmem>>) dst(%dma_wait3A_37 : memref<200x128xf32, #tpu.memory_space<hbm>>)
        tpu.yield
      }) : () -> ()
    }
    %scan3A_6 = arith.constant 50 : i32
    return
  }
}

#map = affine_map<(d0, d1) -> (0)>
#map1 = affine_map<(d0, d1) -> (0, 0)>
module attributes {stable_mosaic.version = 14 : i64} {
  func.func @_sc_gather_body(%arg0: i32, %arg1: i32, %arg2: memref<320000xi32, #tpu.memory_space<hbm>>, %arg3: memref<320000xi32, #tpu.memory_space<hbm>>, %arg4: memref<10000x128xf32, #tpu.memory_space<hbm>>, %arg5: memref<320000x256xf32, #tpu.memory_space<hbm>>, %arg6: memref<200xi32, #tpu.memory_space<vmem>>, %arg7: memref<200xi32, #tpu.memory_space<vmem>>, %arg8: memref<200x128xf32, #tpu.memory_space<vmem>>, %arg9: memref<200x128xf32, #tpu.memory_space<vmem>>, %arg10: memref<200x256xf32, #tpu.memory_space<vmem>>, %arg11: memref<!tpu.dma_semaphore, #tpu.memory_space<semaphore_mem>>, %arg12: memref<!tpu.dma_semaphore, #tpu.memory_space<semaphore_mem>>) attributes {dimension_semantics = [#tpu.dimension_semantics<core_parallel>, #tpu.dimension_semantics<subcore_parallel>], iteration_bounds = array<i64: 2, 16>, scalar_prefetch = 0 : i64, scratch_operands = 7 : i64, tpu.core_type = #tpu.core_type<sc_vector_subcore>, window_params = [{transform_indices = #map}, {transform_indices = #map}, {transform_indices = #map1}, {transform_indices = #map1}]} {
    %mul3A = arith.constant 2 : i32
    %mul3A_0 = arith.muli %arg1, %mul3A : i32
    %add3A = arith.addi %mul3A_0, %arg0 : i32
    %mul3A_1 = arith.constant 10000 : i32
    %mul3A_2 = arith.muli %add3A, %mul3A_1 : i32
    %scan3A = arith.constant 0 : i32
    %scan3A_3 = arith.constant 50 : i32
    %scan3A_4 = arith.addi %scan3A, %scan3A_3 : i32
    %scan3A_5 = arith.constant 1 : i32
    scf.for %scan3A_7 = %scan3A to %scan3A_4 step %scan3A_5  : i32 {
      %mul3A_8 = arith.constant 1 : i32
      %mul3A_9 = arith.muli %scan3A_7, %mul3A_8 : i32
      %add3A_10 = arith.constant 0 : i32
      %add3A_11 = arith.addi %add3A_10, %mul3A_9 : i32
      %mul3A_12 = arith.constant 200 : i32
      %mul3A_13 = arith.muli %add3A_11, %mul3A_12 : i32
      %add3A_14 = arith.addi %mul3A_2, %mul3A_13 : i32
      %multiple_of3A = tpu.assume_multiple %add3A_14, 8 : i32
      "tpu.region"() ({
        %run_scoped3A = tpu.sem_alloc : memref<!tpu.dma_semaphore, #tpu.memory_space<semaphore_mem>>
        %dma_start3A_30 = tpu.memref_slice %arg3[%multiple_of3A] : memref<320000xi32, #tpu.memory_space<hbm>> -> memref<200xi32, #tpu.memory_space<hbm>>
        %dma_start3A_31 = tpu.memref_slice %arg3[%multiple_of3A] : memref<320000xi32, #tpu.memory_space<hbm>> -> memref<200xi32, #tpu.memory_space<hbm>>
        tpu.enqueue_dma source(%dma_start3A_31 : memref<200xi32, #tpu.memory_space<hbm>>) target(%arg6 : memref<200xi32, #tpu.memory_space<vmem>>) target_semaphore(%run_scoped3A : memref<!tpu.dma_semaphore, #tpu.memory_space<semaphore_mem>>)
        %dma_wait3A_32 = tpu.memref_slice %arg3[%multiple_of3A] : memref<320000xi32, #tpu.memory_space<hbm>> -> memref<200xi32, #tpu.memory_space<hbm>>
        %dma_wait3A_33 = tpu.memref_slice %arg3[%multiple_of3A] : memref<320000xi32, #tpu.memory_space<hbm>> -> memref<200xi32, #tpu.memory_space<hbm>>
        tpu.wait_dma2 semaphore(%run_scoped3A : memref<!tpu.dma_semaphore, #tpu.memory_space<semaphore_mem>>) src(%dma_wait3A_33 : memref<200xi32, #tpu.memory_space<hbm>>) dst(%arg6 : memref<200xi32, #tpu.memory_space<vmem>>)
        tpu.yield
      }) : () -> ()
      "tpu.region"() ({
        %run_scoped3A = tpu.sem_alloc : memref<!tpu.dma_semaphore, #tpu.memory_space<semaphore_mem>>
        %dma_start3A_30 = tpu.memref_slice %arg2[%multiple_of3A] : memref<320000xi32, #tpu.memory_space<hbm>> -> memref<200xi32, #tpu.memory_space<hbm>>
        %dma_start3A_31 = tpu.memref_slice %arg2[%multiple_of3A] : memref<320000xi32, #tpu.memory_space<hbm>> -> memref<200xi32, #tpu.memory_space<hbm>>
        tpu.enqueue_dma source(%dma_start3A_31 : memref<200xi32, #tpu.memory_space<hbm>>) target(%arg7 : memref<200xi32, #tpu.memory_space<vmem>>) target_semaphore(%run_scoped3A : memref<!tpu.dma_semaphore, #tpu.memory_space<semaphore_mem>>)
        %dma_wait3A_32 = tpu.memref_slice %arg2[%multiple_of3A] : memref<320000xi32, #tpu.memory_space<hbm>> -> memref<200xi32, #tpu.memory_space<hbm>>
        %dma_wait3A_33 = tpu.memref_slice %arg2[%multiple_of3A] : memref<320000xi32, #tpu.memory_space<hbm>> -> memref<200xi32, #tpu.memory_space<hbm>>
        tpu.wait_dma2 semaphore(%run_scoped3A : memref<!tpu.dma_semaphore, #tpu.memory_space<semaphore_mem>>) src(%dma_wait3A_33 : memref<200xi32, #tpu.memory_space<hbm>>) dst(%arg7 : memref<200xi32, #tpu.memory_space<vmem>>)
        tpu.yield
      }) : () -> ()
      %dma_start3A = arith.constant 0 : i32
      %dma_start3A_15 = arith.constant 0 : i32
      %dma_start3A_16 = tpu.memref_slice %arg4[%dma_start3A, %dma_start3A_15] : memref<10000x128xf32, #tpu.memory_space<hbm>> -> memref<10000x128xf32, #tpu.memory_space<hbm>>
      tpu.enqueue_indirect_dma source(%dma_start3A_16 : memref<10000x128xf32, #tpu.memory_space<hbm>>) target(%arg8 : memref<200x128xf32, #tpu.memory_space<vmem>>) offsets(%arg6 : memref<200xi32, #tpu.memory_space<vmem>>) semaphore(%arg11 : memref<!tpu.dma_semaphore, #tpu.memory_space<semaphore_mem>>)
      %dma_start3A_17 = arith.constant 0 : i32
      %dma_start3A_18 = arith.constant 0 : i32
      %dma_start3A_19 = tpu.memref_slice %arg4[%dma_start3A_17, %dma_start3A_18] : memref<10000x128xf32, #tpu.memory_space<hbm>> -> memref<10000x128xf32, #tpu.memory_space<hbm>>
      tpu.enqueue_indirect_dma source(%dma_start3A_19 : memref<10000x128xf32, #tpu.memory_space<hbm>>) target(%arg9 : memref<200x128xf32, #tpu.memory_space<vmem>>) offsets(%arg7 : memref<200xi32, #tpu.memory_space<vmem>>) semaphore(%arg12 : memref<!tpu.dma_semaphore, #tpu.memory_space<semaphore_mem>>)
      %dma_wait3A = arith.constant 0 : i32
      %dma_wait3A_20 = arith.constant 0 : i32
      %dma_wait3A_21 = tpu.memref_slice %arg4[%dma_wait3A, %dma_wait3A_20] : memref<10000x128xf32, #tpu.memory_space<hbm>> -> memref<10000x128xf32, #tpu.memory_space<hbm>>
      tpu.wait_indirect_dma semaphore(%arg11 : memref<!tpu.dma_semaphore, #tpu.memory_space<semaphore_mem>>) src(%dma_wait3A_21 : memref<10000x128xf32, #tpu.memory_space<hbm>>) dst(%arg8 : memref<200x128xf32, #tpu.memory_space<vmem>>)
      %dma_wait3A_22 = arith.constant 0 : i32
      %dma_wait3A_23 = arith.constant 0 : i32
      %dma_wait3A_24 = tpu.memref_slice %arg4[%dma_wait3A_22, %dma_wait3A_23] : memref<10000x128xf32, #tpu.memory_space<hbm>> -> memref<10000x128xf32, #tpu.memory_space<hbm>>
      tpu.wait_indirect_dma semaphore(%arg12 : memref<!tpu.dma_semaphore, #tpu.memory_space<semaphore_mem>>) src(%dma_wait3A_24 : memref<10000x128xf32, #tpu.memory_space<hbm>>) dst(%arg9 : memref<200x128xf32, #tpu.memory_space<vmem>>)
      %scan3A_25 = arith.constant 0 : i32
      %scan3A_26 = arith.constant 200 : i32
      %scan3A_27 = arith.addi %scan3A_25, %scan3A_26 : i32
      %scan3A_28 = arith.constant 1 : i32
      scf.for %scan3A_30 = %scan3A_25 to %scan3A_27 step %scan3A_28  : i32 {
        %mul3A_31 = arith.constant 1 : i32
        %mul3A_32 = arith.muli %scan3A_30, %mul3A_31 : i32
        %add3A_33 = arith.constant 0 : i32
        %add3A_34 = arith.addi %add3A_33, %mul3A_32 : i32
        %get3A = arith.index_cast %add3A_34 : i32 to index
        %get3A_35 = arith.constant 0 : index
        %get3A_36 = tpu.vector_load %arg8[%get3A, %get3A_35] {strides = array<i32>} : memref<200x128xf32, #tpu.memory_space<vmem>>, vector<16xf32>,
        %swap3A = arith.index_cast %add3A_34 : i32 to index
        %swap3A_37 = arith.constant 0 : index
        %swap3A_38 = tpu.vector_load %arg10[%swap3A, %swap3A_37] {strides = array<i32>} : memref<200x256xf32, #tpu.memory_space<vmem>>, vector<16xf32>,
        tpu.vector_store %arg10[%swap3A, %swap3A_37], %get3A_36 {strides = array<i32>} : memref<200x256xf32, #tpu.memory_space<vmem>>, vector<16xf32>,
        %get3A_39 = arith.index_cast %add3A_34 : i32 to index
        %get3A_40 = arith.constant 0 : index
        %get3A_41 = tpu.vector_load %arg9[%get3A_39, %get3A_40] {strides = array<i32>} : memref<200x128xf32, #tpu.memory_space<vmem>>, vector<16xf32>,
        %sub3A = arith.subf %get3A_41, %get3A_36 : vector<16xf32>
        %swap3A_42 = arith.index_cast %add3A_34 : i32 to index
        %swap3A_43 = arith.constant 128 : index
        %swap3A_44 = tpu.vector_load %arg10[%swap3A_42, %swap3A_43] {strides = array<i32>} : memref<200x256xf32, #tpu.memory_space<vmem>>, vector<16xf32>,
        tpu.vector_store %arg10[%swap3A_42, %swap3A_43], %sub3A {strides = array<i32>} : memref<200x256xf32, #tpu.memory_space<vmem>>, vector<16xf32>,
        %get3A_45 = arith.index_cast %add3A_34 : i32 to index
        %get3A_46 = arith.constant 16 : index
        %get3A_47 = tpu.vector_load %arg8[%get3A_45, %get3A_46] {strides = array<i32>} : memref<200x128xf32, #tpu.memory_space<vmem>>, vector<16xf32>,
        %swap3A_48 = arith.index_cast %add3A_34 : i32 to index
        %swap3A_49 = arith.constant 16 : index
        %swap3A_50 = tpu.vector_load %arg10[%swap3A_48, %swap3A_49] {strides = array<i32>} : memref<200x256xf32, #tpu.memory_space<vmem>>, vector<16xf32>,
        tpu.vector_store %arg10[%swap3A_48, %swap3A_49], %get3A_47 {strides = array<i32>} : memref<200x256xf32, #tpu.memory_space<vmem>>, vector<16xf32>,
        %get3A_51 = arith.index_cast %add3A_34 : i32 to index
        %get3A_52 = arith.constant 16 : index
        %get3A_53 = tpu.vector_load %arg9[%get3A_51, %get3A_52] {strides = array<i32>} : memref<200x128xf32, #tpu.memory_space<vmem>>, vector<16xf32>,
        %sub3A_54 = arith.subf %get3A_53, %get3A_47 : vector<16xf32>
        %swap3A_55 = arith.index_cast %add3A_34 : i32 to index
        %swap3A_56 = arith.constant 144 : index
        %swap3A_57 = tpu.vector_load %arg10[%swap3A_55, %swap3A_56] {strides = array<i32>} : memref<200x256xf32, #tpu.memory_space<vmem>>, vector<16xf32>,
        tpu.vector_store %arg10[%swap3A_55, %swap3A_56], %sub3A_54 {strides = array<i32>} : memref<200x256xf32, #tpu.memory_space<vmem>>, vector<16xf32>,
        %get3A_58 = arith.index_cast %add3A_34 : i32 to index
        %get3A_59 = arith.constant 32 : index
        %get3A_60 = tpu.vector_load %arg8[%get3A_58, %get3A_59] {strides = array<i32>} : memref<200x128xf32, #tpu.memory_space<vmem>>, vector<16xf32>,
        %swap3A_61 = arith.index_cast %add3A_34 : i32 to index
        %swap3A_62 = arith.constant 32 : index
        %swap3A_63 = tpu.vector_load %arg10[%swap3A_61, %swap3A_62] {strides = array<i32>} : memref<200x256xf32, #tpu.memory_space<vmem>>, vector<16xf32>,
        tpu.vector_store %arg10[%swap3A_61, %swap3A_62], %get3A_60 {strides = array<i32>} : memref<200x256xf32, #tpu.memory_space<vmem>>, vector<16xf32>,
        %get3A_64 = arith.index_cast %add3A_34 : i32 to index
        %get3A_65 = arith.constant 32 : index
        %get3A_66 = tpu.vector_load %arg9[%get3A_64, %get3A_65] {strides = array<i32>} : memref<200x128xf32, #tpu.memory_space<vmem>>, vector<16xf32>,
        %sub3A_67 = arith.subf %get3A_66, %get3A_60 : vector<16xf32>
        %swap3A_68 = arith.index_cast %add3A_34 : i32 to index
        %swap3A_69 = arith.constant 160 : index
        %swap3A_70 = tpu.vector_load %arg10[%swap3A_68, %swap3A_69] {strides = array<i32>} : memref<200x256xf32, #tpu.memory_space<vmem>>, vector<16xf32>,
        tpu.vector_store %arg10[%swap3A_68, %swap3A_69], %sub3A_67 {strides = array<i32>} : memref<200x256xf32, #tpu.memory_space<vmem>>, vector<16xf32>,
        %get3A_71 = arith.index_cast %add3A_34 : i32 to index
        %get3A_72 = arith.constant 48 : index
        %get3A_73 = tpu.vector_load %arg8[%get3A_71, %get3A_72] {strides = array<i32>} : memref<200x128xf32, #tpu.memory_space<vmem>>, vector<16xf32>,
        %swap3A_74 = arith.index_cast %add3A_34 : i32 to index
        %swap3A_75 = arith.constant 48 : index
        %swap3A_76 = tpu.vector_load %arg10[%swap3A_74, %swap3A_75] {strides = array<i32>} : memref<200x256xf32, #tpu.memory_space<vmem>>, vector<16xf32>,
        tpu.vector_store %arg10[%swap3A_74, %swap3A_75], %get3A_73 {strides = array<i32>} : memref<200x256xf32, #tpu.memory_space<vmem>>, vector<16xf32>,
        %get3A_77 = arith.index_cast %add3A_34 : i32 to index
        %get3A_78 = arith.constant 48 : index
        %get3A_79 = tpu.vector_load %arg9[%get3A_77, %get3A_78] {strides = array<i32>} : memref<200x128xf32, #tpu.memory_space<vmem>>, vector<16xf32>,
        %sub3A_80 = arith.subf %get3A_79, %get3A_73 : vector<16xf32>
        %swap3A_81 = arith.index_cast %add3A_34 : i32 to index
        %swap3A_82 = arith.constant 176 : index
        %swap3A_83 = tpu.vector_load %arg10[%swap3A_81, %swap3A_82] {strides = array<i32>} : memref<200x256xf32, #tpu.memory_space<vmem>>, vector<16xf32>,
        tpu.vector_store %arg10[%swap3A_81, %swap3A_82], %sub3A_80 {strides = array<i32>} : memref<200x256xf32, #tpu.memory_space<vmem>>, vector<16xf32>,
        %get3A_84 = arith.index_cast %add3A_34 : i32 to index
        %get3A_85 = arith.constant 64 : index
        %get3A_86 = tpu.vector_load %arg8[%get3A_84, %get3A_85] {strides = array<i32>} : memref<200x128xf32, #tpu.memory_space<vmem>>, vector<16xf32>,
        %swap3A_87 = arith.index_cast %add3A_34 : i32 to index
        %swap3A_88 = arith.constant 64 : index
        %swap3A_89 = tpu.vector_load %arg10[%swap3A_87, %swap3A_88] {strides = array<i32>} : memref<200x256xf32, #tpu.memory_space<vmem>>, vector<16xf32>,
        tpu.vector_store %arg10[%swap3A_87, %swap3A_88], %get3A_86 {strides = array<i32>} : memref<200x256xf32, #tpu.memory_space<vmem>>, vector<16xf32>,
        %get3A_90 = arith.index_cast %add3A_34 : i32 to index
        %get3A_91 = arith.constant 64 : index
        %get3A_92 = tpu.vector_load %arg9[%get3A_90, %get3A_91] {strides = array<i32>} : memref<200x128xf32, #tpu.memory_space<vmem>>, vector<16xf32>,
        %sub3A_93 = arith.subf %get3A_92, %get3A_86 : vector<16xf32>
        %swap3A_94 = arith.index_cast %add3A_34 : i32 to index
        %swap3A_95 = arith.constant 192 : index
        %swap3A_96 = tpu.vector_load %arg10[%swap3A_94, %swap3A_95] {strides = array<i32>} : memref<200x256xf32, #tpu.memory_space<vmem>>, vector<16xf32>,
        tpu.vector_store %arg10[%swap3A_94, %swap3A_95], %sub3A_93 {strides = array<i32>} : memref<200x256xf32, #tpu.memory_space<vmem>>, vector<16xf32>,
        %get3A_97 = arith.index_cast %add3A_34 : i32 to index
        %get3A_98 = arith.constant 80 : index
        %get3A_99 = tpu.vector_load %arg8[%get3A_97, %get3A_98] {strides = array<i32>} : memref<200x128xf32, #tpu.memory_space<vmem>>, vector<16xf32>,
        %swap3A_100 = arith.index_cast %add3A_34 : i32 to index
        %swap3A_101 = arith.constant 80 : index
        %swap3A_102 = tpu.vector_load %arg10[%swap3A_100, %swap3A_101] {strides = array<i32>} : memref<200x256xf32, #tpu.memory_space<vmem>>, vector<16xf32>,
        tpu.vector_store %arg10[%swap3A_100, %swap3A_101], %get3A_99 {strides = array<i32>} : memref<200x256xf32, #tpu.memory_space<vmem>>, vector<16xf32>,
        %get3A_103 = arith.index_cast %add3A_34 : i32 to index
        %get3A_104 = arith.constant 80 : index
        %get3A_105 = tpu.vector_load %arg9[%get3A_103, %get3A_104] {strides = array<i32>} : memref<200x128xf32, #tpu.memory_space<vmem>>, vector<16xf32>,
        %sub3A_106 = arith.subf %get3A_105, %get3A_99 : vector<16xf32>
        %swap3A_107 = arith.index_cast %add3A_34 : i32 to index
        %swap3A_108 = arith.constant 208 : index
        %swap3A_109 = tpu.vector_load %arg10[%swap3A_107, %swap3A_108] {strides = array<i32>} : memref<200x256xf32, #tpu.memory_space<vmem>>, vector<16xf32>,
        tpu.vector_store %arg10[%swap3A_107, %swap3A_108], %sub3A_106 {strides = array<i32>} : memref<200x256xf32, #tpu.memory_space<vmem>>, vector<16xf32>,
        %get3A_110 = arith.index_cast %add3A_34 : i32 to index
        %get3A_111 = arith.constant 96 : index
        %get3A_112 = tpu.vector_load %arg8[%get3A_110, %get3A_111] {strides = array<i32>} : memref<200x128xf32, #tpu.memory_space<vmem>>, vector<16xf32>,
        %swap3A_113 = arith.index_cast %add3A_34 : i32 to index
        %swap3A_114 = arith.constant 96 : index
        %swap3A_115 = tpu.vector_load %arg10[%swap3A_113, %swap3A_114] {strides = array<i32>} : memref<200x256xf32, #tpu.memory_space<vmem>>, vector<16xf32>,
        tpu.vector_store %arg10[%swap3A_113, %swap3A_114], %get3A_112 {strides = array<i32>} : memref<200x256xf32, #tpu.memory_space<vmem>>, vector<16xf32>,
        %get3A_116 = arith.index_cast %add3A_34 : i32 to index
        %get3A_117 = arith.constant 96 : index
        %get3A_118 = tpu.vector_load %arg9[%get3A_116, %get3A_117] {strides = array<i32>} : memref<200x128xf32, #tpu.memory_space<vmem>>, vector<16xf32>,
        %sub3A_119 = arith.subf %get3A_118, %get3A_112 : vector<16xf32>
        %swap3A_120 = arith.index_cast %add3A_34 : i32 to index
        %swap3A_121 = arith.constant 224 : index
        %swap3A_122 = tpu.vector_load %arg10[%swap3A_120, %swap3A_121] {strides = array<i32>} : memref<200x256xf32, #tpu.memory_space<vmem>>, vector<16xf32>,
        tpu.vector_store %arg10[%swap3A_120, %swap3A_121], %sub3A_119 {strides = array<i32>} : memref<200x256xf32, #tpu.memory_space<vmem>>, vector<16xf32>,
        %get3A_123 = arith.index_cast %add3A_34 : i32 to index
        %get3A_124 = arith.constant 112 : index
        %get3A_125 = tpu.vector_load %arg8[%get3A_123, %get3A_124] {strides = array<i32>} : memref<200x128xf32, #tpu.memory_space<vmem>>, vector<16xf32>,
        %swap3A_126 = arith.index_cast %add3A_34 : i32 to index
        %swap3A_127 = arith.constant 112 : index
        %swap3A_128 = tpu.vector_load %arg10[%swap3A_126, %swap3A_127] {strides = array<i32>} : memref<200x256xf32, #tpu.memory_space<vmem>>, vector<16xf32>,
        tpu.vector_store %arg10[%swap3A_126, %swap3A_127], %get3A_125 {strides = array<i32>} : memref<200x256xf32, #tpu.memory_space<vmem>>, vector<16xf32>,
        %get3A_129 = arith.index_cast %add3A_34 : i32 to index
        %get3A_130 = arith.constant 112 : index
        %get3A_131 = tpu.vector_load %arg9[%get3A_129, %get3A_130] {strides = array<i32>} : memref<200x128xf32, #tpu.memory_space<vmem>>, vector<16xf32>,
        %sub3A_132 = arith.subf %get3A_131, %get3A_125 : vector<16xf32>
        %swap3A_133 = arith.index_cast %add3A_34 : i32 to index
        %swap3A_134 = arith.constant 240 : index
        %swap3A_135 = tpu.vector_load %arg10[%swap3A_133, %swap3A_134] {strides = array<i32>} : memref<200x256xf32, #tpu.memory_space<vmem>>, vector<16xf32>,
        tpu.vector_store %arg10[%swap3A_133, %swap3A_134], %sub3A_132 {strides = array<i32>} : memref<200x256xf32, #tpu.memory_space<vmem>>, vector<16xf32>,
      }
      %scan3A_29 = arith.constant 200 : i32
      "tpu.region"() ({
        %run_scoped3A = tpu.sem_alloc : memref<!tpu.dma_semaphore, #tpu.memory_space<semaphore_mem>>
        %dma_start3A_30 = arith.constant 0 : i32
        %dma_start3A_31 = tpu.memref_slice %arg5[%multiple_of3A, %dma_start3A_30] : memref<320000x256xf32, #tpu.memory_space<hbm>> -> memref<200x256xf32, #tpu.memory_space<hbm>>
        %dma_start3A_32 = arith.constant 0 : i32
        %dma_start3A_33 = tpu.memref_slice %arg5[%multiple_of3A, %dma_start3A_32] : memref<320000x256xf32, #tpu.memory_space<hbm>> -> memref<200x256xf32, #tpu.memory_space<hbm>>
        tpu.enqueue_dma source(%arg10 : memref<200x256xf32, #tpu.memory_space<vmem>>) target(%dma_start3A_33 : memref<200x256xf32, #tpu.memory_space<hbm>>) target_semaphore(%run_scoped3A : memref<!tpu.dma_semaphore, #tpu.memory_space<semaphore_mem>>)
        %dma_wait3A_34 = arith.constant 0 : i32
        %dma_wait3A_35 = tpu.memref_slice %arg5[%multiple_of3A, %dma_wait3A_34] : memref<320000x256xf32, #tpu.memory_space<hbm>> -> memref<200x256xf32, #tpu.memory_space<hbm>>
        %dma_wait3A_36 = arith.constant 0 : i32
        %dma_wait3A_37 = tpu.memref_slice %arg5[%multiple_of3A, %dma_wait3A_36] : memref<320000x256xf32, #tpu.memory_space<hbm>> -> memref<200x256xf32, #tpu.memory_space<hbm>>
        tpu.wait_dma2 semaphore(%run_scoped3A : memref<!tpu.dma_semaphore, #tpu.memory_space<semaphore_mem>>) src(%arg10 : memref<200x256xf32, #tpu.memory_space<vmem>>) dst(%dma_wait3A_37 : memref<200x256xf32, #tpu.memory_space<hbm>>)
        tpu.yield
      }) : () -> ()
    }
    %scan3A_6 = arith.constant 50 : i32
    return
  }
}

#map = affine_map<(d0, d1) -> (0)>
#map1 = affine_map<(d0, d1) -> (0, 0)>
module attributes {stable_mosaic.version = 14 : i64} {
  func.func @_sc_scatmax_body(%arg0: i32, %arg1: i32, %arg2: memref<320000xi32, #tpu.memory_space<hbm>>, %arg3: memref<64x320000xf32, #tpu.memory_space<hbm>>, %arg4: memref<2560000xf32, #tpu.memory_space<hbm>>, %arg5: memref<3200xi32, #tpu.memory_space<vmem>>, %arg6: memref<8x3200xf32, #tpu.memory_space<vmem>>, %arg7: memref<10000xf32, #tpu.memory_space<vmem>>, %arg8: memref<3200xi32, #tpu.memory_space<vmem>>, %arg9: memref<10000xf32, #tpu.memory_space<vmem>>, %arg10: memref<10000xf32, #tpu.memory_space<vmem>>, %arg11: memref<10000xf32, #tpu.memory_space<vmem>>, %arg12: memref<10000xf32, #tpu.memory_space<vmem>>, %arg13: memref<10000xf32, #tpu.memory_space<vmem>>, %arg14: memref<10000xf32, #tpu.memory_space<vmem>>, %arg15: memref<10000xf32, #tpu.memory_space<vmem>>, %arg16: memref<10000xf32, #tpu.memory_space<vmem>>) attributes {dimension_semantics = [#tpu.dimension_semantics<core_parallel>, #tpu.dimension_semantics<subcore_parallel>], iteration_bounds = array<i64: 2, 16>, scalar_prefetch = 0 : i64, scratch_operands = 12 : i64, tpu.core_type = #tpu.core_type<sc_vector_subcore>, window_params = [{transform_indices = #map}, {transform_indices = #map1}, {transform_indices = #map}]} {
    %mul3A = arith.constant 2 : i32
    %mul3A_0 = arith.muli %arg1, %mul3A : i32
    %add3A = arith.addi %mul3A_0, %arg0 : i32
    %jit3A = arith.constant 8 : i32
    %div3A = arith.divsi %add3A, %jit3A : i32
    %sign3A = arith.constant 0 : i32
    %sign3A_1 = arith.cmpi sgt, %add3A, %sign3A : i32
    %sign3A_2 = arith.extui %sign3A_1 : i1 to i32
    %sign3A_3 = arith.constant 0 : i32
    %sign3A_4 = arith.cmpi slt, %add3A, %sign3A_3 : i32
    %sign3A_5 = arith.extui %sign3A_4 : i1 to i32
    %sign3A_6 = arith.subi %sign3A_2, %sign3A_5 : i32
    %sign3A_7 = arith.constant 0 : i32
    %sign3A_8 = arith.cmpi sgt, %jit3A, %sign3A_7 : i32
    %sign3A_9 = arith.extui %sign3A_8 : i1 to i32
    %sign3A_10 = arith.constant 0 : i32
    %sign3A_11 = arith.cmpi slt, %jit3A, %sign3A_10 : i32
    %sign3A_12 = arith.extui %sign3A_11 : i1 to i32
    %sign3A_13 = arith.subi %sign3A_9, %sign3A_12 : i32
    %ne3A = arith.cmpi ne, %sign3A_6, %sign3A_13 : i32
    %rem3A = arith.remsi %add3A, %jit3A : i32
    %ne3A_14 = arith.constant 0 : i32
    %ne3A_15 = arith.cmpi ne, %rem3A, %ne3A_14 : i32
    %and3A = arith.andi %ne3A, %ne3A_15 : i1
    %sub3A = arith.constant 1 : i32
    %sub3A_16 = arith.subi %div3A, %sub3A : i32
    %select_n3A = arith.select %and3A, %sub3A_16, %div3A : i32
    %jit3A_17 = arith.constant 8 : i32
    %eq3A = arith.constant 0 : i32
    %eq3A_18 = arith.cmpi eq, %jit3A_17, %eq3A : i32
    %jit3A_19 = arith.constant 1 : i32
    %select_n3A_20 = arith.select %eq3A_18, %jit3A_19, %jit3A_17 : i32
    %rem3A_21 = arith.remsi %add3A, %select_n3A_20 : i32
    %ne3A_22 = arith.constant 0 : i32
    %ne3A_23 = arith.cmpi ne, %rem3A_21, %ne3A_22 : i32
    %lt3A = arith.constant 0 : i32
    %lt3A_24 = arith.cmpi slt, %rem3A_21, %lt3A : i32
    %lt3A_25 = arith.constant 0 : i32
    %lt3A_26 = arith.cmpi slt, %select_n3A_20, %lt3A_25 : i32
    %ne3A_27 = arith.xori %lt3A_24, %lt3A_26 : i1
    %and3A_28 = arith.andi %ne3A_27, %ne3A_23 : i1
    %add3A_29 = arith.addi %rem3A_21, %select_n3A_20 : i32
    %select_n3A_30 = arith.select %and3A_28, %add3A_29, %rem3A_21 : i32
    %mul3A_31 = arith.constant 8 : i32
    %mul3A_32 = arith.muli %select_n3A_30, %mul3A_31 : i32
    %multiple_of3A = tpu.assume_multiple %mul3A_32, 8 : i32
    %mul3A_33 = arith.constant 80000 : i32
    %mul3A_34 = arith.muli %select_n3A, %mul3A_33 : i32
    %broadcast_in_dim3A = arith.constant 0xFF800000 : f32
    %broadcast_in_dim3A_35 = vector.broadcast %broadcast_in_dim3A : f32 to vector<16xf32>
    %scan3A = arith.constant 0 : i32
    %scan3A_36 = arith.constant 625 : i32
    %scan3A_37 = arith.addi %scan3A, %scan3A_36 : i32
    %scan3A_38 = arith.constant 1 : i32
    scf.for %scan3A_109 = %scan3A to %scan3A_37 step %scan3A_38  : i32 {
      %mul3A_110 = arith.constant 1 : i32
      %mul3A_111 = arith.muli %scan3A_109, %mul3A_110 : i32
      %add3A_112 = arith.constant 0 : i32
      %add3A_113 = arith.addi %add3A_112, %mul3A_111 : i32
      %mul3A_114 = arith.constant 16 : i32
      %mul3A_115 = arith.muli %add3A_113, %mul3A_114 : i32
      %swap3A = arith.index_cast %mul3A_115 : i32 to index
      %swap3A_116 = tpu.vector_load %arg9[%swap3A] {strides = array<i32>} : memref<10000xf32, #tpu.memory_space<vmem>>, vector<16xf32>,
      tpu.vector_store %arg9[%swap3A], %broadcast_in_dim3A_35 {strides = array<i32>} : memref<10000xf32, #tpu.memory_space<vmem>>, vector<16xf32>,
      %swap3A_117 = arith.index_cast %mul3A_115 : i32 to index
      %swap3A_118 = tpu.vector_load %arg10[%swap3A_117] {strides = array<i32>} : memref<10000xf32, #tpu.memory_space<vmem>>, vector<16xf32>,
      tpu.vector_store %arg10[%swap3A_117], %broadcast_in_dim3A_35 {strides = array<i32>} : memref<10000xf32, #tpu.memory_space<vmem>>, vector<16xf32>,
      %swap3A_119 = arith.index_cast %mul3A_115 : i32 to index
      %swap3A_120 = tpu.vector_load %arg11[%swap3A_119] {strides = array<i32>} : memref<10000xf32, #tpu.memory_space<vmem>>, vector<16xf32>,
      tpu.vector_store %arg11[%swap3A_119], %broadcast_in_dim3A_35 {strides = array<i32>} : memref<10000xf32, #tpu.memory_space<vmem>>, vector<16xf32>,
      %swap3A_121 = arith.index_cast %mul3A_115 : i32 to index
      %swap3A_122 = tpu.vector_load %arg12[%swap3A_121] {strides = array<i32>} : memref<10000xf32, #tpu.memory_space<vmem>>, vector<16xf32>,
      tpu.vector_store %arg12[%swap3A_121], %broadcast_in_dim3A_35 {strides = array<i32>} : memref<10000xf32, #tpu.memory_space<vmem>>, vector<16xf32>,
      %swap3A_123 = arith.index_cast %mul3A_115 : i32 to index
      %swap3A_124 = tpu.vector_load %arg13[%swap3A_123] {strides = array<i32>} : memref<10000xf32, #tpu.memory_space<vmem>>, vector<16xf32>,
      tpu.vector_store %arg13[%swap3A_123], %broadcast_in_dim3A_35 {strides = array<i32>} : memref<10000xf32, #tpu.memory_space<vmem>>, vector<16xf32>,
      %swap3A_125 = arith.index_cast %mul3A_115 : i32 to index
      %swap3A_126 = tpu.vector_load %arg14[%swap3A_125] {strides = array<i32>} : memref<10000xf32, #tpu.memory_space<vmem>>, vector<16xf32>,
      tpu.vector_store %arg14[%swap3A_125], %broadcast_in_dim3A_35 {strides = array<i32>} : memref<10000xf32, #tpu.memory_space<vmem>>, vector<16xf32>,
      %swap3A_127 = arith.index_cast %mul3A_115 : i32 to index
      %swap3A_128 = tpu.vector_load %arg15[%swap3A_127] {strides = array<i32>} : memref<10000xf32, #tpu.memory_space<vmem>>, vector<16xf32>,
      tpu.vector_store %arg15[%swap3A_127], %broadcast_in_dim3A_35 {strides = array<i32>} : memref<10000xf32, #tpu.memory_space<vmem>>, vector<16xf32>,
      %swap3A_129 = arith.index_cast %mul3A_115 : i32 to index
      %swap3A_130 = tpu.vector_load %arg16[%swap3A_129] {strides = array<i32>} : memref<10000xf32, #tpu.memory_space<vmem>>, vector<16xf32>,
      tpu.vector_store %arg16[%swap3A_129], %broadcast_in_dim3A_35 {strides = array<i32>} : memref<10000xf32, #tpu.memory_space<vmem>>, vector<16xf32>,
    }
    %scan3A_39 = arith.constant 625 : i32
    %scan3A_40 = arith.constant 0 : i32
    %scan3A_41 = arith.constant 25 : i32
    %scan3A_42 = arith.addi %scan3A_40, %scan3A_41 : i32
    %scan3A_43 = arith.constant 1 : i32
    scf.for %scan3A_109 = %scan3A_40 to %scan3A_42 step %scan3A_43  : i32 {
      %mul3A_110 = arith.constant 1 : i32
      %mul3A_111 = arith.muli %scan3A_109, %mul3A_110 : i32
      %add3A_112 = arith.constant 0 : i32
      %add3A_113 = arith.addi %add3A_112, %mul3A_111 : i32
      %mul3A_114 = arith.constant 3200 : i32
      %mul3A_115 = arith.muli %add3A_113, %mul3A_114 : i32
      %add3A_116 = arith.addi %mul3A_34, %mul3A_115 : i32
      %multiple_of3A_117 = tpu.assume_multiple %add3A_116, 128 : i32
      "tpu.region"() ({
        %run_scoped3A = tpu.sem_alloc : memref<!tpu.dma_semaphore, #tpu.memory_space<semaphore_mem>>
        %dma_start3A = tpu.memref_slice %arg2[%multiple_of3A_117] : memref<320000xi32, #tpu.memory_space<hbm>> -> memref<3200xi32, #tpu.memory_space<hbm>>
        %dma_start3A_128 = tpu.memref_slice %arg2[%multiple_of3A_117] : memref<320000xi32, #tpu.memory_space<hbm>> -> memref<3200xi32, #tpu.memory_space<hbm>>
        tpu.enqueue_dma source(%dma_start3A_128 : memref<3200xi32, #tpu.memory_space<hbm>>) target(%arg5 : memref<3200xi32, #tpu.memory_space<vmem>>) target_semaphore(%run_scoped3A : memref<!tpu.dma_semaphore, #tpu.memory_space<semaphore_mem>>)
        %dma_wait3A = tpu.memref_slice %arg2[%multiple_of3A_117] : memref<320000xi32, #tpu.memory_space<hbm>> -> memref<3200xi32, #tpu.memory_space<hbm>>
        %dma_wait3A_129 = tpu.memref_slice %arg2[%multiple_of3A_117] : memref<320000xi32, #tpu.memory_space<hbm>> -> memref<3200xi32, #tpu.memory_space<hbm>>
        tpu.wait_dma2 semaphore(%run_scoped3A : memref<!tpu.dma_semaphore, #tpu.memory_space<semaphore_mem>>) src(%dma_wait3A_129 : memref<3200xi32, #tpu.memory_space<hbm>>) dst(%arg5 : memref<3200xi32, #tpu.memory_space<vmem>>)
        tpu.yield
      }) : () -> ()
      "tpu.region"() ({
        %run_scoped3A = tpu.sem_alloc : memref<!tpu.dma_semaphore, #tpu.memory_space<semaphore_mem>>
        %dma_start3A = tpu.memref_slice %arg3[%multiple_of3A, %multiple_of3A_117] : memref<64x320000xf32, #tpu.memory_space<hbm>> -> memref<8x3200xf32, #tpu.memory_space<hbm>>
        %dma_start3A_128 = tpu.memref_slice %arg3[%multiple_of3A, %multiple_of3A_117] : memref<64x320000xf32, #tpu.memory_space<hbm>> -> memref<8x3200xf32, #tpu.memory_space<hbm>>
        tpu.enqueue_dma source(%dma_start3A_128 : memref<8x3200xf32, #tpu.memory_space<hbm>>) target(%arg6 : memref<8x3200xf32, #tpu.memory_space<vmem>>) target_semaphore(%run_scoped3A : memref<!tpu.dma_semaphore, #tpu.memory_space<semaphore_mem>>)
        %dma_wait3A = tpu.memref_slice %arg3[%multiple_of3A, %multiple_of3A_117] : memref<64x320000xf32, #tpu.memory_space<hbm>> -> memref<8x3200xf32, #tpu.memory_space<hbm>>
        %dma_wait3A_129 = tpu.memref_slice %arg3[%multiple_of3A, %multiple_of3A_117] : memref<64x320000xf32, #tpu.memory_space<hbm>> -> memref<8x3200xf32, #tpu.memory_space<hbm>>
        tpu.wait_dma2 semaphore(%run_scoped3A : memref<!tpu.dma_semaphore, #tpu.memory_space<semaphore_mem>>) src(%dma_wait3A_129 : memref<8x3200xf32, #tpu.memory_space<hbm>>) dst(%arg6 : memref<8x3200xf32, #tpu.memory_space<vmem>>)
        tpu.yield
      }) : () -> ()
      %scan3A_118 = arith.constant 0 : i32
      %scan3A_119 = arith.constant 200 : i32
      %scan3A_120 = arith.addi %scan3A_118, %scan3A_119 : i32
      %scan3A_121 = arith.constant 1 : i32
      scf.for %scan3A_128 = %scan3A_118 to %scan3A_120 step %scan3A_121  : i32 {
        %mul3A_129 = arith.constant 1 : i32
        %mul3A_130 = arith.muli %scan3A_128, %mul3A_129 : i32
        %add3A_131 = arith.constant 0 : i32
        %add3A_132 = arith.addi %add3A_131, %mul3A_130 : i32
        %mul3A_133 = arith.constant 16 : i32
        %mul3A_134 = arith.muli %add3A_132, %mul3A_133 : i32
        %get3A = arith.index_cast %mul3A_134 : i32 to index
        %get3A_135 = tpu.vector_load %arg5[%get3A] {strides = array<i32>} : memref<3200xi32, #tpu.memory_space<vmem>>, vector<16xi32>,
        %iota3A = tpu.iota {dimensions = array<i32: 0>} : vector<16xi32>
        %convert_element_type3A = arith.sitofp %iota3A : vector<16xi32> to vector<16xf32>
        tpu.vector_store_idx %arg7[%get3A_135], %convert_element_type3A : memref<10000xf32, #tpu.memory_space<vmem>>[vector<16xi32>], vector<16xf32>,
        %gather3A = tpu.vector_load_idx %arg7[%get3A_135] : memref<10000xf32, #tpu.memory_space<vmem>>[vector<16xi32>], vector<16xf32>,
        %ne3A_136 = arith.cmpf one, %gather3A, %convert_element_type3A : vector<16xf32>
        %all_reduce_population_count3A = tpu.all_reduce %ne3A_136 {dim = 0 : i64, kind = #tpu.reduction_kind<sum>} : vector<16xi1> -> vector<16xi32>
        %swap3A = arith.index_cast %mul3A_134 : i32 to index
        %swap3A_137 = tpu.vector_load %arg8[%swap3A] {strides = array<i32>} : memref<3200xi32, #tpu.memory_space<vmem>>, vector<16xi32>,
        tpu.vector_store %arg8[%swap3A], %all_reduce_population_count3A {strides = array<i32>} : memref<3200xi32, #tpu.memory_space<vmem>>, vector<16xi32>,
      }
      %scan3A_122 = arith.constant 200 : i32
      %scan3A_123 = arith.constant 0 : i32
      %scan3A_124 = arith.constant 200 : i32
      %scan3A_125 = arith.addi %scan3A_123, %scan3A_124 : i32
      %scan3A_126 = arith.constant 1 : i32
      scf.for %scan3A_128 = %scan3A_123 to %scan3A_125 step %scan3A_126  : i32 {
        %mul3A_129 = arith.constant 1 : i32
        %mul3A_130 = arith.muli %scan3A_128, %mul3A_129 : i32
        %add3A_131 = arith.constant 0 : i32
        %add3A_132 = arith.addi %add3A_131, %mul3A_130 : i32
        %mul3A_133 = arith.constant 16 : i32
        %mul3A_134 = arith.muli %add3A_132, %mul3A_133 : i32
        %get3A = arith.index_cast %mul3A_134 : i32 to index
        %get3A_135 = tpu.vector_load %arg5[%get3A] {strides = array<i32>} : memref<3200xi32, #tpu.memory_space<vmem>>, vector<16xi32>,
        %get3A_136 = arith.constant 0 : i32
        %get3A_137 = arith.index_cast %get3A_136 : i32 to index
        %get3A_138 = arith.index_cast %mul3A_134 : i32 to index
        %get3A_139 = tpu.vector_load %arg6[%get3A_137, %get3A_138] {strides = array<i32>} : memref<8x3200xf32, #tpu.memory_space<vmem>>, vector<16xf32>,
        %gather3A = tpu.vector_load_idx %arg9[%get3A_135] : memref<10000xf32, #tpu.memory_space<vmem>>[vector<16xi32>], vector<16xf32>,
        %max3A = arith.maximumf %get3A_139, %gather3A : vector<16xf32>
        tpu.vector_store_idx %arg9[%get3A_135], %max3A : memref<10000xf32, #tpu.memory_space<vmem>>[vector<16xi32>], vector<16xf32>,
        %get3A_140 = arith.constant 1 : i32
        %get3A_141 = arith.index_cast %get3A_140 : i32 to index
        %get3A_142 = arith.index_cast %mul3A_134 : i32 to index
        %get3A_143 = tpu.vector_load %arg6[%get3A_141, %get3A_142] {strides = array<i32>} : memref<8x3200xf32, #tpu.memory_space<vmem>>, vector<16xf32>,
        %gather3A_144 = tpu.vector_load_idx %arg10[%get3A_135] : memref<10000xf32, #tpu.memory_space<vmem>>[vector<16xi32>], vector<16xf32>,
        %max3A_145 = arith.maximumf %get3A_143, %gather3A_144 : vector<16xf32>
        tpu.vector_store_idx %arg10[%get3A_135], %max3A_145 : memref<10000xf32, #tpu.memory_space<vmem>>[vector<16xi32>], vector<16xf32>,
        %get3A_146 = arith.constant 2 : i32
        %get3A_147 = arith.index_cast %get3A_146 : i32 to index
        %get3A_148 = arith.index_cast %mul3A_134 : i32 to index
        %get3A_149 = tpu.vector_load %arg6[%get3A_147, %get3A_148] {strides = array<i32>} : memref<8x3200xf32, #tpu.memory_space<vmem>>, vector<16xf32>,
        %gather3A_150 = tpu.vector_load_idx %arg11[%get3A_135] : memref<10000xf32, #tpu.memory_space<vmem>>[vector<16xi32>], vector<16xf32>,
        %max3A_151 = arith.maximumf %get3A_149, %gather3A_150 : vector<16xf32>
        tpu.vector_store_idx %arg11[%get3A_135], %max3A_151 : memref<10000xf32, #tpu.memory_space<vmem>>[vector<16xi32>], vector<16xf32>,
        %get3A_152 = arith.constant 3 : i32
        %get3A_153 = arith.index_cast %get3A_152 : i32 to index
        %get3A_154 = arith.index_cast %mul3A_134 : i32 to index
        %get3A_155 = tpu.vector_load %arg6[%get3A_153, %get3A_154] {strides = array<i32>} : memref<8x3200xf32, #tpu.memory_space<vmem>>, vector<16xf32>,
        %gather3A_156 = tpu.vector_load_idx %arg12[%get3A_135] : memref<10000xf32, #tpu.memory_space<vmem>>[vector<16xi32>], vector<16xf32>,
        %max3A_157 = arith.maximumf %get3A_155, %gather3A_156 : vector<16xf32>
        tpu.vector_store_idx %arg12[%get3A_135], %max3A_157 : memref<10000xf32, #tpu.memory_space<vmem>>[vector<16xi32>], vector<16xf32>,
        %get3A_158 = arith.constant 4 : i32
        %get3A_159 = arith.index_cast %get3A_158 : i32 to index
        %get3A_160 = arith.index_cast %mul3A_134 : i32 to index
        %get3A_161 = tpu.vector_load %arg6[%get3A_159, %get3A_160] {strides = array<i32>} : memref<8x3200xf32, #tpu.memory_space<vmem>>, vector<16xf32>,
        %gather3A_162 = tpu.vector_load_idx %arg13[%get3A_135] : memref<10000xf32, #tpu.memory_space<vmem>>[vector<16xi32>], vector<16xf32>,
        %max3A_163 = arith.maximumf %get3A_161, %gather3A_162 : vector<16xf32>
        tpu.vector_store_idx %arg13[%get3A_135], %max3A_163 : memref<10000xf32, #tpu.memory_space<vmem>>[vector<16xi32>], vector<16xf32>,
        %get3A_164 = arith.constant 5 : i32
        %get3A_165 = arith.index_cast %get3A_164 : i32 to index
        %get3A_166 = arith.index_cast %mul3A_134 : i32 to index
        %get3A_167 = tpu.vector_load %arg6[%get3A_165, %get3A_166] {strides = array<i32>} : memref<8x3200xf32, #tpu.memory_space<vmem>>, vector<16xf32>,
        %gather3A_168 = tpu.vector_load_idx %arg14[%get3A_135] : memref<10000xf32, #tpu.memory_space<vmem>>[vector<16xi32>], vector<16xf32>,
        %max3A_169 = arith.maximumf %get3A_167, %gather3A_168 : vector<16xf32>
        tpu.vector_store_idx %arg14[%get3A_135], %max3A_169 : memref<10000xf32, #tpu.memory_space<vmem>>[vector<16xi32>], vector<16xf32>,
        %get3A_170 = arith.constant 6 : i32
        %get3A_171 = arith.index_cast %get3A_170 : i32 to index
        %get3A_172 = arith.index_cast %mul3A_134 : i32 to index
        %get3A_173 = tpu.vector_load %arg6[%get3A_171, %get3A_172] {strides = array<i32>} : memref<8x3200xf32, #tpu.memory_space<vmem>>, vector<16xf32>,
        %gather3A_174 = tpu.vector_load_idx %arg15[%get3A_135] : memref<10000xf32, #tpu.memory_space<vmem>>[vector<16xi32>], vector<16xf32>,
        %max3A_175 = arith.maximumf %get3A_173, %gather3A_174 : vector<16xf32>
        tpu.vector_store_idx %arg15[%get3A_135], %max3A_175 : memref<10000xf32, #tpu.memory_space<vmem>>[vector<16xi32>], vector<16xf32>,
        %get3A_176 = arith.constant 7 : i32
        %get3A_177 = arith.index_cast %get3A_176 : i32 to index
        %get3A_178 = arith.index_cast %mul3A_134 : i32 to index
        %get3A_179 = tpu.vector_load %arg6[%get3A_177, %get3A_178] {strides = array<i32>} : memref<8x3200xf32, #tpu.memory_space<vmem>>, vector<16xf32>,
        %gather3A_180 = tpu.vector_load_idx %arg16[%get3A_135] : memref<10000xf32, #tpu.memory_space<vmem>>[vector<16xi32>], vector<16xf32>,
        %max3A_181 = arith.maximumf %get3A_179, %gather3A_180 : vector<16xf32>
        tpu.vector_store_idx %arg16[%get3A_135], %max3A_181 : memref<10000xf32, #tpu.memory_space<vmem>>[vector<16xi32>], vector<16xf32>,
        %get3A_182 = arith.index_cast %mul3A_134 : i32 to index
        %get3A_183 = tpu.vector_load %arg8[%get3A_182] {strides = array<i32>} : memref<3200xi32, #tpu.memory_space<vmem>>, vector<16xi32>,
        %slice3A = vector.extract_strided_slice %get3A_183 {offsets = [0], sizes = [1], strides = [1]} : vector<16xi32> to vector<1xi32>
        %squeeze3A = vector.extract %slice3A[0] : i32 from vector<1xi32>
        %gt3A = arith.constant 0 : i32
        %gt3A_184 = arith.cmpi sgt, %squeeze3A, %gt3A : i32
        %convert_element_type3A = arith.extui %gt3A_184 : i1 to i32
        %cond3A = arith.constant 0 : i32
        %cond3A_185 = arith.cmpi ne, %convert_element_type3A, %cond3A : i32
        scf.if %cond3A_185 {
          %get3A_186 = arith.constant 0 : i32
          %get3A_187 = arith.index_cast %get3A_186 : i32 to index
          %get3A_188 = arith.index_cast %mul3A_134 : i32 to index
          %get3A_189 = tpu.vector_load %arg6[%get3A_187, %get3A_188] {strides = array<i32>} : memref<8x3200xf32, #tpu.memory_space<vmem>>, vector<16xf32>,
          %gather3A_190 = tpu.vector_load_idx %arg9[%get3A_135] : memref<10000xf32, #tpu.memory_space<vmem>>[vector<16xi32>], vector<16xf32>,
          %max3A_191 = arith.maximumf %get3A_189, %gather3A_190 : vector<16xf32>
          %gather3A_192 = tpu.vector_load_idx %arg9[%get3A_135] : memref<10000xf32, #tpu.memory_space<vmem>>[vector<16xi32>], vector<16xf32>,
          %lt3A_193 = arith.cmpf olt, %gather3A_192, %max3A_191 : vector<16xf32>
          %convert_element_type3A_194 = arith.extui %lt3A_193 : vector<16xi1> to vector<16xi32>
          %reduce_sum3A = arith.constant true
          %reduce_sum3A_195 = vector.broadcast %reduce_sum3A : i1 to vector<16xi1>
          %reduce_sum3A_196 = tpu.scan <sum>, %convert_element_type3A_194 masked %reduce_sum3A_195 : vector<16xi32>, vector<16xi1> -> vector<16xi32>
          %reduce_sum3A_197 = vector.extract %reduce_sum3A_196[15] : i32 from vector<16xi32>
          %while3A = scf.while (%while3A_296 = %reduce_sum3A_197) : (i32) -> i32 {
            %gt3A_297 = arith.constant 0 : i32
            %gt3A_298 = arith.cmpi sgt, %while3A_296, %gt3A_297 : i32
            scf.condition(%gt3A_298) %while3A_296 : i32
          } do {
          ^bb0(%while3A_296: i32):
            %gather3A_297 = tpu.vector_load_idx %arg9[%get3A_135] : memref<10000xf32, #tpu.memory_space<vmem>>[vector<16xi32>], vector<16xf32>,
            %lt3A_298 = arith.cmpf olt, %gather3A_297, %max3A_191 : vector<16xf32>
            tpu.vector_store_idx %arg9[%get3A_135], %max3A_191 masked %lt3A_298 : memref<10000xf32, #tpu.memory_space<vmem>>[vector<16xi32>], vector<16xf32>, vector<16xi1>
            %gather3A_299 = tpu.vector_load_idx %arg9[%get3A_135] : memref<10000xf32, #tpu.memory_space<vmem>>[vector<16xi32>], vector<16xf32>,
            %lt3A_300 = arith.cmpf olt, %gather3A_299, %max3A_191 : vector<16xf32>
            %convert_element_type3A_301 = arith.extui %lt3A_300 : vector<16xi1> to vector<16xi32>
            %reduce_sum3A_302 = arith.constant true
            %reduce_sum3A_303 = vector.broadcast %reduce_sum3A_302 : i1 to vector<16xi1>
            %reduce_sum3A_304 = tpu.scan <sum>, %convert_element_type3A_301 masked %reduce_sum3A_303 : vector<16xi32>, vector<16xi1> -> vector<16xi32>
            %reduce_sum3A_305 = vector.extract %reduce_sum3A_304[15] : i32 from vector<16xi32>
            scf.yield %reduce_sum3A_305 : i32
          }
          %get3A_198 = arith.constant 1 : i32
          %get3A_199 = arith.index_cast %get3A_198 : i32 to index
          %get3A_200 = arith.index_cast %mul3A_134 : i32 to index
          %get3A_201 = tpu.vector_load %arg6[%get3A_199, %get3A_200] {strides = array<i32>} : memref<8x3200xf32, #tpu.memory_space<vmem>>, vector<16xf32>,
          %gather3A_202 = tpu.vector_load_idx %arg10[%get3A_135] : memref<10000xf32, #tpu.memory_space<vmem>>[vector<16xi32>], vector<16xf32>,
          %max3A_203 = arith.maximumf %get3A_201, %gather3A_202 : vector<16xf32>
          %gather3A_204 = tpu.vector_load_idx %arg10[%get3A_135] : memref<10000xf32, #tpu.memory_space<vmem>>[vector<16xi32>], vector<16xf32>,
          %lt3A_205 = arith.cmpf olt, %gather3A_204, %max3A_203 : vector<16xf32>
          %convert_element_type3A_206 = arith.extui %lt3A_205 : vector<16xi1> to vector<16xi32>
          %reduce_sum3A_207 = arith.constant true
          %reduce_sum3A_208 = vector.broadcast %reduce_sum3A_207 : i1 to vector<16xi1>
          %reduce_sum3A_209 = tpu.scan <sum>, %convert_element_type3A_206 masked %reduce_sum3A_208 : vector<16xi32>, vector<16xi1> -> vector<16xi32>
          %reduce_sum3A_210 = vector.extract %reduce_sum3A_209[15] : i32 from vector<16xi32>
          %while3A_211 = scf.while (%while3A_296 = %reduce_sum3A_210) : (i32) -> i32 {
            %gt3A_297 = arith.constant 0 : i32
            %gt3A_298 = arith.cmpi sgt, %while3A_296, %gt3A_297 : i32
            scf.condition(%gt3A_298) %while3A_296 : i32
          } do {
          ^bb0(%while3A_296: i32):
            %gather3A_297 = tpu.vector_load_idx %arg10[%get3A_135] : memref<10000xf32, #tpu.memory_space<vmem>>[vector<16xi32>], vector<16xf32>,
            %lt3A_298 = arith.cmpf olt, %gather3A_297, %max3A_203 : vector<16xf32>
            tpu.vector_store_idx %arg10[%get3A_135], %max3A_203 masked %lt3A_298 : memref<10000xf32, #tpu.memory_space<vmem>>[vector<16xi32>], vector<16xf32>, vector<16xi1>
            %gather3A_299 = tpu.vector_load_idx %arg10[%get3A_135] : memref<10000xf32, #tpu.memory_space<vmem>>[vector<16xi32>], vector<16xf32>,
            %lt3A_300 = arith.cmpf olt, %gather3A_299, %max3A_203 : vector<16xf32>
            %convert_element_type3A_301 = arith.extui %lt3A_300 : vector<16xi1> to vector<16xi32>
            %reduce_sum3A_302 = arith.constant true
            %reduce_sum3A_303 = vector.broadcast %reduce_sum3A_302 : i1 to vector<16xi1>
            %reduce_sum3A_304 = tpu.scan <sum>, %convert_element_type3A_301 masked %reduce_sum3A_303 : vector<16xi32>, vector<16xi1> -> vector<16xi32>
            %reduce_sum3A_305 = vector.extract %reduce_sum3A_304[15] : i32 from vector<16xi32>
            scf.yield %reduce_sum3A_305 : i32
          }
          %get3A_212 = arith.constant 2 : i32
          %get3A_213 = arith.index_cast %get3A_212 : i32 to index
          %get3A_214 = arith.index_cast %mul3A_134 : i32 to index
          %get3A_215 = tpu.vector_load %arg6[%get3A_213, %get3A_214] {strides = array<i32>} : memref<8x3200xf32, #tpu.memory_space<vmem>>, vector<16xf32>,
          %gather3A_216 = tpu.vector_load_idx %arg11[%get3A_135] : memref<10000xf32, #tpu.memory_space<vmem>>[vector<16xi32>], vector<16xf32>,
          %max3A_217 = arith.maximumf %get3A_215, %gather3A_216 : vector<16xf32>
          %gather3A_218 = tpu.vector_load_idx %arg11[%get3A_135] : memref<10000xf32, #tpu.memory_space<vmem>>[vector<16xi32>], vector<16xf32>,
          %lt3A_219 = arith.cmpf olt, %gather3A_218, %max3A_217 : vector<16xf32>
          %convert_element_type3A_220 = arith.extui %lt3A_219 : vector<16xi1> to vector<16xi32>
          %reduce_sum3A_221 = arith.constant true
          %reduce_sum3A_222 = vector.broadcast %reduce_sum3A_221 : i1 to vector<16xi1>
          %reduce_sum3A_223 = tpu.scan <sum>, %convert_element_type3A_220 masked %reduce_sum3A_222 : vector<16xi32>, vector<16xi1> -> vector<16xi32>
          %reduce_sum3A_224 = vector.extract %reduce_sum3A_223[15] : i32 from vector<16xi32>
          %while3A_225 = scf.while (%while3A_296 = %reduce_sum3A_224) : (i32) -> i32 {
            %gt3A_297 = arith.constant 0 : i32
            %gt3A_298 = arith.cmpi sgt, %while3A_296, %gt3A_297 : i32
            scf.condition(%gt3A_298) %while3A_296 : i32
          } do {
          ^bb0(%while3A_296: i32):
            %gather3A_297 = tpu.vector_load_idx %arg11[%get3A_135] : memref<10000xf32, #tpu.memory_space<vmem>>[vector<16xi32>], vector<16xf32>,
            %lt3A_298 = arith.cmpf olt, %gather3A_297, %max3A_217 : vector<16xf32>
            tpu.vector_store_idx %arg11[%get3A_135], %max3A_217 masked %lt3A_298 : memref<10000xf32, #tpu.memory_space<vmem>>[vector<16xi32>], vector<16xf32>, vector<16xi1>
            %gather3A_299 = tpu.vector_load_idx %arg11[%get3A_135] : memref<10000xf32, #tpu.memory_space<vmem>>[vector<16xi32>], vector<16xf32>,
            %lt3A_300 = arith.cmpf olt, %gather3A_299, %max3A_217 : vector<16xf32>
            %convert_element_type3A_301 = arith.extui %lt3A_300 : vector<16xi1> to vector<16xi32>
            %reduce_sum3A_302 = arith.constant true
            %reduce_sum3A_303 = vector.broadcast %reduce_sum3A_302 : i1 to vector<16xi1>
            %reduce_sum3A_304 = tpu.scan <sum>, %convert_element_type3A_301 masked %reduce_sum3A_303 : vector<16xi32>, vector<16xi1> -> vector<16xi32>
            %reduce_sum3A_305 = vector.extract %reduce_sum3A_304[15] : i32 from vector<16xi32>
            scf.yield %reduce_sum3A_305 : i32
          }
          %get3A_226 = arith.constant 3 : i32
          %get3A_227 = arith.index_cast %get3A_226 : i32 to index
          %get3A_228 = arith.index_cast %mul3A_134 : i32 to index
          %get3A_229 = tpu.vector_load %arg6[%get3A_227, %get3A_228] {strides = array<i32>} : memref<8x3200xf32, #tpu.memory_space<vmem>>, vector<16xf32>,
          %gather3A_230 = tpu.vector_load_idx %arg12[%get3A_135] : memref<10000xf32, #tpu.memory_space<vmem>>[vector<16xi32>], vector<16xf32>,
          %max3A_231 = arith.maximumf %get3A_229, %gather3A_230 : vector<16xf32>
          %gather3A_232 = tpu.vector_load_idx %arg12[%get3A_135] : memref<10000xf32, #tpu.memory_space<vmem>>[vector<16xi32>], vector<16xf32>,
          %lt3A_233 = arith.cmpf olt, %gather3A_232, %max3A_231 : vector<16xf32>
          %convert_element_type3A_234 = arith.extui %lt3A_233 : vector<16xi1> to vector<16xi32>
          %reduce_sum3A_235 = arith.constant true
          %reduce_sum3A_236 = vector.broadcast %reduce_sum3A_235 : i1 to vector<16xi1>
          %reduce_sum3A_237 = tpu.scan <sum>, %convert_element_type3A_234 masked %reduce_sum3A_236 : vector<16xi32>, vector<16xi1> -> vector<16xi32>
          %reduce_sum3A_238 = vector.extract %reduce_sum3A_237[15] : i32 from vector<16xi32>
          %while3A_239 = scf.while (%while3A_296 = %reduce_sum3A_238) : (i32) -> i32 {
            %gt3A_297 = arith.constant 0 : i32
            %gt3A_298 = arith.cmpi sgt, %while3A_296, %gt3A_297 : i32
            scf.condition(%gt3A_298) %while3A_296 : i32
          } do {
          ^bb0(%while3A_296: i32):
            %gather3A_297 = tpu.vector_load_idx %arg12[%get3A_135] : memref<10000xf32, #tpu.memory_space<vmem>>[vector<16xi32>], vector<16xf32>,
            %lt3A_298 = arith.cmpf olt, %gather3A_297, %max3A_231 : vector<16xf32>
            tpu.vector_store_idx %arg12[%get3A_135], %max3A_231 masked %lt3A_298 : memref<10000xf32, #tpu.memory_space<vmem>>[vector<16xi32>], vector<16xf32>, vector<16xi1>
            %gather3A_299 = tpu.vector_load_idx %arg12[%get3A_135] : memref<10000xf32, #tpu.memory_space<vmem>>[vector<16xi32>], vector<16xf32>,
            %lt3A_300 = arith.cmpf olt, %gather3A_299, %max3A_231 : vector<16xf32>
            %convert_element_type3A_301 = arith.extui %lt3A_300 : vector<16xi1> to vector<16xi32>
            %reduce_sum3A_302 = arith.constant true
            %reduce_sum3A_303 = vector.broadcast %reduce_sum3A_302 : i1 to vector<16xi1>
            %reduce_sum3A_304 = tpu.scan <sum>, %convert_element_type3A_301 masked %reduce_sum3A_303 : vector<16xi32>, vector<16xi1> -> vector<16xi32>
            %reduce_sum3A_305 = vector.extract %reduce_sum3A_304[15] : i32 from vector<16xi32>
            scf.yield %reduce_sum3A_305 : i32
          }
          %get3A_240 = arith.constant 4 : i32
          %get3A_241 = arith.index_cast %get3A_240 : i32 to index
          %get3A_242 = arith.index_cast %mul3A_134 : i32 to index
          %get3A_243 = tpu.vector_load %arg6[%get3A_241, %get3A_242] {strides = array<i32>} : memref<8x3200xf32, #tpu.memory_space<vmem>>, vector<16xf32>,
          %gather3A_244 = tpu.vector_load_idx %arg13[%get3A_135] : memref<10000xf32, #tpu.memory_space<vmem>>[vector<16xi32>], vector<16xf32>,
          %max3A_245 = arith.maximumf %get3A_243, %gather3A_244 : vector<16xf32>
          %gather3A_246 = tpu.vector_load_idx %arg13[%get3A_135] : memref<10000xf32, #tpu.memory_space<vmem>>[vector<16xi32>], vector<16xf32>,
          %lt3A_247 = arith.cmpf olt, %gather3A_246, %max3A_245 : vector<16xf32>
          %convert_element_type3A_248 = arith.extui %lt3A_247 : vector<16xi1> to vector<16xi32>
          %reduce_sum3A_249 = arith.constant true
          %reduce_sum3A_250 = vector.broadcast %reduce_sum3A_249 : i1 to vector<16xi1>
          %reduce_sum3A_251 = tpu.scan <sum>, %convert_element_type3A_248 masked %reduce_sum3A_250 : vector<16xi32>, vector<16xi1> -> vector<16xi32>
          %reduce_sum3A_252 = vector.extract %reduce_sum3A_251[15] : i32 from vector<16xi32>
          %while3A_253 = scf.while (%while3A_296 = %reduce_sum3A_252) : (i32) -> i32 {
            %gt3A_297 = arith.constant 0 : i32
            %gt3A_298 = arith.cmpi sgt, %while3A_296, %gt3A_297 : i32
            scf.condition(%gt3A_298) %while3A_296 : i32
          } do {
          ^bb0(%while3A_296: i32):
            %gather3A_297 = tpu.vector_load_idx %arg13[%get3A_135] : memref<10000xf32, #tpu.memory_space<vmem>>[vector<16xi32>], vector<16xf32>,
            %lt3A_298 = arith.cmpf olt, %gather3A_297, %max3A_245 : vector<16xf32>
            tpu.vector_store_idx %arg13[%get3A_135], %max3A_245 masked %lt3A_298 : memref<10000xf32, #tpu.memory_space<vmem>>[vector<16xi32>], vector<16xf32>, vector<16xi1>
            %gather3A_299 = tpu.vector_load_idx %arg13[%get3A_135] : memref<10000xf32, #tpu.memory_space<vmem>>[vector<16xi32>], vector<16xf32>,
            %lt3A_300 = arith.cmpf olt, %gather3A_299, %max3A_245 : vector<16xf32>
            %convert_element_type3A_301 = arith.extui %lt3A_300 : vector<16xi1> to vector<16xi32>
            %reduce_sum3A_302 = arith.constant true
            %reduce_sum3A_303 = vector.broadcast %reduce_sum3A_302 : i1 to vector<16xi1>
            %reduce_sum3A_304 = tpu.scan <sum>, %convert_element_type3A_301 masked %reduce_sum3A_303 : vector<16xi32>, vector<16xi1> -> vector<16xi32>
            %reduce_sum3A_305 = vector.extract %reduce_sum3A_304[15] : i32 from vector<16xi32>
            scf.yield %reduce_sum3A_305 : i32
          }
          %get3A_254 = arith.constant 5 : i32
          %get3A_255 = arith.index_cast %get3A_254 : i32 to index
          %get3A_256 = arith.index_cast %mul3A_134 : i32 to index
          %get3A_257 = tpu.vector_load %arg6[%get3A_255, %get3A_256] {strides = array<i32>} : memref<8x3200xf32, #tpu.memory_space<vmem>>, vector<16xf32>,
          %gather3A_258 = tpu.vector_load_idx %arg14[%get3A_135] : memref<10000xf32, #tpu.memory_space<vmem>>[vector<16xi32>], vector<16xf32>,
          %max3A_259 = arith.maximumf %get3A_257, %gather3A_258 : vector<16xf32>
          %gather3A_260 = tpu.vector_load_idx %arg14[%get3A_135] : memref<10000xf32, #tpu.memory_space<vmem>>[vector<16xi32>], vector<16xf32>,
          %lt3A_261 = arith.cmpf olt, %gather3A_260, %max3A_259 : vector<16xf32>
          %convert_element_type3A_262 = arith.extui %lt3A_261 : vector<16xi1> to vector<16xi32>
          %reduce_sum3A_263 = arith.constant true
          %reduce_sum3A_264 = vector.broadcast %reduce_sum3A_263 : i1 to vector<16xi1>
          %reduce_sum3A_265 = tpu.scan <sum>, %convert_element_type3A_262 masked %reduce_sum3A_264 : vector<16xi32>, vector<16xi1> -> vector<16xi32>
          %reduce_sum3A_266 = vector.extract %reduce_sum3A_265[15] : i32 from vector<16xi32>
          %while3A_267 = scf.while (%while3A_296 = %reduce_sum3A_266) : (i32) -> i32 {
            %gt3A_297 = arith.constant 0 : i32
            %gt3A_298 = arith.cmpi sgt, %while3A_296, %gt3A_297 : i32
            scf.condition(%gt3A_298) %while3A_296 : i32
          } do {
          ^bb0(%while3A_296: i32):
            %gather3A_297 = tpu.vector_load_idx %arg14[%get3A_135] : memref<10000xf32, #tpu.memory_space<vmem>>[vector<16xi32>], vector<16xf32>,
            %lt3A_298 = arith.cmpf olt, %gather3A_297, %max3A_259 : vector<16xf32>
            tpu.vector_store_idx %arg14[%get3A_135], %max3A_259 masked %lt3A_298 : memref<10000xf32, #tpu.memory_space<vmem>>[vector<16xi32>], vector<16xf32>, vector<16xi1>
            %gather3A_299 = tpu.vector_load_idx %arg14[%get3A_135] : memref<10000xf32, #tpu.memory_space<vmem>>[vector<16xi32>], vector<16xf32>,
            %lt3A_300 = arith.cmpf olt, %gather3A_299, %max3A_259 : vector<16xf32>
            %convert_element_type3A_301 = arith.extui %lt3A_300 : vector<16xi1> to vector<16xi32>
            %reduce_sum3A_302 = arith.constant true
            %reduce_sum3A_303 = vector.broadcast %reduce_sum3A_302 : i1 to vector<16xi1>
            %reduce_sum3A_304 = tpu.scan <sum>, %convert_element_type3A_301 masked %reduce_sum3A_303 : vector<16xi32>, vector<16xi1> -> vector<16xi32>
            %reduce_sum3A_305 = vector.extract %reduce_sum3A_304[15] : i32 from vector<16xi32>
            scf.yield %reduce_sum3A_305 : i32
          }
          %get3A_268 = arith.constant 6 : i32
          %get3A_269 = arith.index_cast %get3A_268 : i32 to index
          %get3A_270 = arith.index_cast %mul3A_134 : i32 to index
          %get3A_271 = tpu.vector_load %arg6[%get3A_269, %get3A_270] {strides = array<i32>} : memref<8x3200xf32, #tpu.memory_space<vmem>>, vector<16xf32>,
          %gather3A_272 = tpu.vector_load_idx %arg15[%get3A_135] : memref<10000xf32, #tpu.memory_space<vmem>>[vector<16xi32>], vector<16xf32>,
          %max3A_273 = arith.maximumf %get3A_271, %gather3A_272 : vector<16xf32>
          %gather3A_274 = tpu.vector_load_idx %arg15[%get3A_135] : memref<10000xf32, #tpu.memory_space<vmem>>[vector<16xi32>], vector<16xf32>,
          %lt3A_275 = arith.cmpf olt, %gather3A_274, %max3A_273 : vector<16xf32>
          %convert_element_type3A_276 = arith.extui %lt3A_275 : vector<16xi1> to vector<16xi32>
          %reduce_sum3A_277 = arith.constant true
          %reduce_sum3A_278 = vector.broadcast %reduce_sum3A_277 : i1 to vector<16xi1>
          %reduce_sum3A_279 = tpu.scan <sum>, %convert_element_type3A_276 masked %reduce_sum3A_278 : vector<16xi32>, vector<16xi1> -> vector<16xi32>
          %reduce_sum3A_280 = vector.extract %reduce_sum3A_279[15] : i32 from vector<16xi32>
          %while3A_281 = scf.while (%while3A_296 = %reduce_sum3A_280) : (i32) -> i32 {
            %gt3A_297 = arith.constant 0 : i32
            %gt3A_298 = arith.cmpi sgt, %while3A_296, %gt3A_297 : i32
            scf.condition(%gt3A_298) %while3A_296 : i32
          } do {
          ^bb0(%while3A_296: i32):
            %gather3A_297 = tpu.vector_load_idx %arg15[%get3A_135] : memref<10000xf32, #tpu.memory_space<vmem>>[vector<16xi32>], vector<16xf32>,
            %lt3A_298 = arith.cmpf olt, %gather3A_297, %max3A_273 : vector<16xf32>
            tpu.vector_store_idx %arg15[%get3A_135], %max3A_273 masked %lt3A_298 : memref<10000xf32, #tpu.memory_space<vmem>>[vector<16xi32>], vector<16xf32>, vector<16xi1>
            %gather3A_299 = tpu.vector_load_idx %arg15[%get3A_135] : memref<10000xf32, #tpu.memory_space<vmem>>[vector<16xi32>], vector<16xf32>,
            %lt3A_300 = arith.cmpf olt, %gather3A_299, %max3A_273 : vector<16xf32>
            %convert_element_type3A_301 = arith.extui %lt3A_300 : vector<16xi1> to vector<16xi32>
            %reduce_sum3A_302 = arith.constant true
            %reduce_sum3A_303 = vector.broadcast %reduce_sum3A_302 : i1 to vector<16xi1>
            %reduce_sum3A_304 = tpu.scan <sum>, %convert_element_type3A_301 masked %reduce_sum3A_303 : vector<16xi32>, vector<16xi1> -> vector<16xi32>
            %reduce_sum3A_305 = vector.extract %reduce_sum3A_304[15] : i32 from vector<16xi32>
            scf.yield %reduce_sum3A_305 : i32
          }
          %get3A_282 = arith.constant 7 : i32
          %get3A_283 = arith.index_cast %get3A_282 : i32 to index
          %get3A_284 = arith.index_cast %mul3A_134 : i32 to index
          %get3A_285 = tpu.vector_load %arg6[%get3A_283, %get3A_284] {strides = array<i32>} : memref<8x3200xf32, #tpu.memory_space<vmem>>, vector<16xf32>,
          %gather3A_286 = tpu.vector_load_idx %arg16[%get3A_135] : memref<10000xf32, #tpu.memory_space<vmem>>[vector<16xi32>], vector<16xf32>,
          %max3A_287 = arith.maximumf %get3A_285, %gather3A_286 : vector<16xf32>
          %gather3A_288 = tpu.vector_load_idx %arg16[%get3A_135] : memref<10000xf32, #tpu.memory_space<vmem>>[vector<16xi32>], vector<16xf32>,
          %lt3A_289 = arith.cmpf olt, %gather3A_288, %max3A_287 : vector<16xf32>
          %convert_element_type3A_290 = arith.extui %lt3A_289 : vector<16xi1> to vector<16xi32>
          %reduce_sum3A_291 = arith.constant true
          %reduce_sum3A_292 = vector.broadcast %reduce_sum3A_291 : i1 to vector<16xi1>
          %reduce_sum3A_293 = tpu.scan <sum>, %convert_element_type3A_290 masked %reduce_sum3A_292 : vector<16xi32>, vector<16xi1> -> vector<16xi32>
          %reduce_sum3A_294 = vector.extract %reduce_sum3A_293[15] : i32 from vector<16xi32>
          %while3A_295 = scf.while (%while3A_296 = %reduce_sum3A_294) : (i32) -> i32 {
            %gt3A_297 = arith.constant 0 : i32
            %gt3A_298 = arith.cmpi sgt, %while3A_296, %gt3A_297 : i32
            scf.condition(%gt3A_298) %while3A_296 : i32
          } do {
          ^bb0(%while3A_296: i32):
            %gather3A_297 = tpu.vector_load_idx %arg16[%get3A_135] : memref<10000xf32, #tpu.memory_space<vmem>>[vector<16xi32>], vector<16xf32>,
            %lt3A_298 = arith.cmpf olt, %gather3A_297, %max3A_287 : vector<16xf32>
            tpu.vector_store_idx %arg16[%get3A_135], %max3A_287 masked %lt3A_298 : memref<10000xf32, #tpu.memory_space<vmem>>[vector<16xi32>], vector<16xf32>, vector<16xi1>
            %gather3A_299 = tpu.vector_load_idx %arg16[%get3A_135] : memref<10000xf32, #tpu.memory_space<vmem>>[vector<16xi32>], vector<16xf32>,
            %lt3A_300 = arith.cmpf olt, %gather3A_299, %max3A_287 : vector<16xf32>
            %convert_element_type3A_301 = arith.extui %lt3A_300 : vector<16xi1> to vector<16xi32>
            %reduce_sum3A_302 = arith.constant true
            %reduce_sum3A_303 = vector.broadcast %reduce_sum3A_302 : i1 to vector<16xi1>
            %reduce_sum3A_304 = tpu.scan <sum>, %convert_element_type3A_301 masked %reduce_sum3A_303 : vector<16xi32>, vector<16xi1> -> vector<16xi32>
            %reduce_sum3A_305 = vector.extract %reduce_sum3A_304[15] : i32 from vector<16xi32>
            scf.yield %reduce_sum3A_305 : i32
          }
        } else {
        }
      }
      %scan3A_127 = arith.constant 200 : i32
    }
    %scan3A_44 = arith.constant 25 : i32
    %mul3A_45 = arith.constant 64 : i32
    %mul3A_46 = arith.muli %select_n3A, %mul3A_45 : i32
    %add3A_47 = arith.addi %mul3A_46, %multiple_of3A : i32
    %add3A_48 = arith.constant 0 : i32
    %add3A_49 = arith.addi %add3A_47, %add3A_48 : i32
    %mul3A_50 = arith.constant 10000 : i32
    %mul3A_51 = arith.muli %add3A_49, %mul3A_50 : i32
    %multiple_of3A_52 = tpu.assume_multiple %mul3A_51, 8 : i32
    "tpu.region"() ({
      %run_scoped3A = tpu.sem_alloc : memref<!tpu.dma_semaphore, #tpu.memory_space<semaphore_mem>>
      %dma_start3A = tpu.memref_slice %arg4[%multiple_of3A_52] : memref<2560000xf32, #tpu.memory_space<hbm>> -> memref<10000xf32, #tpu.memory_space<hbm>>
      %dma_start3A_109 = tpu.memref_slice %arg4[%multiple_of3A_52] : memref<2560000xf32, #tpu.memory_space<hbm>> -> memref<10000xf32, #tpu.memory_space<hbm>>
      tpu.enqueue_dma source(%arg9 : memref<10000xf32, #tpu.memory_space<vmem>>) target(%dma_start3A_109 : memref<10000xf32, #tpu.memory_space<hbm>>) target_semaphore(%run_scoped3A : memref<!tpu.dma_semaphore, #tpu.memory_space<semaphore_mem>>)
      %dma_wait3A = tpu.memref_slice %arg4[%multiple_of3A_52] : memref<2560000xf32, #tpu.memory_space<hbm>> -> memref<10000xf32, #tpu.memory_space<hbm>>
      %dma_wait3A_110 = tpu.memref_slice %arg4[%multiple_of3A_52] : memref<2560000xf32, #tpu.memory_space<hbm>> -> memref<10000xf32, #tpu.memory_space<hbm>>
      tpu.wait_dma2 semaphore(%run_scoped3A : memref<!tpu.dma_semaphore, #tpu.memory_space<semaphore_mem>>) src(%arg9 : memref<10000xf32, #tpu.memory_space<vmem>>) dst(%dma_wait3A_110 : memref<10000xf32, #tpu.memory_space<hbm>>)
      tpu.yield
    }) : () -> ()
    %mul3A_53 = arith.constant 64 : i32
    %mul3A_54 = arith.muli %select_n3A, %mul3A_53 : i32
    %add3A_55 = arith.addi %mul3A_54, %multiple_of3A : i32
    %add3A_56 = arith.constant 1 : i32
    %add3A_57 = arith.addi %add3A_55, %add3A_56 : i32
    %mul3A_58 = arith.constant 10000 : i32
    %mul3A_59 = arith.muli %add3A_57, %mul3A_58 : i32
    %multiple_of3A_60 = tpu.assume_multiple %mul3A_59, 8 : i32
    "tpu.region"() ({
      %run_scoped3A = tpu.sem_alloc : memref<!tpu.dma_semaphore, #tpu.memory_space<semaphore_mem>>
      %dma_start3A = tpu.memref_slice %arg4[%multiple_of3A_60] : memref<2560000xf32, #tpu.memory_space<hbm>> -> memref<10000xf32, #tpu.memory_space<hbm>>
      %dma_start3A_109 = tpu.memref_slice %arg4[%multiple_of3A_60] : memref<2560000xf32, #tpu.memory_space<hbm>> -> memref<10000xf32, #tpu.memory_space<hbm>>
      tpu.enqueue_dma source(%arg10 : memref<10000xf32, #tpu.memory_space<vmem>>) target(%dma_start3A_109 : memref<10000xf32, #tpu.memory_space<hbm>>) target_semaphore(%run_scoped3A : memref<!tpu.dma_semaphore, #tpu.memory_space<semaphore_mem>>)
      %dma_wait3A = tpu.memref_slice %arg4[%multiple_of3A_60] : memref<2560000xf32, #tpu.memory_space<hbm>> -> memref<10000xf32, #tpu.memory_space<hbm>>
      %dma_wait3A_110 = tpu.memref_slice %arg4[%multiple_of3A_60] : memref<2560000xf32, #tpu.memory_space<hbm>> -> memref<10000xf32, #tpu.memory_space<hbm>>
      tpu.wait_dma2 semaphore(%run_scoped3A : memref<!tpu.dma_semaphore, #tpu.memory_space<semaphore_mem>>) src(%arg10 : memref<10000xf32, #tpu.memory_space<vmem>>) dst(%dma_wait3A_110 : memref<10000xf32, #tpu.memory_space<hbm>>)
      tpu.yield
    }) : () -> ()
    %mul3A_61 = arith.constant 64 : i32
    %mul3A_62 = arith.muli %select_n3A, %mul3A_61 : i32
    %add3A_63 = arith.addi %mul3A_62, %multiple_of3A : i32
    %add3A_64 = arith.constant 2 : i32
    %add3A_65 = arith.addi %add3A_63, %add3A_64 : i32
    %mul3A_66 = arith.constant 10000 : i32
    %mul3A_67 = arith.muli %add3A_65, %mul3A_66 : i32
    %multiple_of3A_68 = tpu.assume_multiple %mul3A_67, 8 : i32
    "tpu.region"() ({
      %run_scoped3A = tpu.sem_alloc : memref<!tpu.dma_semaphore, #tpu.memory_space<semaphore_mem>>
      %dma_start3A = tpu.memref_slice %arg4[%multiple_of3A_68] : memref<2560000xf32, #tpu.memory_space<hbm>> -> memref<10000xf32, #tpu.memory_space<hbm>>
      %dma_start3A_109 = tpu.memref_slice %arg4[%multiple_of3A_68] : memref<2560000xf32, #tpu.memory_space<hbm>> -> memref<10000xf32, #tpu.memory_space<hbm>>
      tpu.enqueue_dma source(%arg11 : memref<10000xf32, #tpu.memory_space<vmem>>) target(%dma_start3A_109 : memref<10000xf32, #tpu.memory_space<hbm>>) target_semaphore(%run_scoped3A : memref<!tpu.dma_semaphore, #tpu.memory_space<semaphore_mem>>)
      %dma_wait3A = tpu.memref_slice %arg4[%multiple_of3A_68] : memref<2560000xf32, #tpu.memory_space<hbm>> -> memref<10000xf32, #tpu.memory_space<hbm>>
      %dma_wait3A_110 = tpu.memref_slice %arg4[%multiple_of3A_68] : memref<2560000xf32, #tpu.memory_space<hbm>> -> memref<10000xf32, #tpu.memory_space<hbm>>
      tpu.wait_dma2 semaphore(%run_scoped3A : memref<!tpu.dma_semaphore, #tpu.memory_space<semaphore_mem>>) src(%arg11 : memref<10000xf32, #tpu.memory_space<vmem>>) dst(%dma_wait3A_110 : memref<10000xf32, #tpu.memory_space<hbm>>)
      tpu.yield
    }) : () -> ()
    %mul3A_69 = arith.constant 64 : i32
    %mul3A_70 = arith.muli %select_n3A, %mul3A_69 : i32
    %add3A_71 = arith.addi %mul3A_70, %multiple_of3A : i32
    %add3A_72 = arith.constant 3 : i32
    %add3A_73 = arith.addi %add3A_71, %add3A_72 : i32
    %mul3A_74 = arith.constant 10000 : i32
    %mul3A_75 = arith.muli %add3A_73, %mul3A_74 : i32
    %multiple_of3A_76 = tpu.assume_multiple %mul3A_75, 8 : i32
    "tpu.region"() ({
      %run_scoped3A = tpu.sem_alloc : memref<!tpu.dma_semaphore, #tpu.memory_space<semaphore_mem>>
      %dma_start3A = tpu.memref_slice %arg4[%multiple_of3A_76] : memref<2560000xf32, #tpu.memory_space<hbm>> -> memref<10000xf32, #tpu.memory_space<hbm>>
      %dma_start3A_109 = tpu.memref_slice %arg4[%multiple_of3A_76] : memref<2560000xf32, #tpu.memory_space<hbm>> -> memref<10000xf32, #tpu.memory_space<hbm>>
      tpu.enqueue_dma source(%arg12 : memref<10000xf32, #tpu.memory_space<vmem>>) target(%dma_start3A_109 : memref<10000xf32, #tpu.memory_space<hbm>>) target_semaphore(%run_scoped3A : memref<!tpu.dma_semaphore, #tpu.memory_space<semaphore_mem>>)
      %dma_wait3A = tpu.memref_slice %arg4[%multiple_of3A_76] : memref<2560000xf32, #tpu.memory_space<hbm>> -> memref<10000xf32, #tpu.memory_space<hbm>>
      %dma_wait3A_110 = tpu.memref_slice %arg4[%multiple_of3A_76] : memref<2560000xf32, #tpu.memory_space<hbm>> -> memref<10000xf32, #tpu.memory_space<hbm>>
      tpu.wait_dma2 semaphore(%run_scoped3A : memref<!tpu.dma_semaphore, #tpu.memory_space<semaphore_mem>>) src(%arg12 : memref<10000xf32, #tpu.memory_space<vmem>>) dst(%dma_wait3A_110 : memref<10000xf32, #tpu.memory_space<hbm>>)
      tpu.yield
    }) : () -> ()
    %mul3A_77 = arith.constant 64 : i32
    %mul3A_78 = arith.muli %select_n3A, %mul3A_77 : i32
    %add3A_79 = arith.addi %mul3A_78, %multiple_of3A : i32
    %add3A_80 = arith.constant 4 : i32
    %add3A_81 = arith.addi %add3A_79, %add3A_80 : i32
    %mul3A_82 = arith.constant 10000 : i32
    %mul3A_83 = arith.muli %add3A_81, %mul3A_82 : i32
    %multiple_of3A_84 = tpu.assume_multiple %mul3A_83, 8 : i32
    "tpu.region"() ({
      %run_scoped3A = tpu.sem_alloc : memref<!tpu.dma_semaphore, #tpu.memory_space<semaphore_mem>>
      %dma_start3A = tpu.memref_slice %arg4[%multiple_of3A_84] : memref<2560000xf32, #tpu.memory_space<hbm>> -> memref<10000xf32, #tpu.memory_space<hbm>>
      %dma_start3A_109 = tpu.memref_slice %arg4[%multiple_of3A_84] : memref<2560000xf32, #tpu.memory_space<hbm>> -> memref<10000xf32, #tpu.memory_space<hbm>>
      tpu.enqueue_dma source(%arg13 : memref<10000xf32, #tpu.memory_space<vmem>>) target(%dma_start3A_109 : memref<10000xf32, #tpu.memory_space<hbm>>) target_semaphore(%run_scoped3A : memref<!tpu.dma_semaphore, #tpu.memory_space<semaphore_mem>>)
      %dma_wait3A = tpu.memref_slice %arg4[%multiple_of3A_84] : memref<2560000xf32, #tpu.memory_space<hbm>> -> memref<10000xf32, #tpu.memory_space<hbm>>
      %dma_wait3A_110 = tpu.memref_slice %arg4[%multiple_of3A_84] : memref<2560000xf32, #tpu.memory_space<hbm>> -> memref<10000xf32, #tpu.memory_space<hbm>>
      tpu.wait_dma2 semaphore(%run_scoped3A : memref<!tpu.dma_semaphore, #tpu.memory_space<semaphore_mem>>) src(%arg13 : memref<10000xf32, #tpu.memory_space<vmem>>) dst(%dma_wait3A_110 : memref<10000xf32, #tpu.memory_space<hbm>>)
      tpu.yield
    }) : () -> ()
    %mul3A_85 = arith.constant 64 : i32
    %mul3A_86 = arith.muli %select_n3A, %mul3A_85 : i32
    %add3A_87 = arith.addi %mul3A_86, %multiple_of3A : i32
    %add3A_88 = arith.constant 5 : i32
    %add3A_89 = arith.addi %add3A_87, %add3A_88 : i32
    %mul3A_90 = arith.constant 10000 : i32
    %mul3A_91 = arith.muli %add3A_89, %mul3A_90 : i32
    %multiple_of3A_92 = tpu.assume_multiple %mul3A_91, 8 : i32
    "tpu.region"() ({
      %run_scoped3A = tpu.sem_alloc : memref<!tpu.dma_semaphore, #tpu.memory_space<semaphore_mem>>
      %dma_start3A = tpu.memref_slice %arg4[%multiple_of3A_92] : memref<2560000xf32, #tpu.memory_space<hbm>> -> memref<10000xf32, #tpu.memory_space<hbm>>
      %dma_start3A_109 = tpu.memref_slice %arg4[%multiple_of3A_92] : memref<2560000xf32, #tpu.memory_space<hbm>> -> memref<10000xf32, #tpu.memory_space<hbm>>
      tpu.enqueue_dma source(%arg14 : memref<10000xf32, #tpu.memory_space<vmem>>) target(%dma_start3A_109 : memref<10000xf32, #tpu.memory_space<hbm>>) target_semaphore(%run_scoped3A : memref<!tpu.dma_semaphore, #tpu.memory_space<semaphore_mem>>)
      %dma_wait3A = tpu.memref_slice %arg4[%multiple_of3A_92] : memref<2560000xf32, #tpu.memory_space<hbm>> -> memref<10000xf32, #tpu.memory_space<hbm>>
      %dma_wait3A_110 = tpu.memref_slice %arg4[%multiple_of3A_92] : memref<2560000xf32, #tpu.memory_space<hbm>> -> memref<10000xf32, #tpu.memory_space<hbm>>
      tpu.wait_dma2 semaphore(%run_scoped3A : memref<!tpu.dma_semaphore, #tpu.memory_space<semaphore_mem>>) src(%arg14 : memref<10000xf32, #tpu.memory_space<vmem>>) dst(%dma_wait3A_110 : memref<10000xf32, #tpu.memory_space<hbm>>)
      tpu.yield
    }) : () -> ()
    %mul3A_93 = arith.constant 64 : i32
    %mul3A_94 = arith.muli %select_n3A, %mul3A_93 : i32
    %add3A_95 = arith.addi %mul3A_94, %multiple_of3A : i32
    %add3A_96 = arith.constant 6 : i32
    %add3A_97 = arith.addi %add3A_95, %add3A_96 : i32
    %mul3A_98 = arith.constant 10000 : i32
    %mul3A_99 = arith.muli %add3A_97, %mul3A_98 : i32
    %multiple_of3A_100 = tpu.assume_multiple %mul3A_99, 8 : i32
    "tpu.region"() ({
      %run_scoped3A = tpu.sem_alloc : memref<!tpu.dma_semaphore, #tpu.memory_space<semaphore_mem>>
      %dma_start3A = tpu.memref_slice %arg4[%multiple_of3A_100] : memref<2560000xf32, #tpu.memory_space<hbm>> -> memref<10000xf32, #tpu.memory_space<hbm>>
      %dma_start3A_109 = tpu.memref_slice %arg4[%multiple_of3A_100] : memref<2560000xf32, #tpu.memory_space<hbm>> -> memref<10000xf32, #tpu.memory_space<hbm>>
      tpu.enqueue_dma source(%arg15 : memref<10000xf32, #tpu.memory_space<vmem>>) target(%dma_start3A_109 : memref<10000xf32, #tpu.memory_space<hbm>>) target_semaphore(%run_scoped3A : memref<!tpu.dma_semaphore, #tpu.memory_space<semaphore_mem>>)
      %dma_wait3A = tpu.memref_slice %arg4[%multiple_of3A_100] : memref<2560000xf32, #tpu.memory_space<hbm>> -> memref<10000xf32, #tpu.memory_space<hbm>>
      %dma_wait3A_110 = tpu.memref_slice %arg4[%multiple_of3A_100] : memref<2560000xf32, #tpu.memory_space<hbm>> -> memref<10000xf32, #tpu.memory_space<hbm>>
      tpu.wait_dma2 semaphore(%run_scoped3A : memref<!tpu.dma_semaphore, #tpu.memory_space<semaphore_mem>>) src(%arg15 : memref<10000xf32, #tpu.memory_space<vmem>>) dst(%dma_wait3A_110 : memref<10000xf32, #tpu.memory_space<hbm>>)
      tpu.yield
    }) : () -> ()
    %mul3A_101 = arith.constant 64 : i32
    %mul3A_102 = arith.muli %select_n3A, %mul3A_101 : i32
    %add3A_103 = arith.addi %mul3A_102, %multiple_of3A : i32
    %add3A_104 = arith.constant 7 : i32
    %add3A_105 = arith.addi %add3A_103, %add3A_104 : i32
    %mul3A_106 = arith.constant 10000 : i32
    %mul3A_107 = arith.muli %add3A_105, %mul3A_106 : i32
    %multiple_of3A_108 = tpu.assume_multiple %mul3A_107, 8 : i32
    "tpu.region"() ({
      %run_scoped3A = tpu.sem_alloc : memref<!tpu.dma_semaphore, #tpu.memory_space<semaphore_mem>>
      %dma_start3A = tpu.memref_slice %arg4[%multiple_of3A_108] : memref<2560000xf32, #tpu.memory_space<hbm>> -> memref<10000xf32, #tpu.memory_space<hbm>>
      %dma_start3A_109 = tpu.memref_slice %arg4[%multiple_of3A_108] : memref<2560000xf32, #tpu.memory_space<hbm>> -> memref<10000xf32, #tpu.memory_space<hbm>>
      tpu.enqueue_dma source(%arg16 : memref<10000xf32, #tpu.memory_space<vmem>>) target(%dma_start3A_109 : memref<10000xf32, #tpu.memory_space<hbm>>) target_semaphore(%run_scoped3A : memref<!tpu.dma_semaphore, #tpu.memory_space<semaphore_mem>>)
      %dma_wait3A = tpu.memref_slice %arg4[%multiple_of3A_108] : memref<2560000xf32, #tpu.memory_space<hbm>> -> memref<10000xf32, #tpu.memory_space<hbm>>
      %dma_wait3A_110 = tpu.memref_slice %arg4[%multiple_of3A_108] : memref<2560000xf32, #tpu.memory_space<hbm>> -> memref<10000xf32, #tpu.memory_space<hbm>>
      tpu.wait_dma2 semaphore(%run_scoped3A : memref<!tpu.dma_semaphore, #tpu.memory_space<semaphore_mem>>) src(%arg16 : memref<10000xf32, #tpu.memory_space<vmem>>) dst(%dma_wait3A_110 : memref<10000xf32, #tpu.memory_space<hbm>>)
      tpu.yield
    }) : () -> ()
    return
  }
}

#map = affine_map<(d0, d1) -> (0)>
#map1 = affine_map<(d0, d1) -> (0, 0)>
module attributes {stable_mosaic.version = 14 : i64} {
  func.func @_sc_scatmax_body(%arg0: i32, %arg1: i32, %arg2: memref<320000xi32, #tpu.memory_space<hbm>>, %arg3: memref<64x320000xf32, #tpu.memory_space<hbm>>, %arg4: memref<2560000xf32, #tpu.memory_space<hbm>>, %arg5: memref<3200xi32, #tpu.memory_space<vmem>>, %arg6: memref<8x3200xf32, #tpu.memory_space<vmem>>, %arg7: memref<10000xf32, #tpu.memory_space<vmem>>, %arg8: memref<3200xi32, #tpu.memory_space<vmem>>, %arg9: memref<10000xf32, #tpu.memory_space<vmem>>, %arg10: memref<10000xf32, #tpu.memory_space<vmem>>, %arg11: memref<10000xf32, #tpu.memory_space<vmem>>, %arg12: memref<10000xf32, #tpu.memory_space<vmem>>, %arg13: memref<10000xf32, #tpu.memory_space<vmem>>, %arg14: memref<10000xf32, #tpu.memory_space<vmem>>, %arg15: memref<10000xf32, #tpu.memory_space<vmem>>, %arg16: memref<10000xf32, #tpu.memory_space<vmem>>) attributes {dimension_semantics = [#tpu.dimension_semantics<core_parallel>, #tpu.dimension_semantics<subcore_parallel>], iteration_bounds = array<i64: 2, 16>, scalar_prefetch = 0 : i64, scratch_operands = 12 : i64, tpu.core_type = #tpu.core_type<sc_vector_subcore>, window_params = [{transform_indices = #map}, {transform_indices = #map1}, {transform_indices = #map}]} {
    %mul3A = arith.constant 2 : i32
    %mul3A_0 = arith.muli %arg1, %mul3A : i32
    %add3A = arith.addi %mul3A_0, %arg0 : i32
    %jit3A = arith.constant 8 : i32
    %div3A = arith.divsi %add3A, %jit3A : i32
    %sign3A = arith.constant 0 : i32
    %sign3A_1 = arith.cmpi sgt, %add3A, %sign3A : i32
    %sign3A_2 = arith.extui %sign3A_1 : i1 to i32
    %sign3A_3 = arith.constant 0 : i32
    %sign3A_4 = arith.cmpi slt, %add3A, %sign3A_3 : i32
    %sign3A_5 = arith.extui %sign3A_4 : i1 to i32
    %sign3A_6 = arith.subi %sign3A_2, %sign3A_5 : i32
    %sign3A_7 = arith.constant 0 : i32
    %sign3A_8 = arith.cmpi sgt, %jit3A, %sign3A_7 : i32
    %sign3A_9 = arith.extui %sign3A_8 : i1 to i32
    %sign3A_10 = arith.constant 0 : i32
    %sign3A_11 = arith.cmpi slt, %jit3A, %sign3A_10 : i32
    %sign3A_12 = arith.extui %sign3A_11 : i1 to i32
    %sign3A_13 = arith.subi %sign3A_9, %sign3A_12 : i32
    %ne3A = arith.cmpi ne, %sign3A_6, %sign3A_13 : i32
    %rem3A = arith.remsi %add3A, %jit3A : i32
    %ne3A_14 = arith.constant 0 : i32
    %ne3A_15 = arith.cmpi ne, %rem3A, %ne3A_14 : i32
    %and3A = arith.andi %ne3A, %ne3A_15 : i1
    %sub3A = arith.constant 1 : i32
    %sub3A_16 = arith.subi %div3A, %sub3A : i32
    %select_n3A = arith.select %and3A, %sub3A_16, %div3A : i32
    %jit3A_17 = arith.constant 8 : i32
    %eq3A = arith.constant 0 : i32
    %eq3A_18 = arith.cmpi eq, %jit3A_17, %eq3A : i32
    %jit3A_19 = arith.constant 1 : i32
    %select_n3A_20 = arith.select %eq3A_18, %jit3A_19, %jit3A_17 : i32
    %rem3A_21 = arith.remsi %add3A, %select_n3A_20 : i32
    %ne3A_22 = arith.constant 0 : i32
    %ne3A_23 = arith.cmpi ne, %rem3A_21, %ne3A_22 : i32
    %lt3A = arith.constant 0 : i32
    %lt3A_24 = arith.cmpi slt, %rem3A_21, %lt3A : i32
    %lt3A_25 = arith.constant 0 : i32
    %lt3A_26 = arith.cmpi slt, %select_n3A_20, %lt3A_25 : i32
    %ne3A_27 = arith.xori %lt3A_24, %lt3A_26 : i1
    %and3A_28 = arith.andi %ne3A_27, %ne3A_23 : i1
    %add3A_29 = arith.addi %rem3A_21, %select_n3A_20 : i32
    %select_n3A_30 = arith.select %and3A_28, %add3A_29, %rem3A_21 : i32
    %mul3A_31 = arith.constant 8 : i32
    %mul3A_32 = arith.muli %select_n3A_30, %mul3A_31 : i32
    %multiple_of3A = tpu.assume_multiple %mul3A_32, 8 : i32
    %mul3A_33 = arith.constant 80000 : i32
    %mul3A_34 = arith.muli %select_n3A, %mul3A_33 : i32
    %broadcast_in_dim3A = arith.constant 0xFF800000 : f32
    %broadcast_in_dim3A_35 = vector.broadcast %broadcast_in_dim3A : f32 to vector<16xf32>
    %scan3A = arith.constant 0 : i32
    %scan3A_36 = arith.constant 625 : i32
    %scan3A_37 = arith.addi %scan3A, %scan3A_36 : i32
    %scan3A_38 = arith.constant 1 : i32
    scf.for %scan3A_109 = %scan3A to %scan3A_37 step %scan3A_38  : i32 {
      %mul3A_110 = arith.constant 1 : i32
      %mul3A_111 = arith.muli %scan3A_109, %mul3A_110 : i32
      %add3A_112 = arith.constant 0 : i32
      %add3A_113 = arith.addi %add3A_112, %mul3A_111 : i32
      %mul3A_114 = arith.constant 16 : i32
      %mul3A_115 = arith.muli %add3A_113, %mul3A_114 : i32
      %swap3A = arith.index_cast %mul3A_115 : i32 to index
      %swap3A_116 = tpu.vector_load %arg9[%swap3A] {strides = array<i32>} : memref<10000xf32, #tpu.memory_space<vmem>>, vector<16xf32>,
      tpu.vector_store %arg9[%swap3A], %broadcast_in_dim3A_35 {strides = array<i32>} : memref<10000xf32, #tpu.memory_space<vmem>>, vector<16xf32>,
      %swap3A_117 = arith.index_cast %mul3A_115 : i32 to index
      %swap3A_118 = tpu.vector_load %arg10[%swap3A_117] {strides = array<i32>} : memref<10000xf32, #tpu.memory_space<vmem>>, vector<16xf32>,
      tpu.vector_store %arg10[%swap3A_117], %broadcast_in_dim3A_35 {strides = array<i32>} : memref<10000xf32, #tpu.memory_space<vmem>>, vector<16xf32>,
      %swap3A_119 = arith.index_cast %mul3A_115 : i32 to index
      %swap3A_120 = tpu.vector_load %arg11[%swap3A_119] {strides = array<i32>} : memref<10000xf32, #tpu.memory_space<vmem>>, vector<16xf32>,
      tpu.vector_store %arg11[%swap3A_119], %broadcast_in_dim3A_35 {strides = array<i32>} : memref<10000xf32, #tpu.memory_space<vmem>>, vector<16xf32>,
      %swap3A_121 = arith.index_cast %mul3A_115 : i32 to index
      %swap3A_122 = tpu.vector_load %arg12[%swap3A_121] {strides = array<i32>} : memref<10000xf32, #tpu.memory_space<vmem>>, vector<16xf32>,
      tpu.vector_store %arg12[%swap3A_121], %broadcast_in_dim3A_35 {strides = array<i32>} : memref<10000xf32, #tpu.memory_space<vmem>>, vector<16xf32>,
      %swap3A_123 = arith.index_cast %mul3A_115 : i32 to index
      %swap3A_124 = tpu.vector_load %arg13[%swap3A_123] {strides = array<i32>} : memref<10000xf32, #tpu.memory_space<vmem>>, vector<16xf32>,
      tpu.vector_store %arg13[%swap3A_123], %broadcast_in_dim3A_35 {strides = array<i32>} : memref<10000xf32, #tpu.memory_space<vmem>>, vector<16xf32>,
      %swap3A_125 = arith.index_cast %mul3A_115 : i32 to index
      %swap3A_126 = tpu.vector_load %arg14[%swap3A_125] {strides = array<i32>} : memref<10000xf32, #tpu.memory_space<vmem>>, vector<16xf32>,
      tpu.vector_store %arg14[%swap3A_125], %broadcast_in_dim3A_35 {strides = array<i32>} : memref<10000xf32, #tpu.memory_space<vmem>>, vector<16xf32>,
      %swap3A_127 = arith.index_cast %mul3A_115 : i32 to index
      %swap3A_128 = tpu.vector_load %arg15[%swap3A_127] {strides = array<i32>} : memref<10000xf32, #tpu.memory_space<vmem>>, vector<16xf32>,
      tpu.vector_store %arg15[%swap3A_127], %broadcast_in_dim3A_35 {strides = array<i32>} : memref<10000xf32, #tpu.memory_space<vmem>>, vector<16xf32>,
      %swap3A_129 = arith.index_cast %mul3A_115 : i32 to index
      %swap3A_130 = tpu.vector_load %arg16[%swap3A_129] {strides = array<i32>} : memref<10000xf32, #tpu.memory_space<vmem>>, vector<16xf32>,
      tpu.vector_store %arg16[%swap3A_129], %broadcast_in_dim3A_35 {strides = array<i32>} : memref<10000xf32, #tpu.memory_space<vmem>>, vector<16xf32>,
    }
    %scan3A_39 = arith.constant 625 : i32
    %scan3A_40 = arith.constant 0 : i32
    %scan3A_41 = arith.constant 25 : i32
    %scan3A_42 = arith.addi %scan3A_40, %scan3A_41 : i32
    %scan3A_43 = arith.constant 1 : i32
    scf.for %scan3A_109 = %scan3A_40 to %scan3A_42 step %scan3A_43  : i32 {
      %mul3A_110 = arith.constant 1 : i32
      %mul3A_111 = arith.muli %scan3A_109, %mul3A_110 : i32
      %add3A_112 = arith.constant 0 : i32
      %add3A_113 = arith.addi %add3A_112, %mul3A_111 : i32
      %mul3A_114 = arith.constant 3200 : i32
      %mul3A_115 = arith.muli %add3A_113, %mul3A_114 : i32
      %add3A_116 = arith.addi %mul3A_34, %mul3A_115 : i32
      %multiple_of3A_117 = tpu.assume_multiple %add3A_116, 128 : i32
      "tpu.region"() ({
        %run_scoped3A = tpu.sem_alloc : memref<!tpu.dma_semaphore, #tpu.memory_space<semaphore_mem>>
        %dma_start3A = tpu.memref_slice %arg2[%multiple_of3A_117] : memref<320000xi32, #tpu.memory_space<hbm>> -> memref<3200xi32, #tpu.memory_space<hbm>>
        %dma_start3A_128 = tpu.memref_slice %arg2[%multiple_of3A_117] : memref<320000xi32, #tpu.memory_space<hbm>> -> memref<3200xi32, #tpu.memory_space<hbm>>
        tpu.enqueue_dma source(%dma_start3A_128 : memref<3200xi32, #tpu.memory_space<hbm>>) target(%arg5 : memref<3200xi32, #tpu.memory_space<vmem>>) target_semaphore(%run_scoped3A : memref<!tpu.dma_semaphore, #tpu.memory_space<semaphore_mem>>)
        %dma_wait3A = tpu.memref_slice %arg2[%multiple_of3A_117] : memref<320000xi32, #tpu.memory_space<hbm>> -> memref<3200xi32, #tpu.memory_space<hbm>>
        %dma_wait3A_129 = tpu.memref_slice %arg2[%multiple_of3A_117] : memref<320000xi32, #tpu.memory_space<hbm>> -> memref<3200xi32, #tpu.memory_space<hbm>>
        tpu.wait_dma2 semaphore(%run_scoped3A : memref<!tpu.dma_semaphore, #tpu.memory_space<semaphore_mem>>) src(%dma_wait3A_129 : memref<3200xi32, #tpu.memory_space<hbm>>) dst(%arg5 : memref<3200xi32, #tpu.memory_space<vmem>>)
        tpu.yield
      }) : () -> ()
      "tpu.region"() ({
        %run_scoped3A = tpu.sem_alloc : memref<!tpu.dma_semaphore, #tpu.memory_space<semaphore_mem>>
        %dma_start3A = tpu.memref_slice %arg3[%multiple_of3A, %multiple_of3A_117] : memref<64x320000xf32, #tpu.memory_space<hbm>> -> memref<8x3200xf32, #tpu.memory_space<hbm>>
        %dma_start3A_128 = tpu.memref_slice %arg3[%multiple_of3A, %multiple_of3A_117] : memref<64x320000xf32, #tpu.memory_space<hbm>> -> memref<8x3200xf32, #tpu.memory_space<hbm>>
        tpu.enqueue_dma source(%dma_start3A_128 : memref<8x3200xf32, #tpu.memory_space<hbm>>) target(%arg6 : memref<8x3200xf32, #tpu.memory_space<vmem>>) target_semaphore(%run_scoped3A : memref<!tpu.dma_semaphore, #tpu.memory_space<semaphore_mem>>)
        %dma_wait3A = tpu.memref_slice %arg3[%multiple_of3A, %multiple_of3A_117] : memref<64x320000xf32, #tpu.memory_space<hbm>> -> memref<8x3200xf32, #tpu.memory_space<hbm>>
        %dma_wait3A_129 = tpu.memref_slice %arg3[%multiple_of3A, %multiple_of3A_117] : memref<64x320000xf32, #tpu.memory_space<hbm>> -> memref<8x3200xf32, #tpu.memory_space<hbm>>
        tpu.wait_dma2 semaphore(%run_scoped3A : memref<!tpu.dma_semaphore, #tpu.memory_space<semaphore_mem>>) src(%dma_wait3A_129 : memref<8x3200xf32, #tpu.memory_space<hbm>>) dst(%arg6 : memref<8x3200xf32, #tpu.memory_space<vmem>>)
        tpu.yield
      }) : () -> ()
      %scan3A_118 = arith.constant 0 : i32
      %scan3A_119 = arith.constant 200 : i32
      %scan3A_120 = arith.addi %scan3A_118, %scan3A_119 : i32
      %scan3A_121 = arith.constant 1 : i32
      scf.for %scan3A_128 = %scan3A_118 to %scan3A_120 step %scan3A_121  : i32 {
        %mul3A_129 = arith.constant 1 : i32
        %mul3A_130 = arith.muli %scan3A_128, %mul3A_129 : i32
        %add3A_131 = arith.constant 0 : i32
        %add3A_132 = arith.addi %add3A_131, %mul3A_130 : i32
        %mul3A_133 = arith.constant 16 : i32
        %mul3A_134 = arith.muli %add3A_132, %mul3A_133 : i32
        %get3A = arith.index_cast %mul3A_134 : i32 to index
        %get3A_135 = tpu.vector_load %arg5[%get3A] {strides = array<i32>} : memref<3200xi32, #tpu.memory_space<vmem>>, vector<16xi32>,
        %iota3A = tpu.iota {dimensions = array<i32: 0>} : vector<16xi32>
        %convert_element_type3A = arith.sitofp %iota3A : vector<16xi32> to vector<16xf32>
        tpu.vector_store_idx %arg7[%get3A_135], %convert_element_type3A : memref<10000xf32, #tpu.memory_space<vmem>>[vector<16xi32>], vector<16xf32>,
        %gather3A = tpu.vector_load_idx %arg7[%get3A_135] : memref<10000xf32, #tpu.memory_space<vmem>>[vector<16xi32>], vector<16xf32>,
        %ne3A_136 = arith.cmpf one, %gather3A, %convert_element_type3A : vector<16xf32>
        %all_reduce_population_count3A = tpu.all_reduce %ne3A_136 {dim = 0 : i64, kind = #tpu.reduction_kind<sum>} : vector<16xi1> -> vector<16xi32>
        %swap3A = arith.index_cast %mul3A_134 : i32 to index
        %swap3A_137 = tpu.vector_load %arg8[%swap3A] {strides = array<i32>} : memref<3200xi32, #tpu.memory_space<vmem>>, vector<16xi32>,
        tpu.vector_store %arg8[%swap3A], %all_reduce_population_count3A {strides = array<i32>} : memref<3200xi32, #tpu.memory_space<vmem>>, vector<16xi32>,
      }
      %scan3A_122 = arith.constant 200 : i32
      %scan3A_123 = arith.constant 0 : i32
      %scan3A_124 = arith.constant 200 : i32
      %scan3A_125 = arith.addi %scan3A_123, %scan3A_124 : i32
      %scan3A_126 = arith.constant 1 : i32
      scf.for %scan3A_128 = %scan3A_123 to %scan3A_125 step %scan3A_126  : i32 {
        %mul3A_129 = arith.constant 1 : i32
        %mul3A_130 = arith.muli %scan3A_128, %mul3A_129 : i32
        %add3A_131 = arith.constant 0 : i32
        %add3A_132 = arith.addi %add3A_131, %mul3A_130 : i32
        %mul3A_133 = arith.constant 16 : i32
        %mul3A_134 = arith.muli %add3A_132, %mul3A_133 : i32
        %get3A = arith.index_cast %mul3A_134 : i32 to index
        %get3A_135 = tpu.vector_load %arg5[%get3A] {strides = array<i32>} : memref<3200xi32, #tpu.memory_space<vmem>>, vector<16xi32>,
        %get3A_136 = arith.constant 0 : i32
        %get3A_137 = arith.index_cast %get3A_136 : i32 to index
        %get3A_138 = arith.index_cast %mul3A_134 : i32 to index
        %get3A_139 = tpu.vector_load %arg6[%get3A_137, %get3A_138] {strides = array<i32>} : memref<8x3200xf32, #tpu.memory_space<vmem>>, vector<16xf32>,
        %gather3A = tpu.vector_load_idx %arg9[%get3A_135] : memref<10000xf32, #tpu.memory_space<vmem>>[vector<16xi32>], vector<16xf32>,
        %max3A = arith.maximumf %get3A_139, %gather3A : vector<16xf32>
        tpu.vector_store_idx %arg9[%get3A_135], %max3A : memref<10000xf32, #tpu.memory_space<vmem>>[vector<16xi32>], vector<16xf32>,
        %get3A_140 = arith.constant 1 : i32
        %get3A_141 = arith.index_cast %get3A_140 : i32 to index
        %get3A_142 = arith.index_cast %mul3A_134 : i32 to index
        %get3A_143 = tpu.vector_load %arg6[%get3A_141, %get3A_142] {strides = array<i32>} : memref<8x3200xf32, #tpu.memory_space<vmem>>, vector<16xf32>,
        %gather3A_144 = tpu.vector_load_idx %arg10[%get3A_135] : memref<10000xf32, #tpu.memory_space<vmem>>[vector<16xi32>], vector<16xf32>,
        %max3A_145 = arith.maximumf %get3A_143, %gather3A_144 : vector<16xf32>
        tpu.vector_store_idx %arg10[%get3A_135], %max3A_145 : memref<10000xf32, #tpu.memory_space<vmem>>[vector<16xi32>], vector<16xf32>,
        %get3A_146 = arith.constant 2 : i32
        %get3A_147 = arith.index_cast %get3A_146 : i32 to index
        %get3A_148 = arith.index_cast %mul3A_134 : i32 to index
        %get3A_149 = tpu.vector_load %arg6[%get3A_147, %get3A_148] {strides = array<i32>} : memref<8x3200xf32, #tpu.memory_space<vmem>>, vector<16xf32>,
        %gather3A_150 = tpu.vector_load_idx %arg11[%get3A_135] : memref<10000xf32, #tpu.memory_space<vmem>>[vector<16xi32>], vector<16xf32>,
        %max3A_151 = arith.maximumf %get3A_149, %gather3A_150 : vector<16xf32>
        tpu.vector_store_idx %arg11[%get3A_135], %max3A_151 : memref<10000xf32, #tpu.memory_space<vmem>>[vector<16xi32>], vector<16xf32>,
        %get3A_152 = arith.constant 3 : i32
        %get3A_153 = arith.index_cast %get3A_152 : i32 to index
        %get3A_154 = arith.index_cast %mul3A_134 : i32 to index
        %get3A_155 = tpu.vector_load %arg6[%get3A_153, %get3A_154] {strides = array<i32>} : memref<8x3200xf32, #tpu.memory_space<vmem>>, vector<16xf32>,
        %gather3A_156 = tpu.vector_load_idx %arg12[%get3A_135] : memref<10000xf32, #tpu.memory_space<vmem>>[vector<16xi32>], vector<16xf32>,
        %max3A_157 = arith.maximumf %get3A_155, %gather3A_156 : vector<16xf32>
        tpu.vector_store_idx %arg12[%get3A_135], %max3A_157 : memref<10000xf32, #tpu.memory_space<vmem>>[vector<16xi32>], vector<16xf32>,
        %get3A_158 = arith.constant 4 : i32
        %get3A_159 = arith.index_cast %get3A_158 : i32 to index
        %get3A_160 = arith.index_cast %mul3A_134 : i32 to index
        %get3A_161 = tpu.vector_load %arg6[%get3A_159, %get3A_160] {strides = array<i32>} : memref<8x3200xf32, #tpu.memory_space<vmem>>, vector<16xf32>,
        %gather3A_162 = tpu.vector_load_idx %arg13[%get3A_135] : memref<10000xf32, #tpu.memory_space<vmem>>[vector<16xi32>], vector<16xf32>,
        %max3A_163 = arith.maximumf %get3A_161, %gather3A_162 : vector<16xf32>
        tpu.vector_store_idx %arg13[%get3A_135], %max3A_163 : memref<10000xf32, #tpu.memory_space<vmem>>[vector<16xi32>], vector<16xf32>,
        %get3A_164 = arith.constant 5 : i32
        %get3A_165 = arith.index_cast %get3A_164 : i32 to index
        %get3A_166 = arith.index_cast %mul3A_134 : i32 to index
        %get3A_167 = tpu.vector_load %arg6[%get3A_165, %get3A_166] {strides = array<i32>} : memref<8x3200xf32, #tpu.memory_space<vmem>>, vector<16xf32>,
        %gather3A_168 = tpu.vector_load_idx %arg14[%get3A_135] : memref<10000xf32, #tpu.memory_space<vmem>>[vector<16xi32>], vector<16xf32>,
        %max3A_169 = arith.maximumf %get3A_167, %gather3A_168 : vector<16xf32>
        tpu.vector_store_idx %arg14[%get3A_135], %max3A_169 : memref<10000xf32, #tpu.memory_space<vmem>>[vector<16xi32>], vector<16xf32>,
        %get3A_170 = arith.constant 6 : i32
        %get3A_171 = arith.index_cast %get3A_170 : i32 to index
        %get3A_172 = arith.index_cast %mul3A_134 : i32 to index
        %get3A_173 = tpu.vector_load %arg6[%get3A_171, %get3A_172] {strides = array<i32>} : memref<8x3200xf32, #tpu.memory_space<vmem>>, vector<16xf32>,
        %gather3A_174 = tpu.vector_load_idx %arg15[%get3A_135] : memref<10000xf32, #tpu.memory_space<vmem>>[vector<16xi32>], vector<16xf32>,
        %max3A_175 = arith.maximumf %get3A_173, %gather3A_174 : vector<16xf32>
        tpu.vector_store_idx %arg15[%get3A_135], %max3A_175 : memref<10000xf32, #tpu.memory_space<vmem>>[vector<16xi32>], vector<16xf32>,
        %get3A_176 = arith.constant 7 : i32
        %get3A_177 = arith.index_cast %get3A_176 : i32 to index
        %get3A_178 = arith.index_cast %mul3A_134 : i32 to index
        %get3A_179 = tpu.vector_load %arg6[%get3A_177, %get3A_178] {strides = array<i32>} : memref<8x3200xf32, #tpu.memory_space<vmem>>, vector<16xf32>,
        %gather3A_180 = tpu.vector_load_idx %arg16[%get3A_135] : memref<10000xf32, #tpu.memory_space<vmem>>[vector<16xi32>], vector<16xf32>,
        %max3A_181 = arith.maximumf %get3A_179, %gather3A_180 : vector<16xf32>
        tpu.vector_store_idx %arg16[%get3A_135], %max3A_181 : memref<10000xf32, #tpu.memory_space<vmem>>[vector<16xi32>], vector<16xf32>,
        %get3A_182 = arith.index_cast %mul3A_134 : i32 to index
        %get3A_183 = tpu.vector_load %arg8[%get3A_182] {strides = array<i32>} : memref<3200xi32, #tpu.memory_space<vmem>>, vector<16xi32>,
        %slice3A = vector.extract_strided_slice %get3A_183 {offsets = [0], sizes = [1], strides = [1]} : vector<16xi32> to vector<1xi32>
        %squeeze3A = vector.extract %slice3A[0] : i32 from vector<1xi32>
        %gt3A = arith.constant 0 : i32
        %gt3A_184 = arith.cmpi sgt, %squeeze3A, %gt3A : i32
        %convert_element_type3A = arith.extui %gt3A_184 : i1 to i32
        %cond3A = arith.constant 0 : i32
        %cond3A_185 = arith.cmpi ne, %convert_element_type3A, %cond3A : i32
        scf.if %cond3A_185 {
          %get3A_186 = arith.constant 0 : i32
          %get3A_187 = arith.index_cast %get3A_186 : i32 to index
          %get3A_188 = arith.index_cast %mul3A_134 : i32 to index
          %get3A_189 = tpu.vector_load %arg6[%get3A_187, %get3A_188] {strides = array<i32>} : memref<8x3200xf32, #tpu.memory_space<vmem>>, vector<16xf32>,
          %gather3A_190 = tpu.vector_load_idx %arg9[%get3A_135] : memref<10000xf32, #tpu.memory_space<vmem>>[vector<16xi32>], vector<16xf32>,
          %max3A_191 = arith.maximumf %get3A_189, %gather3A_190 : vector<16xf32>
          %gather3A_192 = tpu.vector_load_idx %arg9[%get3A_135] : memref<10000xf32, #tpu.memory_space<vmem>>[vector<16xi32>], vector<16xf32>,
          %lt3A_193 = arith.cmpf olt, %gather3A_192, %max3A_191 : vector<16xf32>
          %convert_element_type3A_194 = arith.extui %lt3A_193 : vector<16xi1> to vector<16xi32>
          %reduce_sum3A = arith.constant true
          %reduce_sum3A_195 = vector.broadcast %reduce_sum3A : i1 to vector<16xi1>
          %reduce_sum3A_196 = tpu.scan <sum>, %convert_element_type3A_194 masked %reduce_sum3A_195 : vector<16xi32>, vector<16xi1> -> vector<16xi32>
          %reduce_sum3A_197 = vector.extract %reduce_sum3A_196[15] : i32 from vector<16xi32>
          %while3A = scf.while (%while3A_296 = %reduce_sum3A_197) : (i32) -> i32 {
            %gt3A_297 = arith.constant 0 : i32
            %gt3A_298 = arith.cmpi sgt, %while3A_296, %gt3A_297 : i32
            scf.condition(%gt3A_298) %while3A_296 : i32
          } do {
          ^bb0(%while3A_296: i32):
            %gather3A_297 = tpu.vector_load_idx %arg9[%get3A_135] : memref<10000xf32, #tpu.memory_space<vmem>>[vector<16xi32>], vector<16xf32>,
            %lt3A_298 = arith.cmpf olt, %gather3A_297, %max3A_191 : vector<16xf32>
            tpu.vector_store_idx %arg9[%get3A_135], %max3A_191 masked %lt3A_298 : memref<10000xf32, #tpu.memory_space<vmem>>[vector<16xi32>], vector<16xf32>, vector<16xi1>
            %gather3A_299 = tpu.vector_load_idx %arg9[%get3A_135] : memref<10000xf32, #tpu.memory_space<vmem>>[vector<16xi32>], vector<16xf32>,
            %lt3A_300 = arith.cmpf olt, %gather3A_299, %max3A_191 : vector<16xf32>
            %convert_element_type3A_301 = arith.extui %lt3A_300 : vector<16xi1> to vector<16xi32>
            %reduce_sum3A_302 = arith.constant true
            %reduce_sum3A_303 = vector.broadcast %reduce_sum3A_302 : i1 to vector<16xi1>
            %reduce_sum3A_304 = tpu.scan <sum>, %convert_element_type3A_301 masked %reduce_sum3A_303 : vector<16xi32>, vector<16xi1> -> vector<16xi32>
            %reduce_sum3A_305 = vector.extract %reduce_sum3A_304[15] : i32 from vector<16xi32>
            scf.yield %reduce_sum3A_305 : i32
          }
          %get3A_198 = arith.constant 1 : i32
          %get3A_199 = arith.index_cast %get3A_198 : i32 to index
          %get3A_200 = arith.index_cast %mul3A_134 : i32 to index
          %get3A_201 = tpu.vector_load %arg6[%get3A_199, %get3A_200] {strides = array<i32>} : memref<8x3200xf32, #tpu.memory_space<vmem>>, vector<16xf32>,
          %gather3A_202 = tpu.vector_load_idx %arg10[%get3A_135] : memref<10000xf32, #tpu.memory_space<vmem>>[vector<16xi32>], vector<16xf32>,
          %max3A_203 = arith.maximumf %get3A_201, %gather3A_202 : vector<16xf32>
          %gather3A_204 = tpu.vector_load_idx %arg10[%get3A_135] : memref<10000xf32, #tpu.memory_space<vmem>>[vector<16xi32>], vector<16xf32>,
          %lt3A_205 = arith.cmpf olt, %gather3A_204, %max3A_203 : vector<16xf32>
          %convert_element_type3A_206 = arith.extui %lt3A_205 : vector<16xi1> to vector<16xi32>
          %reduce_sum3A_207 = arith.constant true
          %reduce_sum3A_208 = vector.broadcast %reduce_sum3A_207 : i1 to vector<16xi1>
          %reduce_sum3A_209 = tpu.scan <sum>, %convert_element_type3A_206 masked %reduce_sum3A_208 : vector<16xi32>, vector<16xi1> -> vector<16xi32>
          %reduce_sum3A_210 = vector.extract %reduce_sum3A_209[15] : i32 from vector<16xi32>
          %while3A_211 = scf.while (%while3A_296 = %reduce_sum3A_210) : (i32) -> i32 {
            %gt3A_297 = arith.constant 0 : i32
            %gt3A_298 = arith.cmpi sgt, %while3A_296, %gt3A_297 : i32
            scf.condition(%gt3A_298) %while3A_296 : i32
          } do {
          ^bb0(%while3A_296: i32):
            %gather3A_297 = tpu.vector_load_idx %arg10[%get3A_135] : memref<10000xf32, #tpu.memory_space<vmem>>[vector<16xi32>], vector<16xf32>,
            %lt3A_298 = arith.cmpf olt, %gather3A_297, %max3A_203 : vector<16xf32>
            tpu.vector_store_idx %arg10[%get3A_135], %max3A_203 masked %lt3A_298 : memref<10000xf32, #tpu.memory_space<vmem>>[vector<16xi32>], vector<16xf32>, vector<16xi1>
            %gather3A_299 = tpu.vector_load_idx %arg10[%get3A_135] : memref<10000xf32, #tpu.memory_space<vmem>>[vector<16xi32>], vector<16xf32>,
            %lt3A_300 = arith.cmpf olt, %gather3A_299, %max3A_203 : vector<16xf32>
            %convert_element_type3A_301 = arith.extui %lt3A_300 : vector<16xi1> to vector<16xi32>
            %reduce_sum3A_302 = arith.constant true
            %reduce_sum3A_303 = vector.broadcast %reduce_sum3A_302 : i1 to vector<16xi1>
            %reduce_sum3A_304 = tpu.scan <sum>, %convert_element_type3A_301 masked %reduce_sum3A_303 : vector<16xi32>, vector<16xi1> -> vector<16xi32>
            %reduce_sum3A_305 = vector.extract %reduce_sum3A_304[15] : i32 from vector<16xi32>
            scf.yield %reduce_sum3A_305 : i32
          }
          %get3A_212 = arith.constant 2 : i32
          %get3A_213 = arith.index_cast %get3A_212 : i32 to index
          %get3A_214 = arith.index_cast %mul3A_134 : i32 to index
          %get3A_215 = tpu.vector_load %arg6[%get3A_213, %get3A_214] {strides = array<i32>} : memref<8x3200xf32, #tpu.memory_space<vmem>>, vector<16xf32>,
          %gather3A_216 = tpu.vector_load_idx %arg11[%get3A_135] : memref<10000xf32, #tpu.memory_space<vmem>>[vector<16xi32>], vector<16xf32>,
          %max3A_217 = arith.maximumf %get3A_215, %gather3A_216 : vector<16xf32>
          %gather3A_218 = tpu.vector_load_idx %arg11[%get3A_135] : memref<10000xf32, #tpu.memory_space<vmem>>[vector<16xi32>], vector<16xf32>,
          %lt3A_219 = arith.cmpf olt, %gather3A_218, %max3A_217 : vector<16xf32>
          %convert_element_type3A_220 = arith.extui %lt3A_219 : vector<16xi1> to vector<16xi32>
          %reduce_sum3A_221 = arith.constant true
          %reduce_sum3A_222 = vector.broadcast %reduce_sum3A_221 : i1 to vector<16xi1>
          %reduce_sum3A_223 = tpu.scan <sum>, %convert_element_type3A_220 masked %reduce_sum3A_222 : vector<16xi32>, vector<16xi1> -> vector<16xi32>
          %reduce_sum3A_224 = vector.extract %reduce_sum3A_223[15] : i32 from vector<16xi32>
          %while3A_225 = scf.while (%while3A_296 = %reduce_sum3A_224) : (i32) -> i32 {
            %gt3A_297 = arith.constant 0 : i32
            %gt3A_298 = arith.cmpi sgt, %while3A_296, %gt3A_297 : i32
            scf.condition(%gt3A_298) %while3A_296 : i32
          } do {
          ^bb0(%while3A_296: i32):
            %gather3A_297 = tpu.vector_load_idx %arg11[%get3A_135] : memref<10000xf32, #tpu.memory_space<vmem>>[vector<16xi32>], vector<16xf32>,
            %lt3A_298 = arith.cmpf olt, %gather3A_297, %max3A_217 : vector<16xf32>
            tpu.vector_store_idx %arg11[%get3A_135], %max3A_217 masked %lt3A_298 : memref<10000xf32, #tpu.memory_space<vmem>>[vector<16xi32>], vector<16xf32>, vector<16xi1>
            %gather3A_299 = tpu.vector_load_idx %arg11[%get3A_135] : memref<10000xf32, #tpu.memory_space<vmem>>[vector<16xi32>], vector<16xf32>,
            %lt3A_300 = arith.cmpf olt, %gather3A_299, %max3A_217 : vector<16xf32>
            %convert_element_type3A_301 = arith.extui %lt3A_300 : vector<16xi1> to vector<16xi32>
            %reduce_sum3A_302 = arith.constant true
            %reduce_sum3A_303 = vector.broadcast %reduce_sum3A_302 : i1 to vector<16xi1>
            %reduce_sum3A_304 = tpu.scan <sum>, %convert_element_type3A_301 masked %reduce_sum3A_303 : vector<16xi32>, vector<16xi1> -> vector<16xi32>
            %reduce_sum3A_305 = vector.extract %reduce_sum3A_304[15] : i32 from vector<16xi32>
            scf.yield %reduce_sum3A_305 : i32
          }
          %get3A_226 = arith.constant 3 : i32
          %get3A_227 = arith.index_cast %get3A_226 : i32 to index
          %get3A_228 = arith.index_cast %mul3A_134 : i32 to index
          %get3A_229 = tpu.vector_load %arg6[%get3A_227, %get3A_228] {strides = array<i32>} : memref<8x3200xf32, #tpu.memory_space<vmem>>, vector<16xf32>,
          %gather3A_230 = tpu.vector_load_idx %arg12[%get3A_135] : memref<10000xf32, #tpu.memory_space<vmem>>[vector<16xi32>], vector<16xf32>,
          %max3A_231 = arith.maximumf %get3A_229, %gather3A_230 : vector<16xf32>
          %gather3A_232 = tpu.vector_load_idx %arg12[%get3A_135] : memref<10000xf32, #tpu.memory_space<vmem>>[vector<16xi32>], vector<16xf32>,
          %lt3A_233 = arith.cmpf olt, %gather3A_232, %max3A_231 : vector<16xf32>
          %convert_element_type3A_234 = arith.extui %lt3A_233 : vector<16xi1> to vector<16xi32>
          %reduce_sum3A_235 = arith.constant true
          %reduce_sum3A_236 = vector.broadcast %reduce_sum3A_235 : i1 to vector<16xi1>
          %reduce_sum3A_237 = tpu.scan <sum>, %convert_element_type3A_234 masked %reduce_sum3A_236 : vector<16xi32>, vector<16xi1> -> vector<16xi32>
          %reduce_sum3A_238 = vector.extract %reduce_sum3A_237[15] : i32 from vector<16xi32>
          %while3A_239 = scf.while (%while3A_296 = %reduce_sum3A_238) : (i32) -> i32 {
            %gt3A_297 = arith.constant 0 : i32
            %gt3A_298 = arith.cmpi sgt, %while3A_296, %gt3A_297 : i32
            scf.condition(%gt3A_298) %while3A_296 : i32
          } do {
          ^bb0(%while3A_296: i32):
            %gather3A_297 = tpu.vector_load_idx %arg12[%get3A_135] : memref<10000xf32, #tpu.memory_space<vmem>>[vector<16xi32>], vector<16xf32>,
            %lt3A_298 = arith.cmpf olt, %gather3A_297, %max3A_231 : vector<16xf32>
            tpu.vector_store_idx %arg12[%get3A_135], %max3A_231 masked %lt3A_298 : memref<10000xf32, #tpu.memory_space<vmem>>[vector<16xi32>], vector<16xf32>, vector<16xi1>
            %gather3A_299 = tpu.vector_load_idx %arg12[%get3A_135] : memref<10000xf32, #tpu.memory_space<vmem>>[vector<16xi32>], vector<16xf32>,
            %lt3A_300 = arith.cmpf olt, %gather3A_299, %max3A_231 : vector<16xf32>
            %convert_element_type3A_301 = arith.extui %lt3A_300 : vector<16xi1> to vector<16xi32>
            %reduce_sum3A_302 = arith.constant true
            %reduce_sum3A_303 = vector.broadcast %reduce_sum3A_302 : i1 to vector<16xi1>
            %reduce_sum3A_304 = tpu.scan <sum>, %convert_element_type3A_301 masked %reduce_sum3A_303 : vector<16xi32>, vector<16xi1> -> vector<16xi32>
            %reduce_sum3A_305 = vector.extract %reduce_sum3A_304[15] : i32 from vector<16xi32>
            scf.yield %reduce_sum3A_305 : i32
          }
          %get3A_240 = arith.constant 4 : i32
          %get3A_241 = arith.index_cast %get3A_240 : i32 to index
          %get3A_242 = arith.index_cast %mul3A_134 : i32 to index
          %get3A_243 = tpu.vector_load %arg6[%get3A_241, %get3A_242] {strides = array<i32>} : memref<8x3200xf32, #tpu.memory_space<vmem>>, vector<16xf32>,
          %gather3A_244 = tpu.vector_load_idx %arg13[%get3A_135] : memref<10000xf32, #tpu.memory_space<vmem>>[vector<16xi32>], vector<16xf32>,
          %max3A_245 = arith.maximumf %get3A_243, %gather3A_244 : vector<16xf32>
          %gather3A_246 = tpu.vector_load_idx %arg13[%get3A_135] : memref<10000xf32, #tpu.memory_space<vmem>>[vector<16xi32>], vector<16xf32>,
          %lt3A_247 = arith.cmpf olt, %gather3A_246, %max3A_245 : vector<16xf32>
          %convert_element_type3A_248 = arith.extui %lt3A_247 : vector<16xi1> to vector<16xi32>
          %reduce_sum3A_249 = arith.constant true
          %reduce_sum3A_250 = vector.broadcast %reduce_sum3A_249 : i1 to vector<16xi1>
          %reduce_sum3A_251 = tpu.scan <sum>, %convert_element_type3A_248 masked %reduce_sum3A_250 : vector<16xi32>, vector<16xi1> -> vector<16xi32>
          %reduce_sum3A_252 = vector.extract %reduce_sum3A_251[15] : i32 from vector<16xi32>
          %while3A_253 = scf.while (%while3A_296 = %reduce_sum3A_252) : (i32) -> i32 {
            %gt3A_297 = arith.constant 0 : i32
            %gt3A_298 = arith.cmpi sgt, %while3A_296, %gt3A_297 : i32
            scf.condition(%gt3A_298) %while3A_296 : i32
          } do {
          ^bb0(%while3A_296: i32):
            %gather3A_297 = tpu.vector_load_idx %arg13[%get3A_135] : memref<10000xf32, #tpu.memory_space<vmem>>[vector<16xi32>], vector<16xf32>,
            %lt3A_298 = arith.cmpf olt, %gather3A_297, %max3A_245 : vector<16xf32>
            tpu.vector_store_idx %arg13[%get3A_135], %max3A_245 masked %lt3A_298 : memref<10000xf32, #tpu.memory_space<vmem>>[vector<16xi32>], vector<16xf32>, vector<16xi1>
            %gather3A_299 = tpu.vector_load_idx %arg13[%get3A_135] : memref<10000xf32, #tpu.memory_space<vmem>>[vector<16xi32>], vector<16xf32>,
            %lt3A_300 = arith.cmpf olt, %gather3A_299, %max3A_245 : vector<16xf32>
            %convert_element_type3A_301 = arith.extui %lt3A_300 : vector<16xi1> to vector<16xi32>
            %reduce_sum3A_302 = arith.constant true
            %reduce_sum3A_303 = vector.broadcast %reduce_sum3A_302 : i1 to vector<16xi1>
            %reduce_sum3A_304 = tpu.scan <sum>, %convert_element_type3A_301 masked %reduce_sum3A_303 : vector<16xi32>, vector<16xi1> -> vector<16xi32>
            %reduce_sum3A_305 = vector.extract %reduce_sum3A_304[15] : i32 from vector<16xi32>
            scf.yield %reduce_sum3A_305 : i32
          }
          %get3A_254 = arith.constant 5 : i32
          %get3A_255 = arith.index_cast %get3A_254 : i32 to index
          %get3A_256 = arith.index_cast %mul3A_134 : i32 to index
          %get3A_257 = tpu.vector_load %arg6[%get3A_255, %get3A_256] {strides = array<i32>} : memref<8x3200xf32, #tpu.memory_space<vmem>>, vector<16xf32>,
          %gather3A_258 = tpu.vector_load_idx %arg14[%get3A_135] : memref<10000xf32, #tpu.memory_space<vmem>>[vector<16xi32>], vector<16xf32>,
          %max3A_259 = arith.maximumf %get3A_257, %gather3A_258 : vector<16xf32>
          %gather3A_260 = tpu.vector_load_idx %arg14[%get3A_135] : memref<10000xf32, #tpu.memory_space<vmem>>[vector<16xi32>], vector<16xf32>,
          %lt3A_261 = arith.cmpf olt, %gather3A_260, %max3A_259 : vector<16xf32>
          %convert_element_type3A_262 = arith.extui %lt3A_261 : vector<16xi1> to vector<16xi32>
          %reduce_sum3A_263 = arith.constant true
          %reduce_sum3A_264 = vector.broadcast %reduce_sum3A_263 : i1 to vector<16xi1>
          %reduce_sum3A_265 = tpu.scan <sum>, %convert_element_type3A_262 masked %reduce_sum3A_264 : vector<16xi32>, vector<16xi1> -> vector<16xi32>
          %reduce_sum3A_266 = vector.extract %reduce_sum3A_265[15] : i32 from vector<16xi32>
          %while3A_267 = scf.while (%while3A_296 = %reduce_sum3A_266) : (i32) -> i32 {
            %gt3A_297 = arith.constant 0 : i32
            %gt3A_298 = arith.cmpi sgt, %while3A_296, %gt3A_297 : i32
            scf.condition(%gt3A_298) %while3A_296 : i32
          } do {
          ^bb0(%while3A_296: i32):
            %gather3A_297 = tpu.vector_load_idx %arg14[%get3A_135] : memref<10000xf32, #tpu.memory_space<vmem>>[vector<16xi32>], vector<16xf32>,
            %lt3A_298 = arith.cmpf olt, %gather3A_297, %max3A_259 : vector<16xf32>
            tpu.vector_store_idx %arg14[%get3A_135], %max3A_259 masked %lt3A_298 : memref<10000xf32, #tpu.memory_space<vmem>>[vector<16xi32>], vector<16xf32>, vector<16xi1>
            %gather3A_299 = tpu.vector_load_idx %arg14[%get3A_135] : memref<10000xf32, #tpu.memory_space<vmem>>[vector<16xi32>], vector<16xf32>,
            %lt3A_300 = arith.cmpf olt, %gather3A_299, %max3A_259 : vector<16xf32>
            %convert_element_type3A_301 = arith.extui %lt3A_300 : vector<16xi1> to vector<16xi32>
            %reduce_sum3A_302 = arith.constant true
            %reduce_sum3A_303 = vector.broadcast %reduce_sum3A_302 : i1 to vector<16xi1>
            %reduce_sum3A_304 = tpu.scan <sum>, %convert_element_type3A_301 masked %reduce_sum3A_303 : vector<16xi32>, vector<16xi1> -> vector<16xi32>
            %reduce_sum3A_305 = vector.extract %reduce_sum3A_304[15] : i32 from vector<16xi32>
            scf.yield %reduce_sum3A_305 : i32
          }
          %get3A_268 = arith.constant 6 : i32
          %get3A_269 = arith.index_cast %get3A_268 : i32 to index
          %get3A_270 = arith.index_cast %mul3A_134 : i32 to index
          %get3A_271 = tpu.vector_load %arg6[%get3A_269, %get3A_270] {strides = array<i32>} : memref<8x3200xf32, #tpu.memory_space<vmem>>, vector<16xf32>,
          %gather3A_272 = tpu.vector_load_idx %arg15[%get3A_135] : memref<10000xf32, #tpu.memory_space<vmem>>[vector<16xi32>], vector<16xf32>,
          %max3A_273 = arith.maximumf %get3A_271, %gather3A_272 : vector<16xf32>
          %gather3A_274 = tpu.vector_load_idx %arg15[%get3A_135] : memref<10000xf32, #tpu.memory_space<vmem>>[vector<16xi32>], vector<16xf32>,
          %lt3A_275 = arith.cmpf olt, %gather3A_274, %max3A_273 : vector<16xf32>
          %convert_element_type3A_276 = arith.extui %lt3A_275 : vector<16xi1> to vector<16xi32>
          %reduce_sum3A_277 = arith.constant true
          %reduce_sum3A_278 = vector.broadcast %reduce_sum3A_277 : i1 to vector<16xi1>
          %reduce_sum3A_279 = tpu.scan <sum>, %convert_element_type3A_276 masked %reduce_sum3A_278 : vector<16xi32>, vector<16xi1> -> vector<16xi32>
          %reduce_sum3A_280 = vector.extract %reduce_sum3A_279[15] : i32 from vector<16xi32>
          %while3A_281 = scf.while (%while3A_296 = %reduce_sum3A_280) : (i32) -> i32 {
            %gt3A_297 = arith.constant 0 : i32
            %gt3A_298 = arith.cmpi sgt, %while3A_296, %gt3A_297 : i32
            scf.condition(%gt3A_298) %while3A_296 : i32
          } do {
          ^bb0(%while3A_296: i32):
            %gather3A_297 = tpu.vector_load_idx %arg15[%get3A_135] : memref<10000xf32, #tpu.memory_space<vmem>>[vector<16xi32>], vector<16xf32>,
            %lt3A_298 = arith.cmpf olt, %gather3A_297, %max3A_273 : vector<16xf32>
            tpu.vector_store_idx %arg15[%get3A_135], %max3A_273 masked %lt3A_298 : memref<10000xf32, #tpu.memory_space<vmem>>[vector<16xi32>], vector<16xf32>, vector<16xi1>
            %gather3A_299 = tpu.vector_load_idx %arg15[%get3A_135] : memref<10000xf32, #tpu.memory_space<vmem>>[vector<16xi32>], vector<16xf32>,
            %lt3A_300 = arith.cmpf olt, %gather3A_299, %max3A_273 : vector<16xf32>
            %convert_element_type3A_301 = arith.extui %lt3A_300 : vector<16xi1> to vector<16xi32>
            %reduce_sum3A_302 = arith.constant true
            %reduce_sum3A_303 = vector.broadcast %reduce_sum3A_302 : i1 to vector<16xi1>
            %reduce_sum3A_304 = tpu.scan <sum>, %convert_element_type3A_301 masked %reduce_sum3A_303 : vector<16xi32>, vector<16xi1> -> vector<16xi32>
            %reduce_sum3A_305 = vector.extract %reduce_sum3A_304[15] : i32 from vector<16xi32>
            scf.yield %reduce_sum3A_305 : i32
          }
          %get3A_282 = arith.constant 7 : i32
          %get3A_283 = arith.index_cast %get3A_282 : i32 to index
          %get3A_284 = arith.index_cast %mul3A_134 : i32 to index
          %get3A_285 = tpu.vector_load %arg6[%get3A_283, %get3A_284] {strides = array<i32>} : memref<8x3200xf32, #tpu.memory_space<vmem>>, vector<16xf32>,
          %gather3A_286 = tpu.vector_load_idx %arg16[%get3A_135] : memref<10000xf32, #tpu.memory_space<vmem>>[vector<16xi32>], vector<16xf32>,
          %max3A_287 = arith.maximumf %get3A_285, %gather3A_286 : vector<16xf32>
          %gather3A_288 = tpu.vector_load_idx %arg16[%get3A_135] : memref<10000xf32, #tpu.memory_space<vmem>>[vector<16xi32>], vector<16xf32>,
          %lt3A_289 = arith.cmpf olt, %gather3A_288, %max3A_287 : vector<16xf32>
          %convert_element_type3A_290 = arith.extui %lt3A_289 : vector<16xi1> to vector<16xi32>
          %reduce_sum3A_291 = arith.constant true
          %reduce_sum3A_292 = vector.broadcast %reduce_sum3A_291 : i1 to vector<16xi1>
          %reduce_sum3A_293 = tpu.scan <sum>, %convert_element_type3A_290 masked %reduce_sum3A_292 : vector<16xi32>, vector<16xi1> -> vector<16xi32>
          %reduce_sum3A_294 = vector.extract %reduce_sum3A_293[15] : i32 from vector<16xi32>
          %while3A_295 = scf.while (%while3A_296 = %reduce_sum3A_294) : (i32) -> i32 {
            %gt3A_297 = arith.constant 0 : i32
            %gt3A_298 = arith.cmpi sgt, %while3A_296, %gt3A_297 : i32
            scf.condition(%gt3A_298) %while3A_296 : i32
          } do {
          ^bb0(%while3A_296: i32):
            %gather3A_297 = tpu.vector_load_idx %arg16[%get3A_135] : memref<10000xf32, #tpu.memory_space<vmem>>[vector<16xi32>], vector<16xf32>,
            %lt3A_298 = arith.cmpf olt, %gather3A_297, %max3A_287 : vector<16xf32>
            tpu.vector_store_idx %arg16[%get3A_135], %max3A_287 masked %lt3A_298 : memref<10000xf32, #tpu.memory_space<vmem>>[vector<16xi32>], vector<16xf32>, vector<16xi1>
            %gather3A_299 = tpu.vector_load_idx %arg16[%get3A_135] : memref<10000xf32, #tpu.memory_space<vmem>>[vector<16xi32>], vector<16xf32>,
            %lt3A_300 = arith.cmpf olt, %gather3A_299, %max3A_287 : vector<16xf32>
            %convert_element_type3A_301 = arith.extui %lt3A_300 : vector<16xi1> to vector<16xi32>
            %reduce_sum3A_302 = arith.constant true
            %reduce_sum3A_303 = vector.broadcast %reduce_sum3A_302 : i1 to vector<16xi1>
            %reduce_sum3A_304 = tpu.scan <sum>, %convert_element_type3A_301 masked %reduce_sum3A_303 : vector<16xi32>, vector<16xi1> -> vector<16xi32>
            %reduce_sum3A_305 = vector.extract %reduce_sum3A_304[15] : i32 from vector<16xi32>
            scf.yield %reduce_sum3A_305 : i32
          }
        } else {
        }
      }
      %scan3A_127 = arith.constant 200 : i32
    }
    %scan3A_44 = arith.constant 25 : i32
    %mul3A_45 = arith.constant 64 : i32
    %mul3A_46 = arith.muli %select_n3A, %mul3A_45 : i32
    %add3A_47 = arith.addi %mul3A_46, %multiple_of3A : i32
    %add3A_48 = arith.constant 0 : i32
    %add3A_49 = arith.addi %add3A_47, %add3A_48 : i32
    %mul3A_50 = arith.constant 10000 : i32
    %mul3A_51 = arith.muli %add3A_49, %mul3A_50 : i32
    %multiple_of3A_52 = tpu.assume_multiple %mul3A_51, 8 : i32
    "tpu.region"() ({
      %run_scoped3A = tpu.sem_alloc : memref<!tpu.dma_semaphore, #tpu.memory_space<semaphore_mem>>
      %dma_start3A = tpu.memref_slice %arg4[%multiple_of3A_52] : memref<2560000xf32, #tpu.memory_space<hbm>> -> memref<10000xf32, #tpu.memory_space<hbm>>
      %dma_start3A_109 = tpu.memref_slice %arg4[%multiple_of3A_52] : memref<2560000xf32, #tpu.memory_space<hbm>> -> memref<10000xf32, #tpu.memory_space<hbm>>
      tpu.enqueue_dma source(%arg9 : memref<10000xf32, #tpu.memory_space<vmem>>) target(%dma_start3A_109 : memref<10000xf32, #tpu.memory_space<hbm>>) target_semaphore(%run_scoped3A : memref<!tpu.dma_semaphore, #tpu.memory_space<semaphore_mem>>)
      %dma_wait3A = tpu.memref_slice %arg4[%multiple_of3A_52] : memref<2560000xf32, #tpu.memory_space<hbm>> -> memref<10000xf32, #tpu.memory_space<hbm>>
      %dma_wait3A_110 = tpu.memref_slice %arg4[%multiple_of3A_52] : memref<2560000xf32, #tpu.memory_space<hbm>> -> memref<10000xf32, #tpu.memory_space<hbm>>
      tpu.wait_dma2 semaphore(%run_scoped3A : memref<!tpu.dma_semaphore, #tpu.memory_space<semaphore_mem>>) src(%arg9 : memref<10000xf32, #tpu.memory_space<vmem>>) dst(%dma_wait3A_110 : memref<10000xf32, #tpu.memory_space<hbm>>)
      tpu.yield
    }) : () -> ()
    %mul3A_53 = arith.constant 64 : i32
    %mul3A_54 = arith.muli %select_n3A, %mul3A_53 : i32
    %add3A_55 = arith.addi %mul3A_54, %multiple_of3A : i32
    %add3A_56 = arith.constant 1 : i32
    %add3A_57 = arith.addi %add3A_55, %add3A_56 : i32
    %mul3A_58 = arith.constant 10000 : i32
    %mul3A_59 = arith.muli %add3A_57, %mul3A_58 : i32
    %multiple_of3A_60 = tpu.assume_multiple %mul3A_59, 8 : i32
    "tpu.region"() ({
      %run_scoped3A = tpu.sem_alloc : memref<!tpu.dma_semaphore, #tpu.memory_space<semaphore_mem>>
      %dma_start3A = tpu.memref_slice %arg4[%multiple_of3A_60] : memref<2560000xf32, #tpu.memory_space<hbm>> -> memref<10000xf32, #tpu.memory_space<hbm>>
      %dma_start3A_109 = tpu.memref_slice %arg4[%multiple_of3A_60] : memref<2560000xf32, #tpu.memory_space<hbm>> -> memref<10000xf32, #tpu.memory_space<hbm>>
      tpu.enqueue_dma source(%arg10 : memref<10000xf32, #tpu.memory_space<vmem>>) target(%dma_start3A_109 : memref<10000xf32, #tpu.memory_space<hbm>>) target_semaphore(%run_scoped3A : memref<!tpu.dma_semaphore, #tpu.memory_space<semaphore_mem>>)
      %dma_wait3A = tpu.memref_slice %arg4[%multiple_of3A_60] : memref<2560000xf32, #tpu.memory_space<hbm>> -> memref<10000xf32, #tpu.memory_space<hbm>>
      %dma_wait3A_110 = tpu.memref_slice %arg4[%multiple_of3A_60] : memref<2560000xf32, #tpu.memory_space<hbm>> -> memref<10000xf32, #tpu.memory_space<hbm>>
      tpu.wait_dma2 semaphore(%run_scoped3A : memref<!tpu.dma_semaphore, #tpu.memory_space<semaphore_mem>>) src(%arg10 : memref<10000xf32, #tpu.memory_space<vmem>>) dst(%dma_wait3A_110 : memref<10000xf32, #tpu.memory_space<hbm>>)
      tpu.yield
    }) : () -> ()
    %mul3A_61 = arith.constant 64 : i32
    %mul3A_62 = arith.muli %select_n3A, %mul3A_61 : i32
    %add3A_63 = arith.addi %mul3A_62, %multiple_of3A : i32
    %add3A_64 = arith.constant 2 : i32
    %add3A_65 = arith.addi %add3A_63, %add3A_64 : i32
    %mul3A_66 = arith.constant 10000 : i32
    %mul3A_67 = arith.muli %add3A_65, %mul3A_66 : i32
    %multiple_of3A_68 = tpu.assume_multiple %mul3A_67, 8 : i32
    "tpu.region"() ({
      %run_scoped3A = tpu.sem_alloc : memref<!tpu.dma_semaphore, #tpu.memory_space<semaphore_mem>>
      %dma_start3A = tpu.memref_slice %arg4[%multiple_of3A_68] : memref<2560000xf32, #tpu.memory_space<hbm>> -> memref<10000xf32, #tpu.memory_space<hbm>>
      %dma_start3A_109 = tpu.memref_slice %arg4[%multiple_of3A_68] : memref<2560000xf32, #tpu.memory_space<hbm>> -> memref<10000xf32, #tpu.memory_space<hbm>>
      tpu.enqueue_dma source(%arg11 : memref<10000xf32, #tpu.memory_space<vmem>>) target(%dma_start3A_109 : memref<10000xf32, #tpu.memory_space<hbm>>) target_semaphore(%run_scoped3A : memref<!tpu.dma_semaphore, #tpu.memory_space<semaphore_mem>>)
      %dma_wait3A = tpu.memref_slice %arg4[%multiple_of3A_68] : memref<2560000xf32, #tpu.memory_space<hbm>> -> memref<10000xf32, #tpu.memory_space<hbm>>
      %dma_wait3A_110 = tpu.memref_slice %arg4[%multiple_of3A_68] : memref<2560000xf32, #tpu.memory_space<hbm>> -> memref<10000xf32, #tpu.memory_space<hbm>>
      tpu.wait_dma2 semaphore(%run_scoped3A : memref<!tpu.dma_semaphore, #tpu.memory_space<semaphore_mem>>) src(%arg11 : memref<10000xf32, #tpu.memory_space<vmem>>) dst(%dma_wait3A_110 : memref<10000xf32, #tpu.memory_space<hbm>>)
      tpu.yield
    }) : () -> ()
    %mul3A_69 = arith.constant 64 : i32
    %mul3A_70 = arith.muli %select_n3A, %mul3A_69 : i32
    %add3A_71 = arith.addi %mul3A_70, %multiple_of3A : i32
    %add3A_72 = arith.constant 3 : i32
    %add3A_73 = arith.addi %add3A_71, %add3A_72 : i32
    %mul3A_74 = arith.constant 10000 : i32
    %mul3A_75 = arith.muli %add3A_73, %mul3A_74 : i32
    %multiple_of3A_76 = tpu.assume_multiple %mul3A_75, 8 : i32
    "tpu.region"() ({
      %run_scoped3A = tpu.sem_alloc : memref<!tpu.dma_semaphore, #tpu.memory_space<semaphore_mem>>
      %dma_start3A = tpu.memref_slice %arg4[%multiple_of3A_76] : memref<2560000xf32, #tpu.memory_space<hbm>> -> memref<10000xf32, #tpu.memory_space<hbm>>
      %dma_start3A_109 = tpu.memref_slice %arg4[%multiple_of3A_76] : memref<2560000xf32, #tpu.memory_space<hbm>> -> memref<10000xf32, #tpu.memory_space<hbm>>
      tpu.enqueue_dma source(%arg12 : memref<10000xf32, #tpu.memory_space<vmem>>) target(%dma_start3A_109 : memref<10000xf32, #tpu.memory_space<hbm>>) target_semaphore(%run_scoped3A : memref<!tpu.dma_semaphore, #tpu.memory_space<semaphore_mem>>)
      %dma_wait3A = tpu.memref_slice %arg4[%multiple_of3A_76] : memref<2560000xf32, #tpu.memory_space<hbm>> -> memref<10000xf32, #tpu.memory_space<hbm>>
      %dma_wait3A_110 = tpu.memref_slice %arg4[%multiple_of3A_76] : memref<2560000xf32, #tpu.memory_space<hbm>> -> memref<10000xf32, #tpu.memory_space<hbm>>
      tpu.wait_dma2 semaphore(%run_scoped3A : memref<!tpu.dma_semaphore, #tpu.memory_space<semaphore_mem>>) src(%arg12 : memref<10000xf32, #tpu.memory_space<vmem>>) dst(%dma_wait3A_110 : memref<10000xf32, #tpu.memory_space<hbm>>)
      tpu.yield
    }) : () -> ()
    %mul3A_77 = arith.constant 64 : i32
    %mul3A_78 = arith.muli %select_n3A, %mul3A_77 : i32
    %add3A_79 = arith.addi %mul3A_78, %multiple_of3A : i32
    %add3A_80 = arith.constant 4 : i32
    %add3A_81 = arith.addi %add3A_79, %add3A_80 : i32
    %mul3A_82 = arith.constant 10000 : i32
    %mul3A_83 = arith.muli %add3A_81, %mul3A_82 : i32
    %multiple_of3A_84 = tpu.assume_multiple %mul3A_83, 8 : i32
    "tpu.region"() ({
      %run_scoped3A = tpu.sem_alloc : memref<!tpu.dma_semaphore, #tpu.memory_space<semaphore_mem>>
      %dma_start3A = tpu.memref_slice %arg4[%multiple_of3A_84] : memref<2560000xf32, #tpu.memory_space<hbm>> -> memref<10000xf32, #tpu.memory_space<hbm>>
      %dma_start3A_109 = tpu.memref_slice %arg4[%multiple_of3A_84] : memref<2560000xf32, #tpu.memory_space<hbm>> -> memref<10000xf32, #tpu.memory_space<hbm>>
      tpu.enqueue_dma source(%arg13 : memref<10000xf32, #tpu.memory_space<vmem>>) target(%dma_start3A_109 : memref<10000xf32, #tpu.memory_space<hbm>>) target_semaphore(%run_scoped3A : memref<!tpu.dma_semaphore, #tpu.memory_space<semaphore_mem>>)
      %dma_wait3A = tpu.memref_slice %arg4[%multiple_of3A_84] : memref<2560000xf32, #tpu.memory_space<hbm>> -> memref<10000xf32, #tpu.memory_space<hbm>>
      %dma_wait3A_110 = tpu.memref_slice %arg4[%multiple_of3A_84] : memref<2560000xf32, #tpu.memory_space<hbm>> -> memref<10000xf32, #tpu.memory_space<hbm>>
      tpu.wait_dma2 semaphore(%run_scoped3A : memref<!tpu.dma_semaphore, #tpu.memory_space<semaphore_mem>>) src(%arg13 : memref<10000xf32, #tpu.memory_space<vmem>>) dst(%dma_wait3A_110 : memref<10000xf32, #tpu.memory_space<hbm>>)
      tpu.yield
    }) : () -> ()
    %mul3A_85 = arith.constant 64 : i32
    %mul3A_86 = arith.muli %select_n3A, %mul3A_85 : i32
    %add3A_87 = arith.addi %mul3A_86, %multiple_of3A : i32
    %add3A_88 = arith.constant 5 : i32
    %add3A_89 = arith.addi %add3A_87, %add3A_88 : i32
    %mul3A_90 = arith.constant 10000 : i32
    %mul3A_91 = arith.muli %add3A_89, %mul3A_90 : i32
    %multiple_of3A_92 = tpu.assume_multiple %mul3A_91, 8 : i32
    "tpu.region"() ({
      %run_scoped3A = tpu.sem_alloc : memref<!tpu.dma_semaphore, #tpu.memory_space<semaphore_mem>>
      %dma_start3A = tpu.memref_slice %arg4[%multiple_of3A_92] : memref<2560000xf32, #tpu.memory_space<hbm>> -> memref<10000xf32, #tpu.memory_space<hbm>>
      %dma_start3A_109 = tpu.memref_slice %arg4[%multiple_of3A_92] : memref<2560000xf32, #tpu.memory_space<hbm>> -> memref<10000xf32, #tpu.memory_space<hbm>>
      tpu.enqueue_dma source(%arg14 : memref<10000xf32, #tpu.memory_space<vmem>>) target(%dma_start3A_109 : memref<10000xf32, #tpu.memory_space<hbm>>) target_semaphore(%run_scoped3A : memref<!tpu.dma_semaphore, #tpu.memory_space<semaphore_mem>>)
      %dma_wait3A = tpu.memref_slice %arg4[%multiple_of3A_92] : memref<2560000xf32, #tpu.memory_space<hbm>> -> memref<10000xf32, #tpu.memory_space<hbm>>
      %dma_wait3A_110 = tpu.memref_slice %arg4[%multiple_of3A_92] : memref<2560000xf32, #tpu.memory_space<hbm>> -> memref<10000xf32, #tpu.memory_space<hbm>>
      tpu.wait_dma2 semaphore(%run_scoped3A : memref<!tpu.dma_semaphore, #tpu.memory_space<semaphore_mem>>) src(%arg14 : memref<10000xf32, #tpu.memory_space<vmem>>) dst(%dma_wait3A_110 : memref<10000xf32, #tpu.memory_space<hbm>>)
      tpu.yield
    }) : () -> ()
    %mul3A_93 = arith.constant 64 : i32
    %mul3A_94 = arith.muli %select_n3A, %mul3A_93 : i32
    %add3A_95 = arith.addi %mul3A_94, %multiple_of3A : i32
    %add3A_96 = arith.constant 6 : i32
    %add3A_97 = arith.addi %add3A_95, %add3A_96 : i32
    %mul3A_98 = arith.constant 10000 : i32
    %mul3A_99 = arith.muli %add3A_97, %mul3A_98 : i32
    %multiple_of3A_100 = tpu.assume_multiple %mul3A_99, 8 : i32
    "tpu.region"() ({
      %run_scoped3A = tpu.sem_alloc : memref<!tpu.dma_semaphore, #tpu.memory_space<semaphore_mem>>
      %dma_start3A = tpu.memref_slice %arg4[%multiple_of3A_100] : memref<2560000xf32, #tpu.memory_space<hbm>> -> memref<10000xf32, #tpu.memory_space<hbm>>
      %dma_start3A_109 = tpu.memref_slice %arg4[%multiple_of3A_100] : memref<2560000xf32, #tpu.memory_space<hbm>> -> memref<10000xf32, #tpu.memory_space<hbm>>
      tpu.enqueue_dma source(%arg15 : memref<10000xf32, #tpu.memory_space<vmem>>) target(%dma_start3A_109 : memref<10000xf32, #tpu.memory_space<hbm>>) target_semaphore(%run_scoped3A : memref<!tpu.dma_semaphore, #tpu.memory_space<semaphore_mem>>)
      %dma_wait3A = tpu.memref_slice %arg4[%multiple_of3A_100] : memref<2560000xf32, #tpu.memory_space<hbm>> -> memref<10000xf32, #tpu.memory_space<hbm>>
      %dma_wait3A_110 = tpu.memref_slice %arg4[%multiple_of3A_100] : memref<2560000xf32, #tpu.memory_space<hbm>> -> memref<10000xf32, #tpu.memory_space<hbm>>
      tpu.wait_dma2 semaphore(%run_scoped3A : memref<!tpu.dma_semaphore, #tpu.memory_space<semaphore_mem>>) src(%arg15 : memref<10000xf32, #tpu.memory_space<vmem>>) dst(%dma_wait3A_110 : memref<10000xf32, #tpu.memory_space<hbm>>)
      tpu.yield
    }) : () -> ()
    %mul3A_101 = arith.constant 64 : i32
    %mul3A_102 = arith.muli %select_n3A, %mul3A_101 : i32
    %add3A_103 = arith.addi %mul3A_102, %multiple_of3A : i32
    %add3A_104 = arith.constant 7 : i32
    %add3A_105 = arith.addi %add3A_103, %add3A_104 : i32
    %mul3A_106 = arith.constant 10000 : i32
    %mul3A_107 = arith.muli %add3A_105, %mul3A_106 : i32
    %multiple_of3A_108 = tpu.assume_multiple %mul3A_107, 8 : i32
    "tpu.region"() ({
      %run_scoped3A = tpu.sem_alloc : memref<!tpu.dma_semaphore, #tpu.memory_space<semaphore_mem>>
      %dma_start3A = tpu.memref_slice %arg4[%multiple_of3A_108] : memref<2560000xf32, #tpu.memory_space<hbm>> -> memref<10000xf32, #tpu.memory_space<hbm>>
      %dma_start3A_109 = tpu.memref_slice %arg4[%multiple_of3A_108] : memref<2560000xf32, #tpu.memory_space<hbm>> -> memref<10000xf32, #tpu.memory_space<hbm>>
      tpu.enqueue_dma source(%arg16 : memref<10000xf32, #tpu.memory_space<vmem>>) target(%dma_start3A_109 : memref<10000xf32, #tpu.memory_space<hbm>>) target_semaphore(%run_scoped3A : memref<!tpu.dma_semaphore, #tpu.memory_space<semaphore_mem>>)
      %dma_wait3A = tpu.memref_slice %arg4[%multiple_of3A_108] : memref<2560000xf32, #tpu.memory_space<hbm>> -> memref<10000xf32, #tpu.memory_space<hbm>>
      %dma_wait3A_110 = tpu.memref_slice %arg4[%multiple_of3A_108] : memref<2560000xf32, #tpu.memory_space<hbm>> -> memref<10000xf32, #tpu.memory_space<hbm>>
      tpu.wait_dma2 semaphore(%run_scoped3A : memref<!tpu.dma_semaphore, #tpu.memory_space<semaphore_mem>>) src(%arg16 : memref<10000xf32, #tpu.memory_space<vmem>>) dst(%dma_wait3A_110 : memref<10000xf32, #tpu.memory_space<hbm>>)
      tpu.yield
    }) : () -> ()
    return
  }
}

#map = affine_map<(d0, d1) -> (0)>
#map1 = affine_map<(d0, d1) -> (0, 0)>
module attributes {stable_mosaic.version = 14 : i64} {
  func.func @_sc_gather_body(%arg0: i32, %arg1: i32, %arg2: memref<320000xi32, #tpu.memory_space<hbm>>, %arg3: memref<320000xi32, #tpu.memory_space<hbm>>, %arg4: memref<10000x128xf32, #tpu.memory_space<hbm>>, %arg5: memref<320000x128xf32, #tpu.memory_space<hbm>>, %arg6: memref<200xi32, #tpu.memory_space<vmem>>, %arg7: memref<200xi32, #tpu.memory_space<vmem>>, %arg8: memref<200x128xf32, #tpu.memory_space<vmem>>, %arg9: memref<200x128xf32, #tpu.memory_space<vmem>>, %arg10: memref<200x128xf32, #tpu.memory_space<vmem>>, %arg11: memref<!tpu.dma_semaphore, #tpu.memory_space<semaphore_mem>>, %arg12: memref<!tpu.dma_semaphore, #tpu.memory_space<semaphore_mem>>) attributes {dimension_semantics = [#tpu.dimension_semantics<core_parallel>, #tpu.dimension_semantics<subcore_parallel>], iteration_bounds = array<i64: 2, 16>, scalar_prefetch = 0 : i64, scratch_operands = 7 : i64, tpu.core_type = #tpu.core_type<sc_vector_subcore>, window_params = [{transform_indices = #map}, {transform_indices = #map}, {transform_indices = #map1}, {transform_indices = #map1}]} {
    %mul3A = arith.constant 2 : i32
    %mul3A_0 = arith.muli %arg1, %mul3A : i32
    %add3A = arith.addi %mul3A_0, %arg0 : i32
    %mul3A_1 = arith.constant 10000 : i32
    %mul3A_2 = arith.muli %add3A, %mul3A_1 : i32
    %scan3A = arith.constant 0 : i32
    %scan3A_3 = arith.constant 50 : i32
    %scan3A_4 = arith.addi %scan3A, %scan3A_3 : i32
    %scan3A_5 = arith.constant 1 : i32
    scf.for %scan3A_7 = %scan3A to %scan3A_4 step %scan3A_5  : i32 {
      %mul3A_8 = arith.constant 1 : i32
      %mul3A_9 = arith.muli %scan3A_7, %mul3A_8 : i32
      %add3A_10 = arith.constant 0 : i32
      %add3A_11 = arith.addi %add3A_10, %mul3A_9 : i32
      %mul3A_12 = arith.constant 200 : i32
      %mul3A_13 = arith.muli %add3A_11, %mul3A_12 : i32
      %add3A_14 = arith.addi %mul3A_2, %mul3A_13 : i32
      %multiple_of3A = tpu.assume_multiple %add3A_14, 8 : i32
      "tpu.region"() ({
        %run_scoped3A = tpu.sem_alloc : memref<!tpu.dma_semaphore, #tpu.memory_space<semaphore_mem>>
        %dma_start3A_30 = tpu.memref_slice %arg3[%multiple_of3A] : memref<320000xi32, #tpu.memory_space<hbm>> -> memref<200xi32, #tpu.memory_space<hbm>>
        %dma_start3A_31 = tpu.memref_slice %arg3[%multiple_of3A] : memref<320000xi32, #tpu.memory_space<hbm>> -> memref<200xi32, #tpu.memory_space<hbm>>
        tpu.enqueue_dma source(%dma_start3A_31 : memref<200xi32, #tpu.memory_space<hbm>>) target(%arg6 : memref<200xi32, #tpu.memory_space<vmem>>) target_semaphore(%run_scoped3A : memref<!tpu.dma_semaphore, #tpu.memory_space<semaphore_mem>>)
        %dma_wait3A_32 = tpu.memref_slice %arg3[%multiple_of3A] : memref<320000xi32, #tpu.memory_space<hbm>> -> memref<200xi32, #tpu.memory_space<hbm>>
        %dma_wait3A_33 = tpu.memref_slice %arg3[%multiple_of3A] : memref<320000xi32, #tpu.memory_space<hbm>> -> memref<200xi32, #tpu.memory_space<hbm>>
        tpu.wait_dma2 semaphore(%run_scoped3A : memref<!tpu.dma_semaphore, #tpu.memory_space<semaphore_mem>>) src(%dma_wait3A_33 : memref<200xi32, #tpu.memory_space<hbm>>) dst(%arg6 : memref<200xi32, #tpu.memory_space<vmem>>)
        tpu.yield
      }) : () -> ()
      "tpu.region"() ({
        %run_scoped3A = tpu.sem_alloc : memref<!tpu.dma_semaphore, #tpu.memory_space<semaphore_mem>>
        %dma_start3A_30 = tpu.memref_slice %arg2[%multiple_of3A] : memref<320000xi32, #tpu.memory_space<hbm>> -> memref<200xi32, #tpu.memory_space<hbm>>
        %dma_start3A_31 = tpu.memref_slice %arg2[%multiple_of3A] : memref<320000xi32, #tpu.memory_space<hbm>> -> memref<200xi32, #tpu.memory_space<hbm>>
        tpu.enqueue_dma source(%dma_start3A_31 : memref<200xi32, #tpu.memory_space<hbm>>) target(%arg7 : memref<200xi32, #tpu.memory_space<vmem>>) target_semaphore(%run_scoped3A : memref<!tpu.dma_semaphore, #tpu.memory_space<semaphore_mem>>)
        %dma_wait3A_32 = tpu.memref_slice %arg2[%multiple_of3A] : memref<320000xi32, #tpu.memory_space<hbm>> -> memref<200xi32, #tpu.memory_space<hbm>>
        %dma_wait3A_33 = tpu.memref_slice %arg2[%multiple_of3A] : memref<320000xi32, #tpu.memory_space<hbm>> -> memref<200xi32, #tpu.memory_space<hbm>>
        tpu.wait_dma2 semaphore(%run_scoped3A : memref<!tpu.dma_semaphore, #tpu.memory_space<semaphore_mem>>) src(%dma_wait3A_33 : memref<200xi32, #tpu.memory_space<hbm>>) dst(%arg7 : memref<200xi32, #tpu.memory_space<vmem>>)
        tpu.yield
      }) : () -> ()
      %dma_start3A = arith.constant 0 : i32
      %dma_start3A_15 = arith.constant 0 : i32
      %dma_start3A_16 = tpu.memref_slice %arg4[%dma_start3A, %dma_start3A_15] : memref<10000x128xf32, #tpu.memory_space<hbm>> -> memref<10000x128xf32, #tpu.memory_space<hbm>>
      tpu.enqueue_indirect_dma source(%dma_start3A_16 : memref<10000x128xf32, #tpu.memory_space<hbm>>) target(%arg8 : memref<200x128xf32, #tpu.memory_space<vmem>>) offsets(%arg6 : memref<200xi32, #tpu.memory_space<vmem>>) semaphore(%arg11 : memref<!tpu.dma_semaphore, #tpu.memory_space<semaphore_mem>>)
      %dma_start3A_17 = arith.constant 0 : i32
      %dma_start3A_18 = arith.constant 0 : i32
      %dma_start3A_19 = tpu.memref_slice %arg4[%dma_start3A_17, %dma_start3A_18] : memref<10000x128xf32, #tpu.memory_space<hbm>> -> memref<10000x128xf32, #tpu.memory_space<hbm>>
      tpu.enqueue_indirect_dma source(%dma_start3A_19 : memref<10000x128xf32, #tpu.memory_space<hbm>>) target(%arg9 : memref<200x128xf32, #tpu.memory_space<vmem>>) offsets(%arg7 : memref<200xi32, #tpu.memory_space<vmem>>) semaphore(%arg12 : memref<!tpu.dma_semaphore, #tpu.memory_space<semaphore_mem>>)
      %dma_wait3A = arith.constant 0 : i32
      %dma_wait3A_20 = arith.constant 0 : i32
      %dma_wait3A_21 = tpu.memref_slice %arg4[%dma_wait3A, %dma_wait3A_20] : memref<10000x128xf32, #tpu.memory_space<hbm>> -> memref<10000x128xf32, #tpu.memory_space<hbm>>
      tpu.wait_indirect_dma semaphore(%arg11 : memref<!tpu.dma_semaphore, #tpu.memory_space<semaphore_mem>>) src(%dma_wait3A_21 : memref<10000x128xf32, #tpu.memory_space<hbm>>) dst(%arg8 : memref<200x128xf32, #tpu.memory_space<vmem>>)
      %dma_wait3A_22 = arith.constant 0 : i32
      %dma_wait3A_23 = arith.constant 0 : i32
      %dma_wait3A_24 = tpu.memref_slice %arg4[%dma_wait3A_22, %dma_wait3A_23] : memref<10000x128xf32, #tpu.memory_space<hbm>> -> memref<10000x128xf32, #tpu.memory_space<hbm>>
      tpu.wait_indirect_dma semaphore(%arg12 : memref<!tpu.dma_semaphore, #tpu.memory_space<semaphore_mem>>) src(%dma_wait3A_24 : memref<10000x128xf32, #tpu.memory_space<hbm>>) dst(%arg9 : memref<200x128xf32, #tpu.memory_space<vmem>>)
      %scan3A_25 = arith.constant 0 : i32
      %scan3A_26 = arith.constant 200 : i32
      %scan3A_27 = arith.addi %scan3A_25, %scan3A_26 : i32
      %scan3A_28 = arith.constant 1 : i32
      scf.for %scan3A_30 = %scan3A_25 to %scan3A_27 step %scan3A_28  : i32 {
        %mul3A_31 = arith.constant 1 : i32
        %mul3A_32 = arith.muli %scan3A_30, %mul3A_31 : i32
        %add3A_33 = arith.constant 0 : i32
        %add3A_34 = arith.addi %add3A_33, %mul3A_32 : i32
        %get3A = arith.index_cast %add3A_34 : i32 to index
        %get3A_35 = arith.constant 0 : index
        %get3A_36 = tpu.vector_load %arg8[%get3A, %get3A_35] {strides = array<i32>} : memref<200x128xf32, #tpu.memory_space<vmem>>, vector<16xf32>,
        %swap3A = arith.index_cast %add3A_34 : i32 to index
        %swap3A_37 = arith.constant 0 : index
        %swap3A_38 = tpu.vector_load %arg10[%swap3A, %swap3A_37] {strides = array<i32>} : memref<200x128xf32, #tpu.memory_space<vmem>>, vector<16xf32>,
        tpu.vector_store %arg10[%swap3A, %swap3A_37], %get3A_36 {strides = array<i32>} : memref<200x128xf32, #tpu.memory_space<vmem>>, vector<16xf32>,
        %get3A_39 = arith.index_cast %add3A_34 : i32 to index
        %get3A_40 = arith.constant 0 : index
        %get3A_41 = tpu.vector_load %arg9[%get3A_39, %get3A_40] {strides = array<i32>} : memref<200x128xf32, #tpu.memory_space<vmem>>, vector<16xf32>,
        %sub3A = arith.subf %get3A_41, %get3A_36 : vector<16xf32>
        %swap3A_42 = arith.index_cast %add3A_34 : i32 to index
        %swap3A_43 = arith.constant 64 : index
        %swap3A_44 = tpu.vector_load %arg10[%swap3A_42, %swap3A_43] {strides = array<i32>} : memref<200x128xf32, #tpu.memory_space<vmem>>, vector<16xf32>,
        tpu.vector_store %arg10[%swap3A_42, %swap3A_43], %sub3A {strides = array<i32>} : memref<200x128xf32, #tpu.memory_space<vmem>>, vector<16xf32>,
        %get3A_45 = arith.index_cast %add3A_34 : i32 to index
        %get3A_46 = arith.constant 16 : index
        %get3A_47 = tpu.vector_load %arg8[%get3A_45, %get3A_46] {strides = array<i32>} : memref<200x128xf32, #tpu.memory_space<vmem>>, vector<16xf32>,
        %swap3A_48 = arith.index_cast %add3A_34 : i32 to index
        %swap3A_49 = arith.constant 16 : index
        %swap3A_50 = tpu.vector_load %arg10[%swap3A_48, %swap3A_49] {strides = array<i32>} : memref<200x128xf32, #tpu.memory_space<vmem>>, vector<16xf32>,
        tpu.vector_store %arg10[%swap3A_48, %swap3A_49], %get3A_47 {strides = array<i32>} : memref<200x128xf32, #tpu.memory_space<vmem>>, vector<16xf32>,
        %get3A_51 = arith.index_cast %add3A_34 : i32 to index
        %get3A_52 = arith.constant 16 : index
        %get3A_53 = tpu.vector_load %arg9[%get3A_51, %get3A_52] {strides = array<i32>} : memref<200x128xf32, #tpu.memory_space<vmem>>, vector<16xf32>,
        %sub3A_54 = arith.subf %get3A_53, %get3A_47 : vector<16xf32>
        %swap3A_55 = arith.index_cast %add3A_34 : i32 to index
        %swap3A_56 = arith.constant 80 : index
        %swap3A_57 = tpu.vector_load %arg10[%swap3A_55, %swap3A_56] {strides = array<i32>} : memref<200x128xf32, #tpu.memory_space<vmem>>, vector<16xf32>,
        tpu.vector_store %arg10[%swap3A_55, %swap3A_56], %sub3A_54 {strides = array<i32>} : memref<200x128xf32, #tpu.memory_space<vmem>>, vector<16xf32>,
        %get3A_58 = arith.index_cast %add3A_34 : i32 to index
        %get3A_59 = arith.constant 32 : index
        %get3A_60 = tpu.vector_load %arg8[%get3A_58, %get3A_59] {strides = array<i32>} : memref<200x128xf32, #tpu.memory_space<vmem>>, vector<16xf32>,
        %swap3A_61 = arith.index_cast %add3A_34 : i32 to index
        %swap3A_62 = arith.constant 32 : index
        %swap3A_63 = tpu.vector_load %arg10[%swap3A_61, %swap3A_62] {strides = array<i32>} : memref<200x128xf32, #tpu.memory_space<vmem>>, vector<16xf32>,
        tpu.vector_store %arg10[%swap3A_61, %swap3A_62], %get3A_60 {strides = array<i32>} : memref<200x128xf32, #tpu.memory_space<vmem>>, vector<16xf32>,
        %get3A_64 = arith.index_cast %add3A_34 : i32 to index
        %get3A_65 = arith.constant 32 : index
        %get3A_66 = tpu.vector_load %arg9[%get3A_64, %get3A_65] {strides = array<i32>} : memref<200x128xf32, #tpu.memory_space<vmem>>, vector<16xf32>,
        %sub3A_67 = arith.subf %get3A_66, %get3A_60 : vector<16xf32>
        %swap3A_68 = arith.index_cast %add3A_34 : i32 to index
        %swap3A_69 = arith.constant 96 : index
        %swap3A_70 = tpu.vector_load %arg10[%swap3A_68, %swap3A_69] {strides = array<i32>} : memref<200x128xf32, #tpu.memory_space<vmem>>, vector<16xf32>,
        tpu.vector_store %arg10[%swap3A_68, %swap3A_69], %sub3A_67 {strides = array<i32>} : memref<200x128xf32, #tpu.memory_space<vmem>>, vector<16xf32>,
        %get3A_71 = arith.index_cast %add3A_34 : i32 to index
        %get3A_72 = arith.constant 48 : index
        %get3A_73 = tpu.vector_load %arg8[%get3A_71, %get3A_72] {strides = array<i32>} : memref<200x128xf32, #tpu.memory_space<vmem>>, vector<16xf32>,
        %swap3A_74 = arith.index_cast %add3A_34 : i32 to index
        %swap3A_75 = arith.constant 48 : index
        %swap3A_76 = tpu.vector_load %arg10[%swap3A_74, %swap3A_75] {strides = array<i32>} : memref<200x128xf32, #tpu.memory_space<vmem>>, vector<16xf32>,
        tpu.vector_store %arg10[%swap3A_74, %swap3A_75], %get3A_73 {strides = array<i32>} : memref<200x128xf32, #tpu.memory_space<vmem>>, vector<16xf32>,
        %get3A_77 = arith.index_cast %add3A_34 : i32 to index
        %get3A_78 = arith.constant 48 : index
        %get3A_79 = tpu.vector_load %arg9[%get3A_77, %get3A_78] {strides = array<i32>} : memref<200x128xf32, #tpu.memory_space<vmem>>, vector<16xf32>,
        %sub3A_80 = arith.subf %get3A_79, %get3A_73 : vector<16xf32>
        %swap3A_81 = arith.index_cast %add3A_34 : i32 to index
        %swap3A_82 = arith.constant 112 : index
        %swap3A_83 = tpu.vector_load %arg10[%swap3A_81, %swap3A_82] {strides = array<i32>} : memref<200x128xf32, #tpu.memory_space<vmem>>, vector<16xf32>,
        tpu.vector_store %arg10[%swap3A_81, %swap3A_82], %sub3A_80 {strides = array<i32>} : memref<200x128xf32, #tpu.memory_space<vmem>>, vector<16xf32>,
      }
      %scan3A_29 = arith.constant 200 : i32
      "tpu.region"() ({
        %run_scoped3A = tpu.sem_alloc : memref<!tpu.dma_semaphore, #tpu.memory_space<semaphore_mem>>
        %dma_start3A_30 = arith.constant 0 : i32
        %dma_start3A_31 = tpu.memref_slice %arg5[%multiple_of3A, %dma_start3A_30] : memref<320000x128xf32, #tpu.memory_space<hbm>> -> memref<200x128xf32, #tpu.memory_space<hbm>>
        %dma_start3A_32 = arith.constant 0 : i32
        %dma_start3A_33 = tpu.memref_slice %arg5[%multiple_of3A, %dma_start3A_32] : memref<320000x128xf32, #tpu.memory_space<hbm>> -> memref<200x128xf32, #tpu.memory_space<hbm>>
        tpu.enqueue_dma source(%arg10 : memref<200x128xf32, #tpu.memory_space<vmem>>) target(%dma_start3A_33 : memref<200x128xf32, #tpu.memory_space<hbm>>) target_semaphore(%run_scoped3A : memref<!tpu.dma_semaphore, #tpu.memory_space<semaphore_mem>>)
        %dma_wait3A_34 = arith.constant 0 : i32
        %dma_wait3A_35 = tpu.memref_slice %arg5[%multiple_of3A, %dma_wait3A_34] : memref<320000x128xf32, #tpu.memory_space<hbm>> -> memref<200x128xf32, #tpu.memory_space<hbm>>
        %dma_wait3A_36 = arith.constant 0 : i32
        %dma_wait3A_37 = tpu.memref_slice %arg5[%multiple_of3A, %dma_wait3A_36] : memref<320000x128xf32, #tpu.memory_space<hbm>> -> memref<200x128xf32, #tpu.memory_space<hbm>>
        tpu.wait_dma2 semaphore(%run_scoped3A : memref<!tpu.dma_semaphore, #tpu.memory_space<semaphore_mem>>) src(%arg10 : memref<200x128xf32, #tpu.memory_space<vmem>>) dst(%dma_wait3A_37 : memref<200x128xf32, #tpu.memory_space<hbm>>)
        tpu.yield
      }) : () -> ()
    }
    %scan3A_6 = arith.constant 50 : i32
    return
  }
}

#map = affine_map<(d0, d1) -> (0)>
#map1 = affine_map<(d0, d1) -> (0, 0)>
module attributes {stable_mosaic.version = 14 : i64} {
  func.func @_sc_scatmax_body(%arg0: i32, %arg1: i32, %arg2: memref<320000xi32, #tpu.memory_space<hbm>>, %arg3: memref<64x320000xf32, #tpu.memory_space<hbm>>, %arg4: memref<2560000xf32, #tpu.memory_space<hbm>>, %arg5: memref<3200xi32, #tpu.memory_space<vmem>>, %arg6: memref<8x3200xf32, #tpu.memory_space<vmem>>, %arg7: memref<10000xf32, #tpu.memory_space<vmem>>, %arg8: memref<3200xi32, #tpu.memory_space<vmem>>, %arg9: memref<10000xf32, #tpu.memory_space<vmem>>, %arg10: memref<10000xf32, #tpu.memory_space<vmem>>, %arg11: memref<10000xf32, #tpu.memory_space<vmem>>, %arg12: memref<10000xf32, #tpu.memory_space<vmem>>, %arg13: memref<10000xf32, #tpu.memory_space<vmem>>, %arg14: memref<10000xf32, #tpu.memory_space<vmem>>, %arg15: memref<10000xf32, #tpu.memory_space<vmem>>, %arg16: memref<10000xf32, #tpu.memory_space<vmem>>) attributes {dimension_semantics = [#tpu.dimension_semantics<core_parallel>, #tpu.dimension_semantics<subcore_parallel>], iteration_bounds = array<i64: 2, 16>, scalar_prefetch = 0 : i64, scratch_operands = 12 : i64, tpu.core_type = #tpu.core_type<sc_vector_subcore>, window_params = [{transform_indices = #map}, {transform_indices = #map1}, {transform_indices = #map}]} {
    %mul3A = arith.constant 2 : i32
    %mul3A_0 = arith.muli %arg1, %mul3A : i32
    %add3A = arith.addi %mul3A_0, %arg0 : i32
    %jit3A = arith.constant 8 : i32
    %div3A = arith.divsi %add3A, %jit3A : i32
    %sign3A = arith.constant 0 : i32
    %sign3A_1 = arith.cmpi sgt, %add3A, %sign3A : i32
    %sign3A_2 = arith.extui %sign3A_1 : i1 to i32
    %sign3A_3 = arith.constant 0 : i32
    %sign3A_4 = arith.cmpi slt, %add3A, %sign3A_3 : i32
    %sign3A_5 = arith.extui %sign3A_4 : i1 to i32
    %sign3A_6 = arith.subi %sign3A_2, %sign3A_5 : i32
    %sign3A_7 = arith.constant 0 : i32
    %sign3A_8 = arith.cmpi sgt, %jit3A, %sign3A_7 : i32
    %sign3A_9 = arith.extui %sign3A_8 : i1 to i32
    %sign3A_10 = arith.constant 0 : i32
    %sign3A_11 = arith.cmpi slt, %jit3A, %sign3A_10 : i32
    %sign3A_12 = arith.extui %sign3A_11 : i1 to i32
    %sign3A_13 = arith.subi %sign3A_9, %sign3A_12 : i32
    %ne3A = arith.cmpi ne, %sign3A_6, %sign3A_13 : i32
    %rem3A = arith.remsi %add3A, %jit3A : i32
    %ne3A_14 = arith.constant 0 : i32
    %ne3A_15 = arith.cmpi ne, %rem3A, %ne3A_14 : i32
    %and3A = arith.andi %ne3A, %ne3A_15 : i1
    %sub3A = arith.constant 1 : i32
    %sub3A_16 = arith.subi %div3A, %sub3A : i32
    %select_n3A = arith.select %and3A, %sub3A_16, %div3A : i32
    %jit3A_17 = arith.constant 8 : i32
    %eq3A = arith.constant 0 : i32
    %eq3A_18 = arith.cmpi eq, %jit3A_17, %eq3A : i32
    %jit3A_19 = arith.constant 1 : i32
    %select_n3A_20 = arith.select %eq3A_18, %jit3A_19, %jit3A_17 : i32
    %rem3A_21 = arith.remsi %add3A, %select_n3A_20 : i32
    %ne3A_22 = arith.constant 0 : i32
    %ne3A_23 = arith.cmpi ne, %rem3A_21, %ne3A_22 : i32
    %lt3A = arith.constant 0 : i32
    %lt3A_24 = arith.cmpi slt, %rem3A_21, %lt3A : i32
    %lt3A_25 = arith.constant 0 : i32
    %lt3A_26 = arith.cmpi slt, %select_n3A_20, %lt3A_25 : i32
    %ne3A_27 = arith.xori %lt3A_24, %lt3A_26 : i1
    %and3A_28 = arith.andi %ne3A_27, %ne3A_23 : i1
    %add3A_29 = arith.addi %rem3A_21, %select_n3A_20 : i32
    %select_n3A_30 = arith.select %and3A_28, %add3A_29, %rem3A_21 : i32
    %mul3A_31 = arith.constant 8 : i32
    %mul3A_32 = arith.muli %select_n3A_30, %mul3A_31 : i32
    %multiple_of3A = tpu.assume_multiple %mul3A_32, 8 : i32
    %mul3A_33 = arith.constant 80000 : i32
    %mul3A_34 = arith.muli %select_n3A, %mul3A_33 : i32
    %broadcast_in_dim3A = arith.constant 0xFF800000 : f32
    %broadcast_in_dim3A_35 = vector.broadcast %broadcast_in_dim3A : f32 to vector<16xf32>
    %scan3A = arith.constant 0 : i32
    %scan3A_36 = arith.constant 625 : i32
    %scan3A_37 = arith.addi %scan3A, %scan3A_36 : i32
    %scan3A_38 = arith.constant 1 : i32
    scf.for %scan3A_109 = %scan3A to %scan3A_37 step %scan3A_38  : i32 {
      %mul3A_110 = arith.constant 1 : i32
      %mul3A_111 = arith.muli %scan3A_109, %mul3A_110 : i32
      %add3A_112 = arith.constant 0 : i32
      %add3A_113 = arith.addi %add3A_112, %mul3A_111 : i32
      %mul3A_114 = arith.constant 16 : i32
      %mul3A_115 = arith.muli %add3A_113, %mul3A_114 : i32
      %swap3A = arith.index_cast %mul3A_115 : i32 to index
      %swap3A_116 = tpu.vector_load %arg9[%swap3A] {strides = array<i32>} : memref<10000xf32, #tpu.memory_space<vmem>>, vector<16xf32>,
      tpu.vector_store %arg9[%swap3A], %broadcast_in_dim3A_35 {strides = array<i32>} : memref<10000xf32, #tpu.memory_space<vmem>>, vector<16xf32>,
      %swap3A_117 = arith.index_cast %mul3A_115 : i32 to index
      %swap3A_118 = tpu.vector_load %arg10[%swap3A_117] {strides = array<i32>} : memref<10000xf32, #tpu.memory_space<vmem>>, vector<16xf32>,
      tpu.vector_store %arg10[%swap3A_117], %broadcast_in_dim3A_35 {strides = array<i32>} : memref<10000xf32, #tpu.memory_space<vmem>>, vector<16xf32>,
      %swap3A_119 = arith.index_cast %mul3A_115 : i32 to index
      %swap3A_120 = tpu.vector_load %arg11[%swap3A_119] {strides = array<i32>} : memref<10000xf32, #tpu.memory_space<vmem>>, vector<16xf32>,
      tpu.vector_store %arg11[%swap3A_119], %broadcast_in_dim3A_35 {strides = array<i32>} : memref<10000xf32, #tpu.memory_space<vmem>>, vector<16xf32>,
      %swap3A_121 = arith.index_cast %mul3A_115 : i32 to index
      %swap3A_122 = tpu.vector_load %arg12[%swap3A_121] {strides = array<i32>} : memref<10000xf32, #tpu.memory_space<vmem>>, vector<16xf32>,
      tpu.vector_store %arg12[%swap3A_121], %broadcast_in_dim3A_35 {strides = array<i32>} : memref<10000xf32, #tpu.memory_space<vmem>>, vector<16xf32>,
      %swap3A_123 = arith.index_cast %mul3A_115 : i32 to index
      %swap3A_124 = tpu.vector_load %arg13[%swap3A_123] {strides = array<i32>} : memref<10000xf32, #tpu.memory_space<vmem>>, vector<16xf32>,
      tpu.vector_store %arg13[%swap3A_123], %broadcast_in_dim3A_35 {strides = array<i32>} : memref<10000xf32, #tpu.memory_space<vmem>>, vector<16xf32>,
      %swap3A_125 = arith.index_cast %mul3A_115 : i32 to index
      %swap3A_126 = tpu.vector_load %arg14[%swap3A_125] {strides = array<i32>} : memref<10000xf32, #tpu.memory_space<vmem>>, vector<16xf32>,
      tpu.vector_store %arg14[%swap3A_125], %broadcast_in_dim3A_35 {strides = array<i32>} : memref<10000xf32, #tpu.memory_space<vmem>>, vector<16xf32>,
      %swap3A_127 = arith.index_cast %mul3A_115 : i32 to index
      %swap3A_128 = tpu.vector_load %arg15[%swap3A_127] {strides = array<i32>} : memref<10000xf32, #tpu.memory_space<vmem>>, vector<16xf32>,
      tpu.vector_store %arg15[%swap3A_127], %broadcast_in_dim3A_35 {strides = array<i32>} : memref<10000xf32, #tpu.memory_space<vmem>>, vector<16xf32>,
      %swap3A_129 = arith.index_cast %mul3A_115 : i32 to index
      %swap3A_130 = tpu.vector_load %arg16[%swap3A_129] {strides = array<i32>} : memref<10000xf32, #tpu.memory_space<vmem>>, vector<16xf32>,
      tpu.vector_store %arg16[%swap3A_129], %broadcast_in_dim3A_35 {strides = array<i32>} : memref<10000xf32, #tpu.memory_space<vmem>>, vector<16xf32>,
    }
    %scan3A_39 = arith.constant 625 : i32
    %scan3A_40 = arith.constant 0 : i32
    %scan3A_41 = arith.constant 25 : i32
    %scan3A_42 = arith.addi %scan3A_40, %scan3A_41 : i32
    %scan3A_43 = arith.constant 1 : i32
    scf.for %scan3A_109 = %scan3A_40 to %scan3A_42 step %scan3A_43  : i32 {
      %mul3A_110 = arith.constant 1 : i32
      %mul3A_111 = arith.muli %scan3A_109, %mul3A_110 : i32
      %add3A_112 = arith.constant 0 : i32
      %add3A_113 = arith.addi %add3A_112, %mul3A_111 : i32
      %mul3A_114 = arith.constant 3200 : i32
      %mul3A_115 = arith.muli %add3A_113, %mul3A_114 : i32
      %add3A_116 = arith.addi %mul3A_34, %mul3A_115 : i32
      %multiple_of3A_117 = tpu.assume_multiple %add3A_116, 128 : i32
      "tpu.region"() ({
        %run_scoped3A = tpu.sem_alloc : memref<!tpu.dma_semaphore, #tpu.memory_space<semaphore_mem>>
        %dma_start3A = tpu.memref_slice %arg2[%multiple_of3A_117] : memref<320000xi32, #tpu.memory_space<hbm>> -> memref<3200xi32, #tpu.memory_space<hbm>>
        %dma_start3A_128 = tpu.memref_slice %arg2[%multiple_of3A_117] : memref<320000xi32, #tpu.memory_space<hbm>> -> memref<3200xi32, #tpu.memory_space<hbm>>
        tpu.enqueue_dma source(%dma_start3A_128 : memref<3200xi32, #tpu.memory_space<hbm>>) target(%arg5 : memref<3200xi32, #tpu.memory_space<vmem>>) target_semaphore(%run_scoped3A : memref<!tpu.dma_semaphore, #tpu.memory_space<semaphore_mem>>)
        %dma_wait3A = tpu.memref_slice %arg2[%multiple_of3A_117] : memref<320000xi32, #tpu.memory_space<hbm>> -> memref<3200xi32, #tpu.memory_space<hbm>>
        %dma_wait3A_129 = tpu.memref_slice %arg2[%multiple_of3A_117] : memref<320000xi32, #tpu.memory_space<hbm>> -> memref<3200xi32, #tpu.memory_space<hbm>>
        tpu.wait_dma2 semaphore(%run_scoped3A : memref<!tpu.dma_semaphore, #tpu.memory_space<semaphore_mem>>) src(%dma_wait3A_129 : memref<3200xi32, #tpu.memory_space<hbm>>) dst(%arg5 : memref<3200xi32, #tpu.memory_space<vmem>>)
        tpu.yield
      }) : () -> ()
      "tpu.region"() ({
        %run_scoped3A = tpu.sem_alloc : memref<!tpu.dma_semaphore, #tpu.memory_space<semaphore_mem>>
        %dma_start3A = tpu.memref_slice %arg3[%multiple_of3A, %multiple_of3A_117] : memref<64x320000xf32, #tpu.memory_space<hbm>> -> memref<8x3200xf32, #tpu.memory_space<hbm>>
        %dma_start3A_128 = tpu.memref_slice %arg3[%multiple_of3A, %multiple_of3A_117] : memref<64x320000xf32, #tpu.memory_space<hbm>> -> memref<8x3200xf32, #tpu.memory_space<hbm>>
        tpu.enqueue_dma source(%dma_start3A_128 : memref<8x3200xf32, #tpu.memory_space<hbm>>) target(%arg6 : memref<8x3200xf32, #tpu.memory_space<vmem>>) target_semaphore(%run_scoped3A : memref<!tpu.dma_semaphore, #tpu.memory_space<semaphore_mem>>)
        %dma_wait3A = tpu.memref_slice %arg3[%multiple_of3A, %multiple_of3A_117] : memref<64x320000xf32, #tpu.memory_space<hbm>> -> memref<8x3200xf32, #tpu.memory_space<hbm>>
        %dma_wait3A_129 = tpu.memref_slice %arg3[%multiple_of3A, %multiple_of3A_117] : memref<64x320000xf32, #tpu.memory_space<hbm>> -> memref<8x3200xf32, #tpu.memory_space<hbm>>
        tpu.wait_dma2 semaphore(%run_scoped3A : memref<!tpu.dma_semaphore, #tpu.memory_space<semaphore_mem>>) src(%dma_wait3A_129 : memref<8x3200xf32, #tpu.memory_space<hbm>>) dst(%arg6 : memref<8x3200xf32, #tpu.memory_space<vmem>>)
        tpu.yield
      }) : () -> ()
      %scan3A_118 = arith.constant 0 : i32
      %scan3A_119 = arith.constant 200 : i32
      %scan3A_120 = arith.addi %scan3A_118, %scan3A_119 : i32
      %scan3A_121 = arith.constant 1 : i32
      scf.for %scan3A_128 = %scan3A_118 to %scan3A_120 step %scan3A_121  : i32 {
        %mul3A_129 = arith.constant 1 : i32
        %mul3A_130 = arith.muli %scan3A_128, %mul3A_129 : i32
        %add3A_131 = arith.constant 0 : i32
        %add3A_132 = arith.addi %add3A_131, %mul3A_130 : i32
        %mul3A_133 = arith.constant 16 : i32
        %mul3A_134 = arith.muli %add3A_132, %mul3A_133 : i32
        %get3A = arith.index_cast %mul3A_134 : i32 to index
        %get3A_135 = tpu.vector_load %arg5[%get3A] {strides = array<i32>} : memref<3200xi32, #tpu.memory_space<vmem>>, vector<16xi32>,
        %iota3A = tpu.iota {dimensions = array<i32: 0>} : vector<16xi32>
        %convert_element_type3A = arith.sitofp %iota3A : vector<16xi32> to vector<16xf32>
        tpu.vector_store_idx %arg7[%get3A_135], %convert_element_type3A : memref<10000xf32, #tpu.memory_space<vmem>>[vector<16xi32>], vector<16xf32>,
        %gather3A = tpu.vector_load_idx %arg7[%get3A_135] : memref<10000xf32, #tpu.memory_space<vmem>>[vector<16xi32>], vector<16xf32>,
        %ne3A_136 = arith.cmpf one, %gather3A, %convert_element_type3A : vector<16xf32>
        %all_reduce_population_count3A = tpu.all_reduce %ne3A_136 {dim = 0 : i64, kind = #tpu.reduction_kind<sum>} : vector<16xi1> -> vector<16xi32>
        %swap3A = arith.index_cast %mul3A_134 : i32 to index
        %swap3A_137 = tpu.vector_load %arg8[%swap3A] {strides = array<i32>} : memref<3200xi32, #tpu.memory_space<vmem>>, vector<16xi32>,
        tpu.vector_store %arg8[%swap3A], %all_reduce_population_count3A {strides = array<i32>} : memref<3200xi32, #tpu.memory_space<vmem>>, vector<16xi32>,
      }
      %scan3A_122 = arith.constant 200 : i32
      %scan3A_123 = arith.constant 0 : i32
      %scan3A_124 = arith.constant 200 : i32
      %scan3A_125 = arith.addi %scan3A_123, %scan3A_124 : i32
      %scan3A_126 = arith.constant 1 : i32
      scf.for %scan3A_128 = %scan3A_123 to %scan3A_125 step %scan3A_126  : i32 {
        %mul3A_129 = arith.constant 1 : i32
        %mul3A_130 = arith.muli %scan3A_128, %mul3A_129 : i32
        %add3A_131 = arith.constant 0 : i32
        %add3A_132 = arith.addi %add3A_131, %mul3A_130 : i32
        %mul3A_133 = arith.constant 16 : i32
        %mul3A_134 = arith.muli %add3A_132, %mul3A_133 : i32
        %get3A = arith.index_cast %mul3A_134 : i32 to index
        %get3A_135 = tpu.vector_load %arg5[%get3A] {strides = array<i32>} : memref<3200xi32, #tpu.memory_space<vmem>>, vector<16xi32>,
        %get3A_136 = arith.constant 0 : i32
        %get3A_137 = arith.index_cast %get3A_136 : i32 to index
        %get3A_138 = arith.index_cast %mul3A_134 : i32 to index
        %get3A_139 = tpu.vector_load %arg6[%get3A_137, %get3A_138] {strides = array<i32>} : memref<8x3200xf32, #tpu.memory_space<vmem>>, vector<16xf32>,
        %gather3A = tpu.vector_load_idx %arg9[%get3A_135] : memref<10000xf32, #tpu.memory_space<vmem>>[vector<16xi32>], vector<16xf32>,
        %max3A = arith.maximumf %get3A_139, %gather3A : vector<16xf32>
        tpu.vector_store_idx %arg9[%get3A_135], %max3A : memref<10000xf32, #tpu.memory_space<vmem>>[vector<16xi32>], vector<16xf32>,
        %get3A_140 = arith.constant 1 : i32
        %get3A_141 = arith.index_cast %get3A_140 : i32 to index
        %get3A_142 = arith.index_cast %mul3A_134 : i32 to index
        %get3A_143 = tpu.vector_load %arg6[%get3A_141, %get3A_142] {strides = array<i32>} : memref<8x3200xf32, #tpu.memory_space<vmem>>, vector<16xf32>,
        %gather3A_144 = tpu.vector_load_idx %arg10[%get3A_135] : memref<10000xf32, #tpu.memory_space<vmem>>[vector<16xi32>], vector<16xf32>,
        %max3A_145 = arith.maximumf %get3A_143, %gather3A_144 : vector<16xf32>
        tpu.vector_store_idx %arg10[%get3A_135], %max3A_145 : memref<10000xf32, #tpu.memory_space<vmem>>[vector<16xi32>], vector<16xf32>,
        %get3A_146 = arith.constant 2 : i32
        %get3A_147 = arith.index_cast %get3A_146 : i32 to index
        %get3A_148 = arith.index_cast %mul3A_134 : i32 to index
        %get3A_149 = tpu.vector_load %arg6[%get3A_147, %get3A_148] {strides = array<i32>} : memref<8x3200xf32, #tpu.memory_space<vmem>>, vector<16xf32>,
        %gather3A_150 = tpu.vector_load_idx %arg11[%get3A_135] : memref<10000xf32, #tpu.memory_space<vmem>>[vector<16xi32>], vector<16xf32>,
        %max3A_151 = arith.maximumf %get3A_149, %gather3A_150 : vector<16xf32>
        tpu.vector_store_idx %arg11[%get3A_135], %max3A_151 : memref<10000xf32, #tpu.memory_space<vmem>>[vector<16xi32>], vector<16xf32>,
        %get3A_152 = arith.constant 3 : i32
        %get3A_153 = arith.index_cast %get3A_152 : i32 to index
        %get3A_154 = arith.index_cast %mul3A_134 : i32 to index
        %get3A_155 = tpu.vector_load %arg6[%get3A_153, %get3A_154] {strides = array<i32>} : memref<8x3200xf32, #tpu.memory_space<vmem>>, vector<16xf32>,
        %gather3A_156 = tpu.vector_load_idx %arg12[%get3A_135] : memref<10000xf32, #tpu.memory_space<vmem>>[vector<16xi32>], vector<16xf32>,
        %max3A_157 = arith.maximumf %get3A_155, %gather3A_156 : vector<16xf32>
        tpu.vector_store_idx %arg12[%get3A_135], %max3A_157 : memref<10000xf32, #tpu.memory_space<vmem>>[vector<16xi32>], vector<16xf32>,
        %get3A_158 = arith.constant 4 : i32
        %get3A_159 = arith.index_cast %get3A_158 : i32 to index
        %get3A_160 = arith.index_cast %mul3A_134 : i32 to index
        %get3A_161 = tpu.vector_load %arg6[%get3A_159, %get3A_160] {strides = array<i32>} : memref<8x3200xf32, #tpu.memory_space<vmem>>, vector<16xf32>,
        %gather3A_162 = tpu.vector_load_idx %arg13[%get3A_135] : memref<10000xf32, #tpu.memory_space<vmem>>[vector<16xi32>], vector<16xf32>,
        %max3A_163 = arith.maximumf %get3A_161, %gather3A_162 : vector<16xf32>
        tpu.vector_store_idx %arg13[%get3A_135], %max3A_163 : memref<10000xf32, #tpu.memory_space<vmem>>[vector<16xi32>], vector<16xf32>,
        %get3A_164 = arith.constant 5 : i32
        %get3A_165 = arith.index_cast %get3A_164 : i32 to index
        %get3A_166 = arith.index_cast %mul3A_134 : i32 to index
        %get3A_167 = tpu.vector_load %arg6[%get3A_165, %get3A_166] {strides = array<i32>} : memref<8x3200xf32, #tpu.memory_space<vmem>>, vector<16xf32>,
        %gather3A_168 = tpu.vector_load_idx %arg14[%get3A_135] : memref<10000xf32, #tpu.memory_space<vmem>>[vector<16xi32>], vector<16xf32>,
        %max3A_169 = arith.maximumf %get3A_167, %gather3A_168 : vector<16xf32>
        tpu.vector_store_idx %arg14[%get3A_135], %max3A_169 : memref<10000xf32, #tpu.memory_space<vmem>>[vector<16xi32>], vector<16xf32>,
        %get3A_170 = arith.constant 6 : i32
        %get3A_171 = arith.index_cast %get3A_170 : i32 to index
        %get3A_172 = arith.index_cast %mul3A_134 : i32 to index
        %get3A_173 = tpu.vector_load %arg6[%get3A_171, %get3A_172] {strides = array<i32>} : memref<8x3200xf32, #tpu.memory_space<vmem>>, vector<16xf32>,
        %gather3A_174 = tpu.vector_load_idx %arg15[%get3A_135] : memref<10000xf32, #tpu.memory_space<vmem>>[vector<16xi32>], vector<16xf32>,
        %max3A_175 = arith.maximumf %get3A_173, %gather3A_174 : vector<16xf32>
        tpu.vector_store_idx %arg15[%get3A_135], %max3A_175 : memref<10000xf32, #tpu.memory_space<vmem>>[vector<16xi32>], vector<16xf32>,
        %get3A_176 = arith.constant 7 : i32
        %get3A_177 = arith.index_cast %get3A_176 : i32 to index
        %get3A_178 = arith.index_cast %mul3A_134 : i32 to index
        %get3A_179 = tpu.vector_load %arg6[%get3A_177, %get3A_178] {strides = array<i32>} : memref<8x3200xf32, #tpu.memory_space<vmem>>, vector<16xf32>,
        %gather3A_180 = tpu.vector_load_idx %arg16[%get3A_135] : memref<10000xf32, #tpu.memory_space<vmem>>[vector<16xi32>], vector<16xf32>,
        %max3A_181 = arith.maximumf %get3A_179, %gather3A_180 : vector<16xf32>
        tpu.vector_store_idx %arg16[%get3A_135], %max3A_181 : memref<10000xf32, #tpu.memory_space<vmem>>[vector<16xi32>], vector<16xf32>,
        %get3A_182 = arith.index_cast %mul3A_134 : i32 to index
        %get3A_183 = tpu.vector_load %arg8[%get3A_182] {strides = array<i32>} : memref<3200xi32, #tpu.memory_space<vmem>>, vector<16xi32>,
        %slice3A = vector.extract_strided_slice %get3A_183 {offsets = [0], sizes = [1], strides = [1]} : vector<16xi32> to vector<1xi32>
        %squeeze3A = vector.extract %slice3A[0] : i32 from vector<1xi32>
        %gt3A = arith.constant 0 : i32
        %gt3A_184 = arith.cmpi sgt, %squeeze3A, %gt3A : i32
        %convert_element_type3A = arith.extui %gt3A_184 : i1 to i32
        %cond3A = arith.constant 0 : i32
        %cond3A_185 = arith.cmpi ne, %convert_element_type3A, %cond3A : i32
        scf.if %cond3A_185 {
          %get3A_186 = arith.constant 0 : i32
          %get3A_187 = arith.index_cast %get3A_186 : i32 to index
          %get3A_188 = arith.index_cast %mul3A_134 : i32 to index
          %get3A_189 = tpu.vector_load %arg6[%get3A_187, %get3A_188] {strides = array<i32>} : memref<8x3200xf32, #tpu.memory_space<vmem>>, vector<16xf32>,
          %gather3A_190 = tpu.vector_load_idx %arg9[%get3A_135] : memref<10000xf32, #tpu.memory_space<vmem>>[vector<16xi32>], vector<16xf32>,
          %max3A_191 = arith.maximumf %get3A_189, %gather3A_190 : vector<16xf32>
          %gather3A_192 = tpu.vector_load_idx %arg9[%get3A_135] : memref<10000xf32, #tpu.memory_space<vmem>>[vector<16xi32>], vector<16xf32>,
          %lt3A_193 = arith.cmpf olt, %gather3A_192, %max3A_191 : vector<16xf32>
          %convert_element_type3A_194 = arith.extui %lt3A_193 : vector<16xi1> to vector<16xi32>
          %reduce_sum3A = arith.constant true
          %reduce_sum3A_195 = vector.broadcast %reduce_sum3A : i1 to vector<16xi1>
          %reduce_sum3A_196 = tpu.scan <sum>, %convert_element_type3A_194 masked %reduce_sum3A_195 : vector<16xi32>, vector<16xi1> -> vector<16xi32>
          %reduce_sum3A_197 = vector.extract %reduce_sum3A_196[15] : i32 from vector<16xi32>
          %while3A = scf.while (%while3A_296 = %reduce_sum3A_197) : (i32) -> i32 {
            %gt3A_297 = arith.constant 0 : i32
            %gt3A_298 = arith.cmpi sgt, %while3A_296, %gt3A_297 : i32
            scf.condition(%gt3A_298) %while3A_296 : i32
          } do {
          ^bb0(%while3A_296: i32):
            %gather3A_297 = tpu.vector_load_idx %arg9[%get3A_135] : memref<10000xf32, #tpu.memory_space<vmem>>[vector<16xi32>], vector<16xf32>,
            %lt3A_298 = arith.cmpf olt, %gather3A_297, %max3A_191 : vector<16xf32>
            tpu.vector_store_idx %arg9[%get3A_135], %max3A_191 masked %lt3A_298 : memref<10000xf32, #tpu.memory_space<vmem>>[vector<16xi32>], vector<16xf32>, vector<16xi1>
            %gather3A_299 = tpu.vector_load_idx %arg9[%get3A_135] : memref<10000xf32, #tpu.memory_space<vmem>>[vector<16xi32>], vector<16xf32>,
            %lt3A_300 = arith.cmpf olt, %gather3A_299, %max3A_191 : vector<16xf32>
            %convert_element_type3A_301 = arith.extui %lt3A_300 : vector<16xi1> to vector<16xi32>
            %reduce_sum3A_302 = arith.constant true
            %reduce_sum3A_303 = vector.broadcast %reduce_sum3A_302 : i1 to vector<16xi1>
            %reduce_sum3A_304 = tpu.scan <sum>, %convert_element_type3A_301 masked %reduce_sum3A_303 : vector<16xi32>, vector<16xi1> -> vector<16xi32>
            %reduce_sum3A_305 = vector.extract %reduce_sum3A_304[15] : i32 from vector<16xi32>
            scf.yield %reduce_sum3A_305 : i32
          }
          %get3A_198 = arith.constant 1 : i32
          %get3A_199 = arith.index_cast %get3A_198 : i32 to index
          %get3A_200 = arith.index_cast %mul3A_134 : i32 to index
          %get3A_201 = tpu.vector_load %arg6[%get3A_199, %get3A_200] {strides = array<i32>} : memref<8x3200xf32, #tpu.memory_space<vmem>>, vector<16xf32>,
          %gather3A_202 = tpu.vector_load_idx %arg10[%get3A_135] : memref<10000xf32, #tpu.memory_space<vmem>>[vector<16xi32>], vector<16xf32>,
          %max3A_203 = arith.maximumf %get3A_201, %gather3A_202 : vector<16xf32>
          %gather3A_204 = tpu.vector_load_idx %arg10[%get3A_135] : memref<10000xf32, #tpu.memory_space<vmem>>[vector<16xi32>], vector<16xf32>,
          %lt3A_205 = arith.cmpf olt, %gather3A_204, %max3A_203 : vector<16xf32>
          %convert_element_type3A_206 = arith.extui %lt3A_205 : vector<16xi1> to vector<16xi32>
          %reduce_sum3A_207 = arith.constant true
          %reduce_sum3A_208 = vector.broadcast %reduce_sum3A_207 : i1 to vector<16xi1>
          %reduce_sum3A_209 = tpu.scan <sum>, %convert_element_type3A_206 masked %reduce_sum3A_208 : vector<16xi32>, vector<16xi1> -> vector<16xi32>
          %reduce_sum3A_210 = vector.extract %reduce_sum3A_209[15] : i32 from vector<16xi32>
          %while3A_211 = scf.while (%while3A_296 = %reduce_sum3A_210) : (i32) -> i32 {
            %gt3A_297 = arith.constant 0 : i32
            %gt3A_298 = arith.cmpi sgt, %while3A_296, %gt3A_297 : i32
            scf.condition(%gt3A_298) %while3A_296 : i32
          } do {
          ^bb0(%while3A_296: i32):
            %gather3A_297 = tpu.vector_load_idx %arg10[%get3A_135] : memref<10000xf32, #tpu.memory_space<vmem>>[vector<16xi32>], vector<16xf32>,
            %lt3A_298 = arith.cmpf olt, %gather3A_297, %max3A_203 : vector<16xf32>
            tpu.vector_store_idx %arg10[%get3A_135], %max3A_203 masked %lt3A_298 : memref<10000xf32, #tpu.memory_space<vmem>>[vector<16xi32>], vector<16xf32>, vector<16xi1>
            %gather3A_299 = tpu.vector_load_idx %arg10[%get3A_135] : memref<10000xf32, #tpu.memory_space<vmem>>[vector<16xi32>], vector<16xf32>,
            %lt3A_300 = arith.cmpf olt, %gather3A_299, %max3A_203 : vector<16xf32>
            %convert_element_type3A_301 = arith.extui %lt3A_300 : vector<16xi1> to vector<16xi32>
            %reduce_sum3A_302 = arith.constant true
            %reduce_sum3A_303 = vector.broadcast %reduce_sum3A_302 : i1 to vector<16xi1>
            %reduce_sum3A_304 = tpu.scan <sum>, %convert_element_type3A_301 masked %reduce_sum3A_303 : vector<16xi32>, vector<16xi1> -> vector<16xi32>
            %reduce_sum3A_305 = vector.extract %reduce_sum3A_304[15] : i32 from vector<16xi32>
            scf.yield %reduce_sum3A_305 : i32
          }
          %get3A_212 = arith.constant 2 : i32
          %get3A_213 = arith.index_cast %get3A_212 : i32 to index
          %get3A_214 = arith.index_cast %mul3A_134 : i32 to index
          %get3A_215 = tpu.vector_load %arg6[%get3A_213, %get3A_214] {strides = array<i32>} : memref<8x3200xf32, #tpu.memory_space<vmem>>, vector<16xf32>,
          %gather3A_216 = tpu.vector_load_idx %arg11[%get3A_135] : memref<10000xf32, #tpu.memory_space<vmem>>[vector<16xi32>], vector<16xf32>,
          %max3A_217 = arith.maximumf %get3A_215, %gather3A_216 : vector<16xf32>
          %gather3A_218 = tpu.vector_load_idx %arg11[%get3A_135] : memref<10000xf32, #tpu.memory_space<vmem>>[vector<16xi32>], vector<16xf32>,
          %lt3A_219 = arith.cmpf olt, %gather3A_218, %max3A_217 : vector<16xf32>
          %convert_element_type3A_220 = arith.extui %lt3A_219 : vector<16xi1> to vector<16xi32>
          %reduce_sum3A_221 = arith.constant true
          %reduce_sum3A_222 = vector.broadcast %reduce_sum3A_221 : i1 to vector<16xi1>
          %reduce_sum3A_223 = tpu.scan <sum>, %convert_element_type3A_220 masked %reduce_sum3A_222 : vector<16xi32>, vector<16xi1> -> vector<16xi32>
          %reduce_sum3A_224 = vector.extract %reduce_sum3A_223[15] : i32 from vector<16xi32>
          %while3A_225 = scf.while (%while3A_296 = %reduce_sum3A_224) : (i32) -> i32 {
            %gt3A_297 = arith.constant 0 : i32
            %gt3A_298 = arith.cmpi sgt, %while3A_296, %gt3A_297 : i32
            scf.condition(%gt3A_298) %while3A_296 : i32
          } do {
          ^bb0(%while3A_296: i32):
            %gather3A_297 = tpu.vector_load_idx %arg11[%get3A_135] : memref<10000xf32, #tpu.memory_space<vmem>>[vector<16xi32>], vector<16xf32>,
            %lt3A_298 = arith.cmpf olt, %gather3A_297, %max3A_217 : vector<16xf32>
            tpu.vector_store_idx %arg11[%get3A_135], %max3A_217 masked %lt3A_298 : memref<10000xf32, #tpu.memory_space<vmem>>[vector<16xi32>], vector<16xf32>, vector<16xi1>
            %gather3A_299 = tpu.vector_load_idx %arg11[%get3A_135] : memref<10000xf32, #tpu.memory_space<vmem>>[vector<16xi32>], vector<16xf32>,
            %lt3A_300 = arith.cmpf olt, %gather3A_299, %max3A_217 : vector<16xf32>
            %convert_element_type3A_301 = arith.extui %lt3A_300 : vector<16xi1> to vector<16xi32>
            %reduce_sum3A_302 = arith.constant true
            %reduce_sum3A_303 = vector.broadcast %reduce_sum3A_302 : i1 to vector<16xi1>
            %reduce_sum3A_304 = tpu.scan <sum>, %convert_element_type3A_301 masked %reduce_sum3A_303 : vector<16xi32>, vector<16xi1> -> vector<16xi32>
            %reduce_sum3A_305 = vector.extract %reduce_sum3A_304[15] : i32 from vector<16xi32>
            scf.yield %reduce_sum3A_305 : i32
          }
          %get3A_226 = arith.constant 3 : i32
          %get3A_227 = arith.index_cast %get3A_226 : i32 to index
          %get3A_228 = arith.index_cast %mul3A_134 : i32 to index
          %get3A_229 = tpu.vector_load %arg6[%get3A_227, %get3A_228] {strides = array<i32>} : memref<8x3200xf32, #tpu.memory_space<vmem>>, vector<16xf32>,
          %gather3A_230 = tpu.vector_load_idx %arg12[%get3A_135] : memref<10000xf32, #tpu.memory_space<vmem>>[vector<16xi32>], vector<16xf32>,
          %max3A_231 = arith.maximumf %get3A_229, %gather3A_230 : vector<16xf32>
          %gather3A_232 = tpu.vector_load_idx %arg12[%get3A_135] : memref<10000xf32, #tpu.memory_space<vmem>>[vector<16xi32>], vector<16xf32>,
          %lt3A_233 = arith.cmpf olt, %gather3A_232, %max3A_231 : vector<16xf32>
          %convert_element_type3A_234 = arith.extui %lt3A_233 : vector<16xi1> to vector<16xi32>
          %reduce_sum3A_235 = arith.constant true
          %reduce_sum3A_236 = vector.broadcast %reduce_sum3A_235 : i1 to vector<16xi1>
          %reduce_sum3A_237 = tpu.scan <sum>, %convert_element_type3A_234 masked %reduce_sum3A_236 : vector<16xi32>, vector<16xi1> -> vector<16xi32>
          %reduce_sum3A_238 = vector.extract %reduce_sum3A_237[15] : i32 from vector<16xi32>
          %while3A_239 = scf.while (%while3A_296 = %reduce_sum3A_238) : (i32) -> i32 {
            %gt3A_297 = arith.constant 0 : i32
            %gt3A_298 = arith.cmpi sgt, %while3A_296, %gt3A_297 : i32
            scf.condition(%gt3A_298) %while3A_296 : i32
          } do {
          ^bb0(%while3A_296: i32):
            %gather3A_297 = tpu.vector_load_idx %arg12[%get3A_135] : memref<10000xf32, #tpu.memory_space<vmem>>[vector<16xi32>], vector<16xf32>,
            %lt3A_298 = arith.cmpf olt, %gather3A_297, %max3A_231 : vector<16xf32>
            tpu.vector_store_idx %arg12[%get3A_135], %max3A_231 masked %lt3A_298 : memref<10000xf32, #tpu.memory_space<vmem>>[vector<16xi32>], vector<16xf32>, vector<16xi1>
            %gather3A_299 = tpu.vector_load_idx %arg12[%get3A_135] : memref<10000xf32, #tpu.memory_space<vmem>>[vector<16xi32>], vector<16xf32>,
            %lt3A_300 = arith.cmpf olt, %gather3A_299, %max3A_231 : vector<16xf32>
            %convert_element_type3A_301 = arith.extui %lt3A_300 : vector<16xi1> to vector<16xi32>
            %reduce_sum3A_302 = arith.constant true
            %reduce_sum3A_303 = vector.broadcast %reduce_sum3A_302 : i1 to vector<16xi1>
            %reduce_sum3A_304 = tpu.scan <sum>, %convert_element_type3A_301 masked %reduce_sum3A_303 : vector<16xi32>, vector<16xi1> -> vector<16xi32>
            %reduce_sum3A_305 = vector.extract %reduce_sum3A_304[15] : i32 from vector<16xi32>
            scf.yield %reduce_sum3A_305 : i32
          }
          %get3A_240 = arith.constant 4 : i32
          %get3A_241 = arith.index_cast %get3A_240 : i32 to index
          %get3A_242 = arith.index_cast %mul3A_134 : i32 to index
          %get3A_243 = tpu.vector_load %arg6[%get3A_241, %get3A_242] {strides = array<i32>} : memref<8x3200xf32, #tpu.memory_space<vmem>>, vector<16xf32>,
          %gather3A_244 = tpu.vector_load_idx %arg13[%get3A_135] : memref<10000xf32, #tpu.memory_space<vmem>>[vector<16xi32>], vector<16xf32>,
          %max3A_245 = arith.maximumf %get3A_243, %gather3A_244 : vector<16xf32>
          %gather3A_246 = tpu.vector_load_idx %arg13[%get3A_135] : memref<10000xf32, #tpu.memory_space<vmem>>[vector<16xi32>], vector<16xf32>,
          %lt3A_247 = arith.cmpf olt, %gather3A_246, %max3A_245 : vector<16xf32>
          %convert_element_type3A_248 = arith.extui %lt3A_247 : vector<16xi1> to vector<16xi32>
          %reduce_sum3A_249 = arith.constant true
          %reduce_sum3A_250 = vector.broadcast %reduce_sum3A_249 : i1 to vector<16xi1>
          %reduce_sum3A_251 = tpu.scan <sum>, %convert_element_type3A_248 masked %reduce_sum3A_250 : vector<16xi32>, vector<16xi1> -> vector<16xi32>
          %reduce_sum3A_252 = vector.extract %reduce_sum3A_251[15] : i32 from vector<16xi32>
          %while3A_253 = scf.while (%while3A_296 = %reduce_sum3A_252) : (i32) -> i32 {
            %gt3A_297 = arith.constant 0 : i32
            %gt3A_298 = arith.cmpi sgt, %while3A_296, %gt3A_297 : i32
            scf.condition(%gt3A_298) %while3A_296 : i32
          } do {
          ^bb0(%while3A_296: i32):
            %gather3A_297 = tpu.vector_load_idx %arg13[%get3A_135] : memref<10000xf32, #tpu.memory_space<vmem>>[vector<16xi32>], vector<16xf32>,
            %lt3A_298 = arith.cmpf olt, %gather3A_297, %max3A_245 : vector<16xf32>
            tpu.vector_store_idx %arg13[%get3A_135], %max3A_245 masked %lt3A_298 : memref<10000xf32, #tpu.memory_space<vmem>>[vector<16xi32>], vector<16xf32>, vector<16xi1>
            %gather3A_299 = tpu.vector_load_idx %arg13[%get3A_135] : memref<10000xf32, #tpu.memory_space<vmem>>[vector<16xi32>], vector<16xf32>,
            %lt3A_300 = arith.cmpf olt, %gather3A_299, %max3A_245 : vector<16xf32>
            %convert_element_type3A_301 = arith.extui %lt3A_300 : vector<16xi1> to vector<16xi32>
            %reduce_sum3A_302 = arith.constant true
            %reduce_sum3A_303 = vector.broadcast %reduce_sum3A_302 : i1 to vector<16xi1>
            %reduce_sum3A_304 = tpu.scan <sum>, %convert_element_type3A_301 masked %reduce_sum3A_303 : vector<16xi32>, vector<16xi1> -> vector<16xi32>
            %reduce_sum3A_305 = vector.extract %reduce_sum3A_304[15] : i32 from vector<16xi32>
            scf.yield %reduce_sum3A_305 : i32
          }
          %get3A_254 = arith.constant 5 : i32
          %get3A_255 = arith.index_cast %get3A_254 : i32 to index
          %get3A_256 = arith.index_cast %mul3A_134 : i32 to index
          %get3A_257 = tpu.vector_load %arg6[%get3A_255, %get3A_256] {strides = array<i32>} : memref<8x3200xf32, #tpu.memory_space<vmem>>, vector<16xf32>,
          %gather3A_258 = tpu.vector_load_idx %arg14[%get3A_135] : memref<10000xf32, #tpu.memory_space<vmem>>[vector<16xi32>], vector<16xf32>,
          %max3A_259 = arith.maximumf %get3A_257, %gather3A_258 : vector<16xf32>
          %gather3A_260 = tpu.vector_load_idx %arg14[%get3A_135] : memref<10000xf32, #tpu.memory_space<vmem>>[vector<16xi32>], vector<16xf32>,
          %lt3A_261 = arith.cmpf olt, %gather3A_260, %max3A_259 : vector<16xf32>
          %convert_element_type3A_262 = arith.extui %lt3A_261 : vector<16xi1> to vector<16xi32>
          %reduce_sum3A_263 = arith.constant true
          %reduce_sum3A_264 = vector.broadcast %reduce_sum3A_263 : i1 to vector<16xi1>
          %reduce_sum3A_265 = tpu.scan <sum>, %convert_element_type3A_262 masked %reduce_sum3A_264 : vector<16xi32>, vector<16xi1> -> vector<16xi32>
          %reduce_sum3A_266 = vector.extract %reduce_sum3A_265[15] : i32 from vector<16xi32>
          %while3A_267 = scf.while (%while3A_296 = %reduce_sum3A_266) : (i32) -> i32 {
            %gt3A_297 = arith.constant 0 : i32
            %gt3A_298 = arith.cmpi sgt, %while3A_296, %gt3A_297 : i32
            scf.condition(%gt3A_298) %while3A_296 : i32
          } do {
          ^bb0(%while3A_296: i32):
            %gather3A_297 = tpu.vector_load_idx %arg14[%get3A_135] : memref<10000xf32, #tpu.memory_space<vmem>>[vector<16xi32>], vector<16xf32>,
            %lt3A_298 = arith.cmpf olt, %gather3A_297, %max3A_259 : vector<16xf32>
            tpu.vector_store_idx %arg14[%get3A_135], %max3A_259 masked %lt3A_298 : memref<10000xf32, #tpu.memory_space<vmem>>[vector<16xi32>], vector<16xf32>, vector<16xi1>
            %gather3A_299 = tpu.vector_load_idx %arg14[%get3A_135] : memref<10000xf32, #tpu.memory_space<vmem>>[vector<16xi32>], vector<16xf32>,
            %lt3A_300 = arith.cmpf olt, %gather3A_299, %max3A_259 : vector<16xf32>
            %convert_element_type3A_301 = arith.extui %lt3A_300 : vector<16xi1> to vector<16xi32>
            %reduce_sum3A_302 = arith.constant true
            %reduce_sum3A_303 = vector.broadcast %reduce_sum3A_302 : i1 to vector<16xi1>
            %reduce_sum3A_304 = tpu.scan <sum>, %convert_element_type3A_301 masked %reduce_sum3A_303 : vector<16xi32>, vector<16xi1> -> vector<16xi32>
            %reduce_sum3A_305 = vector.extract %reduce_sum3A_304[15] : i32 from vector<16xi32>
            scf.yield %reduce_sum3A_305 : i32
          }
          %get3A_268 = arith.constant 6 : i32
          %get3A_269 = arith.index_cast %get3A_268 : i32 to index
          %get3A_270 = arith.index_cast %mul3A_134 : i32 to index
          %get3A_271 = tpu.vector_load %arg6[%get3A_269, %get3A_270] {strides = array<i32>} : memref<8x3200xf32, #tpu.memory_space<vmem>>, vector<16xf32>,
          %gather3A_272 = tpu.vector_load_idx %arg15[%get3A_135] : memref<10000xf32, #tpu.memory_space<vmem>>[vector<16xi32>], vector<16xf32>,
          %max3A_273 = arith.maximumf %get3A_271, %gather3A_272 : vector<16xf32>
          %gather3A_274 = tpu.vector_load_idx %arg15[%get3A_135] : memref<10000xf32, #tpu.memory_space<vmem>>[vector<16xi32>], vector<16xf32>,
          %lt3A_275 = arith.cmpf olt, %gather3A_274, %max3A_273 : vector<16xf32>
          %convert_element_type3A_276 = arith.extui %lt3A_275 : vector<16xi1> to vector<16xi32>
          %reduce_sum3A_277 = arith.constant true
          %reduce_sum3A_278 = vector.broadcast %reduce_sum3A_277 : i1 to vector<16xi1>
          %reduce_sum3A_279 = tpu.scan <sum>, %convert_element_type3A_276 masked %reduce_sum3A_278 : vector<16xi32>, vector<16xi1> -> vector<16xi32>
          %reduce_sum3A_280 = vector.extract %reduce_sum3A_279[15] : i32 from vector<16xi32>
          %while3A_281 = scf.while (%while3A_296 = %reduce_sum3A_280) : (i32) -> i32 {
            %gt3A_297 = arith.constant 0 : i32
            %gt3A_298 = arith.cmpi sgt, %while3A_296, %gt3A_297 : i32
            scf.condition(%gt3A_298) %while3A_296 : i32
          } do {
          ^bb0(%while3A_296: i32):
            %gather3A_297 = tpu.vector_load_idx %arg15[%get3A_135] : memref<10000xf32, #tpu.memory_space<vmem>>[vector<16xi32>], vector<16xf32>,
            %lt3A_298 = arith.cmpf olt, %gather3A_297, %max3A_273 : vector<16xf32>
            tpu.vector_store_idx %arg15[%get3A_135], %max3A_273 masked %lt3A_298 : memref<10000xf32, #tpu.memory_space<vmem>>[vector<16xi32>], vector<16xf32>, vector<16xi1>
            %gather3A_299 = tpu.vector_load_idx %arg15[%get3A_135] : memref<10000xf32, #tpu.memory_space<vmem>>[vector<16xi32>], vector<16xf32>,
            %lt3A_300 = arith.cmpf olt, %gather3A_299, %max3A_273 : vector<16xf32>
            %convert_element_type3A_301 = arith.extui %lt3A_300 : vector<16xi1> to vector<16xi32>
            %reduce_sum3A_302 = arith.constant true
            %reduce_sum3A_303 = vector.broadcast %reduce_sum3A_302 : i1 to vector<16xi1>
            %reduce_sum3A_304 = tpu.scan <sum>, %convert_element_type3A_301 masked %reduce_sum3A_303 : vector<16xi32>, vector<16xi1> -> vector<16xi32>
            %reduce_sum3A_305 = vector.extract %reduce_sum3A_304[15] : i32 from vector<16xi32>
            scf.yield %reduce_sum3A_305 : i32
          }
          %get3A_282 = arith.constant 7 : i32
          %get3A_283 = arith.index_cast %get3A_282 : i32 to index
          %get3A_284 = arith.index_cast %mul3A_134 : i32 to index
          %get3A_285 = tpu.vector_load %arg6[%get3A_283, %get3A_284] {strides = array<i32>} : memref<8x3200xf32, #tpu.memory_space<vmem>>, vector<16xf32>,
          %gather3A_286 = tpu.vector_load_idx %arg16[%get3A_135] : memref<10000xf32, #tpu.memory_space<vmem>>[vector<16xi32>], vector<16xf32>,
          %max3A_287 = arith.maximumf %get3A_285, %gather3A_286 : vector<16xf32>
          %gather3A_288 = tpu.vector_load_idx %arg16[%get3A_135] : memref<10000xf32, #tpu.memory_space<vmem>>[vector<16xi32>], vector<16xf32>,
          %lt3A_289 = arith.cmpf olt, %gather3A_288, %max3A_287 : vector<16xf32>
          %convert_element_type3A_290 = arith.extui %lt3A_289 : vector<16xi1> to vector<16xi32>
          %reduce_sum3A_291 = arith.constant true
          %reduce_sum3A_292 = vector.broadcast %reduce_sum3A_291 : i1 to vector<16xi1>
          %reduce_sum3A_293 = tpu.scan <sum>, %convert_element_type3A_290 masked %reduce_sum3A_292 : vector<16xi32>, vector<16xi1> -> vector<16xi32>
          %reduce_sum3A_294 = vector.extract %reduce_sum3A_293[15] : i32 from vector<16xi32>
          %while3A_295 = scf.while (%while3A_296 = %reduce_sum3A_294) : (i32) -> i32 {
            %gt3A_297 = arith.constant 0 : i32
            %gt3A_298 = arith.cmpi sgt, %while3A_296, %gt3A_297 : i32
            scf.condition(%gt3A_298) %while3A_296 : i32
          } do {
          ^bb0(%while3A_296: i32):
            %gather3A_297 = tpu.vector_load_idx %arg16[%get3A_135] : memref<10000xf32, #tpu.memory_space<vmem>>[vector<16xi32>], vector<16xf32>,
            %lt3A_298 = arith.cmpf olt, %gather3A_297, %max3A_287 : vector<16xf32>
            tpu.vector_store_idx %arg16[%get3A_135], %max3A_287 masked %lt3A_298 : memref<10000xf32, #tpu.memory_space<vmem>>[vector<16xi32>], vector<16xf32>, vector<16xi1>
            %gather3A_299 = tpu.vector_load_idx %arg16[%get3A_135] : memref<10000xf32, #tpu.memory_space<vmem>>[vector<16xi32>], vector<16xf32>,
            %lt3A_300 = arith.cmpf olt, %gather3A_299, %max3A_287 : vector<16xf32>
            %convert_element_type3A_301 = arith.extui %lt3A_300 : vector<16xi1> to vector<16xi32>
            %reduce_sum3A_302 = arith.constant true
            %reduce_sum3A_303 = vector.broadcast %reduce_sum3A_302 : i1 to vector<16xi1>
            %reduce_sum3A_304 = tpu.scan <sum>, %convert_element_type3A_301 masked %reduce_sum3A_303 : vector<16xi32>, vector<16xi1> -> vector<16xi32>
            %reduce_sum3A_305 = vector.extract %reduce_sum3A_304[15] : i32 from vector<16xi32>
            scf.yield %reduce_sum3A_305 : i32
          }
        } else {
        }
      }
      %scan3A_127 = arith.constant 200 : i32
    }
    %scan3A_44 = arith.constant 25 : i32
    %mul3A_45 = arith.constant 64 : i32
    %mul3A_46 = arith.muli %select_n3A, %mul3A_45 : i32
    %add3A_47 = arith.addi %mul3A_46, %multiple_of3A : i32
    %add3A_48 = arith.constant 0 : i32
    %add3A_49 = arith.addi %add3A_47, %add3A_48 : i32
    %mul3A_50 = arith.constant 10000 : i32
    %mul3A_51 = arith.muli %add3A_49, %mul3A_50 : i32
    %multiple_of3A_52 = tpu.assume_multiple %mul3A_51, 8 : i32
    "tpu.region"() ({
      %run_scoped3A = tpu.sem_alloc : memref<!tpu.dma_semaphore, #tpu.memory_space<semaphore_mem>>
      %dma_start3A = tpu.memref_slice %arg4[%multiple_of3A_52] : memref<2560000xf32, #tpu.memory_space<hbm>> -> memref<10000xf32, #tpu.memory_space<hbm>>
      %dma_start3A_109 = tpu.memref_slice %arg4[%multiple_of3A_52] : memref<2560000xf32, #tpu.memory_space<hbm>> -> memref<10000xf32, #tpu.memory_space<hbm>>
      tpu.enqueue_dma source(%arg9 : memref<10000xf32, #tpu.memory_space<vmem>>) target(%dma_start3A_109 : memref<10000xf32, #tpu.memory_space<hbm>>) target_semaphore(%run_scoped3A : memref<!tpu.dma_semaphore, #tpu.memory_space<semaphore_mem>>)
      %dma_wait3A = tpu.memref_slice %arg4[%multiple_of3A_52] : memref<2560000xf32, #tpu.memory_space<hbm>> -> memref<10000xf32, #tpu.memory_space<hbm>>
      %dma_wait3A_110 = tpu.memref_slice %arg4[%multiple_of3A_52] : memref<2560000xf32, #tpu.memory_space<hbm>> -> memref<10000xf32, #tpu.memory_space<hbm>>
      tpu.wait_dma2 semaphore(%run_scoped3A : memref<!tpu.dma_semaphore, #tpu.memory_space<semaphore_mem>>) src(%arg9 : memref<10000xf32, #tpu.memory_space<vmem>>) dst(%dma_wait3A_110 : memref<10000xf32, #tpu.memory_space<hbm>>)
      tpu.yield
    }) : () -> ()
    %mul3A_53 = arith.constant 64 : i32
    %mul3A_54 = arith.muli %select_n3A, %mul3A_53 : i32
    %add3A_55 = arith.addi %mul3A_54, %multiple_of3A : i32
    %add3A_56 = arith.constant 1 : i32
    %add3A_57 = arith.addi %add3A_55, %add3A_56 : i32
    %mul3A_58 = arith.constant 10000 : i32
    %mul3A_59 = arith.muli %add3A_57, %mul3A_58 : i32
    %multiple_of3A_60 = tpu.assume_multiple %mul3A_59, 8 : i32
    "tpu.region"() ({
      %run_scoped3A = tpu.sem_alloc : memref<!tpu.dma_semaphore, #tpu.memory_space<semaphore_mem>>
      %dma_start3A = tpu.memref_slice %arg4[%multiple_of3A_60] : memref<2560000xf32, #tpu.memory_space<hbm>> -> memref<10000xf32, #tpu.memory_space<hbm>>
      %dma_start3A_109 = tpu.memref_slice %arg4[%multiple_of3A_60] : memref<2560000xf32, #tpu.memory_space<hbm>> -> memref<10000xf32, #tpu.memory_space<hbm>>
      tpu.enqueue_dma source(%arg10 : memref<10000xf32, #tpu.memory_space<vmem>>) target(%dma_start3A_109 : memref<10000xf32, #tpu.memory_space<hbm>>) target_semaphore(%run_scoped3A : memref<!tpu.dma_semaphore, #tpu.memory_space<semaphore_mem>>)
      %dma_wait3A = tpu.memref_slice %arg4[%multiple_of3A_60] : memref<2560000xf32, #tpu.memory_space<hbm>> -> memref<10000xf32, #tpu.memory_space<hbm>>
      %dma_wait3A_110 = tpu.memref_slice %arg4[%multiple_of3A_60] : memref<2560000xf32, #tpu.memory_space<hbm>> -> memref<10000xf32, #tpu.memory_space<hbm>>
      tpu.wait_dma2 semaphore(%run_scoped3A : memref<!tpu.dma_semaphore, #tpu.memory_space<semaphore_mem>>) src(%arg10 : memref<10000xf32, #tpu.memory_space<vmem>>) dst(%dma_wait3A_110 : memref<10000xf32, #tpu.memory_space<hbm>>)
      tpu.yield
    }) : () -> ()
    %mul3A_61 = arith.constant 64 : i32
    %mul3A_62 = arith.muli %select_n3A, %mul3A_61 : i32
    %add3A_63 = arith.addi %mul3A_62, %multiple_of3A : i32
    %add3A_64 = arith.constant 2 : i32
    %add3A_65 = arith.addi %add3A_63, %add3A_64 : i32
    %mul3A_66 = arith.constant 10000 : i32
    %mul3A_67 = arith.muli %add3A_65, %mul3A_66 : i32
    %multiple_of3A_68 = tpu.assume_multiple %mul3A_67, 8 : i32
    "tpu.region"() ({
      %run_scoped3A = tpu.sem_alloc : memref<!tpu.dma_semaphore, #tpu.memory_space<semaphore_mem>>
      %dma_start3A = tpu.memref_slice %arg4[%multiple_of3A_68] : memref<2560000xf32, #tpu.memory_space<hbm>> -> memref<10000xf32, #tpu.memory_space<hbm>>
      %dma_start3A_109 = tpu.memref_slice %arg4[%multiple_of3A_68] : memref<2560000xf32, #tpu.memory_space<hbm>> -> memref<10000xf32, #tpu.memory_space<hbm>>
      tpu.enqueue_dma source(%arg11 : memref<10000xf32, #tpu.memory_space<vmem>>) target(%dma_start3A_109 : memref<10000xf32, #tpu.memory_space<hbm>>) target_semaphore(%run_scoped3A : memref<!tpu.dma_semaphore, #tpu.memory_space<semaphore_mem>>)
      %dma_wait3A = tpu.memref_slice %arg4[%multiple_of3A_68] : memref<2560000xf32, #tpu.memory_space<hbm>> -> memref<10000xf32, #tpu.memory_space<hbm>>
      %dma_wait3A_110 = tpu.memref_slice %arg4[%multiple_of3A_68] : memref<2560000xf32, #tpu.memory_space<hbm>> -> memref<10000xf32, #tpu.memory_space<hbm>>
      tpu.wait_dma2 semaphore(%run_scoped3A : memref<!tpu.dma_semaphore, #tpu.memory_space<semaphore_mem>>) src(%arg11 : memref<10000xf32, #tpu.memory_space<vmem>>) dst(%dma_wait3A_110 : memref<10000xf32, #tpu.memory_space<hbm>>)
      tpu.yield
    }) : () -> ()
    %mul3A_69 = arith.constant 64 : i32
    %mul3A_70 = arith.muli %select_n3A, %mul3A_69 : i32
    %add3A_71 = arith.addi %mul3A_70, %multiple_of3A : i32
    %add3A_72 = arith.constant 3 : i32
    %add3A_73 = arith.addi %add3A_71, %add3A_72 : i32
    %mul3A_74 = arith.constant 10000 : i32
    %mul3A_75 = arith.muli %add3A_73, %mul3A_74 : i32
    %multiple_of3A_76 = tpu.assume_multiple %mul3A_75, 8 : i32
    "tpu.region"() ({
      %run_scoped3A = tpu.sem_alloc : memref<!tpu.dma_semaphore, #tpu.memory_space<semaphore_mem>>
      %dma_start3A = tpu.memref_slice %arg4[%multiple_of3A_76] : memref<2560000xf32, #tpu.memory_space<hbm>> -> memref<10000xf32, #tpu.memory_space<hbm>>
      %dma_start3A_109 = tpu.memref_slice %arg4[%multiple_of3A_76] : memref<2560000xf32, #tpu.memory_space<hbm>> -> memref<10000xf32, #tpu.memory_space<hbm>>
      tpu.enqueue_dma source(%arg12 : memref<10000xf32, #tpu.memory_space<vmem>>) target(%dma_start3A_109 : memref<10000xf32, #tpu.memory_space<hbm>>) target_semaphore(%run_scoped3A : memref<!tpu.dma_semaphore, #tpu.memory_space<semaphore_mem>>)
      %dma_wait3A = tpu.memref_slice %arg4[%multiple_of3A_76] : memref<2560000xf32, #tpu.memory_space<hbm>> -> memref<10000xf32, #tpu.memory_space<hbm>>
      %dma_wait3A_110 = tpu.memref_slice %arg4[%multiple_of3A_76] : memref<2560000xf32, #tpu.memory_space<hbm>> -> memref<10000xf32, #tpu.memory_space<hbm>>
      tpu.wait_dma2 semaphore(%run_scoped3A : memref<!tpu.dma_semaphore, #tpu.memory_space<semaphore_mem>>) src(%arg12 : memref<10000xf32, #tpu.memory_space<vmem>>) dst(%dma_wait3A_110 : memref<10000xf32, #tpu.memory_space<hbm>>)
      tpu.yield
    }) : () -> ()
    %mul3A_77 = arith.constant 64 : i32
    %mul3A_78 = arith.muli %select_n3A, %mul3A_77 : i32
    %add3A_79 = arith.addi %mul3A_78, %multiple_of3A : i32
    %add3A_80 = arith.constant 4 : i32
    %add3A_81 = arith.addi %add3A_79, %add3A_80 : i32
    %mul3A_82 = arith.constant 10000 : i32
    %mul3A_83 = arith.muli %add3A_81, %mul3A_82 : i32
    %multiple_of3A_84 = tpu.assume_multiple %mul3A_83, 8 : i32
    "tpu.region"() ({
      %run_scoped3A = tpu.sem_alloc : memref<!tpu.dma_semaphore, #tpu.memory_space<semaphore_mem>>
      %dma_start3A = tpu.memref_slice %arg4[%multiple_of3A_84] : memref<2560000xf32, #tpu.memory_space<hbm>> -> memref<10000xf32, #tpu.memory_space<hbm>>
      %dma_start3A_109 = tpu.memref_slice %arg4[%multiple_of3A_84] : memref<2560000xf32, #tpu.memory_space<hbm>> -> memref<10000xf32, #tpu.memory_space<hbm>>
      tpu.enqueue_dma source(%arg13 : memref<10000xf32, #tpu.memory_space<vmem>>) target(%dma_start3A_109 : memref<10000xf32, #tpu.memory_space<hbm>>) target_semaphore(%run_scoped3A : memref<!tpu.dma_semaphore, #tpu.memory_space<semaphore_mem>>)
      %dma_wait3A = tpu.memref_slice %arg4[%multiple_of3A_84] : memref<2560000xf32, #tpu.memory_space<hbm>> -> memref<10000xf32, #tpu.memory_space<hbm>>
      %dma_wait3A_110 = tpu.memref_slice %arg4[%multiple_of3A_84] : memref<2560000xf32, #tpu.memory_space<hbm>> -> memref<10000xf32, #tpu.memory_space<hbm>>
      tpu.wait_dma2 semaphore(%run_scoped3A : memref<!tpu.dma_semaphore, #tpu.memory_space<semaphore_mem>>) src(%arg13 : memref<10000xf32, #tpu.memory_space<vmem>>) dst(%dma_wait3A_110 : memref<10000xf32, #tpu.memory_space<hbm>>)
      tpu.yield
    }) : () -> ()
    %mul3A_85 = arith.constant 64 : i32
    %mul3A_86 = arith.muli %select_n3A, %mul3A_85 : i32
    %add3A_87 = arith.addi %mul3A_86, %multiple_of3A : i32
    %add3A_88 = arith.constant 5 : i32
    %add3A_89 = arith.addi %add3A_87, %add3A_88 : i32
    %mul3A_90 = arith.constant 10000 : i32
    %mul3A_91 = arith.muli %add3A_89, %mul3A_90 : i32
    %multiple_of3A_92 = tpu.assume_multiple %mul3A_91, 8 : i32
    "tpu.region"() ({
      %run_scoped3A = tpu.sem_alloc : memref<!tpu.dma_semaphore, #tpu.memory_space<semaphore_mem>>
      %dma_start3A = tpu.memref_slice %arg4[%multiple_of3A_92] : memref<2560000xf32, #tpu.memory_space<hbm>> -> memref<10000xf32, #tpu.memory_space<hbm>>
      %dma_start3A_109 = tpu.memref_slice %arg4[%multiple_of3A_92] : memref<2560000xf32, #tpu.memory_space<hbm>> -> memref<10000xf32, #tpu.memory_space<hbm>>
      tpu.enqueue_dma source(%arg14 : memref<10000xf32, #tpu.memory_space<vmem>>) target(%dma_start3A_109 : memref<10000xf32, #tpu.memory_space<hbm>>) target_semaphore(%run_scoped3A : memref<!tpu.dma_semaphore, #tpu.memory_space<semaphore_mem>>)
      %dma_wait3A = tpu.memref_slice %arg4[%multiple_of3A_92] : memref<2560000xf32, #tpu.memory_space<hbm>> -> memref<10000xf32, #tpu.memory_space<hbm>>
      %dma_wait3A_110 = tpu.memref_slice %arg4[%multiple_of3A_92] : memref<2560000xf32, #tpu.memory_space<hbm>> -> memref<10000xf32, #tpu.memory_space<hbm>>
      tpu.wait_dma2 semaphore(%run_scoped3A : memref<!tpu.dma_semaphore, #tpu.memory_space<semaphore_mem>>) src(%arg14 : memref<10000xf32, #tpu.memory_space<vmem>>) dst(%dma_wait3A_110 : memref<10000xf32, #tpu.memory_space<hbm>>)
      tpu.yield
    }) : () -> ()
    %mul3A_93 = arith.constant 64 : i32
    %mul3A_94 = arith.muli %select_n3A, %mul3A_93 : i32
    %add3A_95 = arith.addi %mul3A_94, %multiple_of3A : i32
    %add3A_96 = arith.constant 6 : i32
    %add3A_97 = arith.addi %add3A_95, %add3A_96 : i32
    %mul3A_98 = arith.constant 10000 : i32
    %mul3A_99 = arith.muli %add3A_97, %mul3A_98 : i32
    %multiple_of3A_100 = tpu.assume_multiple %mul3A_99, 8 : i32
    "tpu.region"() ({
      %run_scoped3A = tpu.sem_alloc : memref<!tpu.dma_semaphore, #tpu.memory_space<semaphore_mem>>
      %dma_start3A = tpu.memref_slice %arg4[%multiple_of3A_100] : memref<2560000xf32, #tpu.memory_space<hbm>> -> memref<10000xf32, #tpu.memory_space<hbm>>
      %dma_start3A_109 = tpu.memref_slice %arg4[%multiple_of3A_100] : memref<2560000xf32, #tpu.memory_space<hbm>> -> memref<10000xf32, #tpu.memory_space<hbm>>
      tpu.enqueue_dma source(%arg15 : memref<10000xf32, #tpu.memory_space<vmem>>) target(%dma_start3A_109 : memref<10000xf32, #tpu.memory_space<hbm>>) target_semaphore(%run_scoped3A : memref<!tpu.dma_semaphore, #tpu.memory_space<semaphore_mem>>)
      %dma_wait3A = tpu.memref_slice %arg4[%multiple_of3A_100] : memref<2560000xf32, #tpu.memory_space<hbm>> -> memref<10000xf32, #tpu.memory_space<hbm>>
      %dma_wait3A_110 = tpu.memref_slice %arg4[%multiple_of3A_100] : memref<2560000xf32, #tpu.memory_space<hbm>> -> memref<10000xf32, #tpu.memory_space<hbm>>
      tpu.wait_dma2 semaphore(%run_scoped3A : memref<!tpu.dma_semaphore, #tpu.memory_space<semaphore_mem>>) src(%arg15 : memref<10000xf32, #tpu.memory_space<vmem>>) dst(%dma_wait3A_110 : memref<10000xf32, #tpu.memory_space<hbm>>)
      tpu.yield
    }) : () -> ()
    %mul3A_101 = arith.constant 64 : i32
    %mul3A_102 = arith.muli %select_n3A, %mul3A_101 : i32
    %add3A_103 = arith.addi %mul3A_102, %multiple_of3A : i32
    %add3A_104 = arith.constant 7 : i32
    %add3A_105 = arith.addi %add3A_103, %add3A_104 : i32
    %mul3A_106 = arith.constant 10000 : i32
    %mul3A_107 = arith.muli %add3A_105, %mul3A_106 : i32
    %multiple_of3A_108 = tpu.assume_multiple %mul3A_107, 8 : i32
    "tpu.region"() ({
      %run_scoped3A = tpu.sem_alloc : memref<!tpu.dma_semaphore, #tpu.memory_space<semaphore_mem>>
      %dma_start3A = tpu.memref_slice %arg4[%multiple_of3A_108] : memref<2560000xf32, #tpu.memory_space<hbm>> -> memref<10000xf32, #tpu.memory_space<hbm>>
      %dma_start3A_109 = tpu.memref_slice %arg4[%multiple_of3A_108] : memref<2560000xf32, #tpu.memory_space<hbm>> -> memref<10000xf32, #tpu.memory_space<hbm>>
      tpu.enqueue_dma source(%arg16 : memref<10000xf32, #tpu.memory_space<vmem>>) target(%dma_start3A_109 : memref<10000xf32, #tpu.memory_space<hbm>>) target_semaphore(%run_scoped3A : memref<!tpu.dma_semaphore, #tpu.memory_space<semaphore_mem>>)
      %dma_wait3A = tpu.memref_slice %arg4[%multiple_of3A_108] : memref<2560000xf32, #tpu.memory_space<hbm>> -> memref<10000xf32, #tpu.memory_space<hbm>>
      %dma_wait3A_110 = tpu.memref_slice %arg4[%multiple_of3A_108] : memref<2560000xf32, #tpu.memory_space<hbm>> -> memref<10000xf32, #tpu.memory_space<hbm>>
      tpu.wait_dma2 semaphore(%run_scoped3A : memref<!tpu.dma_semaphore, #tpu.memory_space<semaphore_mem>>) src(%arg16 : memref<10000xf32, #tpu.memory_space<vmem>>) dst(%dma_wait3A_110 : memref<10000xf32, #tpu.memory_space<hbm>>)
      tpu.yield
    }) : () -> ()
    return
  }
}

module attributes {stable_mosaic.version = 14 : i64} {
  func.func @_tc_pre_body(%arg0: memref<4x64x10000xf32, #tpu.memory_space<vmem>>, %arg1: memref<64xf32, #tpu.memory_space<vmem>>, %arg2: memref<64xf32, #tpu.memory_space<vmem>>, %arg3: memref<10000x128xf32, #tpu.memory_space<vmem>>) attributes {dimension_semantics = [], scalar_prefetch = 0 : i64, scratch_operands = 0 : i64, tpu.core_type = #tpu.core_type<tc>} {
    %get3A = arith.constant 0 : index
    %get3A_0 = arith.constant 0 : index
    %get3A_1 = arith.constant 0 : index
    %get3A_2 = vector.load %arg0[%get3A, %get3A_0, %get3A_1] : memref<4x64x10000xf32, #tpu.memory_space<vmem>>, vector<4x64x10000xf32>
    %reduce_max3A = arith.constant dense<0xFF800000> : vector<64x10000xf32>
    %reduce_max3A_3 = vector.multi_reduction <maximumf>, %get3A_2, %reduce_max3A [0] : vector<4x64x10000xf32> to vector<64x10000xf32>
    %is_finite3A = tpu.weird %reduce_max3A_3 : vector<64x10000xf32> -> vector<64x10000xi1>
    %is_finite3A_4 = arith.constant dense<true> : vector<64x10000xi1>
    %is_finite3A_5 = arith.xori %is_finite3A, %is_finite3A_4 : vector<64x10000xi1>
    %jit3A = arith.constant 0.000000e+00 : f32
    %broadcast_in_dim3A = vector.broadcast %jit3A : f32 to vector<64x10000xf32>
    %select_n3A = arith.select %is_finite3A_5, %reduce_max3A_3, %broadcast_in_dim3A : vector<64x10000xi1>, vector<64x10000xf32>
    %get3A_6 = arith.constant 0 : index
    %get3A_7 = vector.load %arg1[%get3A_6] : memref<64xf32, #tpu.memory_space<vmem>>, vector<64xf32>
    %mul3A = arith.constant 0.999994993 : f32
    %mul3A_8 = vector.broadcast %mul3A : f32 to vector<64xf32>
    %mul3A_9 = arith.mulf %get3A_7, %mul3A_8 : vector<64xf32>
    %broadcast_in_dim3A_10 = vector.shape_cast %mul3A_9 : vector<64xf32> to vector<64x1xf32>
    %mul3A_11 = vector.broadcast %broadcast_in_dim3A_10 : vector<64x1xf32> to vector<64x10000xf32>
    %mul3A_12 = arith.mulf %select_n3A, %mul3A_11 : vector<64x10000xf32>
    %get3A_13 = arith.constant 0 : index
    %get3A_14 = vector.load %arg2[%get3A_13] : memref<64xf32, #tpu.memory_space<vmem>>, vector<64xf32>
    %broadcast_in_dim3A_15 = vector.shape_cast %get3A_14 : vector<64xf32> to vector<64x1xf32>
    %add3A = vector.broadcast %broadcast_in_dim3A_15 : vector<64x1xf32> to vector<64x10000xf32>
    %add3A_16 = arith.addf %mul3A_12, %add3A : vector<64x10000xf32>
    %max3A = arith.constant 0.000000e+00 : f32
    %max3A_17 = vector.broadcast %max3A : f32 to vector<64x10000xf32>
    %max3A_18 = arith.maximumf %add3A_16, %max3A_17 : vector<64x10000xf32>
    %transpose3A = tpu.transpose %max3A_18, [1, 0] : vector<64x10000xf32> -> vector<10000x64xf32>
    %broadcast_in_dim3A_19 = arith.constant 0.000000e+00 : f32
    %broadcast_in_dim3A_20 = vector.broadcast %broadcast_in_dim3A_19 : f32 to vector<10000x64xf32>
    %concatenate3A = tpu.concatenate %transpose3A, %broadcast_in_dim3A_20 in 1 : vector<10000x64xf32>, vector<10000x64xf32> -> vector<10000x128xf32>
    %swap3A = arith.constant 0 : index
    %swap3A_21 = arith.constant 0 : index
    %swap3A_22 = vector.load %arg3[%swap3A, %swap3A_21] : memref<10000x128xf32, #tpu.memory_space<vmem>>, vector<10000x128xf32>
    tpu.vector_store %arg3[%swap3A, %swap3A_21], %concatenate3A {strides = array<i32>} : memref<10000x128xf32, #tpu.memory_space<vmem>>, vector<10000x128xf32>,
    return
  }
}

module attributes {stable_mosaic.version = 14 : i64} {
  func.func @_tc_edge_body(%arg0: i32, %arg1: memref<3200x256xf32, #tpu.memory_space<vmem>>, %arg2: memref<64x256xf32, #tpu.memory_space<vmem>>, %arg3: memref<64xf32, #tpu.memory_space<vmem>>, %arg4: memref<64x64xf32, #tpu.memory_space<vmem>>, %arg5: memref<64xf32, #tpu.memory_space<vmem>>, %arg6: memref<64x3200xf32, #tpu.memory_space<vmem>>) attributes {dimension_semantics = [#tpu.dimension_semantics<arbitrary>], iteration_bounds = array<i64: 100>, scalar_prefetch = 0 : i64, scratch_operands = 0 : i64, tpu.core_type = #tpu.core_type<tc>, window_params = [{transform_indices = @transform_0, window_bounds = array<i64: 3200, 256>}, {pipeline_mode = #tpu.pipeline_mode<synchronous>, transform_indices = @transform_1, window_bounds = array<i64: 64, 256>}, {pipeline_mode = #tpu.pipeline_mode<synchronous>, transform_indices = @transform_2, window_bounds = array<i64: 64>}, {pipeline_mode = #tpu.pipeline_mode<synchronous>, transform_indices = @transform_3, window_bounds = array<i64: 64, 64>}, {pipeline_mode = #tpu.pipeline_mode<synchronous>, transform_indices = @transform_4, window_bounds = array<i64: 64>}, {transform_indices = @transform_5, window_bounds = array<i64: 64, 3200>}]} {
    %get3A = arith.constant 0 : index
    %get3A_0 = arith.constant 0 : index
    %get3A_1 = vector.load %arg1[%get3A, %get3A_0] : memref<3200x256xf32, #tpu.memory_space<vmem>>, vector<3200x256xf32>
    %get3A_2 = arith.constant 0 : index
    %get3A_3 = arith.constant 0 : index
    %get3A_4 = vector.load %arg2[%get3A_2, %get3A_3] : memref<64x256xf32, #tpu.memory_space<vmem>>, vector<64x256xf32>
    %dot_general3A = arith.constant dense<0.000000e+00> : vector<64x3200xf32>
    %dot_general3A_5 = tpu.matmul %get3A_4, %get3A_1, %dot_general3A {dimension_numbers = #tpu.dot_dimension_numbers<[1], [1], [0], [0], [0, 0, 1, 0], [], []>, transpose_lhs_hint = false} : vector<64x256xf32>, vector<3200x256xf32>, vector<64x3200xf32> -> vector<64x3200xf32>
    %get3A_6 = arith.constant 0 : index
    %get3A_7 = vector.load %arg3[%get3A_6] : memref<64xf32, #tpu.memory_space<vmem>>, vector<64xf32>
    %broadcast_in_dim3A = vector.shape_cast %get3A_7 : vector<64xf32> to vector<64x1xf32>
    %add3A = vector.broadcast %broadcast_in_dim3A : vector<64x1xf32> to vector<64x3200xf32>
    %add3A_8 = arith.addf %dot_general3A_5, %add3A : vector<64x3200xf32>
    %max3A = arith.constant 0.000000e+00 : f32
    %max3A_9 = vector.broadcast %max3A : f32 to vector<64x3200xf32>
    %max3A_10 = arith.maximumf %add3A_8, %max3A_9 : vector<64x3200xf32>
    %get3A_11 = arith.constant 0 : index
    %get3A_12 = arith.constant 0 : index
    %get3A_13 = vector.load %arg4[%get3A_11, %get3A_12] : memref<64x64xf32, #tpu.memory_space<vmem>>, vector<64x64xf32>
    %dot_general3A_14 = arith.constant dense<0.000000e+00> : vector<64x3200xf32>
    %dot_general3A_15 = tpu.matmul %get3A_13, %max3A_10, %dot_general3A_14 {dimension_numbers = #tpu.dot_dimension_numbers<[1], [0], [0], [1], [0, 0, 1, 1], [], []>, transpose_lhs_hint = false} : vector<64x64xf32>, vector<64x3200xf32>, vector<64x3200xf32> -> vector<64x3200xf32>
    %get3A_16 = arith.constant 0 : index
    %get3A_17 = vector.load %arg5[%get3A_16] : memref<64xf32, #tpu.memory_space<vmem>>, vector<64xf32>
    %broadcast_in_dim3A_18 = vector.shape_cast %get3A_17 : vector<64xf32> to vector<64x1xf32>
    %add3A_19 = vector.broadcast %broadcast_in_dim3A_18 : vector<64x1xf32> to vector<64x3200xf32>
    %add3A_20 = arith.addf %dot_general3A_15, %add3A_19 : vector<64x3200xf32>
    %swap3A = arith.constant 0 : index
    %swap3A_21 = arith.constant 0 : index
    %swap3A_22 = vector.load %arg6[%swap3A, %swap3A_21] : memref<64x3200xf32, #tpu.memory_space<vmem>>, vector<64x3200xf32>
    tpu.vector_store %arg6[%swap3A, %swap3A_21], %add3A_20 {strides = array<i32>} : memref<64x3200xf32, #tpu.memory_space<vmem>>, vector<64x3200xf32>,
    return
  }
  func.func @transform_0(%arg0: i32) -> (i32, i32) {
    %c0_i32 = arith.constant 0 : i32
    %c0_i32_0 = arith.constant 0 : i32
    return %arg0, %c0_i32 : i32, i32
  }
  func.func @transform_1(%arg0: i32) -> (i32, i32) {
    %c0_i32 = arith.constant 0 : i32
    %c0_i32_0 = arith.constant 0 : i32
    %c0_i32_1 = arith.constant 0 : i32
    return %c0_i32, %c0_i32_0 : i32, i32
  }
  func.func @transform_2(%arg0: i32) -> i32 {
    %c0_i32 = arith.constant 0 : i32
    %c0_i32_0 = arith.constant 0 : i32
    return %c0_i32 : i32
  }
  func.func @transform_3(%arg0: i32) -> (i32, i32) {
    %c0_i32 = arith.constant 0 : i32
    %c0_i32_0 = arith.constant 0 : i32
    %c0_i32_1 = arith.constant 0 : i32
    return %c0_i32, %c0_i32_0 : i32, i32
  }
  func.func @transform_4(%arg0: i32) -> i32 {
    %c0_i32 = arith.constant 0 : i32
    %c0_i32_0 = arith.constant 0 : i32
    return %c0_i32 : i32
  }
  func.func @transform_5(%arg0: i32) -> (i32, i32) {
    %c0_i32 = arith.constant 0 : i32
    %c0_i32_0 = arith.constant 0 : i32
    return %c0_i32, %arg0 : i32, i32
  }
}

module attributes {stable_mosaic.version = 14 : i64} {
  func.func @_tc_edge_body(%arg0: i32, %arg1: memref<3200x128xf32, #tpu.memory_space<vmem>>, %arg2: memref<64x128xf32, #tpu.memory_space<vmem>>, %arg3: memref<64xf32, #tpu.memory_space<vmem>>, %arg4: memref<64x64xf32, #tpu.memory_space<vmem>>, %arg5: memref<64xf32, #tpu.memory_space<vmem>>, %arg6: memref<64x3200xf32, #tpu.memory_space<vmem>>) attributes {dimension_semantics = [#tpu.dimension_semantics<arbitrary>], iteration_bounds = array<i64: 100>, scalar_prefetch = 0 : i64, scratch_operands = 0 : i64, tpu.core_type = #tpu.core_type<tc>, window_params = [{transform_indices = @transform_0, window_bounds = array<i64: 3200, 128>}, {pipeline_mode = #tpu.pipeline_mode<synchronous>, transform_indices = @transform_1, window_bounds = array<i64: 64, 128>}, {pipeline_mode = #tpu.pipeline_mode<synchronous>, transform_indices = @transform_2, window_bounds = array<i64: 64>}, {pipeline_mode = #tpu.pipeline_mode<synchronous>, transform_indices = @transform_3, window_bounds = array<i64: 64, 64>}, {pipeline_mode = #tpu.pipeline_mode<synchronous>, transform_indices = @transform_4, window_bounds = array<i64: 64>}, {transform_indices = @transform_5, window_bounds = array<i64: 64, 3200>}]} {
    %get3A = arith.constant 0 : index
    %get3A_0 = arith.constant 0 : index
    %get3A_1 = vector.load %arg1[%get3A, %get3A_0] : memref<3200x128xf32, #tpu.memory_space<vmem>>, vector<3200x128xf32>
    %get3A_2 = arith.constant 0 : index
    %get3A_3 = arith.constant 0 : index
    %get3A_4 = vector.load %arg2[%get3A_2, %get3A_3] : memref<64x128xf32, #tpu.memory_space<vmem>>, vector<64x128xf32>
    %dot_general3A = arith.constant dense<0.000000e+00> : vector<64x3200xf32>
    %dot_general3A_5 = tpu.matmul %get3A_4, %get3A_1, %dot_general3A {dimension_numbers = #tpu.dot_dimension_numbers<[1], [1], [0], [0], [0, 0, 1, 0], [], []>, transpose_lhs_hint = false} : vector<64x128xf32>, vector<3200x128xf32>, vector<64x3200xf32> -> vector<64x3200xf32>
    %get3A_6 = arith.constant 0 : index
    %get3A_7 = vector.load %arg3[%get3A_6] : memref<64xf32, #tpu.memory_space<vmem>>, vector<64xf32>
    %broadcast_in_dim3A = vector.shape_cast %get3A_7 : vector<64xf32> to vector<64x1xf32>
    %add3A = vector.broadcast %broadcast_in_dim3A : vector<64x1xf32> to vector<64x3200xf32>
    %add3A_8 = arith.addf %dot_general3A_5, %add3A : vector<64x3200xf32>
    %max3A = arith.constant 0.000000e+00 : f32
    %max3A_9 = vector.broadcast %max3A : f32 to vector<64x3200xf32>
    %max3A_10 = arith.maximumf %add3A_8, %max3A_9 : vector<64x3200xf32>
    %get3A_11 = arith.constant 0 : index
    %get3A_12 = arith.constant 0 : index
    %get3A_13 = vector.load %arg4[%get3A_11, %get3A_12] : memref<64x64xf32, #tpu.memory_space<vmem>>, vector<64x64xf32>
    %dot_general3A_14 = arith.constant dense<0.000000e+00> : vector<64x3200xf32>
    %dot_general3A_15 = tpu.matmul %get3A_13, %max3A_10, %dot_general3A_14 {dimension_numbers = #tpu.dot_dimension_numbers<[1], [0], [0], [1], [0, 0, 1, 1], [], []>, transpose_lhs_hint = false} : vector<64x64xf32>, vector<64x3200xf32>, vector<64x3200xf32> -> vector<64x3200xf32>
    %get3A_16 = arith.constant 0 : index
    %get3A_17 = vector.load %arg5[%get3A_16] : memref<64xf32, #tpu.memory_space<vmem>>, vector<64xf32>
    %broadcast_in_dim3A_18 = vector.shape_cast %get3A_17 : vector<64xf32> to vector<64x1xf32>
    %add3A_19 = vector.broadcast %broadcast_in_dim3A_18 : vector<64x1xf32> to vector<64x3200xf32>
    %add3A_20 = arith.addf %dot_general3A_15, %add3A_19 : vector<64x3200xf32>
    %swap3A = arith.constant 0 : index
    %swap3A_21 = arith.constant 0 : index
    %swap3A_22 = vector.load %arg6[%swap3A, %swap3A_21] : memref<64x3200xf32, #tpu.memory_space<vmem>>, vector<64x3200xf32>
    tpu.vector_store %arg6[%swap3A, %swap3A_21], %add3A_20 {strides = array<i32>} : memref<64x3200xf32, #tpu.memory_space<vmem>>, vector<64x3200xf32>,
    return
  }
  func.func @transform_0(%arg0: i32) -> (i32, i32) {
    %c0_i32 = arith.constant 0 : i32
    %c0_i32_0 = arith.constant 0 : i32
    return %arg0, %c0_i32 : i32, i32
  }
  func.func @transform_1(%arg0: i32) -> (i32, i32) {
    %c0_i32 = arith.constant 0 : i32
    %c0_i32_0 = arith.constant 0 : i32
    %c0_i32_1 = arith.constant 0 : i32
    return %c0_i32, %c0_i32_0 : i32, i32
  }
  func.func @transform_2(%arg0: i32) -> i32 {
    %c0_i32 = arith.constant 0 : i32
    %c0_i32_0 = arith.constant 0 : i32
    return %c0_i32 : i32
  }
  func.func @transform_3(%arg0: i32) -> (i32, i32) {
    %c0_i32 = arith.constant 0 : i32
    %c0_i32_0 = arith.constant 0 : i32
    %c0_i32_1 = arith.constant 0 : i32
    return %c0_i32, %c0_i32_0 : i32, i32
  }
  func.func @transform_4(%arg0: i32) -> i32 {
    %c0_i32 = arith.constant 0 : i32
    %c0_i32_0 = arith.constant 0 : i32
    return %c0_i32 : i32
  }
  func.func @transform_5(%arg0: i32) -> (i32, i32) {
    %c0_i32 = arith.constant 0 : i32
    %c0_i32_0 = arith.constant 0 : i32
    return %c0_i32, %arg0 : i32, i32
  }
}

module attributes {stable_mosaic.version = 14 : i64} {
  func.func @_tc_head_body(%arg0: memref<4x64x10000xf32, #tpu.memory_space<vmem>>, %arg1: memref<64xf32, #tpu.memory_space<vmem>>, %arg2: memref<64xf32, #tpu.memory_space<vmem>>, %arg3: memref<64x64xf32, #tpu.memory_space<vmem>>, %arg4: memref<64xf32, #tpu.memory_space<vmem>>, %arg5: memref<32x64xf32, #tpu.memory_space<vmem>>, %arg6: memref<32xf32, #tpu.memory_space<vmem>>, %arg7: memref<16x32xf32, #tpu.memory_space<vmem>>, %arg8: memref<16xf32, #tpu.memory_space<vmem>>, %arg9: memref<8x16xf32, #tpu.memory_space<vmem>>, %arg10: memref<8xf32, #tpu.memory_space<vmem>>, %arg11: memref<10000x8xf32, #tpu.memory_space<vmem>>) attributes {dimension_semantics = [], scalar_prefetch = 0 : i64, scratch_operands = 0 : i64, tpu.core_type = #tpu.core_type<tc>} {
    %get3A = arith.constant 0 : index
    %get3A_0 = arith.constant 0 : index
    %get3A_1 = arith.constant 0 : index
    %get3A_2 = vector.load %arg0[%get3A, %get3A_0, %get3A_1] : memref<4x64x10000xf32, #tpu.memory_space<vmem>>, vector<4x64x10000xf32>
    %reduce_max3A = arith.constant dense<0xFF800000> : vector<64x10000xf32>
    %reduce_max3A_3 = vector.multi_reduction <maximumf>, %get3A_2, %reduce_max3A [0] : vector<4x64x10000xf32> to vector<64x10000xf32>
    %is_finite3A = tpu.weird %reduce_max3A_3 : vector<64x10000xf32> -> vector<64x10000xi1>
    %is_finite3A_4 = arith.constant dense<true> : vector<64x10000xi1>
    %is_finite3A_5 = arith.xori %is_finite3A, %is_finite3A_4 : vector<64x10000xi1>
    %jit3A = arith.constant 0.000000e+00 : f32
    %broadcast_in_dim3A = vector.broadcast %jit3A : f32 to vector<64x10000xf32>
    %select_n3A = arith.select %is_finite3A_5, %reduce_max3A_3, %broadcast_in_dim3A : vector<64x10000xi1>, vector<64x10000xf32>
    %get3A_6 = arith.constant 0 : index
    %get3A_7 = vector.load %arg1[%get3A_6] : memref<64xf32, #tpu.memory_space<vmem>>, vector<64xf32>
    %mul3A = arith.constant 0.999994993 : f32
    %mul3A_8 = vector.broadcast %mul3A : f32 to vector<64xf32>
    %mul3A_9 = arith.mulf %get3A_7, %mul3A_8 : vector<64xf32>
    %broadcast_in_dim3A_10 = vector.shape_cast %mul3A_9 : vector<64xf32> to vector<64x1xf32>
    %mul3A_11 = vector.broadcast %broadcast_in_dim3A_10 : vector<64x1xf32> to vector<64x10000xf32>
    %mul3A_12 = arith.mulf %select_n3A, %mul3A_11 : vector<64x10000xf32>
    %get3A_13 = arith.constant 0 : index
    %get3A_14 = vector.load %arg2[%get3A_13] : memref<64xf32, #tpu.memory_space<vmem>>, vector<64xf32>
    %broadcast_in_dim3A_15 = vector.shape_cast %get3A_14 : vector<64xf32> to vector<64x1xf32>
    %add3A = vector.broadcast %broadcast_in_dim3A_15 : vector<64x1xf32> to vector<64x10000xf32>
    %add3A_16 = arith.addf %mul3A_12, %add3A : vector<64x10000xf32>
    %max3A = arith.constant 0.000000e+00 : f32
    %max3A_17 = vector.broadcast %max3A : f32 to vector<64x10000xf32>
    %max3A_18 = arith.maximumf %add3A_16, %max3A_17 : vector<64x10000xf32>
    %get3A_19 = arith.constant 0 : index
    %get3A_20 = arith.constant 0 : index
    %get3A_21 = vector.load %arg3[%get3A_19, %get3A_20] : memref<64x64xf32, #tpu.memory_space<vmem>>, vector<64x64xf32>
    %dot_general3A = arith.constant dense<0.000000e+00> : vector<64x10000xf32>
    %dot_general3A_22 = tpu.matmul %get3A_21, %max3A_18, %dot_general3A {dimension_numbers = #tpu.dot_dimension_numbers<[1], [0], [0], [1], [0, 0, 1, 1], [], []>, transpose_lhs_hint = false} : vector<64x64xf32>, vector<64x10000xf32>, vector<64x10000xf32> -> vector<64x10000xf32>
    %get3A_23 = arith.constant 0 : index
    %get3A_24 = vector.load %arg4[%get3A_23] : memref<64xf32, #tpu.memory_space<vmem>>, vector<64xf32>
    %broadcast_in_dim3A_25 = vector.shape_cast %get3A_24 : vector<64xf32> to vector<64x1xf32>
    %add3A_26 = vector.broadcast %broadcast_in_dim3A_25 : vector<64x1xf32> to vector<64x10000xf32>
    %add3A_27 = arith.addf %dot_general3A_22, %add3A_26 : vector<64x10000xf32>
    %max3A_28 = arith.constant 0.000000e+00 : f32
    %max3A_29 = vector.broadcast %max3A_28 : f32 to vector<64x10000xf32>
    %max3A_30 = arith.maximumf %add3A_27, %max3A_29 : vector<64x10000xf32>
    %get3A_31 = arith.constant 0 : index
    %get3A_32 = arith.constant 0 : index
    %get3A_33 = vector.load %arg5[%get3A_31, %get3A_32] : memref<32x64xf32, #tpu.memory_space<vmem>>, vector<32x64xf32>
    %dot_general3A_34 = arith.constant dense<0.000000e+00> : vector<32x10000xf32>
    %dot_general3A_35 = tpu.matmul %get3A_33, %max3A_30, %dot_general3A_34 {dimension_numbers = #tpu.dot_dimension_numbers<[1], [0], [0], [1], [0, 0, 1, 1], [], []>, transpose_lhs_hint = false} : vector<32x64xf32>, vector<64x10000xf32>, vector<32x10000xf32> -> vector<32x10000xf32>
    %get3A_36 = arith.constant 0 : index
    %get3A_37 = vector.load %arg6[%get3A_36] : memref<32xf32, #tpu.memory_space<vmem>>, vector<32xf32>
    %broadcast_in_dim3A_38 = vector.shape_cast %get3A_37 : vector<32xf32> to vector<32x1xf32>
    %add3A_39 = vector.broadcast %broadcast_in_dim3A_38 : vector<32x1xf32> to vector<32x10000xf32>
    %add3A_40 = arith.addf %dot_general3A_35, %add3A_39 : vector<32x10000xf32>
    %max3A_41 = arith.constant 0.000000e+00 : f32
    %max3A_42 = vector.broadcast %max3A_41 : f32 to vector<32x10000xf32>
    %max3A_43 = arith.maximumf %add3A_40, %max3A_42 : vector<32x10000xf32>
    %get3A_44 = arith.constant 0 : index
    %get3A_45 = arith.constant 0 : index
    %get3A_46 = vector.load %arg7[%get3A_44, %get3A_45] : memref<16x32xf32, #tpu.memory_space<vmem>>, vector<16x32xf32>
    %dot_general3A_47 = arith.constant dense<0.000000e+00> : vector<16x10000xf32>
    %dot_general3A_48 = tpu.matmul %get3A_46, %max3A_43, %dot_general3A_47 {dimension_numbers = #tpu.dot_dimension_numbers<[1], [0], [0], [1], [0, 0, 1, 1], [], []>, transpose_lhs_hint = false} : vector<16x32xf32>, vector<32x10000xf32>, vector<16x10000xf32> -> vector<16x10000xf32>
    %get3A_49 = arith.constant 0 : index
    %get3A_50 = vector.load %arg8[%get3A_49] : memref<16xf32, #tpu.memory_space<vmem>>, vector<16xf32>
    %broadcast_in_dim3A_51 = vector.shape_cast %get3A_50 : vector<16xf32> to vector<16x1xf32>
    %add3A_52 = vector.broadcast %broadcast_in_dim3A_51 : vector<16x1xf32> to vector<16x10000xf32>
    %add3A_53 = arith.addf %dot_general3A_48, %add3A_52 : vector<16x10000xf32>
    %max3A_54 = arith.constant 0.000000e+00 : f32
    %max3A_55 = vector.broadcast %max3A_54 : f32 to vector<16x10000xf32>
    %max3A_56 = arith.maximumf %add3A_53, %max3A_55 : vector<16x10000xf32>
    %get3A_57 = arith.constant 0 : index
    %get3A_58 = arith.constant 0 : index
    %get3A_59 = vector.load %arg9[%get3A_57, %get3A_58] : memref<8x16xf32, #tpu.memory_space<vmem>>, vector<8x16xf32>
    %dot_general3A_60 = arith.constant dense<0.000000e+00> : vector<10000x8xf32>
    %dot_general3A_61 = tpu.matmul %max3A_56, %get3A_59, %dot_general3A_60 {dimension_numbers = #tpu.dot_dimension_numbers<[0], [1], [1], [0], [0, 1, 1, 0], [], []>, transpose_lhs_hint = false} : vector<16x10000xf32>, vector<8x16xf32>, vector<10000x8xf32> -> vector<10000x8xf32>
    %get3A_62 = arith.constant 0 : index
    %get3A_63 = vector.load %arg10[%get3A_62] : memref<8xf32, #tpu.memory_space<vmem>>, vector<8xf32>
    %broadcast_in_dim3A_64 = vector.shape_cast %get3A_63 : vector<8xf32> to vector<1x8xf32>
    %add3A_65 = vector.broadcast %broadcast_in_dim3A_64 : vector<1x8xf32> to vector<10000x8xf32>
    %add3A_66 = arith.addf %dot_general3A_61, %add3A_65 : vector<10000x8xf32>
    %swap3A = arith.constant 0 : index
    %swap3A_67 = arith.constant 0 : index
    %swap3A_68 = vector.load %arg11[%swap3A, %swap3A_67] : memref<10000x8xf32, #tpu.memory_space<vmem>>, vector<10000x8xf32>
    tpu.vector_store %arg11[%swap3A, %swap3A_67], %add3A_66 {strides = array<i32>} : memref<10000x8xf32, #tpu.memory_space<vmem>>, vector<10000x8xf32>,
    return
  }
}

</mosaic_0001>

<sc_bundles>
// kernel: kernel.14.cloned.1.call-start
scs
__scs_entry_jumppad:
0x0: {  	(pc) =	sbr.rel $0x88, $3  }
0x1: {  	(tag) =	ssettag $0x0;
	lr =	simm.s32 $0x1  }
0x2: {  	[smem:$0x3F85] =	sst lr;
	_ =	strace $0xD0000000  }
0x3: {  	_ = 	snop  }
0x4: {  	_ = 	snop  }
0x5: {  	_ = 	snop  }
0x6: {  	_ = 	snop  }
0x7: {  	_ = 	snop  }
__scs_overlays_trampoline_lowered:
0x8: {  	[smem:$0x3F94] =	sst s0  }
0x9: {  	[smem:$0x3F95] =	sst s1  }
0xa: {  	[smem:$0x3F96] =	sst s2  }
0xb: {  	[smem:$0x3F97] =	sst s3  }
0xc: {  	[smem:$0x3F98] =	sst s4  }
0xd: {  	[smem:$0x3F99] =	sst s5  }
0xe: {  	[smem:$0x3F9A] =	sst s6  }
0xf: {  	[smem:$0x3F9B] =	sst s7  }
0x10: {  	[smem:$0x3F9C] =	sst s8  }
0x11: {  	[smem:$0x3F9D] =	sst s9;
	s0 =	simm.s32 @!p0 $0x0  }
0x12: {  	s1 =	sld [smem:$0x3F83];
	s0 =	simm.s32 @p0 $0x1  }
0x13: {  	[smem:$0x3F9E] =	sst s0;
	s0 =	simm.s32 @!p1 $0x0  }
0x14: {  	s2 =	sld [smem:$0x3F82];
	s0 =	simm.s32 @p1 $0x1  }
0x15: {  	[smem:$0x3F9F] =	sst s0;
	s0 =	simm.s32 @!p2 $0x0  }
0x16: {  	s3 =	sld [smem:$0x3FDB];
	s0 =	simm.s32 @p2 $0x1  }
0x17: {  	s4 =	simm.s32 $0x1BF5;
	[smem:$0x3FA1] =	sst s0  }
0x18: {  	s0 =	sld [smem:$0x3F84];
	_ =	swait.ge [sflag:s4], $0x0  }
0x19: {  	s7 =	sld [smem:$0x3F85]  }
0x1a: {  	s8 =	sadd.s32 $0xFFFFE003, lr  }
0x1b: {  	s9 =	sadd.s32 $0xFFFFFEF7, lr;
	s5 =	simm.s32 $0xFFFFFFFF;
	p2 =	slt.u32 s8, $0xFFFFF086  }
0x1c: {  	p1 =	slt.u32 s9, $0xF7A;
	s5 =	simm.s32 @!p2 $0x0  }
0x1d: {  	s5 =	simm.s32 @p1 $0x1;
	p0 =	seq.s32 s7, s2  }
0x1e: {  	s7 =	smul.u32 @!p0 $0xF7A, s2;
	p2 =	seq.s32 @!p0 s5, $0x0  }
0x1f: {  	s9 =	smul.u32 $0xF7A, s1;
	s8 =	simm.s32 @!p0 $0x1BF5;
	p2 =	por !p2, p0  }
0x20: {  	[sflag:s8] =	ssyncset.s32 @!p0 $0xFFFFF086;
	s6 =	sadd.s32 @!p0 s3, s7;
	s7 =	simm.s32 @!p0 $0x108  }
0x21: {  	s3 =	sadd.s32 s3, s9;
	s6 =	sadd.s32 @!p0 $0x88, s6;
	s7 =	simm.s32 @p2 $0x1082  }
0x22: {  	[simem:s7], [sflag:s8] =	dma.local @!p0 [hbm:s6], $0xF7A  }
0x23: {  	s9 =	sor.u32 $0xD0000000, s2;
	s6 =	simm.s32 $0x108;
	_ =	swait.ge @!p0 [sflag:s8], $0x0  }
0x24: {  	s3 =	sadd.s32 $0x88, s3;
	s6 =	simm.s32 @!p1 $0x1082;
	[sflag:s4] =	ssyncset.s32 $0xFFFFF086  }
0x25: {  	[simem:s6], [sflag:s4] =	dma.local [hbm:s3], $0xF7A  }
0x26: {  	[smem:$0x3F85] =	sst s1;
	(tag) =	ssettag s2;
	_ =	strace s9  }
0x27: {  	s1 =	sld [smem:$0x3F95]  }
0x28: {  	s2 =	sld [smem:$0x3F96]  }
0x29: {  	s4 =	sld [smem:$0x3F98]  }
0x2a: {  	p0 =	seq.s32 s5, $0x0;
	s5 =	sld [smem:$0x3F99]  }
0x2b: {  	s6 =	sld [smem:$0x3F9A]  }
0x2c: {  	s7 =	sld [smem:$0x3F9B]  }
0x2d: {  	s3 =	simm.s32 $0x108;
	s8 =	sld [smem:$0x3F9C]  }
0x2e: {  	s3 =	simm.s32 @!p0 $0x1082;
	s9 =	sld [smem:$0x3F9D]  }
0x2f: {  	lr =	sadd.s32 s0, s3;
	s0 =	sld [smem:$0x3F94]  }
0x30: {  	s3 =	sld [smem:$0x3F97]  }
0x31: {  	[smem:$0x3FA0] =	sst s10  }
0x32: {  	s10 =	sld [smem:$0x3F9E];
	_ =	sdelay $0x3  }
0x33: {  	p0 =	seq.s32 s10, $0x1;
	s10 =	sld [smem:$0x3FA0];
	_ =	sdelay $0x3  }
0x34: {  	[smem:$0x3FA0] =	sst s10  }
0x35: {  	s10 =	sld [smem:$0x3F9F];
	_ =	sdelay $0x3  }
0x36: {  	p1 =	seq.s32 s10, $0x1;
	s10 =	sld [smem:$0x3FA0];
	_ =	sdelay $0x3  }
0x37: {  	[smem:$0x3FA0] =	sst s10  }
0x38: {  	s10 =	sld [smem:$0x3FA1]  }
0x39: {  	_ = 	snop;
	(pc) =	sbr.ind lr, $3  }
0x3a: {  	_ = 	snop  }
0x3b: {  	_ = 	snop  }
0x3c: {  	p2 =	seq.s32 s10, $0x1;
	s10 =	sld [smem:$0x3FA0]  }
0x3d: {  	_ =	shalt  }
0x3e: {  	_ =	shalt  }
0x3f: {  	_ =	shalt  }
0x40: {  	_ =	shalt  }
0x41: {  	_ =	shalt  }
0x42: {  	_ =	shalt  }
0x43: {  	_ =	shalt  }
0x44: {  	_ =	shalt  }
0x45: {  	_ =	shalt  }
0x46: {  	_ =	shalt  }
0x47: {  	_ =	shalt  }
0x48: {  	_ =	shalt  }
0x49: {  	_ =	shalt  }
0x4a: {  	_ =	shalt  }
0x4b: {  	_ =	shalt  }
0x4c: {  	_ =	shalt  }
0x4d: {  	_ =	shalt  }
0x4e: {  	_ =	shalt  }
0x4f: {  	_ =	shalt  }
0x50: {  	_ =	shalt  }
0x51: {  	_ =	shalt  }
0x52: {  	_ =	shalt  }
0x53: {  	_ =	shalt  }
0x54: {  	_ =	shalt  }
0x55: {  	_ =	shalt  }
0x56: {  	_ =	shalt  }
0x57: {  	_ =	shalt  }
0x58: {  	_ =	shalt  }
0x59: {  	_ =	shalt  }
0x5a: {  	_ =	shalt  }
0x5b: {  	_ =	shalt  }
0x5c: {  	_ =	shalt  }
0x5d: {  	_ =	shalt  }
0x5e: {  	_ =	shalt  }
0x5f: {  	_ =	shalt  }
0x60: {  	_ =	shalt  }
0x61: {  	_ =	shalt  }
0x62: {  	_ =	shalt  }
0x63: {  	_ =	shalt  }
0x64: {  	_ =	shalt  }
0x65: {  	_ =	shalt  }
0x66: {  	_ =	shalt  }
0x67: {  	_ =	shalt  }
0x68: {  	_ =	shalt  }
0x69: {  	_ =	shalt  }
0x6a: {  	_ =	shalt  }
0x6b: {  	_ =	shalt  }
0x6c: {  	_ =	shalt  }
0x6d: {  	_ =	shalt  }
0x6e: {  	_ =	shalt  }
0x6f: {  	_ =	shalt  }
0x70: {  	_ =	shalt  }
0x71: {  	_ =	shalt  }
0x72: {  	_ =	shalt  }
0x73: {  	_ =	shalt  }
0x74: {  	_ =	shalt  }
0x75: {  	_ =	shalt  }
0x76: {  	_ =	shalt  }
0x77: {  	_ =	shalt  }
0x78: {  	_ =	shalt  }
0x79: {  	_ =	shalt  }
0x7a: {  	_ =	shalt  }
0x7b: {  	_ =	shalt  }
0x7c: {  	_ =	shalt  }
0x7d: {  	_ =	shalt  }
0x7e: {  	_ =	shalt  }
0x7f: {  	_ =	shalt  }
0x80: {  	_ =	shalt  }
0x81: {  	_ =	shalt  }
0x82: {  	_ =	shalt  }
0x83: {  	_ =	shalt  }
0x84: {  	_ =	shalt  }
0x85: {  	_ =	shalt  }
0x86: {  	_ =	shalt  }
0x87: {  	_ =	shalt  }
.Lfunc_end0:
.L_simem_size_0:
called_computation_lowered:
.L_overlay_start_0:
0x88: {  	s2 =	sld [smem:$0x3FD9]  }
0x89: {  	s3 =	sld [smem:$0x3FFE];
	_ =	sdelay $0x1  }
0x8a: {  	s1 =	srdreg.scid  }
0x8b: {  	s0 =	sand.u32 $0x1, s1  }
0x8c: {  	s17 =	sshll.u32 s0, $0xA;
	s2 =	sadd.s32 s3, s2  }
0x8d: {  	s2 =	sadd.s32 s2, s17  }
0x8e: {  	[smem:$0x3FAC] =	sst s2  }
0x8f: {  	_ = 	snop  }
0x90: {  	s2 =	sld [smem:$0x3FC9];
	(tm) =	ssettm $0x1  }
0x91: {  	s18 =	sld [smem:$0x3FFB];
	_ =	sdelay $0x3  }
0x92: {  	_ =	strace s18  }
0x93: {  	s3 =	sld [smem:$0x3FFC];
	_ =	sdelay $0x3  }
0x94: {  	_ =	strace s3  }
0x95: {  	s3 =	sld [smem:$0x3FFD];
	_ =	sdelay $0x3  }
0x96: {  	_ =	strace s3  }
0x97: {  	_ =	strace $0x8FFFFFFF  }
0x98: {  	s19 =	sld [smem:$0x3FDB];
	_ =	sdelay $0x1  }
0x99: {  	s4 =	simm.s32 $_scs_section_size  }
0x9a: {  	s5 =	simm.s32 $_size__tile_overlayer_lowered;
	s6 =	simm.s32 $_tile_overlayer_lowered  }
0x9b: {  	s22 =	simm.s32 $0x1BFF;
	s21 =	sshll.u32 s6, $0x1;
	s3 =	sadd.s32 s4, s19  }
0x9c: {  	s7 =	simm.s32 $0x0;
	s20 =	sshll.u32 s5, $0x1;
	s5 =	sadd.s32 s21, s3  }
0x9d: {  	[timem:s7], [sflag:s22] =	dma.local [hbm:s5], s20  }
0x9e: {  	_ =	swait.ge [sflag:s22], s20  }
0x9f: {  	s4 =	ssub.s32 $0x0, s20;
	[sflag:s22] =	ssyncset.done $0x0  }
0xa0: {  	[sflag:s22] =	ssyncadd.s32 s4;
	_ =	sdelay $0x1  }
0xa1: {  	s23 =	simm.s32 $0x1B8B  }
0xa2: {  	_ =	swait.ge [sflag:s23], $0x1  }
0xa3: {  	[sflag:s23] =	ssyncset.done $0x0  }
0xa4: {  	s25 =	simm.s32 $0x1B8E;
	s24 =	sld [smem:$0x3FFE];
	[sflag:s23] =	ssyncadd.s32 $0xFFFFFFFF  }
0xa5: {  	s26 =	simm.s32 $execute0_lowered;
	[smem:$0x3FD2] =	sst s25  }
0xa6: {  	s5 =	sshll.u32 s26, $0x1;
	_ =	strace $0x80000046;
	[dreg:$0x1] =	wrdreg $0xFFFFFFFF  }
0xa7: {  	s28 =	simm.s32 $_size_execute0_lowered;
	s3 =	sadd.s32 s3, s5;
	[dreg:$0x0] =	wrdreg $0x0  }
0xa8: {  	s5 =	sshll.u32 s28, $0x1;
	[dreg:$0x2] =	wrdreg s3  }
0xa9: {  	[dreg:$0x3] =	wrdreg s5  }
0xaa: {  	[dreg:$0x4] =	wrdreg $0xC0  }
0xab: {  	_ =	task [dreg:s7], $0x5FFFF  }
0xac: {  	[dreg:$0x1] =	wrdreg $0xFFFFFFFF  }
0xad: {  	[dreg:$0x0] =	wrdreg $0x60  }
0xae: {  	[dreg:$0x2] =	wrdreg s24  }
0xaf: {  	[dreg:$0x3] =	wrdreg s2  }
0xb0: {  	[dreg:$0x4] =	wrdreg $0x9  }
0xb1: {  	_ =	task.clear_ibuf [dreg:s7], $0x5FFFF;
	_ =	strace $0x90000046  }
0xb2: {  	s29 =	simm.s32 $0x9;
	_ =	strace $0x80000048  }
0xb3: {  	_ =	swait.ge [sflag:s29], $0x1  }
0xb4: {  	[sflag:s29] =	ssyncadd.s32 $0xFFFFFFFF  }
0xb5: {  	_ =	strace $0x90000048  }
0xb6: {  	_ =	sfence  }
0xb7: {  	s30 =	sld [smem:$0x0];
	_ =	sdelay $0x2  }
0xb8: {  	s31 =	sshll.u32 s1, $0xD;
	s1 =	sshrl.u32 s1, $0x2  }
0xb9: {  	s3 =	sand.u32 $0x4000, s31;
	s1 =	sadd.s32 s1, s30  }
0xba: {  	s0 =	sor.u32 s3, s0;
	s1 =	sshll.u32 s1, $0x11  }
0xbb: {  	s0 =	sor.u32 s1, s0  }
0xbc: {  	s0 =	sadd.s32 $0x8F2B, s0  }
0xbd: {  	[sflag:s0] =	ssyncadd.remote.s32 $0x1  }
0xbe: {  	_ =	sfence.sel $0xFFFF  }
0xbf: {  	[dreg:$0x0] =	wrdreg $0xFFFFFFFF;
	(pc) =	sbr.abs _section_cstart, $3  }
0xc0: {  	[dreg:$0x1] =	wrdreg $0xFFFFFFFF  }
0xc1: {  	_ =	task.clear_ibuf [dreg:s7], $0x2FFFF;
	_ =	strace $0x9FFFFFFF  }
0xc2: {  	(tm) =	ssettm $0x7FFFFFFF  }
0xc3: {  	_ =	shalt  }
tec
execute0_lowered:
.L_overlay_start_1:
0x0: {  	(tag) =	ssettag $0x1  }
0x1: {  	s6 =	rddreg [dreg:$0x0]  }
0x2: {  	s1 =	rddreg [dreg:$0x1]  }
0x3: {  	s0 =	rddreg [dreg:$0x2];
	s2 =	simm.s32 $0x0  }
0x4: {  	s3 =	srdreg.scid;
	s11 =	simm.s32 $0xC8;
	s12 =	simm.s32 $0x200  }
0x5: {  	s13 =	simm.s32 $0x6600;
	s14 =	simm.s32 $0x1;
	s15 =	simm.s32 $0x2  }
0x6: {  	s16 =	simm.s32 $0xCA00;
	s17 =	simm.s32 $0x0;
	[smem:$0x7FF] =	sst s2  }
0x7: {  	s7 =	sand.u32 $0x1, s3;
	s3 =	stileid.u32;
	s4 =	sadd.s32 $0x4800, s6  }
0x8: {  	s5 =	sadd.s32 $0xE600, s6;
	s6 =	sadd.s32 $0x18400, s6;
	s8 =	ssub.s32 $0x2, s7  }
0x9: {  	_ =	strace $0x80000047;
	s10 =	sshll.u32 s3, $0x1;
	s9 =	sshrl.u32 s8, $0x1  }
0xa: {  	s7 =	sor.u32 s7, s10;
	s10 =	simm.s32 $0x100;
	s8 =	ssub.s32 s8, s9  }
0xb: {  	s7 =	smul.u32 $0x2710, s7;
	s9 =	simm.s32 $0x3;
	s8 =	smax.u32 s8, $0x1  }
.LBB2_1:
0xc: {  	s18 =	simm.s32 $0x0  }
.LBB2_2:
0xd: {  	s19 =	smul.u32 $0xC8, s18;
	_ =	sdelay $0x1  }
0xe: {  	s19 =	sadd.s32 s7, s19  }
0xf: {  	s21 =	sshrl.u32 s19, $0x3  }
0x10: {  	s20 =	simm.s32 $0x0;
	s22 =	sadd.s32 s5, s21  }
0x11: {  	[tilespmem:s20], [sflag:$0x3] =	stream.linear.gather [hbm4b:s22+s20], $0xC8, $0x38;
	[tilespmem:$0x19200] =	vst v63  }
0x12: {  	_ =	swait.ge [sflag:s9], $0xC8  }
0x13: {  	[sflag:s9] =	ssyncset.done $0x0  }
0x14: {  	s21 =	sadd.s32 s4, s21;
	[sflag:s9] =	ssyncadd.s32 $0xFFFFFF38  }
0x15: {  	[tilespmem:s10], [sflag:$0x3] =	stream.linear.gather [hbm4b:s21+s20], $0xC8, $0x38;
	[tilespmem:$0x19200] =	vst v63  }
0x16: {  	_ =	swait.ge [sflag:s9], $0xC8  }
0x17: {  	[sflag:s9] =	ssyncset.done $0x0  }
0x18: {  	[sflag:s9] =	ssyncadd.s32 $0xFFFFFF38  }
0x19: {  	[tilespmem:s12], [sflag:$0x1] =	stream.indirect.gather [hbm4b:s1+s11], $0x80, s20, s11, $0xb8;
	[tilespmem:$0x19200] =	vst v63  }
0x1a: {  	_ = 	snop  }
0x1b: {  	[tilespmem:s13], [sflag:$0x2] =	stream.indirect.gather [hbm4b:s1+s11], $0x80, s10, s11, $0xb8;
	[tilespmem:$0x19200] =	vst v63  }
0x1c: {  	_ =	swait.ge [sflag:s14], $0x6400  }
0x1d: {  	[sflag:s14] =	ssyncset.done $0x0  }
0x1e: {  	[sflag:s14] =	ssyncadd.s32 $0xFFFF9C00  }
0x1f: {  	_ =	swait.ge [sflag:s15], $0x6400  }
0x20: {  	[sflag:s15] =	ssyncset.done $0x0  }
0x21: {  	s30 =	simm.s32 $0x240;
	[sflag:s15] =	ssyncadd.s32 $0xFFFF9C00  }
0x22: {  	v0 =	vld [tilespmem:s30+$0xFFFFFFC0];
	_ =	sdelay $0x2  }
0x23: {  	s31 =	sand.u32 $0xF800, s20;
	s23 =	sand.u32 $0x380, s20  }
0x24: {  	s23 =	sor.u32 s23, s31  }
0x25: {  	s21 =	simm.s32 $0x6640;
	[tilespmem:s23+$0xCA00] =	vst v0  }
0x26: {  	v1 =	vld [tilespmem:s21+$0xFFFFFFC0];
	_ =	sdelay $0x4  }
0x27: {  	v0 =	vsub.f32 v1, v0;
	_ =	sdelay $0x1  }
0x28: {  	[tilespmem:s23+$0xCE00] =	vst v0  }
0x29: {  	v0 =	vld [tilespmem:s30+$0xFFFFFFD0];
	_ =	sdelay $0x4  }
0x2a: {  	[tilespmem:s23+$0xCA10] =	vst v0  }
0x2b: {  	v1 =	vld [tilespmem:s21+$0xFFFFFFD0];
	_ =	sdelay $0x4  }
0x2c: {  	v0 =	vsub.f32 v1, v0;
	_ =	sdelay $0x1  }
0x2d: {  	[tilespmem:s23+$0xCE10] =	vst v0  }
0x2e: {  	v0 =	vld [tilespmem:s30+$0xFFFFFFE0];
	_ =	sdelay $0x4  }
0x2f: {  	[tilespmem:s23+$0xCA20] =	vst v0  }
0x30: {  	v1 =	vld [tilespmem:s21+$0xFFFFFFE0];
	_ =	sdelay $0x4  }
0x31: {  	v0 =	vsub.f32 v1, v0;
	_ =	sdelay $0x1  }
0x32: {  	[tilespmem:s23+$0xCE20] =	vst v0  }
0x33: {  	v0 =	vld [tilespmem:s30+$0xFFFFFFF0];
	_ =	sdelay $0x4  }
0x34: {  	[tilespmem:s23+$0xCA30] =	vst v0  }
0x35: {  	v1 =	vld [tilespmem:s21+$0xFFFFFFF0];
	_ =	sdelay $0x4  }
0x36: {  	v0 =	vsub.f32 v1, v0;
	_ =	sdelay $0x1  }
0x37: {  	[tilespmem:s23+$0xCE30] =	vst v0  }
0x38: {  	v0 =	vld [tilespmem:s30+$0x0];
	_ =	sdelay $0x4  }
0x39: {  	[tilespmem:s23+$0xCA40] =	vst v0  }
0x3a: {  	v1 =	vld [tilespmem:s21+$0x0];
	_ =	sdelay $0x4  }
0x3b: {  	v0 =	vsub.f32 v1, v0;
	_ =	sdelay $0x1  }
0x3c: {  	[tilespmem:s23+$0xCE40] =	vst v0  }
0x3d: {  	v0 =	vld [tilespmem:s30+$0x10];
	_ =	sdelay $0x4  }
0x3e: {  	[tilespmem:s23+$0xCA50] =	vst v0  }
0x3f: {  	v1 =	vld [tilespmem:s21+$0x10];
	_ =	sdelay $0x4  }
0x40: {  	v0 =	vsub.f32 v1, v0;
	_ =	sdelay $0x1  }
0x41: {  	[tilespmem:s23+$0xCE50] =	vst v0  }
0x42: {  	v0 =	vld [tilespmem:s30+$0x20];
	_ =	sdelay $0x4  }
0x43: {  	[tilespmem:s23+$0xCA60] =	vst v0  }
0x44: {  	v1 =	vld [tilespmem:s21+$0x20];
	_ =	sdelay $0x4  }
0x45: {  	v0 =	vsub.f32 v1, v0;
	_ =	sdelay $0x1  }
0x46: {  	[tilespmem:s23+$0xCE60] =	vst v0  }
0x47: {  	v0 =	vld [tilespmem:s30+$0x30];
	_ =	sdelay $0x4  }
0x48: {  	[tilespmem:s23+$0xCA70] =	vst v0  }
0x49: {  	v1 =	vld [tilespmem:s21+$0x30];
	_ =	sdelay $0x4  }
0x4a: {  	v0 =	vsub.f32 v1, v0;
	_ =	sdelay $0x1  }
0x4b: {  	s22 =	simm.s32 $0x2C0;
	[tilespmem:s23+$0xCE70] =	vst v0  }
0x4c: {  	s24 =	simm.s32 $0x100;
	s23 =	simm.s32 $0x80;
	v0 =	vld [tilespmem:s22+$0xFFFFFFC0]  }
.LBB2_3:
0x4d: {  	p0 =	sne.s32 s24, $0x6380  }
0x4e: {  	s20 =	sadd.s32 $0x100, s20  }
0x4f: {  	s26 =	sand.u32 $0x380, s23;
	s23 =	smov.u32 s24;
	s25 =	sand.u32 $0xF800, s20  }
0x50: {  	s25 =	sor.u32 s26, s25  }
0x51: {  	s21 =	sadd.s32 $0x80, s21;
	[tilespmem:s25+$0xCA00] =	vst v0  }
0x52: {  	v1 =	vld [tilespmem:s21+$0xFFFFFFC0];
	_ =	sdelay $0x4  }
0x53: {  	v0 =	vsub.f32 v1, v0;
	_ =	sdelay $0x1  }
0x54: {  	[tilespmem:s25+$0xCE00] =	vst v0  }
0x55: {  	v0 =	vld [tilespmem:s22+$0xFFFFFFD0];
	_ =	sdelay $0x4  }
0x56: {  	[tilespmem:s25+$0xCA10] =	vst v0  }
0x57: {  	v1 =	vld [tilespmem:s21+$0xFFFFFFD0];
	_ =	sdelay $0x4  }
0x58: {  	v0 =	vsub.f32 v1, v0;
	_ =	sdelay $0x1  }
0x59: {  	[tilespmem:s25+$0xCE10] =	vst v0  }
0x5a: {  	v0 =	vld [tilespmem:s22+$0xFFFFFFE0];
	_ =	sdelay $0x4  }
0x5b: {  	[tilespmem:s25+$0xCA20] =	vst v0  }
0x5c: {  	v1 =	vld [tilespmem:s21+$0xFFFFFFE0];
	_ =	sdelay $0x4  }
0x5d: {  	v0 =	vsub.f32 v1, v0;
	_ =	sdelay $0x1  }
0x5e: {  	[tilespmem:s25+$0xCE20] =	vst v0  }
0x5f: {  	v0 =	vld [tilespmem:s22+$0xFFFFFFF0];
	_ =	sdelay $0x4  }
0x60: {  	[tilespmem:s25+$0xCA30] =	vst v0  }
0x61: {  	v1 =	vld [tilespmem:s21+$0xFFFFFFF0];
	_ =	sdelay $0x4  }
0x62: {  	v0 =	vsub.f32 v1, v0;
	_ =	sdelay $0x1  }
0x63: {  	[tilespmem:s25+$0xCE30] =	vst v0  }
0x64: {  	v0 =	vld [tilespmem:s22+$0x0];
	_ =	sdelay $0x4  }
0x65: {  	[tilespmem:s25+$0xCA40] =	vst v0  }
0x66: {  	v1 =	vld [tilespmem:s21+$0x0];
	_ =	sdelay $0x4  }
0x67: {  	v0 =	vsub.f32 v1, v0;
	_ =	sdelay $0x1  }
0x68: {  	[tilespmem:s25+$0xCE40] =	vst v0  }
0x69: {  	v0 =	vld [tilespmem:s22+$0x10];
	_ =	sdelay $0x4  }
0x6a: {  	[tilespmem:s25+$0xCA50] =	vst v0  }
0x6b: {  	v1 =	vld [tilespmem:s21+$0x10];
	_ =	sdelay $0x4  }
0x6c: {  	v0 =	vsub.f32 v1, v0;
	_ =	sdelay $0x1  }
0x6d: {  	[tilespmem:s25+$0xCE50] =	vst v0  }
0x6e: {  	v0 =	vld [tilespmem:s22+$0x20];
	_ =	sdelay $0x4  }
0x6f: {  	[tilespmem:s25+$0xCA60] =	vst v0  }
0x70: {  	v1 =	vld [tilespmem:s21+$0x20];
	_ =	sdelay $0x4  }
0x71: {  	v0 =	vsub.f32 v1, v0;
	_ =	sdelay $0x1  }
0x72: {  	[tilespmem:s25+$0xCE60] =	vst v0  }
0x73: {  	v0 =	vld [tilespmem:s22+$0x30];
	_ =	sdelay $0x4  }
0x74: {  	[tilespmem:s25+$0xCA70] =	vst v0  }
0x75: {  	v1 =	vld [tilespmem:s21+$0x30];
	_ =	sdelay $0x3  }
.Ltmp0:
0x76: {  	(pc) =	sbr.rel @p0 .LBB2_3-.Ltmp0, $3  }
0x77: {  	v0 =	vsub.f32 v1, v0;
	_ =	sdelay $0x1  }
0x78: {  	s22 =	sadd.s32 $0x80, s22;
	[tilespmem:s25+$0xCE70] =	vst v0  }
0x79: {  	s24 =	sadd.s32 $0x80, s24;
	v0 =	vld [tilespmem:s22+$0xFFFFFFC0]  }
0x7a: {  	_ = 	snop  }
0x7b: {  	s20 =	sadd.s32 $0x100, s20  }
0x7c: {  	s23 =	sand.u32 $0x380, s23;
	s20 =	sand.u32 $0xF800, s20  }
0x7d: {  	s20 =	sor.u32 s23, s20  }
0x7e: {  	s21 =	sadd.s32 $0x80, s21;
	[tilespmem:s20+$0xCA00] =	vst v0  }
0x7f: {  	v1 =	vld [tilespmem:s21+$0xFFFFFFC0];
	_ =	sdelay $0x4  }
0x80: {  	v56 =	vsub.f32 v1, v0;
	_ =	sdelay $0x1  }
0x81: {  	[tilespmem:s20+$0xCE00] =	vst v56  }
0x82: {  	v0 =	vld [tilespmem:s22+$0xFFFFFFD0];
	_ =	sdelay $0x4  }
0x83: {  	[tilespmem:s20+$0xCA10] =	vst v0  }
0x84: {  	v57 =	vld [tilespmem:s21+$0xFFFFFFD0];
	_ =	sdelay $0x4  }
0x85: {  	v0 =	vsub.f32 v57, v0;
	_ =	sdelay $0x1  }
0x86: {  	[tilespmem:s20+$0xCE10] =	vst v0  }
0x87: {  	v0 =	vld [tilespmem:s22+$0xFFFFFFE0];
	_ =	sdelay $0x4  }
0x88: {  	[tilespmem:s20+$0xCA20] =	vst v0  }
0x89: {  	v58 =	vld [tilespmem:s21+$0xFFFFFFE0];
	_ =	sdelay $0x4  }
0x8a: {  	v0 =	vsub.f32 v58, v0;
	_ =	sdelay $0x1  }
0x8b: {  	[tilespmem:s20+$0xCE20] =	vst v0  }
0x8c: {  	v0 =	vld [tilespmem:s22+$0xFFFFFFF0];
	_ =	sdelay $0x4  }
0x8d: {  	[tilespmem:s20+$0xCA30] =	vst v0  }
0x8e: {  	v59 =	vld [tilespmem:s21+$0xFFFFFFF0];
	_ =	sdelay $0x4  }
0x8f: {  	v0 =	vsub.f32 v59, v0;
	_ =	sdelay $0x1  }
0x90: {  	[tilespmem:s20+$0xCE30] =	vst v0  }
0x91: {  	v0 =	vld [tilespmem:s22+$0x0];
	_ =	sdelay $0x4  }
0x92: {  	[tilespmem:s20+$0xCA40] =	vst v0  }
0x93: {  	v60 =	vld [tilespmem:s21+$0x0];
	_ =	sdelay $0x4  }
0x94: {  	v0 =	vsub.f32 v60, v0;
	_ =	sdelay $0x1  }
0x95: {  	[tilespmem:s20+$0xCE40] =	vst v0  }
0x96: {  	v0 =	vld [tilespmem:s22+$0x10];
	_ =	sdelay $0x4  }
0x97: {  	[tilespmem:s20+$0xCA50] =	vst v0  }
0x98: {  	v61 =	vld [tilespmem:s21+$0x10];
	_ =	sdelay $0x4  }
0x99: {  	v0 =	vsub.f32 v61, v0;
	_ =	sdelay $0x1  }
0x9a: {  	[tilespmem:s20+$0xCE50] =	vst v0  }
0x9b: {  	v0 =	vld [tilespmem:s22+$0x20];
	_ =	sdelay $0x4  }
0x9c: {  	[tilespmem:s20+$0xCA60] =	vst v0  }
0x9d: {  	v62 =	vld [tilespmem:s21+$0x20];
	_ =	sdelay $0x4  }
0x9e: {  	v0 =	vsub.f32 v62, v0;
	_ =	sdelay $0x1  }
0x9f: {  	[tilespmem:s20+$0xCE60] =	vst v0  }
0xa0: {  	v0 =	vld [tilespmem:s22+$0x30];
	_ =	sdelay $0x4  }
0xa1: {  	[tilespmem:s20+$0xCA70] =	vst v0  }
0xa2: {  	v63 =	vld [tilespmem:s21+$0x30];
	_ =	sdelay $0x4  }
0xa3: {  	s18 =	sadd.s32 $0x1, s18;
	v0 =	vsub.f32 v63, v0  }
0xa4: {  	s19 =	sshll.u32 s19, $0x5;
	p0 =	sne.s32 s18, $0x32  }
.Ltmp1:
0xa5: {  	s19 =	sadd.s32 s6, s19;
	[tilespmem:s20+$0xCE70] =	vst v0;
	(pc) =	sbr.rel @p0 .LBB2_2-.Ltmp1, $4  }
0xa6: {  	[hbm4b:s19+s2] =	stream.linear.scatter [tilespmem:s16], [sflag:$0x3], $0xC800, $0x38;
	[tilespmem:$0x19200] =	vst v63  }
0xa7: {  	_ =	swait.ge [sflag:s9], $0xC800  }
0xa8: {  	[sflag:s9] =	ssyncset.done $0x0  }
0xa9: {  	[sflag:s9] =	ssyncadd.s32 $0xFFFF3800  }
0xaa: {  	s17 =	sadd.s32 $0x1, s17  }
0xab: {  	p0 =	sne.s32 s17, s8  }
.Ltmp2:
0xac: {  	_ = 	snop;
	(pc) =	sbr.rel @p0 .LBB2_1-.Ltmp2, $1  }
0xad: {  	_ =	sdelay $0x3  }
0xae: {  	_ =	sfence.sel $0x180000  }
0xaf: {  	[bflag:$0x0] =	sbarrier.arrive $0xFFFF  }
0xb0: {  	p0 =	sne.s32 s3, $0x0;
	_ =	strace $0x90000047  }
0xb1: {  	s0 =	sadd.s32 @!p0 $0x100000, s0;
	[bflag:$0x2] =	sbarrier.arrive $0xFFFF  }
0xb2: {  	[sflag:s0] =	ssyncadd.tile.s32 @!p0 $0x1;
	_ =	shalt  }
.Lfunc_end2:
_tile_overlayer_lowered:
.L_overlay_start_2:
0xb3: {  	(tag) =	ssettag $0x2  }
0xb4: {  	s0 =	rddreg [dreg:$0x0];
	s2 =	stileid.u32  }
0xb5: {  	s1 =	rddreg [dreg:$0x1];
	p0 =	sne.s32 s2, $0x0  }
0xb6: {  	s3 =	rddreg [dreg:$0x2];
	[bflag:$0x3] =	sbarrier.arrive $0xFFFF;
	s2 =	simm.s32 @!p0 $0x1C03  }
0xb7: {  	[timem:s3], [sflag:s2] =	dma.local @!p0 [hbm:s0], s1  }
0xb8: {  	s0 =	simm.s32 @!p0 $0x3  }
0xb9: {  	_ =	swait.ge @!p0 [sflag:s0], s1  }
0xba: {  	s1 =	ssub.s32 @!p0 $0x0, s1;
	[sflag:s0] =	ssyncset.done @!p0 $0x0  }
0xbb: {  	[sflag:s0] =	ssyncadd.s32 @!p0 s1  }
0xbc: {  	[bflag:$0x3] =	sbarrier.arrive $0xFFFF  }
0xbd: {  	_ =	shalt  }

// kernel: kernel.17.cloned.1.call-start
scs
__scs_entry_jumppad:
0x0: {  	(pc) =	sbr.rel $0x88, $3  }
0x1: {  	(tag) =	ssettag $0x0;
	lr =	simm.s32 $0x1  }
0x2: {  	[smem:$0x3F85] =	sst lr;
	_ =	strace $0xD0000000  }
0x3: {  	_ = 	snop  }
0x4: {  	_ = 	snop  }
0x5: {  	_ = 	snop  }
0x6: {  	_ = 	snop  }
0x7: {  	_ = 	snop  }
__scs_overlays_trampoline_lowered:
0x8: {  	[smem:$0x3F94] =	sst s0  }
0x9: {  	[smem:$0x3F95] =	sst s1  }
0xa: {  	[smem:$0x3F96] =	sst s2  }
0xb: {  	[smem:$0x3F97] =	sst s3  }
0xc: {  	[smem:$0x3F98] =	sst s4  }
0xd: {  	[smem:$0x3F99] =	sst s5  }
0xe: {  	[smem:$0x3F9A] =	sst s6  }
0xf: {  	[smem:$0x3F9B] =	sst s7  }
0x10: {  	[smem:$0x3F9C] =	sst s8  }
0x11: {  	[smem:$0x3F9D] =	sst s9;
	s0 =	simm.s32 @!p0 $0x0  }
0x12: {  	s1 =	sld [smem:$0x3F83];
	s0 =	simm.s32 @p0 $0x1  }
0x13: {  	[smem:$0x3F9E] =	sst s0;
	s0 =	simm.s32 @!p1 $0x0  }
0x14: {  	s2 =	sld [smem:$0x3F82];
	s0 =	simm.s32 @p1 $0x1  }
0x15: {  	[smem:$0x3F9F] =	sst s0;
	s0 =	simm.s32 @!p2 $0x0  }
0x16: {  	s3 =	sld [smem:$0x3FDB];
	s0 =	simm.s32 @p2 $0x1  }
0x17: {  	s4 =	simm.s32 $0x1BF5;
	[smem:$0x3FA1] =	sst s0  }
0x18: {  	s0 =	sld [smem:$0x3F84];
	_ =	swait.ge [sflag:s4], $0x0  }
0x19: {  	s7 =	sld [smem:$0x3F85]  }
0x1a: {  	s8 =	sadd.s32 $0xFFFFE003, lr  }
0x1b: {  	s9 =	sadd.s32 $0xFFFFFEF7, lr;
	s5 =	simm.s32 $0xFFFFFFFF;
	p2 =	slt.u32 s8, $0xFFFFF086  }
0x1c: {  	p1 =	slt.u32 s9, $0xF7A;
	s5 =	simm.s32 @!p2 $0x0  }
0x1d: {  	s5 =	simm.s32 @p1 $0x1;
	p0 =	seq.s32 s7, s2  }
0x1e: {  	s7 =	smul.u32 @!p0 $0xF7A, s2;
	p2 =	seq.s32 @!p0 s5, $0x0  }
0x1f: {  	s9 =	smul.u32 $0xF7A, s1;
	s8 =	simm.s32 @!p0 $0x1BF5;
	p2 =	por !p2, p0  }
0x20: {  	[sflag:s8] =	ssyncset.s32 @!p0 $0xFFFFF086;
	s6 =	sadd.s32 @!p0 s3, s7;
	s7 =	simm.s32 @!p0 $0x108  }
0x21: {  	s3 =	sadd.s32 s3, s9;
	s6 =	sadd.s32 @!p0 $0x88, s6;
	s7 =	simm.s32 @p2 $0x1082  }
0x22: {  	[simem:s7], [sflag:s8] =	dma.local @!p0 [hbm:s6], $0xF7A  }
0x23: {  	s9 =	sor.u32 $0xD0000000, s2;
	s6 =	simm.s32 $0x108;
	_ =	swait.ge @!p0 [sflag:s8], $0x0  }
0x24: {  	s3 =	sadd.s32 $0x88, s3;
	s6 =	simm.s32 @!p1 $0x1082;
	[sflag:s4] =	ssyncset.s32 $0xFFFFF086  }
0x25: {  	[simem:s6], [sflag:s4] =	dma.local [hbm:s3], $0xF7A  }
0x26: {  	[smem:$0x3F85] =	sst s1;
	(tag) =	ssettag s2;
	_ =	strace s9  }
0x27: {  	s1 =	sld [smem:$0x3F95]  }
0x28: {  	s2 =	sld [smem:$0x3F96]  }
0x29: {  	s4 =	sld [smem:$0x3F98]  }
0x2a: {  	p0 =	seq.s32 s5, $0x0;
	s5 =	sld [smem:$0x3F99]  }
0x2b: {  	s6 =	sld [smem:$0x3F9A]  }
0x2c: {  	s7 =	sld [smem:$0x3F9B]  }
0x2d: {  	s3 =	simm.s32 $0x108;
	s8 =	sld [smem:$0x3F9C]  }
0x2e: {  	s3 =	simm.s32 @!p0 $0x1082;
	s9 =	sld [smem:$0x3F9D]  }
0x2f: {  	lr =	sadd.s32 s0, s3;
	s0 =	sld [smem:$0x3F94]  }
0x30: {  	s3 =	sld [smem:$0x3F97]  }
0x31: {  	[smem:$0x3FA0] =	sst s10  }
0x32: {  	s10 =	sld [smem:$0x3F9E];
	_ =	sdelay $0x3  }
0x33: {  	p0 =	seq.s32 s10, $0x1;
	s10 =	sld [smem:$0x3FA0];
	_ =	sdelay $0x3  }
0x34: {  	[smem:$0x3FA0] =	sst s10  }
0x35: {  	s10 =	sld [smem:$0x3F9F];
	_ =	sdelay $0x3  }
0x36: {  	p1 =	seq.s32 s10, $0x1;
	s10 =	sld [smem:$0x3FA0];
	_ =	sdelay $0x3  }
0x37: {  	[smem:$0x3FA0] =	sst s10  }
0x38: {  	s10 =	sld [smem:$0x3FA1]  }
0x39: {  	_ = 	snop;
	(pc) =	sbr.ind lr, $3  }
0x3a: {  	_ = 	snop  }
0x3b: {  	_ = 	snop  }
0x3c: {  	p2 =	seq.s32 s10, $0x1;
	s10 =	sld [smem:$0x3FA0]  }
0x3d: {  	_ =	shalt  }
0x3e: {  	_ =	shalt  }
0x3f: {  	_ =	shalt  }
0x40: {  	_ =	shalt  }
0x41: {  	_ =	shalt  }
0x42: {  	_ =	shalt  }
0x43: {  	_ =	shalt  }
0x44: {  	_ =	shalt  }
0x45: {  	_ =	shalt  }
0x46: {  	_ =	shalt  }
0x47: {  	_ =	shalt  }
0x48: {  	_ =	shalt  }
0x49: {  	_ =	shalt  }
0x4a: {  	_ =	shalt  }
0x4b: {  	_ =	shalt  }
0x4c: {  	_ =	shalt  }
0x4d: {  	_ =	shalt  }
0x4e: {  	_ =	shalt  }
0x4f: {  	_ =	shalt  }
0x50: {  	_ =	shalt  }
0x51: {  	_ =	shalt  }
0x52: {  	_ =	shalt  }
0x53: {  	_ =	shalt  }
0x54: {  	_ =	shalt  }
0x55: {  	_ =	shalt  }
0x56: {  	_ =	shalt  }
0x57: {  	_ =	shalt  }
0x58: {  	_ =	shalt  }
0x59: {  	_ =	shalt  }
0x5a: {  	_ =	shalt  }
0x5b: {  	_ =	shalt  }
0x5c: {  	_ =	shalt  }
0x5d: {  	_ =	shalt  }
0x5e: {  	_ =	shalt  }
0x5f: {  	_ =	shalt  }
0x60: {  	_ =	shalt  }
0x61: {  	_ =	shalt  }
0x62: {  	_ =	shalt  }
0x63: {  	_ =	shalt  }
0x64: {  	_ =	shalt  }
0x65: {  	_ =	shalt  }
0x66: {  	_ =	shalt  }
0x67: {  	_ =	shalt  }
0x68: {  	_ =	shalt  }
0x69: {  	_ =	shalt  }
0x6a: {  	_ =	shalt  }
0x6b: {  	_ =	shalt  }
0x6c: {  	_ =	shalt  }
0x6d: {  	_ =	shalt  }
0x6e: {  	_ =	shalt  }
0x6f: {  	_ =	shalt  }
0x70: {  	_ =	shalt  }
0x71: {  	_ =	shalt  }
0x72: {  	_ =	shalt  }
0x73: {  	_ =	shalt  }
0x74: {  	_ =	shalt  }
0x75: {  	_ =	shalt  }
0x76: {  	_ =	shalt  }
0x77: {  	_ =	shalt  }
0x78: {  	_ =	shalt  }
0x79: {  	_ =	shalt  }
0x7a: {  	_ =	shalt  }
0x7b: {  	_ =	shalt  }
0x7c: {  	_ =	shalt  }
0x7d: {  	_ =	shalt  }
0x7e: {  	_ =	shalt  }
0x7f: {  	_ =	shalt  }
0x80: {  	_ =	shalt  }
0x81: {  	_ =	shalt  }
0x82: {  	_ =	shalt  }
0x83: {  	_ =	shalt  }
0x84: {  	_ =	shalt  }
0x85: {  	_ =	shalt  }
0x86: {  	_ =	shalt  }
0x87: {  	_ =	shalt  }
.Lfunc_end0:
.L_simem_size_0:
called_computation.1_lowered:
.L_overlay_start_0:
0x88: {  	s2 =	sld [smem:$0x3FD9]  }
0x89: {  	s3 =	sld [smem:$0x3FFE];
	_ =	sdelay $0x1  }
0x8a: {  	s1 =	srdreg.scid  }
0x8b: {  	s0 =	sand.u32 $0x1, s1  }
0x8c: {  	s16 =	sshll.u32 s0, $0xA;
	s2 =	sadd.s32 s3, s2  }
0x8d: {  	s2 =	sadd.s32 s2, s16  }
0x8e: {  	[smem:$0x3FAC] =	sst s2  }
0x8f: {  	_ = 	snop  }
0x90: {  	(tm) =	ssettm $0x1  }
0x91: {  	s17 =	sld [smem:$0x3FFB];
	_ =	sdelay $0x3  }
0x92: {  	_ =	strace s17  }
0x93: {  	s2 =	sld [smem:$0x3FFC];
	_ =	sdelay $0x3  }
0x94: {  	_ =	strace s2  }
0x95: {  	s2 =	sld [smem:$0x3FFD];
	_ =	sdelay $0x3  }
0x96: {  	_ =	strace s2  }
0x97: {  	_ =	strace $0x8FFFFFFF  }
0x98: {  	s18 =	sld [smem:$0x3FDB];
	_ =	sdelay $0x1  }
0x99: {  	s19 =	simm.s32 $_scs_section_size  }
0x9a: {  	s4 =	simm.s32 $_size__tile_overlayer_lowered;
	s5 =	simm.s32 $_tile_overlayer_lowered  }
0x9b: {  	s22 =	simm.s32 $0x1BFF;
	s21 =	sshll.u32 s5, $0x1;
	s2 =	sadd.s32 s19, s18  }
0x9c: {  	s6 =	simm.s32 $0x0;
	s20 =	sshll.u32 s4, $0x1;
	s4 =	sadd.s32 s21, s2  }
0x9d: {  	[timem:s6], [sflag:s22] =	dma.local [hbm:s4], s20  }
0x9e: {  	_ =	swait.ge [sflag:s22], s20  }
0x9f: {  	s3 =	ssub.s32 $0x0, s20;
	[sflag:s22] =	ssyncset.done $0x0  }
0xa0: {  	[sflag:s22] =	ssyncadd.s32 s3;
	_ =	sdelay $0x1  }
0xa1: {  	s23 =	simm.s32 $0x1B8B  }
0xa2: {  	_ =	swait.ge [sflag:s23], $0x1  }
0xa3: {  	[sflag:s23] =	ssyncset.done $0x0  }
0xa4: {  	s25 =	simm.s32 $0x1B8E;
	s24 =	sld [smem:$0x3FFE];
	[sflag:s23] =	ssyncadd.s32 $0xFFFFFFFF  }
0xa5: {  	s26 =	simm.s32 $execute0_lowered;
	[smem:$0x3FD2] =	sst s25  }
0xa6: {  	s4 =	sshll.u32 s26, $0x1;
	_ =	strace $0x80000049;
	[dreg:$0x1] =	wrdreg $0xFFFFFFFF  }
0xa7: {  	s28 =	simm.s32 $_size_execute0_lowered;
	s2 =	sadd.s32 s2, s4;
	[dreg:$0x0] =	wrdreg $0x0  }
0xa8: {  	s4 =	sshll.u32 s28, $0x1;
	[dreg:$0x2] =	wrdreg s2  }
0xa9: {  	[dreg:$0x3] =	wrdreg s4  }
0xaa: {  	[dreg:$0x4] =	wrdreg $0xC0  }
0xab: {  	_ =	task [dreg:s6], $0x5FFFF  }
0xac: {  	[dreg:$0x1] =	wrdreg $0xFFFFFFFF  }
0xad: {  	[dreg:$0x0] =	wrdreg $0x60  }
0xae: {  	[dreg:$0x2] =	wrdreg s24  }
0xaf: {  	[dreg:$0x3] =	wrdreg $0x9  }
0xb0: {  	_ =	task.clear_ibuf [dreg:s6], $0x4FFFF;
	_ =	strace $0x90000049  }
0xb1: {  	s29 =	simm.s32 $0x9;
	_ =	strace $0x8000004B  }
0xb2: {  	_ =	swait.ge [sflag:s29], $0x1  }
0xb3: {  	[sflag:s29] =	ssyncadd.s32 $0xFFFFFFFF  }
0xb4: {  	_ =	strace $0x9000004B  }
0xb5: {  	_ =	sfence  }
0xb6: {  	s30 =	sld [smem:$0x0];
	_ =	sdelay $0x2  }
0xb7: {  	s31 =	sshll.u32 s1, $0xD;
	s1 =	sshrl.u32 s1, $0x2  }
0xb8: {  	s3 =	sand.u32 $0x4000, s31;
	s1 =	sadd.s32 s1, s30  }
0xb9: {  	s0 =	sor.u32 s3, s0;
	s1 =	sshll.u32 s1, $0x11  }
0xba: {  	s0 =	sor.u32 s1, s0  }
0xbb: {  	s0 =	sadd.s32 $0x8F2B, s0  }
0xbc: {  	[sflag:s0] =	ssyncadd.remote.s32 $0x1  }
0xbd: {  	_ =	sfence.sel $0xFFFF  }
0xbe: {  	[dreg:$0x0] =	wrdreg $0xFFFFFFFF;
	(pc) =	sbr.abs _section_cstart, $3  }
0xbf: {  	[dreg:$0x1] =	wrdreg $0xFFFFFFFF  }
0xc0: {  	_ =	task.clear_ibuf [dreg:s6], $0x2FFFF;
	_ =	strace $0x9FFFFFFF  }
0xc1: {  	(tm) =	ssettm $0x7FFFFFFF  }
tec
execute0_lowered:
.L_overlay_start_1:
0x0: {  	(tag) =	ssettag $0x1  }
0x1: {  	s0 =	stileid.u32  }
0x2: {  	s1 =	srdreg.scid;
	v0 =	vimm.f32 $1.500000000e+01;
	vm0 =	vcmask $0x300;
	s5 =	rddreg [dreg:$0x0]  }
0x3: {  	vm14 =	vcmask $0x704;
	s15 =	simm.s32 $0x1;
	s16 =	simm.s32 $0xC80;
	s17 =	simm.s32 $0x7080;
	v0 =	vsel vm0, $0x0, v0  }
0x4: {  	vm15 =	vcmask $0xB08;
	s18 =	simm.s32 $0xA480;
	s19 =	simm.s32 $0xCC00;
	s20 =	simm.s32 $0xF380;
	v0 =	vsel vm14, $0x3F800000, v0  }
0x5: {  	vm4 =	vcmask $0xF0C;
	s21 =	simm.s32 $0x11B00;
	s22 =	simm.s32 $0x14280;
	s23 =	simm.s32 $0x16A00;
	v0 =	vsel vm15, $0x40000000, v0  }
0x6: {  	vm5 =	vcmask $0x1310;
	s24 =	simm.s32 $0x19180;
	s25 =	simm.s32 $0x1B900;
	s2 =	sshll.u32 s0, $0x1;
	v0 =	vsel vm4, $0x40400000, v0  }
0x7: {  	vm6 =	vcmask $0x1714;
	s1 =	sand.u32 $0x1, s1;
	s4 =	sshrl.u32 s0, $0x2;
	s2 =	sand.u32 $0x6, s2;
	v0 =	vsel vm5, $0x40800000, v0  }
0x8: {  	vm7 =	vcmask $0x1B18;
	s26 =	simm.s32 $0x0;
	s7 =	sshll.u32 s4, $0x6;
	s3 =	sor.u32 s1, s2;
	v0 =	vsel vm6, $0x40A00000, v0  }
0x9: {  	vm8 =	vcmask $0x1F1C;
	s4 =	smul.u32 $0x13880, s4;
	s2 =	simm.s32 $0x0;
	s6 =	sshll.u32 s3, $0x3;
	v0 =	vsel vm7, $0x40C00000, v0  }
0xa: {  	vm9 =	vcmask $0x2320;
	s1 =	ssub.s32 $0x2, s1;
	s29 =	smul.u32 $0x4E200, s3;
	s6 =	sor.u32 s7, s6;
	v0 =	vsel vm8, $0x40E00000, v0  }
0xb: {  	vm10 =	vcmask $0x2724;
	[smem:$0x7FF] =	sst s2;
	s30 =	sshrl.u32 s1, $0x1;
	s6 =	smul.u32 $0x2710, s6;
	v0 =	vsel vm9, $0x41000000, v0  }
0xc: {  	vm11 =	vcmask $0x2B28;
	s3 =	sadd.s32 $0xE600, s5;
	_ =	strace $0x8000004A;
	s1 =	ssub.s32 s1, s30;
	v0 =	vsel vm10, $0x41100000, v0  }
.Ltmp0:
0xd: {  	vm12 =	vcmask $0x2F2C;
	s7 =	sadd.s32 s29, s5;
	s6 =	sshrl.u32 s6, $0x3;
	v0 =	vsel vm11, $0x41200000, v0;
	(pc) =	sbr.rel .LBB2_1-.Ltmp0, $4  }
0xe: {  	vm13 =	vcmask $0x3330;
	s14 =	smax.u32 s1, $0x1;
	s13 =	sadd.s32 s6, s5;
	s5 =	sadd.s32 $0x9DC400, s7;
	v0 =	vsel vm12, $0x41300000, v0  }
0xf: {  	vm14 =	vcmask $0x3734;
	s31 =	sadd.s32 $0x18400, s13;
	s7 =	sadd.s32 $0x188E2, s13;
	s8 =	sadd.s32 $0x18DC4, s13;
	v0 =	vsel vm13, $0x41400000, v0  }
0x10: {  	vm15 =	vcmask $0x3B38;
	s9 =	sadd.s32 $0x192A6, s13;
	s10 =	sadd.s32 $0x19788, s13;
	s11 =	sadd.s32 $0x19C6A, s13;
	v1 =	vsel vm14, $0x41500000, v0  }
0x11: {  	v2 =	vimm.s32 $0x0;
	s12 =	sadd.s32 $0x1A14C, s13;
	s13 =	sadd.s32 $0x1A62E, s13;
	[dreg:$0x2] =	wrdreg s31;
	v0 =	vimm.f32 $-Inf;
	v1 =	vsel vm15, $0x41600000, v1  }
.LBB2_26:
0x12: {  	s0 =	rddreg [dreg:$0x2]  }
0x13: {  	[hbm4b:s0+s2] =	stream.linear.scatter [tilespmem:s18], [sflag:$0x1], $0x2710, $0x38;
	[tilespmem:$0x1E080] =	vst v63  }
0x14: {  	_ =	swait.ge [sflag:s15], $0x2710  }
0x15: {  	[sflag:s15] =	ssyncset.done $0x0  }
0x16: {  	[sflag:s15] =	ssyncadd.s32 $0xFFFFD8F0  }
0x17: {  	[hbm4b:s7+s2] =	stream.linear.scatter [tilespmem:s19], [sflag:$0x1], $0x2710, $0x38;
	[tilespmem:$0x1E080] =	vst v63  }
0x18: {  	_ =	swait.ge [sflag:s15], $0x2710  }
0x19: {  	[sflag:s15] =	ssyncset.done $0x0  }
0x1a: {  	[sflag:s15] =	ssyncadd.s32 $0xFFFFD8F0  }
0x1b: {  	[hbm4b:s8+s2] =	stream.linear.scatter [tilespmem:s20], [sflag:$0x1], $0x2710, $0x38;
	[tilespmem:$0x1E080] =	vst v63  }
0x1c: {  	_ =	swait.ge [sflag:s15], $0x2710  }
0x1d: {  	[sflag:s15] =	ssyncset.done $0x0  }
0x1e: {  	[sflag:s15] =	ssyncadd.s32 $0xFFFFD8F0  }
0x1f: {  	[hbm4b:s9+s2] =	stream.linear.scatter [tilespmem:s21], [sflag:$0x1], $0x2710, $0x38;
	[tilespmem:$0x1E080] =	vst v63  }
0x20: {  	_ =	swait.ge [sflag:s15], $0x2710  }
0x21: {  	[sflag:s15] =	ssyncset.done $0x0  }
0x22: {  	[sflag:s15] =	ssyncadd.s32 $0xFFFFD8F0  }
0x23: {  	[hbm4b:s10+s2] =	stream.linear.scatter [tilespmem:s22], [sflag:$0x1], $0x2710, $0x38;
	[tilespmem:$0x1E080] =	vst v63  }
0x24: {  	_ =	swait.ge [sflag:s15], $0x2710  }
0x25: {  	[sflag:s15] =	ssyncset.done $0x0  }
0x26: {  	[sflag:s15] =	ssyncadd.s32 $0xFFFFD8F0  }
0x27: {  	[hbm4b:s11+s2] =	stream.linear.scatter [tilespmem:s23], [sflag:$0x1], $0x2710, $0x38;
	[tilespmem:$0x1E080] =	vst v63  }
0x28: {  	_ =	swait.ge [sflag:s15], $0x2710  }
0x29: {  	[sflag:s15] =	ssyncset.done $0x0  }
0x2a: {  	[sflag:s15] =	ssyncadd.s32 $0xFFFFD8F0  }
0x2b: {  	[hbm4b:s12+s2] =	stream.linear.scatter [tilespmem:s24], [sflag:$0x1], $0x2710, $0x38;
	[tilespmem:$0x1E080] =	vst v63  }
0x2c: {  	s26 =	sadd.s32 $0x1, s26;
	_ =	swait.ge [sflag:s15], $0x2710  }
0x2d: {  	p0 =	sne.s32 s26, s14;
	[sflag:s15] =	ssyncset.done $0x0  }
.Ltmp1:
0x2e: {  	[sflag:s15] =	ssyncadd.s32 $0xFFFFD8F0;
	(pc) =	sbr.rel @!p0 .LBB2_27-.Ltmp1, $4  }
0x2f: {  	[hbm4b:s13+s2] =	stream.linear.scatter [tilespmem:s25], [sflag:$0x1], $0x2710, $0x38;
	[tilespmem:$0x1E080] =	vst v63  }
0x30: {  	_ =	swait.ge [sflag:s15], $0x2710  }
0x31: {  	[sflag:s15] =	ssyncset.done $0x0  }
0x32: {  	[sflag:s15] =	ssyncadd.s32 $0xFFFFD8F0  }
.LBB2_1:
0x33: {  	s1 =	simm.s32 $0x0;
	s28 =	simm.s32 $0x40  }
.LBB2_2:
0x34: {  	p0 =	sne.s32 s28, $0x9C00;
	[tilespmem:s1+$0x1B900] =	vst v0  }
0x35: {  	[tilespmem:s1+$0xA480] =	vst v0  }
0x36: {  	[tilespmem:s1+$0xCC00] =	vst v0  }
.Ltmp2:
0x37: {  	[tilespmem:s1+$0xF380] =	vst v0;
	(pc) =	sbr.rel @p0 .LBB2_2-.Ltmp2, $4  }
0x38: {  	[tilespmem:s1+$0x11B00] =	vst v0  }
0x39: {  	[tilespmem:s1+$0x14280] =	vst v0  }
0x3a: {  	[tilespmem:s1+$0x16A00] =	vst v0  }
0x3b: {  	[tilespmem:s1+$0x19180] =	vst v0;
	s1 =	sshra.s32 s28, $0x2;
	s28 =	sadd.s32 $0x40, s28  }
0x3c: {  	[tilespmem:s1+$0x1B900] =	vst v0  }
0x3d: {  	[tilespmem:s1+$0xA480] =	vst v0  }
0x3e: {  	[tilespmem:s1+$0xCC00] =	vst v0  }
.Ltmp3:
0x3f: {  	[tilespmem:s1+$0xF380] =	vst v0;
	(pc) =	sbr.rel .LBB2_4-.Ltmp3, $4  }
0x40: {  	[tilespmem:s1+$0x11B00] =	vst v0  }
0x41: {  	[tilespmem:s1+$0x14280] =	vst v0  }
0x42: {  	[tilespmem:s1+$0x16A00] =	vst v0  }
0x43: {  	s28 =	simm.s32 $0x0;
	[tilespmem:s1+$0x19180] =	vst v0;
	s29 =	simm.s32 $0x0  }
.LBB2_25:
0x44: {  	s29 =	sadd.s32 $0x1, s29  }
0x45: {  	p0 =	sne.s32 s29, $0x19  }
.Ltmp4:
0x46: {  	_ = 	snop;
	(pc) =	sbr.rel @!p0 .LBB2_26-.Ltmp4, $1  }
0x47: {  	_ =	sdelay $0x3  }
.LBB2_4:
0x48: {  	s1 =	smul.u32 $0xC80, s29;
	_ =	sdelay $0x1  }
0x49: {  	s1 =	sadd.s32 s4, s1  }
0x4a: {  	s30 =	sshrl.u32 s1, $0x3  }
0x4b: {  	s30 =	sadd.s32 s3, s30  }
0x4c: {  	[tilespmem:s28], [sflag:$0x1] =	stream.linear.gather [hbm4b:s30+s28], $0xC80, $0x38;
	[tilespmem:$0x1E080] =	vst v63  }
0x4d: {  	_ =	swait.ge [sflag:s15], $0xC80  }
0x4e: {  	[sflag:s15] =	ssyncset.done $0x0  }
0x4f: {  	s1 =	sadd.s32 s1, s5;
	[sflag:s15] =	ssyncadd.s32 $0xFFFFF380  }
0x50: {  	[tilespmem:s16], [sflag:$0x1] =	stream.linear.gather [hbm4b:s1+s28], $0x6400, $0x38;
	[tilespmem:$0x1E080] =	vst v63  }
0x51: {  	_ =	swait.ge [sflag:s15], $0x6400  }
0x52: {  	[sflag:s15] =	ssyncset.done $0x0  }
0x53: {  	s1 =	simm.s32 $0x0;
	[sflag:s15] =	ssyncadd.s32 $0xFFFF9C00  }
0x54: {  	v3 =	vld [tilespmem:s1+$0x0];
	_ =	sdelay $0x7  }
0x55: {  	[tilespmem:v3+s17+$0x0] =	vst.idx.msk $0xffff, v1  }
0x56: {  	v3 =	vld.idx.msk [tilespmem:v3+s17+$0x0], $0xffff  }
0x57: {  	s31 =	simm.s32 $0x80;
	s30 =	simm.s32 $0x10  }
.LBB2_5:
0x58: {  	p0 =	sne.s32 s31, $0x31C0;
	v4 =	vld [tilespmem:s30+$0x0];
	_ =	sdelay $0x2  }
0x59: {  	vm0 =	vlt.f32 v3, v1;
	vm1 =	vgt.f32 v3, v1  }
0x5a: {  	vm0 =	vmor vm1, vm0  }
0x5b: {  	v3 =	vmpcnt.ones.xlane vm0;
	_ =	sdelay $0x1  }
.Ltmp5:
0x5c: {  	[tilespmem:s1+$0x9800] =	vst v3;
	s1 =	smov.u32 s30;
	(pc) =	sbr.rel @p0 .LBB2_5-.Ltmp5, $3  }
0x5d: {  	[tilespmem:v4+s17+$0x0] =	vst.idx.msk $0xffff, v1  }
0x5e: {  	v3 =	vld.idx.msk [tilespmem:v4+s17+$0x0], $0xffff;
	_ =	sdelay $0x1  }
0x5f: {  	s30 =	sshra.s32 s31, $0x2;
	s31 =	sadd.s32 $0x40, s31  }
0x60: {  	v4 =	vld [tilespmem:s30+$0x0];
	_ =	sdelay $0x2  }
0x61: {  	vm0 =	vlt.f32 v3, v1;
	vm1 =	vgt.f32 v3, v1  }
0x62: {  	vm0 =	vmor vm1, vm0  }
0x63: {  	v3 =	vmpcnt.ones.xlane vm0;
	_ =	sdelay $0x1  }
0x64: {  	[tilespmem:s1+$0x9800] =	vst v3  }
0x65: {  	[tilespmem:v4+s17+$0x0] =	vst.idx.msk $0xffff, v1  }
0x66: {  	v3 =	vld.idx.msk [tilespmem:v4+s17+$0x0], $0xffff;
	_ =	sdelay $0x4  }
.Ltmp6:
0x67: {  	vm14 =	vlt.f32 v3, v1;
	vm15 =	vgt.f32 v3, v1;
	(pc) =	sbr.rel .LBB2_7-.Ltmp6, $3  }
0x68: {  	vm0 =	vmor vm15, vm14  }
0x69: {  	v3 =	vmpcnt.ones.xlane vm0;
	_ =	sdelay $0x1  }
0x6a: {  	[tilespmem:s30+$0x9800] =	vst v3;
	s30 =	simm.s32 $0x0  }
.LBB2_24:
0x6b: {  	s30 =	sadd.s32 $0x1, s30  }
0x6c: {  	p0 =	sne.s32 s30, $0xC8  }
.Ltmp7:
0x6d: {  	_ = 	snop;
	(pc) =	sbr.rel @!p0 .LBB2_25-.Ltmp7, $1  }
0x6e: {  	_ =	sdelay $0x3  }
.LBB2_7:
0x6f: {  	s0 =	sshll.u32 s30, $0x4  }
0x70: {  	v3 =	vld [tilespmem:s0+$0x0];
	_ =	sdelay $0x3  }
0x71: {  	s31 =	sshll.u32 s30, $0x7  }
0x72: {  	s6 =	sand.u32 $0x70, s0;
	s1 =	sand.u32 $0x7C00, s31  }
0x73: {  	s1 =	sor.u32 s6, s1  }
0x74: {  	v4 =	vld [tilespmem:s1+$0xC80]  }
0x75: {  	v5 =	vld.idx.msk [tilespmem:v3+s18+$0x0], $0xffff;
	_ =	sdelay $0x4  }
0x76: {  	v4 =	vmax.f32 v4, v5  }
0x77: {  	[tilespmem:v3+s18+$0x0] =	vst.idx.msk $0xffff, v4  }
0x78: {  	v4 =	vld [tilespmem:s1+$0xD00]  }
0x79: {  	v5 =	vld.idx.msk [tilespmem:v3+s19+$0x0], $0xffff;
	_ =	sdelay $0x4  }
0x7a: {  	v4 =	vmax.f32 v4, v5  }
0x7b: {  	[tilespmem:v3+s19+$0x0] =	vst.idx.msk $0xffff, v4  }
0x7c: {  	v4 =	vld [tilespmem:s1+$0xD80]  }
0x7d: {  	v5 =	vld.idx.msk [tilespmem:v3+s20+$0x0], $0xffff;
	_ =	sdelay $0x4  }
0x7e: {  	v4 =	vmax.f32 v4, v5  }
0x7f: {  	[tilespmem:v3+s20+$0x0] =	vst.idx.msk $0xffff, v4  }
0x80: {  	v4 =	vld [tilespmem:s1+$0xE00]  }
0x81: {  	v5 =	vld.idx.msk [tilespmem:v3+s21+$0x0], $0xffff;
	_ =	sdelay $0x4  }
0x82: {  	v4 =	vmax.f32 v4, v5  }
0x83: {  	[tilespmem:v3+s21+$0x0] =	vst.idx.msk $0xffff, v4  }
0x84: {  	v4 =	vld [tilespmem:s1+$0xE80]  }
0x85: {  	v5 =	vld.idx.msk [tilespmem:v3+s22+$0x0], $0xffff;
	_ =	sdelay $0x4  }
0x86: {  	v4 =	vmax.f32 v4, v5  }
0x87: {  	[tilespmem:v3+s22+$0x0] =	vst.idx.msk $0xffff, v4  }
0x88: {  	v4 =	vld [tilespmem:s1+$0xF00]  }
0x89: {  	v5 =	vld.idx.msk [tilespmem:v3+s23+$0x0], $0xffff;
	_ =	sdelay $0x4  }
0x8a: {  	v4 =	vmax.f32 v4, v5  }
0x8b: {  	[tilespmem:v3+s23+$0x0] =	vst.idx.msk $0xffff, v4  }
0x8c: {  	v4 =	vld [tilespmem:s1+$0xF80]  }
0x8d: {  	v5 =	vld.idx.msk [tilespmem:v3+s24+$0x0], $0xffff;
	_ =	sdelay $0x4  }
0x8e: {  	s6 =	sor.u32 s6, s31;
	v4 =	vmax.f32 v4, v5  }
0x8f: {  	s31 =	sor.u32 $0x380, s6;
	[tilespmem:v3+s24+$0x0] =	vst.idx.msk $0xffff, v4  }
0x90: {  	v4 =	vld [tilespmem:s31+$0xC80]  }
0x91: {  	v5 =	vld.idx.msk [tilespmem:v3+s25+$0x0], $0xffff;
	_ =	sdelay $0x4  }
0x92: {  	v4 =	vmax.f32 v4, v5  }
0x93: {  	[tilespmem:v3+s25+$0x0] =	vst.idx.msk $0xffff, v4  }
0x94: {  	v4 =	vld [tilespmem:s0+$0x9800];
	_ =	sdelay $0x4  }
0x95: {  	(v2sf) =	vpush v4, $0x0;
	_ =	sdelay $0xe  }
0x96: {  	s6 =	spop (v2sf)  }
0x97: {  	p0 =	slt.s32 s6, $0x1  }
.Ltmp8:
0x98: {  	_ = 	snop;
	(pc) =	sbr.rel @p0 .LBB2_24-.Ltmp8, $1  }
0x99: {  	_ =	sdelay $0x3  }
0x9a: {  	_ =	sdelay $0x2  }
0x9b: {  	v4 =	vld [tilespmem:s1+$0xC80]  }
0x9c: {  	v5 =	vld.idx.msk [tilespmem:v3+s18+$0x0], $0xffff;
	_ =	sdelay $0x4  }
0x9d: {  	v4 =	vmax.f32 v4, v5  }
0x9e: {  	vm0 =	vlt.f32 v5, v4  }
0x9f: {  	v5 =	vsel vm0, $0x1, v2  }
0xa0: {  	(xrf0) =	vadd.scan.msk.s32 $0xffff, v5;
	_ =	sdelay $0x5  }
0xa1: {  	v5, _, _ =	vpop (xrf0)  }
0xa2: {  	(v2sf) =	vpush v5, $0xF;
	_ =	sdelay $0xe  }
0xa3: {  	s0 =	spop (v2sf)  }
0xa4: {  	p0 =	slt.s32 s0, $0x1  }
.Ltmp9:
0xa5: {  	_ = 	snop;
	(pc) =	sbr.rel @p0 .LBB2_10-.Ltmp9, $1  }
0xa6: {  	_ =	sdelay $0x3  }
.LBB2_9:
0xa7: {  	v5 =	vld.idx.msk [tilespmem:v3+s18+$0x0], $0xffff;
	_ =	sdelay $0x4  }
0xa8: {  	vm0 =	vlt.f32 v5, v4;
	_ =	sdelay $0x5  }
0xa9: {  	[tilespmem:v3+s18+$0x0] =	vst.idx.msk vm0, v4  }
0xaa: {  	v5 =	vld.idx.msk [tilespmem:v3+s18+$0x0], $0xffff;
	_ =	sdelay $0x4  }
0xab: {  	vm15 =	vlt.f32 v5, v4  }
0xac: {  	v5 =	vsel vm15, $0x1, v2  }
0xad: {  	(xrf0) =	vadd.scan.msk.s32 $0xffff, v5;
	_ =	sdelay $0x5  }
0xae: {  	v5, _, _ =	vpop (xrf0)  }
0xaf: {  	(v2sf) =	vpush v5, $0xF;
	_ =	sdelay $0xe  }
0xb0: {  	s0 =	spop (v2sf)  }
0xb1: {  	p0 =	sgt.s32 s0, $0x0  }
.Ltmp10:
0xb2: {  	_ = 	snop;
	(pc) =	sbr.rel @p0 .LBB2_9-.Ltmp10, $1  }
0xb3: {  	_ =	sdelay $0x3  }
.LBB2_10:
0xb4: {  	_ =	sdelay $0x3  }
0xb5: {  	s1 =	sadd.s32 $0xC80, s1;
	v5 =	vld.idx.msk [tilespmem:v3+s19+$0x0], $0xffff  }
0xb6: {  	v4 =	vld [tilespmem:s1+$0x80];
	_ =	sdelay $0x4  }
0xb7: {  	v4 =	vmax.f32 v4, v5  }
0xb8: {  	vm0 =	vlt.f32 v5, v4  }
0xb9: {  	v5 =	vsel vm0, $0x1, v2  }
0xba: {  	(xrf0) =	vadd.scan.msk.s32 $0xffff, v5;
	_ =	sdelay $0x5  }
0xbb: {  	v5, _, _ =	vpop (xrf0)  }
0xbc: {  	(v2sf) =	vpush v5, $0xF;
	_ =	sdelay $0xe  }
0xbd: {  	s0 =	spop (v2sf)  }
0xbe: {  	p0 =	slt.s32 s0, $0x1  }
.Ltmp11:
0xbf: {  	_ = 	snop;
	(pc) =	sbr.rel @p0 .LBB2_12-.Ltmp11, $1  }
0xc0: {  	_ =	sdelay $0x3  }
.LBB2_11:
0xc1: {  	v5 =	vld.idx.msk [tilespmem:v3+s19+$0x0], $0xffff;
	_ =	sdelay $0x4  }
0xc2: {  	vm0 =	vlt.f32 v5, v4;
	_ =	sdelay $0x5  }
0xc3: {  	[tilespmem:v3+s19+$0x0] =	vst.idx.msk vm0, v4  }
0xc4: {  	v5 =	vld.idx.msk [tilespmem:v3+s19+$0x0], $0xffff;
	_ =	sdelay $0x4  }
0xc5: {  	vm15 =	vlt.f32 v5, v4  }
0xc6: {  	v5 =	vsel vm15, $0x1, v2  }
0xc7: {  	(xrf0) =	vadd.scan.msk.s32 $0xffff, v5;
	_ =	sdelay $0x5  }
0xc8: {  	v5, _, _ =	vpop (xrf0)  }
0xc9: {  	(v2sf) =	vpush v5, $0xF;
	_ =	sdelay $0xe  }
0xca: {  	s0 =	spop (v2sf)  }
0xcb: {  	p0 =	sgt.s32 s0, $0x0  }
.Ltmp12:
0xcc: {  	_ = 	snop;
	(pc) =	sbr.rel @p0 .LBB2_11-.Ltmp12, $1  }
0xcd: {  	_ =	sdelay $0x3  }
.LBB2_12:
0xce: {  	_ =	sdelay $0x2  }
0xcf: {  	v4 =	vld [tilespmem:s1+$0x100]  }
0xd0: {  	v5 =	vld.idx.msk [tilespmem:v3+s20+$0x0], $0xffff;
	_ =	sdelay $0x4  }
0xd1: {  	v4 =	vmax.f32 v4, v5  }
0xd2: {  	vm0 =	vlt.f32 v5, v4  }
0xd3: {  	v5 =	vsel vm0, $0x1, v2  }
0xd4: {  	(xrf0) =	vadd.scan.msk.s32 $0xffff, v5;
	_ =	sdelay $0x5  }
0xd5: {  	v5, _, _ =	vpop (xrf0)  }
0xd6: {  	(v2sf) =	vpush v5, $0xF;
	_ =	sdelay $0xe  }
0xd7: {  	s0 =	spop (v2sf)  }
0xd8: {  	p0 =	slt.s32 s0, $0x1  }
.Ltmp13:
0xd9: {  	_ = 	snop;
	(pc) =	sbr.rel @p0 .LBB2_14-.Ltmp13, $1  }
0xda: {  	_ =	sdelay $0x3  }
.LBB2_13:
0xdb: {  	v5 =	vld.idx.msk [tilespmem:v3+s20+$0x0], $0xffff;
	_ =	sdelay $0x4  }
0xdc: {  	vm0 =	vlt.f32 v5, v4;
	_ =	sdelay $0x5  }
0xdd: {  	[tilespmem:v3+s20+$0x0] =	vst.idx.msk vm0, v4  }
0xde: {  	v5 =	vld.idx.msk [tilespmem:v3+s20+$0x0], $0xffff;
	_ =	sdelay $0x4  }
0xdf: {  	vm15 =	vlt.f32 v5, v4  }
0xe0: {  	v5 =	vsel vm15, $0x1, v2  }
0xe1: {  	(xrf0) =	vadd.scan.msk.s32 $0xffff, v5;
	_ =	sdelay $0x5  }
0xe2: {  	v5, _, _ =	vpop (xrf0)  }
0xe3: {  	(v2sf) =	vpush v5, $0xF;
	_ =	sdelay $0xe  }
0xe4: {  	s0 =	spop (v2sf)  }
0xe5: {  	p0 =	sgt.s32 s0, $0x0  }
.Ltmp14:
0xe6: {  	_ = 	snop;
	(pc) =	sbr.rel @p0 .LBB2_13-.Ltmp14, $1  }
0xe7: {  	_ =	sdelay $0x3  }
.LBB2_14:
0xe8: {  	_ =	sdelay $0x2  }
0xe9: {  	v4 =	vld [tilespmem:s1+$0x180]  }
0xea: {  	v5 =	vld.idx.msk [tilespmem:v3+s21+$0x0], $0xffff;
	_ =	sdelay $0x4  }
0xeb: {  	v4 =	vmax.f32 v4, v5  }
0xec: {  	vm0 =	vlt.f32 v5, v4  }
0xed: {  	v5 =	vsel vm0, $0x1, v2  }
0xee: {  	(xrf0) =	vadd.scan.msk.s32 $0xffff, v5;
	_ =	sdelay $0x5  }
0xef: {  	v5, _, _ =	vpop (xrf0)  }
0xf0: {  	(v2sf) =	vpush v5, $0xF;
	_ =	sdelay $0xe  }
0xf1: {  	s0 =	spop (v2sf)  }
0xf2: {  	p0 =	slt.s32 s0, $0x1  }
.Ltmp15:
0xf3: {  	_ = 	snop;
	(pc) =	sbr.rel @p0 .LBB2_16-.Ltmp15, $1  }
0xf4: {  	_ =	sdelay $0x3  }
.LBB2_15:
0xf5: {  	v5 =	vld.idx.msk [tilespmem:v3+s21+$0x0], $0xffff;
	_ =	sdelay $0x4  }
0xf6: {  	vm0 =	vlt.f32 v5, v4;
	_ =	sdelay $0x5  }
0xf7: {  	[tilespmem:v3+s21+$0x0] =	vst.idx.msk vm0, v4  }
0xf8: {  	v5 =	vld.idx.msk [tilespmem:v3+s21+$0x0], $0xffff;
	_ =	sdelay $0x4  }
0xf9: {  	vm15 =	vlt.f32 v5, v4  }
0xfa: {  	v5 =	vsel vm15, $0x1, v2  }
0xfb: {  	(xrf0) =	vadd.scan.msk.s32 $0xffff, v5;
	_ =	sdelay $0x5  }
0xfc: {  	v5, _, _ =	vpop (xrf0)  }
0xfd: {  	(v2sf) =	vpush v5, $0xF;
	_ =	sdelay $0xe  }
0xfe: {  	s0 =	spop (v2sf)  }
0xff: {  	p0 =	sgt.s32 s0, $0x0  }
.Ltmp16:
0x100: {  	_ = 	snop;
	(pc) =	sbr.rel @p0 .LBB2_15-.Ltmp16, $1  }
0x101: {  	_ =	sdelay $0x3  }
.LBB2_16:
0x102: {  	_ =	sdelay $0x2  }
0x103: {  	v4 =	vld [tilespmem:s1+$0x200]  }
0x104: {  	v5 =	vld.idx.msk [tilespmem:v3+s22+$0x0], $0xffff;
	_ =	sdelay $0x4  }
0x105: {  	v4 =	vmax.f32 v4, v5  }
0x106: {  	vm0 =	vlt.f32 v5, v4  }
0x107: {  	v5 =	vsel vm0, $0x1, v2  }
0x108: {  	(xrf0) =	vadd.scan.msk.s32 $0xffff, v5;
	_ =	sdelay $0x5  }
0x109: {  	v5, _, _ =	vpop (xrf0)  }
0x10a: {  	(v2sf) =	vpush v5, $0xF;
	_ =	sdelay $0xe  }
0x10b: {  	s0 =	spop (v2sf)  }
0x10c: {  	p0 =	slt.s32 s0, $0x1  }
.Ltmp17:
0x10d: {  	_ = 	snop;
	(pc) =	sbr.rel @p0 .LBB2_18-.Ltmp17, $1  }
0x10e: {  	_ =	sdelay $0x3  }
.LBB2_17:
0x10f: {  	v5 =	vld.idx.msk [tilespmem:v3+s22+$0x0], $0xffff;
	_ =	sdelay $0x4  }
0x110: {  	vm0 =	vlt.f32 v5, v4;
	_ =	sdelay $0x5  }
0x111: {  	[tilespmem:v3+s22+$0x0] =	vst.idx.msk vm0, v4  }
0x112: {  	v5 =	vld.idx.msk [tilespmem:v3+s22+$0x0], $0xffff;
	_ =	sdelay $0x4  }
0x113: {  	vm15 =	vlt.f32 v5, v4  }
0x114: {  	v5 =	vsel vm15, $0x1, v2  }
0x115: {  	(xrf0) =	vadd.scan.msk.s32 $0xffff, v5;
	_ =	sdelay $0x5  }
0x116: {  	v5, _, _ =	vpop (xrf0)  }
0x117: {  	(v2sf) =	vpush v5, $0xF;
	_ =	sdelay $0xe  }
0x118: {  	s0 =	spop (v2sf)  }
0x119: {  	p0 =	sgt.s32 s0, $0x0  }
.Ltmp18:
0x11a: {  	_ = 	snop;
	(pc) =	sbr.rel @p0 .LBB2_17-.Ltmp18, $1  }
0x11b: {  	_ =	sdelay $0x3  }
.LBB2_18:
0x11c: {  	_ =	sdelay $0x2  }
0x11d: {  	v4 =	vld [tilespmem:s1+$0x280]  }
0x11e: {  	v5 =	vld.idx.msk [tilespmem:v3+s23+$0x0], $0xffff;
	_ =	sdelay $0x4  }
0x11f: {  	v4 =	vmax.f32 v4, v5  }
0x120: {  	vm0 =	vlt.f32 v5, v4  }
0x121: {  	v5 =	vsel vm0, $0x1, v2  }
0x122: {  	(xrf0) =	vadd.scan.msk.s32 $0xffff, v5;
	_ =	sdelay $0x5  }
0x123: {  	v5, _, _ =	vpop (xrf0)  }
0x124: {  	(v2sf) =	vpush v5, $0xF;
	_ =	sdelay $0xe  }
0x125: {  	s0 =	spop (v2sf)  }
0x126: {  	p0 =	slt.s32 s0, $0x1  }
.Ltmp19:
0x127: {  	_ = 	snop;
	(pc) =	sbr.rel @p0 .LBB2_20-.Ltmp19, $1  }
0x128: {  	_ =	sdelay $0x3  }
.LBB2_19:
0x129: {  	v5 =	vld.idx.msk [tilespmem:v3+s23+$0x0], $0xffff;
	_ =	sdelay $0x4  }
0x12a: {  	vm0 =	vlt.f32 v5, v4;
	_ =	sdelay $0x5  }
0x12b: {  	[tilespmem:v3+s23+$0x0] =	vst.idx.msk vm0, v4  }
0x12c: {  	v5 =	vld.idx.msk [tilespmem:v3+s23+$0x0], $0xffff;
	_ =	sdelay $0x4  }
0x12d: {  	vm15 =	vlt.f32 v5, v4  }
0x12e: {  	v5 =	vsel vm15, $0x1, v2  }
0x12f: {  	(xrf0) =	vadd.scan.msk.s32 $0xffff, v5;
	_ =	sdelay $0x5  }
0x130: {  	v5, _, _ =	vpop (xrf0)  }
0x131: {  	(v2sf) =	vpush v5, $0xF;
	_ =	sdelay $0xe  }
0x132: {  	s0 =	spop (v2sf)  }
0x133: {  	p0 =	sgt.s32 s0, $0x0  }
.Ltmp20:
0x134: {  	_ = 	snop;
	(pc) =	sbr.rel @p0 .LBB2_19-.Ltmp20, $1  }
0x135: {  	_ =	sdelay $0x3  }
.LBB2_20:
0x136: {  	_ =	sdelay $0x2  }
0x137: {  	v4 =	vld [tilespmem:s1+$0x300]  }
0x138: {  	v5 =	vld.idx.msk [tilespmem:v3+s24+$0x0], $0xffff;
	_ =	sdelay $0x4  }
0x139: {  	v4 =	vmax.f32 v4, v5  }
0x13a: {  	vm0 =	vlt.f32 v5, v4  }
0x13b: {  	v5 =	vsel vm0, $0x1, v2  }
0x13c: {  	(xrf0) =	vadd.scan.msk.s32 $0xffff, v5;
	_ =	sdelay $0x5  }
0x13d: {  	v5, _, _ =	vpop (xrf0)  }
0x13e: {  	(v2sf) =	vpush v5, $0xF;
	_ =	sdelay $0xe  }
0x13f: {  	s0 =	spop (v2sf)  }
0x140: {  	p0 =	slt.s32 s0, $0x1  }
.Ltmp21:
0x141: {  	_ = 	snop;
	(pc) =	sbr.rel @p0 .LBB2_22-.Ltmp21, $1  }
0x142: {  	_ =	sdelay $0x3  }
.LBB2_21:
0x143: {  	v5 =	vld.idx.msk [tilespmem:v3+s24+$0x0], $0xffff;
	_ =	sdelay $0x4  }
0x144: {  	vm0 =	vlt.f32 v5, v4;
	_ =	sdelay $0x5  }
0x145: {  	[tilespmem:v3+s24+$0x0] =	vst.idx.msk vm0, v4  }
0x146: {  	v5 =	vld.idx.msk [tilespmem:v3+s24+$0x0], $0xffff;
	_ =	sdelay $0x4  }
0x147: {  	vm15 =	vlt.f32 v5, v4  }
0x148: {  	v5 =	vsel vm15, $0x1, v2  }
0x149: {  	(xrf0) =	vadd.scan.msk.s32 $0xffff, v5;
	_ =	sdelay $0x5  }
0x14a: {  	v5, _, _ =	vpop (xrf0)  }
0x14b: {  	(v2sf) =	vpush v5, $0xF;
	_ =	sdelay $0xe  }
0x14c: {  	s0 =	spop (v2sf)  }
0x14d: {  	p0 =	sgt.s32 s0, $0x0  }
.Ltmp22:
0x14e: {  	_ = 	snop;
	(pc) =	sbr.rel @p0 .LBB2_21-.Ltmp22, $1  }
0x14f: {  	_ =	sdelay $0x3  }
.LBB2_22:
0x150: {  	_ =	sdelay $0x2  }
0x151: {  	v4 =	vld [tilespmem:s31+$0xC80]  }
0x152: {  	v5 =	vld.idx.msk [tilespmem:v3+s25+$0x0], $0xffff;
	_ =	sdelay $0x4  }
0x153: {  	v4 =	vmax.f32 v4, v5  }
0x154: {  	vm0 =	vlt.f32 v5, v4  }
0x155: {  	v5 =	vsel vm0, $0x1, v2  }
0x156: {  	(xrf0) =	vadd.scan.msk.s32 $0xffff, v5;
	_ =	sdelay $0x5  }
0x157: {  	v5, _, _ =	vpop (xrf0)  }
0x158: {  	(v2sf) =	vpush v5, $0xF;
	_ =	sdelay $0xe  }
0x159: {  	s0 =	spop (v2sf)  }
0x15a: {  	p0 =	slt.s32 s0, $0x1  }
.Ltmp23:
0x15b: {  	_ = 	snop;
	(pc) =	sbr.rel @p0 .LBB2_24-.Ltmp23, $1  }
0x15c: {  	_ =	sdelay $0x3  }
.LBB2_23:
0x15d: {  	v5 =	vld.idx.msk [tilespmem:v3+s25+$0x0], $0xffff;
	_ =	sdelay $0x4  }
0x15e: {  	vm0 =	vlt.f32 v5, v4;
	_ =	sdelay $0x5  }
0x15f: {  	[tilespmem:v3+s25+$0x0] =	vst.idx.msk vm0, v4  }
0x160: {  	v5 =	vld.idx.msk [tilespmem:v3+s25+$0x0], $0xffff;
	_ =	sdelay $0x4  }
0x161: {  	vm15 =	vlt.f32 v5, v4  }
0x162: {  	v5 =	vsel vm15, $0x1, v2  }
0x163: {  	(xrf0) =	vadd.scan.msk.s32 $0xffff, v5;
	_ =	sdelay $0x5  }
0x164: {  	v5, _, _ =	vpop (xrf0)  }
0x165: {  	(v2sf) =	vpush v5, $0xF;
	_ =	sdelay $0xe  }
0x166: {  	s0 =	spop (v2sf)  }
0x167: {  	p0 =	sgt.s32 s0, $0x0  }
.Ltmp24:
0x168: {  	_ = 	snop;
	(pc) =	sbr.rel @p0 .LBB2_23-.Ltmp24, $1  }
0x169: {  	_ =	sdelay $0x3  }
.Ltmp25:
0x16a: {  	_ = 	snop;
	(pc) =	sbr.rel .LBB2_24-.Ltmp25, $1  }
0x16b: {  	_ =	sdelay $0x3  }
.LBB2_27:
0x16c: {  	_ =	sfence.sel $0x180000  }
0x16d: {  	[bflag:$0x0] =	sbarrier.arrive $0xFFFF  }
0x16e: {  	_ =	strace $0x9000004A  }
0x16f: {  	s0 =	stileid.u32;
	[bflag:$0x2] =	sbarrier.arrive $0xFFFF  }
0x170: {  	p0 =	sne.s32 s0, $0x0;
	s0 =	rddreg [dreg:$0x1]  }
0x171: {  	s0 =	sadd.s32 @!p0 $0x100000, s0  }
0x172: {  	[sflag:s0] =	ssyncadd.tile.s32 @!p0 $0x1;
	_ =	shalt  }
.Lfunc_end2:
_tile_overlayer_lowered:
.L_overlay_start_2:
0x173: {  	(tag) =	ssettag $0x2  }
0x174: {  	s0 =	rddreg [dreg:$0x0];
	s2 =	stileid.u32  }
0x175: {  	s1 =	rddreg [dreg:$0x1];
	p0 =	sne.s32 s2, $0x0  }
0x176: {  	s3 =	rddreg [dreg:$0x2];
	[bflag:$0x3] =	sbarrier.arrive $0xFFFF;
	s2 =	simm.s32 @!p0 $0x1C01  }
0x177: {  	[timem:s3], [sflag:s2] =	dma.local @!p0 [hbm:s0], s1  }
0x178: {  	s0 =	simm.s32 @!p0 $0x1  }
0x179: {  	_ =	swait.ge @!p0 [sflag:s0], s1  }
0x17a: {  	s1 =	ssub.s32 @!p0 $0x0, s1;
	[sflag:s0] =	ssyncset.done @!p0 $0x0  }
0x17b: {  	[sflag:s0] =	ssyncadd.s32 @!p0 s1  }
0x17c: {  	[bflag:$0x3] =	sbarrier.arrive $0xFFFF  }
0x17d: {  	_ =	shalt  }

// kernel: kernel.20.cloned.1.call-start
scs
__scs_entry_jumppad:
0x0: {  	(pc) =	sbr.rel $0x88, $3  }
0x1: {  	(tag) =	ssettag $0x0;
	lr =	simm.s32 $0x1  }
0x2: {  	[smem:$0x3F85] =	sst lr;
	_ =	strace $0xD0000000  }
0x3: {  	_ = 	snop  }
0x4: {  	_ = 	snop  }
0x5: {  	_ = 	snop  }
0x6: {  	_ = 	snop  }
0x7: {  	_ = 	snop  }
__scs_overlays_trampoline_lowered:
0x8: {  	[smem:$0x3F94] =	sst s0  }
0x9: {  	[smem:$0x3F95] =	sst s1  }
0xa: {  	[smem:$0x3F96] =	sst s2  }
0xb: {  	[smem:$0x3F97] =	sst s3  }
0xc: {  	[smem:$0x3F98] =	sst s4  }
0xd: {  	[smem:$0x3F99] =	sst s5  }
0xe: {  	[smem:$0x3F9A] =	sst s6  }
0xf: {  	[smem:$0x3F9B] =	sst s7  }
0x10: {  	[smem:$0x3F9C] =	sst s8  }
0x11: {  	[smem:$0x3F9D] =	sst s9;
	s0 =	simm.s32 @!p0 $0x0  }
0x12: {  	s1 =	sld [smem:$0x3F83];
	s0 =	simm.s32 @p0 $0x1  }
0x13: {  	[smem:$0x3F9E] =	sst s0;
	s0 =	simm.s32 @!p1 $0x0  }
0x14: {  	s2 =	sld [smem:$0x3F82];
	s0 =	simm.s32 @p1 $0x1  }
0x15: {  	[smem:$0x3F9F] =	sst s0;
	s0 =	simm.s32 @!p2 $0x0  }
0x16: {  	s3 =	sld [smem:$0x3FDB];
	s0 =	simm.s32 @p2 $0x1  }
0x17: {  	s4 =	simm.s32 $0x1BF5;
	[smem:$0x3FA1] =	sst s0  }
0x18: {  	s0 =	sld [smem:$0x3F84];
	_ =	swait.ge [sflag:s4], $0x0  }
0x19: {  	s7 =	sld [smem:$0x3F85]  }
0x1a: {  	s8 =	sadd.s32 $0xFFFFE003, lr  }
0x1b: {  	s9 =	sadd.s32 $0xFFFFFEF7, lr;
	s5 =	simm.s32 $0xFFFFFFFF;
	p2 =	slt.u32 s8, $0xFFFFF086  }
0x1c: {  	p1 =	slt.u32 s9, $0xF7A;
	s5 =	simm.s32 @!p2 $0x0  }
0x1d: {  	s5 =	simm.s32 @p1 $0x1;
	p0 =	seq.s32 s7, s2  }
0x1e: {  	s7 =	smul.u32 @!p0 $0xF7A, s2;
	p2 =	seq.s32 @!p0 s5, $0x0  }
0x1f: {  	s9 =	smul.u32 $0xF7A, s1;
	s8 =	simm.s32 @!p0 $0x1BF5;
	p2 =	por !p2, p0  }
0x20: {  	[sflag:s8] =	ssyncset.s32 @!p0 $0xFFFFF086;
	s6 =	sadd.s32 @!p0 s3, s7;
	s7 =	simm.s32 @!p0 $0x108  }
0x21: {  	s3 =	sadd.s32 s3, s9;
	s6 =	sadd.s32 @!p0 $0x88, s6;
	s7 =	simm.s32 @p2 $0x1082  }
0x22: {  	[simem:s7], [sflag:s8] =	dma.local @!p0 [hbm:s6], $0xF7A  }
0x23: {  	s9 =	sor.u32 $0xD0000000, s2;
	s6 =	simm.s32 $0x108;
	_ =	swait.ge @!p0 [sflag:s8], $0x0  }
0x24: {  	s3 =	sadd.s32 $0x88, s3;
	s6 =	simm.s32 @!p1 $0x1082;
	[sflag:s4] =	ssyncset.s32 $0xFFFFF086  }
0x25: {  	[simem:s6], [sflag:s4] =	dma.local [hbm:s3], $0xF7A  }
0x26: {  	[smem:$0x3F85] =	sst s1;
	(tag) =	ssettag s2;
	_ =	strace s9  }
0x27: {  	s1 =	sld [smem:$0x3F95]  }
0x28: {  	s2 =	sld [smem:$0x3F96]  }
0x29: {  	s4 =	sld [smem:$0x3F98]  }
0x2a: {  	p0 =	seq.s32 s5, $0x0;
	s5 =	sld [smem:$0x3F99]  }
0x2b: {  	s6 =	sld [smem:$0x3F9A]  }
0x2c: {  	s7 =	sld [smem:$0x3F9B]  }
0x2d: {  	s3 =	simm.s32 $0x108;
	s8 =	sld [smem:$0x3F9C]  }
0x2e: {  	s3 =	simm.s32 @!p0 $0x1082;
	s9 =	sld [smem:$0x3F9D]  }
0x2f: {  	lr =	sadd.s32 s0, s3;
	s0 =	sld [smem:$0x3F94]  }
0x30: {  	s3 =	sld [smem:$0x3F97]  }
0x31: {  	[smem:$0x3FA0] =	sst s10  }
0x32: {  	s10 =	sld [smem:$0x3F9E];
	_ =	sdelay $0x3  }
0x33: {  	p0 =	seq.s32 s10, $0x1;
	s10 =	sld [smem:$0x3FA0];
	_ =	sdelay $0x3  }
0x34: {  	[smem:$0x3FA0] =	sst s10  }
0x35: {  	s10 =	sld [smem:$0x3F9F];
	_ =	sdelay $0x3  }
0x36: {  	p1 =	seq.s32 s10, $0x1;
	s10 =	sld [smem:$0x3FA0];
	_ =	sdelay $0x3  }
0x37: {  	[smem:$0x3FA0] =	sst s10  }
0x38: {  	s10 =	sld [smem:$0x3FA1]  }
0x39: {  	_ = 	snop;
	(pc) =	sbr.ind lr, $3  }
0x3a: {  	_ = 	snop  }
0x3b: {  	_ = 	snop  }
0x3c: {  	p2 =	seq.s32 s10, $0x1;
	s10 =	sld [smem:$0x3FA0]  }
0x3d: {  	_ =	shalt  }
0x3e: {  	_ =	shalt  }
0x3f: {  	_ =	shalt  }
0x40: {  	_ =	shalt  }
0x41: {  	_ =	shalt  }
0x42: {  	_ =	shalt  }
0x43: {  	_ =	shalt  }
0x44: {  	_ =	shalt  }
0x45: {  	_ =	shalt  }
0x46: {  	_ =	shalt  }
0x47: {  	_ =	shalt  }
0x48: {  	_ =	shalt  }
0x49: {  	_ =	shalt  }
0x4a: {  	_ =	shalt  }
0x4b: {  	_ =	shalt  }
0x4c: {  	_ =	shalt  }
0x4d: {  	_ =	shalt  }
0x4e: {  	_ =	shalt  }
0x4f: {  	_ =	shalt  }
0x50: {  	_ =	shalt  }
0x51: {  	_ =	shalt  }
0x52: {  	_ =	shalt  }
0x53: {  	_ =	shalt  }
0x54: {  	_ =	shalt  }
0x55: {  	_ =	shalt  }
0x56: {  	_ =	shalt  }
0x57: {  	_ =	shalt  }
0x58: {  	_ =	shalt  }
0x59: {  	_ =	shalt  }
0x5a: {  	_ =	shalt  }
0x5b: {  	_ =	shalt  }
0x5c: {  	_ =	shalt  }
0x5d: {  	_ =	shalt  }
0x5e: {  	_ =	shalt  }
0x5f: {  	_ =	shalt  }
0x60: {  	_ =	shalt  }
0x61: {  	_ =	shalt  }
0x62: {  	_ =	shalt  }
0x63: {  	_ =	shalt  }
0x64: {  	_ =	shalt  }
0x65: {  	_ =	shalt  }
0x66: {  	_ =	shalt  }
0x67: {  	_ =	shalt  }
0x68: {  	_ =	shalt  }
0x69: {  	_ =	shalt  }
0x6a: {  	_ =	shalt  }
0x6b: {  	_ =	shalt  }
0x6c: {  	_ =	shalt  }
0x6d: {  	_ =	shalt  }
0x6e: {  	_ =	shalt  }
0x6f: {  	_ =	shalt  }
0x70: {  	_ =	shalt  }
0x71: {  	_ =	shalt  }
0x72: {  	_ =	shalt  }
0x73: {  	_ =	shalt  }
0x74: {  	_ =	shalt  }
0x75: {  	_ =	shalt  }
0x76: {  	_ =	shalt  }
0x77: {  	_ =	shalt  }
0x78: {  	_ =	shalt  }
0x79: {  	_ =	shalt  }
0x7a: {  	_ =	shalt  }
0x7b: {  	_ =	shalt  }
0x7c: {  	_ =	shalt  }
0x7d: {  	_ =	shalt  }
0x7e: {  	_ =	shalt  }
0x7f: {  	_ =	shalt  }
0x80: {  	_ =	shalt  }
0x81: {  	_ =	shalt  }
0x82: {  	_ =	shalt  }
0x83: {  	_ =	shalt  }
0x84: {  	_ =	shalt  }
0x85: {  	_ =	shalt  }
0x86: {  	_ =	shalt  }
0x87: {  	_ =	shalt  }
.Lfunc_end0:
.L_simem_size_0:
called_computation.2_lowered:
.L_overlay_start_0:
0x88: {  	s2 =	sld [smem:$0x3FD9]  }
0x89: {  	s3 =	sld [smem:$0x3FFE];
	_ =	sdelay $0x1  }
0x8a: {  	s1 =	srdreg.scid  }
0x8b: {  	s0 =	sand.u32 $0x1, s1  }
0x8c: {  	s16 =	sshll.u32 s0, $0xA;
	s2 =	sadd.s32 s3, s2  }
0x8d: {  	s2 =	sadd.s32 s2, s16  }
0x8e: {  	[smem:$0x3FAC] =	sst s2  }
0x8f: {  	_ = 	snop  }
0x90: {  	(tm) =	ssettm $0x1  }
0x91: {  	s17 =	sld [smem:$0x3FFB];
	_ =	sdelay $0x3  }
0x92: {  	_ =	strace s17  }
0x93: {  	s2 =	sld [smem:$0x3FFC];
	_ =	sdelay $0x3  }
0x94: {  	_ =	strace s2  }
0x95: {  	s2 =	sld [smem:$0x3FFD];
	_ =	sdelay $0x3  }
0x96: {  	_ =	strace s2  }
0x97: {  	_ =	strace $0x8FFFFFFF  }
0x98: {  	s18 =	sld [smem:$0x3FDB];
	_ =	sdelay $0x1  }
0x99: {  	s19 =	simm.s32 $_scs_section_size  }
0x9a: {  	s4 =	simm.s32 $_size__tile_overlayer_lowered;
	s5 =	simm.s32 $_tile_overlayer_lowered  }
0x9b: {  	s22 =	simm.s32 $0x1BFF;
	s21 =	sshll.u32 s5, $0x1;
	s2 =	sadd.s32 s19, s18  }
0x9c: {  	s6 =	simm.s32 $0x0;
	s20 =	sshll.u32 s4, $0x1;
	s4 =	sadd.s32 s21, s2  }
0x9d: {  	[timem:s6], [sflag:s22] =	dma.local [hbm:s4], s20  }
0x9e: {  	_ =	swait.ge [sflag:s22], s20  }
0x9f: {  	s3 =	ssub.s32 $0x0, s20;
	[sflag:s22] =	ssyncset.done $0x0  }
0xa0: {  	[sflag:s22] =	ssyncadd.s32 s3;
	_ =	sdelay $0x1  }
0xa1: {  	s23 =	simm.s32 $0x1B8B  }
0xa2: {  	_ =	swait.ge [sflag:s23], $0x1  }
0xa3: {  	[sflag:s23] =	ssyncset.done $0x0  }
0xa4: {  	s25 =	simm.s32 $0x1B8E;
	s24 =	sld [smem:$0x3FFE];
	[sflag:s23] =	ssyncadd.s32 $0xFFFFFFFF  }
0xa5: {  	s26 =	simm.s32 $execute0_lowered;
	[smem:$0x3FD2] =	sst s25  }
0xa6: {  	s4 =	sshll.u32 s26, $0x1;
	_ =	strace $0x8000004C;
	[dreg:$0x1] =	wrdreg $0xFFFFFFFF  }
0xa7: {  	s28 =	simm.s32 $_size_execute0_lowered;
	s2 =	sadd.s32 s2, s4;
	[dreg:$0x0] =	wrdreg $0x0  }
0xa8: {  	s4 =	sshll.u32 s28, $0x1;
	[dreg:$0x2] =	wrdreg s2  }
0xa9: {  	[dreg:$0x3] =	wrdreg s4  }
0xaa: {  	[dreg:$0x4] =	wrdreg $0xC0  }
0xab: {  	_ =	task [dreg:s6], $0x5FFFF  }
0xac: {  	[dreg:$0x1] =	wrdreg $0xFFFFFFFF  }
0xad: {  	[dreg:$0x0] =	wrdreg $0x60  }
0xae: {  	[dreg:$0x2] =	wrdreg s24  }
0xaf: {  	[dreg:$0x3] =	wrdreg $0x9  }
0xb0: {  	_ =	task.clear_ibuf [dreg:s6], $0x4FFFF;
	_ =	strace $0x9000004C  }
0xb1: {  	s29 =	simm.s32 $0x9;
	_ =	strace $0x8000004E  }
0xb2: {  	_ =	swait.ge [sflag:s29], $0x1  }
0xb3: {  	[sflag:s29] =	ssyncadd.s32 $0xFFFFFFFF  }
0xb4: {  	_ =	strace $0x9000004E  }
0xb5: {  	_ =	sfence  }
0xb6: {  	s30 =	sld [smem:$0x0];
	_ =	sdelay $0x2  }
0xb7: {  	s31 =	sshll.u32 s1, $0xD;
	s1 =	sshrl.u32 s1, $0x2  }
0xb8: {  	s3 =	sand.u32 $0x4000, s31;
	s1 =	sadd.s32 s1, s30  }
0xb9: {  	s0 =	sor.u32 s3, s0;
	s1 =	sshll.u32 s1, $0x11  }
0xba: {  	s0 =	sor.u32 s1, s0  }
0xbb: {  	s0 =	sadd.s32 $0x8F2B, s0  }
0xbc: {  	[sflag:s0] =	ssyncadd.remote.s32 $0x1  }
0xbd: {  	_ =	sfence.sel $0xFFFF  }
0xbe: {  	[dreg:$0x0] =	wrdreg $0xFFFFFFFF;
	(pc) =	sbr.abs _section_cstart, $3  }
0xbf: {  	[dreg:$0x1] =	wrdreg $0xFFFFFFFF  }
0xc0: {  	_ =	task.clear_ibuf [dreg:s6], $0x2FFFF;
	_ =	strace $0x9FFFFFFF  }
0xc1: {  	(tm) =	ssettm $0x7FFFFFFF  }
tec
execute0_lowered:
.L_overlay_start_1:
0x0: {  	(tag) =	ssettag $0x1  }
0x1: {  	s6 =	rddreg [dreg:$0x0]  }
0x2: {  	s0 =	rddreg [dreg:$0x1];
	s1 =	simm.s32 $0x0;
	s2 =	srdreg.scid  }
0x3: {  	s11 =	simm.s32 $0xC8;
	s12 =	simm.s32 $0x200;
	s13 =	simm.s32 $0x6600  }
0x4: {  	s14 =	simm.s32 $0x1;
	s15 =	simm.s32 $0x2;
	s16 =	simm.s32 $0xCA00  }
0x5: {  	s17 =	simm.s32 $0x0;
	[smem:$0x7FF] =	sst s1;
	s7 =	sand.u32 $0x1, s2  }
0x6: {  	s3 =	sadd.s32 $0x4800, s6;
	s2 =	stileid.u32;
	s4 =	sadd.s32 $0xE600, s6  }
0x7: {  	s5 =	sadd.s32 $0x18400, s6;
	s6 =	sadd.s32 $0x3F600, s6;
	s8 =	ssub.s32 $0x2, s7  }
0x8: {  	_ =	strace $0x8000004D;
	s10 =	sshll.u32 s2, $0x1;
	s9 =	sshrl.u32 s8, $0x1  }
0x9: {  	s7 =	sor.u32 s7, s10;
	s10 =	simm.s32 $0x100;
	s8 =	ssub.s32 s8, s9  }
0xa: {  	s7 =	smul.u32 $0x2710, s7;
	s9 =	simm.s32 $0x3;
	s8 =	smax.u32 s8, $0x1  }
.LBB2_1:
0xb: {  	s18 =	simm.s32 $0x0  }
.LBB2_2:
0xc: {  	s19 =	smul.u32 $0xC8, s18;
	_ =	sdelay $0x1  }
0xd: {  	s19 =	sadd.s32 s7, s19  }
0xe: {  	s20 =	sshrl.u32 s19, $0x3  }
0xf: {  	s22 =	simm.s32 $0x0;
	s21 =	sadd.s32 s4, s20  }
0x10: {  	[tilespmem:s22], [sflag:$0x3] =	stream.linear.gather [hbm4b:s21+s22], $0xC8, $0x38;
	[tilespmem:$0x12E00] =	vst v63  }
0x11: {  	_ =	swait.ge [sflag:s9], $0xC8  }
0x12: {  	[sflag:s9] =	ssyncset.done $0x0  }
0x13: {  	s20 =	sadd.s32 s3, s20;
	[sflag:s9] =	ssyncadd.s32 $0xFFFFFF38  }
0x14: {  	[tilespmem:s10], [sflag:$0x3] =	stream.linear.gather [hbm4b:s20+s22], $0xC8, $0x38;
	[tilespmem:$0x12E00] =	vst v63  }
0x15: {  	_ =	swait.ge [sflag:s9], $0xC8  }
0x16: {  	[sflag:s9] =	ssyncset.done $0x0  }
0x17: {  	[sflag:s9] =	ssyncadd.s32 $0xFFFFFF38  }
0x18: {  	[tilespmem:s12], [sflag:$0x1] =	stream.indirect.gather [hbm4b:s5+s11], $0x80, s22, s11, $0xb8;
	[tilespmem:$0x12E00] =	vst v63  }
0x19: {  	_ = 	snop  }
0x1a: {  	[tilespmem:s13], [sflag:$0x2] =	stream.indirect.gather [hbm4b:s5+s11], $0x80, s10, s11, $0xb8;
	[tilespmem:$0x12E00] =	vst v63  }
0x1b: {  	_ =	swait.ge [sflag:s14], $0x6400  }
0x1c: {  	[sflag:s14] =	ssyncset.done $0x0  }
0x1d: {  	[sflag:s14] =	ssyncadd.s32 $0xFFFF9C00  }
0x1e: {  	_ =	swait.ge [sflag:s15], $0x6400  }
0x1f: {  	[sflag:s15] =	ssyncset.done $0x0  }
0x20: {  	s21 =	simm.s32 $0x0;
	[sflag:s15] =	ssyncadd.s32 $0xFFFF9C00  }
0x21: {  	v2 =	vld [tilespmem:s21+$0x230]  }
0x22: {  	v4 =	vld [tilespmem:s21+$0x6630]  }
0x23: {  	v5 =	vld [tilespmem:s21+$0x200]  }
0x24: {  	v6 =	vld [tilespmem:s21+$0x6600]  }
0x25: {  	v1 =	vld [tilespmem:s21+$0x210]  }
0x26: {  	v3 =	vld [tilespmem:s21+$0x6610]  }
0x27: {  	v0 =	vld [tilespmem:s21+$0x220];
	[tilespmem:s21+$0xCA30] =	vst v2;
	v7 =	vsub.f32 v4, v2  }
0x28: {  	s20 =	simm.s32 $0x80;
	[tilespmem:s21+$0xCA00] =	vst v5;
	v4 =	vld [tilespmem:s21+$0x6620]  }
0x29: {  	s22 =	simm.s32 $0x400;
	v5 =	vsub.f32 v6, v5;
	v2 =	vld [tilespmem:s20+$0x230];
	[tilespmem:s21+$0xCA70] =	vst v7  }
.LBB2_3:
0x2a: {  	p0 =	sne.s32 s22, $0x18E00;
	v6 =	vld [tilespmem:s20+$0x6630];
	[tilespmem:s21+$0xCA10] =	vst v1  }
0x2b: {  	v7 =	vld [tilespmem:s20+$0x200];
	[tilespmem:s21+$0xCA40] =	vst v5;
	v3 =	vsub.f32 v3, v1  }
0x2c: {  	v5 =	vld [tilespmem:s20+$0x6600];
	[tilespmem:s21+$0xCA20] =	vst v0  }
.Ltmp0:
0x2d: {  	v1 =	vld [tilespmem:s20+$0x210];
	[tilespmem:s21+$0xCA50] =	vst v3;
	v4 =	vsub.f32 v4, v0;
	(pc) =	sbr.rel @p0 .LBB2_3-.Ltmp0, $4  }
0x2e: {  	v3 =	vld [tilespmem:s20+$0x6610];
	[tilespmem:s20+$0xCA30] =	vst v2  }
0x2f: {  	v0 =	vld [tilespmem:s20+$0x220];
	v6 =	vsub.f32 v6, v2;
	[tilespmem:s21+$0xCA60] =	vst v4;
	s21 =	smov.u32 s20  }
0x30: {  	s20 =	sshra.s32 s22, $0x2;
	[tilespmem:s21+$0xCA00] =	vst v7;
	v4 =	vld [tilespmem:s21+$0x6620]  }
0x31: {  	s22 =	sadd.s32 $0x200, s22;
	v2 =	vld [tilespmem:s20+$0x230];
	v5 =	vsub.f32 v5, v7;
	[tilespmem:s21+$0xCA70] =	vst v6  }
0x32: {  	v6 =	vld [tilespmem:s20+$0x6630];
	[tilespmem:s21+$0xCA10] =	vst v1  }
0x33: {  	v7 =	vld [tilespmem:s20+$0x200];
	[tilespmem:s21+$0xCA40] =	vst v5;
	v56 =	vsub.f32 v3, v1  }
0x34: {  	v5 =	vld [tilespmem:s20+$0x6600];
	[tilespmem:s21+$0xCA20] =	vst v0  }
0x35: {  	v57 =	vld [tilespmem:s20+$0x210];
	[tilespmem:s21+$0xCA50] =	vst v56;
	v58 =	vsub.f32 v4, v0  }
0x36: {  	v1 =	vld [tilespmem:s20+$0x6610];
	[tilespmem:s20+$0xCA30] =	vst v2  }
0x37: {  	v59 =	vld [tilespmem:s20+$0x220];
	[tilespmem:s21+$0xCA60] =	vst v58  }
0x38: {  	v60 =	vsub.f32 v6, v2;
	v61 =	vld [tilespmem:s20+$0x6620]  }
0x39: {  	[tilespmem:s20+$0xCA00] =	vst v7  }
0x3a: {  	v5 =	vsub.f32 v5, v7;
	[tilespmem:s20+$0xCA70] =	vst v60  }
0x3b: {  	[tilespmem:s20+$0xCA10] =	vst v57  }
0x3c: {  	[tilespmem:s20+$0xCA40] =	vst v5;
	v62 =	vsub.f32 v1, v57  }
0x3d: {  	s18 =	sadd.s32 $0x1, s18;
	[tilespmem:s20+$0xCA20] =	vst v59;
	v63 =	vsub.f32 v61, v59  }
0x3e: {  	s19 =	sshll.u32 s19, $0x4;
	p0 =	sne.s32 s18, $0x32;
	[tilespmem:s20+$0xCA50] =	vst v62  }
.Ltmp1:
0x3f: {  	s19 =	sadd.s32 s6, s19;
	[tilespmem:s20+$0xCA60] =	vst v63;
	(pc) =	sbr.rel @p0 .LBB2_2-.Ltmp1, $4  }
0x40: {  	[hbm4b:s19+s1] =	stream.linear.scatter [tilespmem:s16], [sflag:$0x3], $0x6400, $0x38;
	[tilespmem:$0x12E00] =	vst v63  }
0x41: {  	_ =	swait.ge [sflag:s9], $0x6400  }
0x42: {  	[sflag:s9] =	ssyncset.done $0x0  }
0x43: {  	[sflag:s9] =	ssyncadd.s32 $0xFFFF9C00  }
0x44: {  	s17 =	sadd.s32 $0x1, s17  }
0x45: {  	p0 =	sne.s32 s17, s8  }
.Ltmp2:
0x46: {  	_ = 	snop;
	(pc) =	sbr.rel @p0 .LBB2_1-.Ltmp2, $1  }
0x47: {  	_ =	sdelay $0x3  }
0x48: {  	_ =	sfence.sel $0x180000  }
0x49: {  	[bflag:$0x0] =	sbarrier.arrive $0xFFFF  }
0x4a: {  	p0 =	sne.s32 s2, $0x0;
	_ =	strace $0x9000004D  }
0x4b: {  	s0 =	sadd.s32 @!p0 $0x100000, s0;
	[bflag:$0x2] =	sbarrier.arrive $0xFFFF  }
0x4c: {  	[sflag:s0] =	ssyncadd.tile.s32 @!p0 $0x1;
	_ =	shalt  }
.Lfunc_end2:
_tile_overlayer_lowered:
.L_overlay_start_2:
0x4d: {  	(tag) =	ssettag $0x2  }
0x4e: {  	s0 =	rddreg [dreg:$0x0];
	s2 =	stileid.u32  }
0x4f: {  	s1 =	rddreg [dreg:$0x1];
	p0 =	sne.s32 s2, $0x0  }
0x50: {  	s3 =	rddreg [dreg:$0x2];
	[bflag:$0x3] =	sbarrier.arrive $0xFFFF;
	s2 =	simm.s32 @!p0 $0x1C03  }
0x51: {  	[timem:s3], [sflag:s2] =	dma.local @!p0 [hbm:s0], s1  }
0x52: {  	s0 =	simm.s32 @!p0 $0x3  }
0x53: {  	_ =	swait.ge @!p0 [sflag:s0], s1  }
0x54: {  	s1 =	ssub.s32 @!p0 $0x0, s1;
	[sflag:s0] =	ssyncset.done @!p0 $0x0  }
0x55: {  	[sflag:s0] =	ssyncadd.s32 @!p0 s1  }
0x56: {  	[bflag:$0x3] =	sbarrier.arrive $0xFFFF  }
0x57: {  	_ =	shalt  }

// kernel: kernel.23.cloned.1.call-start
scs
__scs_entry_jumppad:
0x0: {  	(pc) =	sbr.rel $0x88, $3  }
0x1: {  	(tag) =	ssettag $0x0;
	lr =	simm.s32 $0x1  }
0x2: {  	[smem:$0x3F85] =	sst lr;
	_ =	strace $0xD0000000  }
0x3: {  	_ = 	snop  }
0x4: {  	_ = 	snop  }
0x5: {  	_ = 	snop  }
0x6: {  	_ = 	snop  }
0x7: {  	_ = 	snop  }
__scs_overlays_trampoline_lowered:
0x8: {  	[smem:$0x3F94] =	sst s0  }
0x9: {  	[smem:$0x3F95] =	sst s1  }
0xa: {  	[smem:$0x3F96] =	sst s2  }
0xb: {  	[smem:$0x3F97] =	sst s3  }
0xc: {  	[smem:$0x3F98] =	sst s4  }
0xd: {  	[smem:$0x3F99] =	sst s5  }
0xe: {  	[smem:$0x3F9A] =	sst s6  }
0xf: {  	[smem:$0x3F9B] =	sst s7  }
0x10: {  	[smem:$0x3F9C] =	sst s8  }
0x11: {  	[smem:$0x3F9D] =	sst s9;
	s0 =	simm.s32 @!p0 $0x0  }
0x12: {  	s1 =	sld [smem:$0x3F83];
	s0 =	simm.s32 @p0 $0x1  }
0x13: {  	[smem:$0x3F9E] =	sst s0;
	s0 =	simm.s32 @!p1 $0x0  }
0x14: {  	s2 =	sld [smem:$0x3F82];
	s0 =	simm.s32 @p1 $0x1  }
0x15: {  	[smem:$0x3F9F] =	sst s0;
	s0 =	simm.s32 @!p2 $0x0  }
0x16: {  	s3 =	sld [smem:$0x3FDB];
	s0 =	simm.s32 @p2 $0x1  }
0x17: {  	s4 =	simm.s32 $0x1BF5;
	[smem:$0x3FA1] =	sst s0  }
0x18: {  	s0 =	sld [smem:$0x3F84];
	_ =	swait.ge [sflag:s4], $0x0  }
0x19: {  	s7 =	sld [smem:$0x3F85]  }
0x1a: {  	s8 =	sadd.s32 $0xFFFFE003, lr  }
0x1b: {  	s9 =	sadd.s32 $0xFFFFFEF7, lr;
	s5 =	simm.s32 $0xFFFFFFFF;
	p2 =	slt.u32 s8, $0xFFFFF086  }
0x1c: {  	p1 =	slt.u32 s9, $0xF7A;
	s5 =	simm.s32 @!p2 $0x0  }
0x1d: {  	s5 =	simm.s32 @p1 $0x1;
	p0 =	seq.s32 s7, s2  }
0x1e: {  	s7 =	smul.u32 @!p0 $0xF7A, s2;
	p2 =	seq.s32 @!p0 s5, $0x0  }
0x1f: {  	s9 =	smul.u32 $0xF7A, s1;
	s8 =	simm.s32 @!p0 $0x1BF5;
	p2 =	por !p2, p0  }
0x20: {  	[sflag:s8] =	ssyncset.s32 @!p0 $0xFFFFF086;
	s6 =	sadd.s32 @!p0 s3, s7;
	s7 =	simm.s32 @!p0 $0x108  }
0x21: {  	s3 =	sadd.s32 s3, s9;
	s6 =	sadd.s32 @!p0 $0x88, s6;
	s7 =	simm.s32 @p2 $0x1082  }
0x22: {  	[simem:s7], [sflag:s8] =	dma.local @!p0 [hbm:s6], $0xF7A  }
0x23: {  	s9 =	sor.u32 $0xD0000000, s2;
	s6 =	simm.s32 $0x108;
	_ =	swait.ge @!p0 [sflag:s8], $0x0  }
0x24: {  	s3 =	sadd.s32 $0x88, s3;
	s6 =	simm.s32 @!p1 $0x1082;
	[sflag:s4] =	ssyncset.s32 $0xFFFFF086  }
0x25: {  	[simem:s6], [sflag:s4] =	dma.local [hbm:s3], $0xF7A  }
0x26: {  	[smem:$0x3F85] =	sst s1;
	(tag) =	ssettag s2;
	_ =	strace s9  }
0x27: {  	s1 =	sld [smem:$0x3F95]  }
0x28: {  	s2 =	sld [smem:$0x3F96]  }
0x29: {  	s4 =	sld [smem:$0x3F98]  }
0x2a: {  	p0 =	seq.s32 s5, $0x0;
	s5 =	sld [smem:$0x3F99]  }
0x2b: {  	s6 =	sld [smem:$0x3F9A]  }
0x2c: {  	s7 =	sld [smem:$0x3F9B]  }
0x2d: {  	s3 =	simm.s32 $0x108;
	s8 =	sld [smem:$0x3F9C]  }
0x2e: {  	s3 =	simm.s32 @!p0 $0x1082;
	s9 =	sld [smem:$0x3F9D]  }
0x2f: {  	lr =	sadd.s32 s0, s3;
	s0 =	sld [smem:$0x3F94]  }
0x30: {  	s3 =	sld [smem:$0x3F97]  }
0x31: {  	[smem:$0x3FA0] =	sst s10  }
0x32: {  	s10 =	sld [smem:$0x3F9E];
	_ =	sdelay $0x3  }
0x33: {  	p0 =	seq.s32 s10, $0x1;
	s10 =	sld [smem:$0x3FA0];
	_ =	sdelay $0x3  }
0x34: {  	[smem:$0x3FA0] =	sst s10  }
0x35: {  	s10 =	sld [smem:$0x3F9F];
	_ =	sdelay $0x3  }
0x36: {  	p1 =	seq.s32 s10, $0x1;
	s10 =	sld [smem:$0x3FA0];
	_ =	sdelay $0x3  }
0x37: {  	[smem:$0x3FA0] =	sst s10  }
0x38: {  	s10 =	sld [smem:$0x3FA1]  }
0x39: {  	_ = 	snop;
	(pc) =	sbr.ind lr, $3  }
0x3a: {  	_ = 	snop  }
0x3b: {  	_ = 	snop  }
0x3c: {  	p2 =	seq.s32 s10, $0x1;
	s10 =	sld [smem:$0x3FA0]  }
0x3d: {  	_ =	shalt  }
0x3e: {  	_ =	shalt  }
0x3f: {  	_ =	shalt  }
0x40: {  	_ =	shalt  }
0x41: {  	_ =	shalt  }
0x42: {  	_ =	shalt  }
0x43: {  	_ =	shalt  }
0x44: {  	_ =	shalt  }
0x45: {  	_ =	shalt  }
0x46: {  	_ =	shalt  }
0x47: {  	_ =	shalt  }
0x48: {  	_ =	shalt  }
0x49: {  	_ =	shalt  }
0x4a: {  	_ =	shalt  }
0x4b: {  	_ =	shalt  }
0x4c: {  	_ =	shalt  }
0x4d: {  	_ =	shalt  }
0x4e: {  	_ =	shalt  }
0x4f: {  	_ =	shalt  }
0x50: {  	_ =	shalt  }
0x51: {  	_ =	shalt  }
0x52: {  	_ =	shalt  }
0x53: {  	_ =	shalt  }
0x54: {  	_ =	shalt  }
0x55: {  	_ =	shalt  }
0x56: {  	_ =	shalt  }
0x57: {  	_ =	shalt  }
0x58: {  	_ =	shalt  }
0x59: {  	_ =	shalt  }
0x5a: {  	_ =	shalt  }
0x5b: {  	_ =	shalt  }
0x5c: {  	_ =	shalt  }
0x5d: {  	_ =	shalt  }
0x5e: {  	_ =	shalt  }
0x5f: {  	_ =	shalt  }
0x60: {  	_ =	shalt  }
0x61: {  	_ =	shalt  }
0x62: {  	_ =	shalt  }
0x63: {  	_ =	shalt  }
0x64: {  	_ =	shalt  }
0x65: {  	_ =	shalt  }
0x66: {  	_ =	shalt  }
0x67: {  	_ =	shalt  }
0x68: {  	_ =	shalt  }
0x69: {  	_ =	shalt  }
0x6a: {  	_ =	shalt  }
0x6b: {  	_ =	shalt  }
0x6c: {  	_ =	shalt  }
0x6d: {  	_ =	shalt  }
0x6e: {  	_ =	shalt  }
0x6f: {  	_ =	shalt  }
0x70: {  	_ =	shalt  }
0x71: {  	_ =	shalt  }
0x72: {  	_ =	shalt  }
0x73: {  	_ =	shalt  }
0x74: {  	_ =	shalt  }
0x75: {  	_ =	shalt  }
0x76: {  	_ =	shalt  }
0x77: {  	_ =	shalt  }
0x78: {  	_ =	shalt  }
0x79: {  	_ =	shalt  }
0x7a: {  	_ =	shalt  }
0x7b: {  	_ =	shalt  }
0x7c: {  	_ =	shalt  }
0x7d: {  	_ =	shalt  }
0x7e: {  	_ =	shalt  }
0x7f: {  	_ =	shalt  }
0x80: {  	_ =	shalt  }
0x81: {  	_ =	shalt  }
0x82: {  	_ =	shalt  }
0x83: {  	_ =	shalt  }
0x84: {  	_ =	shalt  }
0x85: {  	_ =	shalt  }
0x86: {  	_ =	shalt  }
0x87: {  	_ =	shalt  }
.Lfunc_end0:
.L_simem_size_0:
called_computation.3_lowered:
.L_overlay_start_0:
0x88: {  	s2 =	sld [smem:$0x3FD9]  }
0x89: {  	s3 =	sld [smem:$0x3FFE];
	_ =	sdelay $0x1  }
0x8a: {  	s1 =	srdreg.scid  }
0x8b: {  	s0 =	sand.u32 $0x1, s1  }
0x8c: {  	s16 =	sshll.u32 s0, $0xA;
	s2 =	sadd.s32 s3, s2  }
0x8d: {  	s2 =	sadd.s32 s2, s16  }
0x8e: {  	[smem:$0x3FAC] =	sst s2  }
0x8f: {  	_ = 	snop  }
0x90: {  	(tm) =	ssettm $0x1  }
0x91: {  	s17 =	sld [smem:$0x3FFB];
	_ =	sdelay $0x3  }
0x92: {  	_ =	strace s17  }
0x93: {  	s2 =	sld [smem:$0x3FFC];
	_ =	sdelay $0x3  }
0x94: {  	_ =	strace s2  }
0x95: {  	s2 =	sld [smem:$0x3FFD];
	_ =	sdelay $0x3  }
0x96: {  	_ =	strace s2  }
0x97: {  	_ =	strace $0x8FFFFFFF  }
0x98: {  	s18 =	sld [smem:$0x3FDB];
	_ =	sdelay $0x1  }
0x99: {  	s19 =	simm.s32 $_scs_section_size  }
0x9a: {  	s4 =	simm.s32 $_size__tile_overlayer_lowered;
	s5 =	simm.s32 $_tile_overlayer_lowered  }
0x9b: {  	s22 =	simm.s32 $0x1BFF;
	s21 =	sshll.u32 s5, $0x1;
	s2 =	sadd.s32 s19, s18  }
0x9c: {  	s6 =	simm.s32 $0x0;
	s20 =	sshll.u32 s4, $0x1;
	s4 =	sadd.s32 s21, s2  }
0x9d: {  	[timem:s6], [sflag:s22] =	dma.local [hbm:s4], s20  }
0x9e: {  	_ =	swait.ge [sflag:s22], s20  }
0x9f: {  	s3 =	ssub.s32 $0x0, s20;
	[sflag:s22] =	ssyncset.done $0x0  }
0xa0: {  	[sflag:s22] =	ssyncadd.s32 s3;
	_ =	sdelay $0x1  }
0xa1: {  	s23 =	simm.s32 $0x1B8B  }
0xa2: {  	_ =	swait.ge [sflag:s23], $0x1  }
0xa3: {  	[sflag:s23] =	ssyncset.done $0x0  }
0xa4: {  	s25 =	simm.s32 $0x1B8E;
	s24 =	sld [smem:$0x3FFE];
	[sflag:s23] =	ssyncadd.s32 $0xFFFFFFFF  }
0xa5: {  	s26 =	simm.s32 $execute0_lowered;
	[smem:$0x3FD2] =	sst s25  }
0xa6: {  	s4 =	sshll.u32 s26, $0x1;
	_ =	strace $0x8000004F;
	[dreg:$0x1] =	wrdreg $0xFFFFFFFF  }
0xa7: {  	s28 =	simm.s32 $_size_execute0_lowered;
	s2 =	sadd.s32 s2, s4;
	[dreg:$0x0] =	wrdreg $0x0  }
0xa8: {  	s4 =	sshll.u32 s28, $0x1;
	[dreg:$0x2] =	wrdreg s2  }
0xa9: {  	[dreg:$0x3] =	wrdreg s4  }
0xaa: {  	[dreg:$0x4] =	wrdreg $0xC0  }
0xab: {  	_ =	task [dreg:s6], $0x5FFFF  }
0xac: {  	[dreg:$0x1] =	wrdreg $0xFFFFFFFF  }
0xad: {  	[dreg:$0x0] =	wrdreg $0x60  }
0xae: {  	[dreg:$0x2] =	wrdreg s24  }
0xaf: {  	[dreg:$0x3] =	wrdreg $0x9  }
0xb0: {  	_ =	task.clear_ibuf [dreg:s6], $0x4FFFF;
	_ =	strace $0x9000004F  }
0xb1: {  	s29 =	simm.s32 $0x9;
	_ =	strace $0x80000051  }
0xb2: {  	_ =	swait.ge [sflag:s29], $0x1  }
0xb3: {  	[sflag:s29] =	ssyncadd.s32 $0xFFFFFFFF  }
0xb4: {  	_ =	strace $0x90000051  }
0xb5: {  	_ =	sfence  }
0xb6: {  	s30 =	sld [smem:$0x0];
	_ =	sdelay $0x2  }
0xb7: {  	s31 =	sshll.u32 s1, $0xD;
	s1 =	sshrl.u32 s1, $0x2  }
0xb8: {  	s3 =	sand.u32 $0x4000, s31;
	s1 =	sadd.s32 s1, s30  }
0xb9: {  	s0 =	sor.u32 s3, s0;
	s1 =	sshll.u32 s1, $0x11  }
0xba: {  	s0 =	sor.u32 s1, s0  }
0xbb: {  	s0 =	sadd.s32 $0x8F2B, s0  }
0xbc: {  	[sflag:s0] =	ssyncadd.remote.s32 $0x1  }
0xbd: {  	_ =	sfence.sel $0xFFFF  }
0xbe: {  	[dreg:$0x0] =	wrdreg $0xFFFFFFFF;
	(pc) =	sbr.abs _section_cstart, $3  }
0xbf: {  	[dreg:$0x1] =	wrdreg $0xFFFFFFFF  }
0xc0: {  	_ =	task.clear_ibuf [dreg:s6], $0x2FFFF;
	_ =	strace $0x9FFFFFFF  }
0xc1: {  	(tm) =	ssettm $0x7FFFFFFF  }
tec
execute0_lowered:
.L_overlay_start_1:
0x0: {  	(tag) =	ssettag $0x1  }
0x1: {  	s0 =	stileid.u32  }
0x2: {  	s1 =	srdreg.scid;
	v0 =	vimm.f32 $1.500000000e+01;
	vm0 =	vcmask $0x300;
	s5 =	rddreg [dreg:$0x0]  }
0x3: {  	vm14 =	vcmask $0x704;
	s15 =	simm.s32 $0x1;
	s16 =	simm.s32 $0xC80;
	s17 =	simm.s32 $0x7080;
	v0 =	vsel vm0, $0x0, v0  }
0x4: {  	vm15 =	vcmask $0xB08;
	s18 =	simm.s32 $0xA480;
	s19 =	simm.s32 $0xCC00;
	s20 =	simm.s32 $0xF380;
	v0 =	vsel vm14, $0x3F800000, v0  }
0x5: {  	vm4 =	vcmask $0xF0C;
	s21 =	simm.s32 $0x11B00;
	s22 =	simm.s32 $0x14280;
	s23 =	simm.s32 $0x16A00;
	v0 =	vsel vm15, $0x40000000, v0  }
0x6: {  	vm5 =	vcmask $0x1310;
	s24 =	simm.s32 $0x19180;
	s25 =	simm.s32 $0x1B900;
	s2 =	sshll.u32 s0, $0x1;
	v0 =	vsel vm4, $0x40400000, v0  }
0x7: {  	vm6 =	vcmask $0x1714;
	s1 =	sand.u32 $0x1, s1;
	s4 =	sshrl.u32 s0, $0x2;
	s2 =	sand.u32 $0x6, s2;
	v0 =	vsel vm5, $0x40800000, v0  }
0x8: {  	vm7 =	vcmask $0x1B18;
	s26 =	simm.s32 $0x0;
	s7 =	sshll.u32 s4, $0x6;
	s3 =	sor.u32 s1, s2;
	v0 =	vsel vm6, $0x40A00000, v0  }
0x9: {  	vm8 =	vcmask $0x1F1C;
	s4 =	smul.u32 $0x13880, s4;
	s2 =	simm.s32 $0x0;
	s6 =	sshll.u32 s3, $0x3;
	v0 =	vsel vm7, $0x40C00000, v0  }
0xa: {  	vm9 =	vcmask $0x2320;
	s1 =	ssub.s32 $0x2, s1;
	s29 =	smul.u32 $0x4E200, s3;
	s6 =	sor.u32 s7, s6;
	v0 =	vsel vm8, $0x40E00000, v0  }
0xb: {  	vm10 =	vcmask $0x2724;
	[smem:$0x7FF] =	sst s2;
	s30 =	sshrl.u32 s1, $0x1;
	s6 =	smul.u32 $0x2710, s6;
	v0 =	vsel vm9, $0x41000000, v0  }
0xc: {  	vm11 =	vcmask $0x2B28;
	s3 =	sadd.s32 $0xE600, s5;
	_ =	strace $0x80000050;
	s1 =	ssub.s32 s1, s30;
	v0 =	vsel vm10, $0x41100000, v0  }
.Ltmp0:
0xd: {  	vm12 =	vcmask $0x2F2C;
	s7 =	sadd.s32 s29, s5;
	s6 =	sshrl.u32 s6, $0x3;
	v0 =	vsel vm11, $0x41200000, v0;
	(pc) =	sbr.rel .LBB2_1-.Ltmp0, $4  }
0xe: {  	vm13 =	vcmask $0x3330;
	s14 =	smax.u32 s1, $0x1;
	s13 =	sadd.s32 s6, s5;
	s5 =	sadd.s32 $0x521600, s7;
	v0 =	vsel vm12, $0x41300000, v0  }
0xf: {  	vm14 =	vcmask $0x3734;
	s31 =	sadd.s32 $0x18400, s13;
	s7 =	sadd.s32 $0x188E2, s13;
	s8 =	sadd.s32 $0x18DC4, s13;
	v0 =	vsel vm13, $0x41400000, v0  }
0x10: {  	vm15 =	vcmask $0x3B38;
	s9 =	sadd.s32 $0x192A6, s13;
	s10 =	sadd.s32 $0x19788, s13;
	s11 =	sadd.s32 $0x19C6A, s13;
	v1 =	vsel vm14, $0x41500000, v0  }
0x11: {  	v2 =	vimm.s32 $0x0;
	s12 =	sadd.s32 $0x1A14C, s13;
	s13 =	sadd.s32 $0x1A62E, s13;
	[dreg:$0x2] =	wrdreg s31;
	v0 =	vimm.f32 $-Inf;
	v1 =	vsel vm15, $0x41600000, v1  }
.LBB2_26:
0x12: {  	s0 =	rddreg [dreg:$0x2]  }
0x13: {  	[hbm4b:s0+s2] =	stream.linear.scatter [tilespmem:s18], [sflag:$0x1], $0x2710, $0x38;
	[tilespmem:$0x1E080] =	vst v63  }
0x14: {  	_ =	swait.ge [sflag:s15], $0x2710  }
0x15: {  	[sflag:s15] =	ssyncset.done $0x0  }
0x16: {  	[sflag:s15] =	ssyncadd.s32 $0xFFFFD8F0  }
0x17: {  	[hbm4b:s7+s2] =	stream.linear.scatter [tilespmem:s19], [sflag:$0x1], $0x2710, $0x38;
	[tilespmem:$0x1E080] =	vst v63  }
0x18: {  	_ =	swait.ge [sflag:s15], $0x2710  }
0x19: {  	[sflag:s15] =	ssyncset.done $0x0  }
0x1a: {  	[sflag:s15] =	ssyncadd.s32 $0xFFFFD8F0  }
0x1b: {  	[hbm4b:s8+s2] =	stream.linear.scatter [tilespmem:s20], [sflag:$0x1], $0x2710, $0x38;
	[tilespmem:$0x1E080] =	vst v63  }
0x1c: {  	_ =	swait.ge [sflag:s15], $0x2710  }
0x1d: {  	[sflag:s15] =	ssyncset.done $0x0  }
0x1e: {  	[sflag:s15] =	ssyncadd.s32 $0xFFFFD8F0  }
0x1f: {  	[hbm4b:s9+s2] =	stream.linear.scatter [tilespmem:s21], [sflag:$0x1], $0x2710, $0x38;
	[tilespmem:$0x1E080] =	vst v63  }
0x20: {  	_ =	swait.ge [sflag:s15], $0x2710  }
0x21: {  	[sflag:s15] =	ssyncset.done $0x0  }
0x22: {  	[sflag:s15] =	ssyncadd.s32 $0xFFFFD8F0  }
0x23: {  	[hbm4b:s10+s2] =	stream.linear.scatter [tilespmem:s22], [sflag:$0x1], $0x2710, $0x38;
	[tilespmem:$0x1E080] =	vst v63  }
0x24: {  	_ =	swait.ge [sflag:s15], $0x2710  }
0x25: {  	[sflag:s15] =	ssyncset.done $0x0  }
0x26: {  	[sflag:s15] =	ssyncadd.s32 $0xFFFFD8F0  }
0x27: {  	[hbm4b:s11+s2] =	stream.linear.scatter [tilespmem:s23], [sflag:$0x1], $0x2710, $0x38;
	[tilespmem:$0x1E080] =	vst v63  }
0x28: {  	_ =	swait.ge [sflag:s15], $0x2710  }
0x29: {  	[sflag:s15] =	ssyncset.done $0x0  }
0x2a: {  	[sflag:s15] =	ssyncadd.s32 $0xFFFFD8F0  }
0x2b: {  	[hbm4b:s12+s2] =	stream.linear.scatter [tilespmem:s24], [sflag:$0x1], $0x2710, $0x38;
	[tilespmem:$0x1E080] =	vst v63  }
0x2c: {  	s26 =	sadd.s32 $0x1, s26;
	_ =	swait.ge [sflag:s15], $0x2710  }
0x2d: {  	p0 =	sne.s32 s26, s14;
	[sflag:s15] =	ssyncset.done $0x0  }
.Ltmp1:
0x2e: {  	[sflag:s15] =	ssyncadd.s32 $0xFFFFD8F0;
	(pc) =	sbr.rel @!p0 .LBB2_27-.Ltmp1, $4  }
0x2f: {  	[hbm4b:s13+s2] =	stream.linear.scatter [tilespmem:s25], [sflag:$0x1], $0x2710, $0x38;
	[tilespmem:$0x1E080] =	vst v63  }
0x30: {  	_ =	swait.ge [sflag:s15], $0x2710  }
0x31: {  	[sflag:s15] =	ssyncset.done $0x0  }
0x32: {  	[sflag:s15] =	ssyncadd.s32 $0xFFFFD8F0  }
.LBB2_1:
0x33: {  	s1 =	simm.s32 $0x0;
	s28 =	simm.s32 $0x40  }
.LBB2_2:
0x34: {  	p0 =	sne.s32 s28, $0x9C00;
	[tilespmem:s1+$0x1B900] =	vst v0  }
0x35: {  	[tilespmem:s1+$0xA480] =	vst v0  }
0x36: {  	[tilespmem:s1+$0xCC00] =	vst v0  }
.Ltmp2:
0x37: {  	[tilespmem:s1+$0xF380] =	vst v0;
	(pc) =	sbr.rel @p0 .LBB2_2-.Ltmp2, $4  }
0x38: {  	[tilespmem:s1+$0x11B00] =	vst v0  }
0x39: {  	[tilespmem:s1+$0x14280] =	vst v0  }
0x3a: {  	[tilespmem:s1+$0x16A00] =	vst v0  }
0x3b: {  	[tilespmem:s1+$0x19180] =	vst v0;
	s1 =	sshra.s32 s28, $0x2;
	s28 =	sadd.s32 $0x40, s28  }
0x3c: {  	[tilespmem:s1+$0x1B900] =	vst v0  }
0x3d: {  	[tilespmem:s1+$0xA480] =	vst v0  }
0x3e: {  	[tilespmem:s1+$0xCC00] =	vst v0  }
.Ltmp3:
0x3f: {  	[tilespmem:s1+$0xF380] =	vst v0;
	(pc) =	sbr.rel .LBB2_4-.Ltmp3, $4  }
0x40: {  	[tilespmem:s1+$0x11B00] =	vst v0  }
0x41: {  	[tilespmem:s1+$0x14280] =	vst v0  }
0x42: {  	[tilespmem:s1+$0x16A00] =	vst v0  }
0x43: {  	s28 =	simm.s32 $0x0;
	[tilespmem:s1+$0x19180] =	vst v0;
	s29 =	simm.s32 $0x0  }
.LBB2_25:
0x44: {  	s29 =	sadd.s32 $0x1, s29  }
0x45: {  	p0 =	sne.s32 s29, $0x19  }
.Ltmp4:
0x46: {  	_ = 	snop;
	(pc) =	sbr.rel @!p0 .LBB2_26-.Ltmp4, $1  }
0x47: {  	_ =	sdelay $0x3  }
.LBB2_4:
0x48: {  	s1 =	smul.u32 $0xC80, s29;
	_ =	sdelay $0x1  }
0x49: {  	s1 =	sadd.s32 s4, s1  }
0x4a: {  	s30 =	sshrl.u32 s1, $0x3  }
0x4b: {  	s30 =	sadd.s32 s3, s30  }
0x4c: {  	[tilespmem:s28], [sflag:$0x1] =	stream.linear.gather [hbm4b:s30+s28], $0xC80, $0x38;
	[tilespmem:$0x1E080] =	vst v63  }
0x4d: {  	_ =	swait.ge [sflag:s15], $0xC80  }
0x4e: {  	[sflag:s15] =	ssyncset.done $0x0  }
0x4f: {  	s1 =	sadd.s32 s1, s5;
	[sflag:s15] =	ssyncadd.s32 $0xFFFFF380  }
0x50: {  	[tilespmem:s16], [sflag:$0x1] =	stream.linear.gather [hbm4b:s1+s28], $0x6400, $0x38;
	[tilespmem:$0x1E080] =	vst v63  }
0x51: {  	_ =	swait.ge [sflag:s15], $0x6400  }
0x52: {  	[sflag:s15] =	ssyncset.done $0x0  }
0x53: {  	s1 =	simm.s32 $0x0;
	[sflag:s15] =	ssyncadd.s32 $0xFFFF9C00  }
0x54: {  	v3 =	vld [tilespmem:s1+$0x0];
	_ =	sdelay $0x7  }
0x55: {  	[tilespmem:v3+s17+$0x0] =	vst.idx.msk $0xffff, v1  }
0x56: {  	v3 =	vld.idx.msk [tilespmem:v3+s17+$0x0], $0xffff  }
0x57: {  	s31 =	simm.s32 $0x80;
	s30 =	simm.s32 $0x10  }
.LBB2_5:
0x58: {  	p0 =	sne.s32 s31, $0x31C0;
	v4 =	vld [tilespmem:s30+$0x0];
	_ =	sdelay $0x2  }
0x59: {  	vm0 =	vlt.f32 v3, v1;
	vm1 =	vgt.f32 v3, v1  }
0x5a: {  	vm0 =	vmor vm1, vm0  }
0x5b: {  	v3 =	vmpcnt.ones.xlane vm0;
	_ =	sdelay $0x1  }
.Ltmp5:
0x5c: {  	[tilespmem:s1+$0x9800] =	vst v3;
	s1 =	smov.u32 s30;
	(pc) =	sbr.rel @p0 .LBB2_5-.Ltmp5, $3  }
0x5d: {  	[tilespmem:v4+s17+$0x0] =	vst.idx.msk $0xffff, v1  }
0x5e: {  	v3 =	vld.idx.msk [tilespmem:v4+s17+$0x0], $0xffff;
	_ =	sdelay $0x1  }
0x5f: {  	s30 =	sshra.s32 s31, $0x2;
	s31 =	sadd.s32 $0x40, s31  }
0x60: {  	v4 =	vld [tilespmem:s30+$0x0];
	_ =	sdelay $0x2  }
0x61: {  	vm0 =	vlt.f32 v3, v1;
	vm1 =	vgt.f32 v3, v1  }
0x62: {  	vm0 =	vmor vm1, vm0  }
0x63: {  	v3 =	vmpcnt.ones.xlane vm0;
	_ =	sdelay $0x1  }
0x64: {  	[tilespmem:s1+$0x9800] =	vst v3  }
0x65: {  	[tilespmem:v4+s17+$0x0] =	vst.idx.msk $0xffff, v1  }
0x66: {  	v3 =	vld.idx.msk [tilespmem:v4+s17+$0x0], $0xffff;
	_ =	sdelay $0x4  }
.Ltmp6:
0x67: {  	vm14 =	vlt.f32 v3, v1;
	vm15 =	vgt.f32 v3, v1;
	(pc) =	sbr.rel .LBB2_7-.Ltmp6, $3  }
0x68: {  	vm0 =	vmor vm15, vm14  }
0x69: {  	v3 =	vmpcnt.ones.xlane vm0;
	_ =	sdelay $0x1  }
0x6a: {  	[tilespmem:s30+$0x9800] =	vst v3;
	s30 =	simm.s32 $0x0  }
.LBB2_24:
0x6b: {  	s30 =	sadd.s32 $0x1, s30  }
0x6c: {  	p0 =	sne.s32 s30, $0xC8  }
.Ltmp7:
0x6d: {  	_ = 	snop;
	(pc) =	sbr.rel @!p0 .LBB2_25-.Ltmp7, $1  }
0x6e: {  	_ =	sdelay $0x3  }
.LBB2_7:
0x6f: {  	s0 =	sshll.u32 s30, $0x4  }
0x70: {  	v3 =	vld [tilespmem:s0+$0x0];
	_ =	sdelay $0x3  }
0x71: {  	s31 =	sshll.u32 s30, $0x7  }
0x72: {  	s6 =	sand.u32 $0x70, s0;
	s1 =	sand.u32 $0x7C00, s31  }
0x73: {  	s1 =	sor.u32 s6, s1  }
0x74: {  	v4 =	vld [tilespmem:s1+$0xC80]  }
0x75: {  	v5 =	vld.idx.msk [tilespmem:v3+s18+$0x0], $0xffff;
	_ =	sdelay $0x4  }
0x76: {  	v4 =	vmax.f32 v4, v5  }
0x77: {  	[tilespmem:v3+s18+$0x0] =	vst.idx.msk $0xffff, v4  }
0x78: {  	v4 =	vld [tilespmem:s1+$0xD00]  }
0x79: {  	v5 =	vld.idx.msk [tilespmem:v3+s19+$0x0], $0xffff;
	_ =	sdelay $0x4  }
0x7a: {  	v4 =	vmax.f32 v4, v5  }
0x7b: {  	[tilespmem:v3+s19+$0x0] =	vst.idx.msk $0xffff, v4  }
0x7c: {  	v4 =	vld [tilespmem:s1+$0xD80]  }
0x7d: {  	v5 =	vld.idx.msk [tilespmem:v3+s20+$0x0], $0xffff;
	_ =	sdelay $0x4  }
0x7e: {  	v4 =	vmax.f32 v4, v5  }
0x7f: {  	[tilespmem:v3+s20+$0x0] =	vst.idx.msk $0xffff, v4  }
0x80: {  	v4 =	vld [tilespmem:s1+$0xE00]  }
0x81: {  	v5 =	vld.idx.msk [tilespmem:v3+s21+$0x0], $0xffff;
	_ =	sdelay $0x4  }
0x82: {  	v4 =	vmax.f32 v4, v5  }
0x83: {  	[tilespmem:v3+s21+$0x0] =	vst.idx.msk $0xffff, v4  }
0x84: {  	v4 =	vld [tilespmem:s1+$0xE80]  }
0x85: {  	v5 =	vld.idx.msk [tilespmem:v3+s22+$0x0], $0xffff;
	_ =	sdelay $0x4  }
0x86: {  	v4 =	vmax.f32 v4, v5  }
0x87: {  	[tilespmem:v3+s22+$0x0] =	vst.idx.msk $0xffff, v4  }
0x88: {  	v4 =	vld [tilespmem:s1+$0xF00]  }
0x89: {  	v5 =	vld.idx.msk [tilespmem:v3+s23+$0x0], $0xffff;
	_ =	sdelay $0x4  }
0x8a: {  	v4 =	vmax.f32 v4, v5  }
0x8b: {  	[tilespmem:v3+s23+$0x0] =	vst.idx.msk $0xffff, v4  }
0x8c: {  	v4 =	vld [tilespmem:s1+$0xF80]  }
0x8d: {  	v5 =	vld.idx.msk [tilespmem:v3+s24+$0x0], $0xffff;
	_ =	sdelay $0x4  }
0x8e: {  	s6 =	sor.u32 s6, s31;
	v4 =	vmax.f32 v4, v5  }
0x8f: {  	s31 =	sor.u32 $0x380, s6;
	[tilespmem:v3+s24+$0x0] =	vst.idx.msk $0xffff, v4  }
0x90: {  	v4 =	vld [tilespmem:s31+$0xC80]  }
0x91: {  	v5 =	vld.idx.msk [tilespmem:v3+s25+$0x0], $0xffff;
	_ =	sdelay $0x4  }
0x92: {  	v4 =	vmax.f32 v4, v5  }
0x93: {  	[tilespmem:v3+s25+$0x0] =	vst.idx.msk $0xffff, v4  }
0x94: {  	v4 =	vld [tilespmem:s0+$0x9800];
	_ =	sdelay $0x4  }
0x95: {  	(v2sf) =	vpush v4, $0x0;
	_ =	sdelay $0xe  }
0x96: {  	s6 =	spop (v2sf)  }
0x97: {  	p0 =	slt.s32 s6, $0x1  }
.Ltmp8:
0x98: {  	_ = 	snop;
	(pc) =	sbr.rel @p0 .LBB2_24-.Ltmp8, $1  }
0x99: {  	_ =	sdelay $0x3  }
0x9a: {  	_ =	sdelay $0x2  }
0x9b: {  	v4 =	vld [tilespmem:s1+$0xC80]  }
0x9c: {  	v5 =	vld.idx.msk [tilespmem:v3+s18+$0x0], $0xffff;
	_ =	sdelay $0x4  }
0x9d: {  	v4 =	vmax.f32 v4, v5  }
0x9e: {  	vm0 =	vlt.f32 v5, v4  }
0x9f: {  	v5 =	vsel vm0, $0x1, v2  }
0xa0: {  	(xrf0) =	vadd.scan.msk.s32 $0xffff, v5;
	_ =	sdelay $0x5  }
0xa1: {  	v5, _, _ =	vpop (xrf0)  }
0xa2: {  	(v2sf) =	vpush v5, $0xF;
	_ =	sdelay $0xe  }
0xa3: {  	s0 =	spop (v2sf)  }
0xa4: {  	p0 =	slt.s32 s0, $0x1  }
.Ltmp9:
0xa5: {  	_ = 	snop;
	(pc) =	sbr.rel @p0 .LBB2_10-.Ltmp9, $1  }
0xa6: {  	_ =	sdelay $0x3  }
.LBB2_9:
0xa7: {  	v5 =	vld.idx.msk [tilespmem:v3+s18+$0x0], $0xffff;
	_ =	sdelay $0x4  }
0xa8: {  	vm0 =	vlt.f32 v5, v4;
	_ =	sdelay $0x5  }
0xa9: {  	[tilespmem:v3+s18+$0x0] =	vst.idx.msk vm0, v4  }
0xaa: {  	v5 =	vld.idx.msk [tilespmem:v3+s18+$0x0], $0xffff;
	_ =	sdelay $0x4  }
0xab: {  	vm15 =	vlt.f32 v5, v4  }
0xac: {  	v5 =	vsel vm15, $0x1, v2  }
0xad: {  	(xrf0) =	vadd.scan.msk.s32 $0xffff, v5;
	_ =	sdelay $0x5  }
0xae: {  	v5, _, _ =	vpop (xrf0)  }
0xaf: {  	(v2sf) =	vpush v5, $0xF;
	_ =	sdelay $0xe  }
0xb0: {  	s0 =	spop (v2sf)  }
0xb1: {  	p0 =	sgt.s32 s0, $0x0  }
.Ltmp10:
0xb2: {  	_ = 	snop;
	(pc) =	sbr.rel @p0 .LBB2_9-.Ltmp10, $1  }
0xb3: {  	_ =	sdelay $0x3  }
.LBB2_10:
0xb4: {  	_ =	sdelay $0x3  }
0xb5: {  	s1 =	sadd.s32 $0xC80, s1;
	v5 =	vld.idx.msk [tilespmem:v3+s19+$0x0], $0xffff  }
0xb6: {  	v4 =	vld [tilespmem:s1+$0x80];
	_ =	sdelay $0x4  }
0xb7: {  	v4 =	vmax.f32 v4, v5  }
0xb8: {  	vm0 =	vlt.f32 v5, v4  }
0xb9: {  	v5 =	vsel vm0, $0x1, v2  }
0xba: {  	(xrf0) =	vadd.scan.msk.s32 $0xffff, v5;
	_ =	sdelay $0x5  }
0xbb: {  	v5, _, _ =	vpop (xrf0)  }
0xbc: {  	(v2sf) =	vpush v5, $0xF;
	_ =	sdelay $0xe  }
0xbd: {  	s0 =	spop (v2sf)  }
0xbe: {  	p0 =	slt.s32 s0, $0x1  }
.Ltmp11:
0xbf: {  	_ = 	snop;
	(pc) =	sbr.rel @p0 .LBB2_12-.Ltmp11, $1  }
0xc0: {  	_ =	sdelay $0x3  }
.LBB2_11:
0xc1: {  	v5 =	vld.idx.msk [tilespmem:v3+s19+$0x0], $0xffff;
	_ =	sdelay $0x4  }
0xc2: {  	vm0 =	vlt.f32 v5, v4;
	_ =	sdelay $0x5  }
0xc3: {  	[tilespmem:v3+s19+$0x0] =	vst.idx.msk vm0, v4  }
0xc4: {  	v5 =	vld.idx.msk [tilespmem:v3+s19+$0x0], $0xffff;
	_ =	sdelay $0x4  }
0xc5: {  	vm15 =	vlt.f32 v5, v4  }
0xc6: {  	v5 =	vsel vm15, $0x1, v2  }
0xc7: {  	(xrf0) =	vadd.scan.msk.s32 $0xffff, v5;
	_ =	sdelay $0x5  }
0xc8: {  	v5, _, _ =	vpop (xrf0)  }
0xc9: {  	(v2sf) =	vpush v5, $0xF;
	_ =	sdelay $0xe  }
0xca: {  	s0 =	spop (v2sf)  }
0xcb: {  	p0 =	sgt.s32 s0, $0x0  }
.Ltmp12:
0xcc: {  	_ = 	snop;
	(pc) =	sbr.rel @p0 .LBB2_11-.Ltmp12, $1  }
0xcd: {  	_ =	sdelay $0x3  }
.LBB2_12:
0xce: {  	_ =	sdelay $0x2  }
0xcf: {  	v4 =	vld [tilespmem:s1+$0x100]  }
0xd0: {  	v5 =	vld.idx.msk [tilespmem:v3+s20+$0x0], $0xffff;
	_ =	sdelay $0x4  }
0xd1: {  	v4 =	vmax.f32 v4, v5  }
0xd2: {  	vm0 =	vlt.f32 v5, v4  }
0xd3: {  	v5 =	vsel vm0, $0x1, v2  }
0xd4: {  	(xrf0) =	vadd.scan.msk.s32 $0xffff, v5;
	_ =	sdelay $0x5  }
0xd5: {  	v5, _, _ =	vpop (xrf0)  }
0xd6: {  	(v2sf) =	vpush v5, $0xF;
	_ =	sdelay $0xe  }
0xd7: {  	s0 =	spop (v2sf)  }
0xd8: {  	p0 =	slt.s32 s0, $0x1  }
.Ltmp13:
0xd9: {  	_ = 	snop;
	(pc) =	sbr.rel @p0 .LBB2_14-.Ltmp13, $1  }
0xda: {  	_ =	sdelay $0x3  }
.LBB2_13:
0xdb: {  	v5 =	vld.idx.msk [tilespmem:v3+s20+$0x0], $0xffff;
	_ =	sdelay $0x4  }
0xdc: {  	vm0 =	vlt.f32 v5, v4;
	_ =	sdelay $0x5  }
0xdd: {  	[tilespmem:v3+s20+$0x0] =	vst.idx.msk vm0, v4  }
0xde: {  	v5 =	vld.idx.msk [tilespmem:v3+s20+$0x0], $0xffff;
	_ =	sdelay $0x4  }
0xdf: {  	vm15 =	vlt.f32 v5, v4  }
0xe0: {  	v5 =	vsel vm15, $0x1, v2  }
0xe1: {  	(xrf0) =	vadd.scan.msk.s32 $0xffff, v5;
	_ =	sdelay $0x5  }
0xe2: {  	v5, _, _ =	vpop (xrf0)  }
0xe3: {  	(v2sf) =	vpush v5, $0xF;
	_ =	sdelay $0xe  }
0xe4: {  	s0 =	spop (v2sf)  }
0xe5: {  	p0 =	sgt.s32 s0, $0x0  }
.Ltmp14:
0xe6: {  	_ = 	snop;
	(pc) =	sbr.rel @p0 .LBB2_13-.Ltmp14, $1  }
0xe7: {  	_ =	sdelay $0x3  }
.LBB2_14:
0xe8: {  	_ =	sdelay $0x2  }
0xe9: {  	v4 =	vld [tilespmem:s1+$0x180]  }
0xea: {  	v5 =	vld.idx.msk [tilespmem:v3+s21+$0x0], $0xffff;
	_ =	sdelay $0x4  }
0xeb: {  	v4 =	vmax.f32 v4, v5  }
0xec: {  	vm0 =	vlt.f32 v5, v4  }
0xed: {  	v5 =	vsel vm0, $0x1, v2  }
0xee: {  	(xrf0) =	vadd.scan.msk.s32 $0xffff, v5;
	_ =	sdelay $0x5  }
0xef: {  	v5, _, _ =	vpop (xrf0)  }
0xf0: {  	(v2sf) =	vpush v5, $0xF;
	_ =	sdelay $0xe  }
0xf1: {  	s0 =	spop (v2sf)  }
0xf2: {  	p0 =	slt.s32 s0, $0x1  }
.Ltmp15:
0xf3: {  	_ = 	snop;
	(pc) =	sbr.rel @p0 .LBB2_16-.Ltmp15, $1  }
0xf4: {  	_ =	sdelay $0x3  }
.LBB2_15:
0xf5: {  	v5 =	vld.idx.msk [tilespmem:v3+s21+$0x0], $0xffff;
	_ =	sdelay $0x4  }
0xf6: {  	vm0 =	vlt.f32 v5, v4;
	_ =	sdelay $0x5  }
0xf7: {  	[tilespmem:v3+s21+$0x0] =	vst.idx.msk vm0, v4  }
0xf8: {  	v5 =	vld.idx.msk [tilespmem:v3+s21+$0x0], $0xffff;
	_ =	sdelay $0x4  }
0xf9: {  	vm15 =	vlt.f32 v5, v4  }
0xfa: {  	v5 =	vsel vm15, $0x1, v2  }
0xfb: {  	(xrf0) =	vadd.scan.msk.s32 $0xffff, v5;
	_ =	sdelay $0x5  }
0xfc: {  	v5, _, _ =	vpop (xrf0)  }
0xfd: {  	(v2sf) =	vpush v5, $0xF;
	_ =	sdelay $0xe  }
0xfe: {  	s0 =	spop (v2sf)  }
0xff: {  	p0 =	sgt.s32 s0, $0x0  }
.Ltmp16:
0x100: {  	_ = 	snop;
	(pc) =	sbr.rel @p0 .LBB2_15-.Ltmp16, $1  }
0x101: {  	_ =	sdelay $0x3  }
.LBB2_16:
0x102: {  	_ =	sdelay $0x2  }
0x103: {  	v4 =	vld [tilespmem:s1+$0x200]  }
0x104: {  	v5 =	vld.idx.msk [tilespmem:v3+s22+$0x0], $0xffff;
	_ =	sdelay $0x4  }
0x105: {  	v4 =	vmax.f32 v4, v5  }
0x106: {  	vm0 =	vlt.f32 v5, v4  }
0x107: {  	v5 =	vsel vm0, $0x1, v2  }
0x108: {  	(xrf0) =	vadd.scan.msk.s32 $0xffff, v5;
	_ =	sdelay $0x5  }
0x109: {  	v5, _, _ =	vpop (xrf0)  }
0x10a: {  	(v2sf) =	vpush v5, $0xF;
	_ =	sdelay $0xe  }
0x10b: {  	s0 =	spop (v2sf)  }
0x10c: {  	p0 =	slt.s32 s0, $0x1  }
.Ltmp17:
0x10d: {  	_ = 	snop;
	(pc) =	sbr.rel @p0 .LBB2_18-.Ltmp17, $1  }
0x10e: {  	_ =	sdelay $0x3  }
.LBB2_17:
0x10f: {  	v5 =	vld.idx.msk [tilespmem:v3+s22+$0x0], $0xffff;
	_ =	sdelay $0x4  }
0x110: {  	vm0 =	vlt.f32 v5, v4;
	_ =	sdelay $0x5  }
0x111: {  	[tilespmem:v3+s22+$0x0] =	vst.idx.msk vm0, v4  }
0x112: {  	v5 =	vld.idx.msk [tilespmem:v3+s22+$0x0], $0xffff;
	_ =	sdelay $0x4  }
0x113: {  	vm15 =	vlt.f32 v5, v4  }
0x114: {  	v5 =	vsel vm15, $0x1, v2  }
0x115: {  	(xrf0) =	vadd.scan.msk.s32 $0xffff, v5;
	_ =	sdelay $0x5  }
0x116: {  	v5, _, _ =	vpop (xrf0)  }
0x117: {  	(v2sf) =	vpush v5, $0xF;
	_ =	sdelay $0xe  }
0x118: {  	s0 =	spop (v2sf)  }
0x119: {  	p0 =	sgt.s32 s0, $0x0  }
.Ltmp18:
0x11a: {  	_ = 	snop;
	(pc) =	sbr.rel @p0 .LBB2_17-.Ltmp18, $1  }
0x11b: {  	_ =	sdelay $0x3  }
.LBB2_18:
0x11c: {  	_ =	sdelay $0x2  }
0x11d: {  	v4 =	vld [tilespmem:s1+$0x280]  }
0x11e: {  	v5 =	vld.idx.msk [tilespmem:v3+s23+$0x0], $0xffff;
	_ =	sdelay $0x4  }
0x11f: {  	v4 =	vmax.f32 v4, v5  }
0x120: {  	vm0 =	vlt.f32 v5, v4  }
0x121: {  	v5 =	vsel vm0, $0x1, v2  }
0x122: {  	(xrf0) =	vadd.scan.msk.s32 $0xffff, v5;
	_ =	sdelay $0x5  }
0x123: {  	v5, _, _ =	vpop (xrf0)  }
0x124: {  	(v2sf) =	vpush v5, $0xF;
	_ =	sdelay $0xe  }
0x125: {  	s0 =	spop (v2sf)  }
0x126: {  	p0 =	slt.s32 s0, $0x1  }
.Ltmp19:
0x127: {  	_ = 	snop;
	(pc) =	sbr.rel @p0 .LBB2_20-.Ltmp19, $1  }
0x128: {  	_ =	sdelay $0x3  }
.LBB2_19:
0x129: {  	v5 =	vld.idx.msk [tilespmem:v3+s23+$0x0], $0xffff;
	_ =	sdelay $0x4  }
0x12a: {  	vm0 =	vlt.f32 v5, v4;
	_ =	sdelay $0x5  }
0x12b: {  	[tilespmem:v3+s23+$0x0] =	vst.idx.msk vm0, v4  }
0x12c: {  	v5 =	vld.idx.msk [tilespmem:v3+s23+$0x0], $0xffff;
	_ =	sdelay $0x4  }
0x12d: {  	vm15 =	vlt.f32 v5, v4  }
0x12e: {  	v5 =	vsel vm15, $0x1, v2  }
0x12f: {  	(xrf0) =	vadd.scan.msk.s32 $0xffff, v5;
	_ =	sdelay $0x5  }
0x130: {  	v5, _, _ =	vpop (xrf0)  }
0x131: {  	(v2sf) =	vpush v5, $0xF;
	_ =	sdelay $0xe  }
0x132: {  	s0 =	spop (v2sf)  }
0x133: {  	p0 =	sgt.s32 s0, $0x0  }
.Ltmp20:
0x134: {  	_ = 	snop;
	(pc) =	sbr.rel @p0 .LBB2_19-.Ltmp20, $1  }
0x135: {  	_ =	sdelay $0x3  }
.LBB2_20:
0x136: {  	_ =	sdelay $0x2  }
0x137: {  	v4 =	vld [tilespmem:s1+$0x300]  }
0x138: {  	v5 =	vld.idx.msk [tilespmem:v3+s24+$0x0], $0xffff;
	_ =	sdelay $0x4  }
0x139: {  	v4 =	vmax.f32 v4, v5  }
0x13a: {  	vm0 =	vlt.f32 v5, v4  }
0x13b: {  	v5 =	vsel vm0, $0x1, v2  }
0x13c: {  	(xrf0) =	vadd.scan.msk.s32 $0xffff, v5;
	_ =	sdelay $0x5  }
0x13d: {  	v5, _, _ =	vpop (xrf0)  }
0x13e: {  	(v2sf) =	vpush v5, $0xF;
	_ =	sdelay $0xe  }
0x13f: {  	s0 =	spop (v2sf)  }
0x140: {  	p0 =	slt.s32 s0, $0x1  }
.Ltmp21:
0x141: {  	_ = 	snop;
	(pc) =	sbr.rel @p0 .LBB2_22-.Ltmp21, $1  }
0x142: {  	_ =	sdelay $0x3  }
.LBB2_21:
0x143: {  	v5 =	vld.idx.msk [tilespmem:v3+s24+$0x0], $0xffff;
	_ =	sdelay $0x4  }
0x144: {  	vm0 =	vlt.f32 v5, v4;
	_ =	sdelay $0x5  }
0x145: {  	[tilespmem:v3+s24+$0x0] =	vst.idx.msk vm0, v4  }
0x146: {  	v5 =	vld.idx.msk [tilespmem:v3+s24+$0x0], $0xffff;
	_ =	sdelay $0x4  }
0x147: {  	vm15 =	vlt.f32 v5, v4  }
0x148: {  	v5 =	vsel vm15, $0x1, v2  }
0x149: {  	(xrf0) =	vadd.scan.msk.s32 $0xffff, v5;
	_ =	sdelay $0x5  }
0x14a: {  	v5, _, _ =	vpop (xrf0)  }
0x14b: {  	(v2sf) =	vpush v5, $0xF;
	_ =	sdelay $0xe  }
0x14c: {  	s0 =	spop (v2sf)  }
0x14d: {  	p0 =	sgt.s32 s0, $0x0  }
.Ltmp22:
0x14e: {  	_ = 	snop;
	(pc) =	sbr.rel @p0 .LBB2_21-.Ltmp22, $1  }
0x14f: {  	_ =	sdelay $0x3  }
.LBB2_22:
0x150: {  	_ =	sdelay $0x2  }
0x151: {  	v4 =	vld [tilespmem:s31+$0xC80]  }
0x152: {  	v5 =	vld.idx.msk [tilespmem:v3+s25+$0x0], $0xffff;
	_ =	sdelay $0x4  }
0x153: {  	v4 =	vmax.f32 v4, v5  }
0x154: {  	vm0 =	vlt.f32 v5, v4  }
0x155: {  	v5 =	vsel vm0, $0x1, v2  }
0x156: {  	(xrf0) =	vadd.scan.msk.s32 $0xffff, v5;
	_ =	sdelay $0x5  }
0x157: {  	v5, _, _ =	vpop (xrf0)  }
0x158: {  	(v2sf) =	vpush v5, $0xF;
	_ =	sdelay $0xe  }
0x159: {  	s0 =	spop (v2sf)  }
0x15a: {  	p0 =	slt.s32 s0, $0x1  }
.Ltmp23:
0x15b: {  	_ = 	snop;
	(pc) =	sbr.rel @p0 .LBB2_24-.Ltmp23, $1  }
0x15c: {  	_ =	sdelay $0x3  }
.LBB2_23:
0x15d: {  	v5 =	vld.idx.msk [tilespmem:v3+s25+$0x0], $0xffff;
	_ =	sdelay $0x4  }
0x15e: {  	vm0 =	vlt.f32 v5, v4;
	_ =	sdelay $0x5  }
0x15f: {  	[tilespmem:v3+s25+$0x0] =	vst.idx.msk vm0, v4  }
0x160: {  	v5 =	vld.idx.msk [tilespmem:v3+s25+$0x0], $0xffff;
	_ =	sdelay $0x4  }
0x161: {  	vm15 =	vlt.f32 v5, v4  }
0x162: {  	v5 =	vsel vm15, $0x1, v2  }
0x163: {  	(xrf0) =	vadd.scan.msk.s32 $0xffff, v5;
	_ =	sdelay $0x5  }
0x164: {  	v5, _, _ =	vpop (xrf0)  }
0x165: {  	(v2sf) =	vpush v5, $0xF;
	_ =	sdelay $0xe  }
0x166: {  	s0 =	spop (v2sf)  }
0x167: {  	p0 =	sgt.s32 s0, $0x0  }
.Ltmp24:
0x168: {  	_ = 	snop;
	(pc) =	sbr.rel @p0 .LBB2_23-.Ltmp24, $1  }
0x169: {  	_ =	sdelay $0x3  }
.Ltmp25:
0x16a: {  	_ = 	snop;
	(pc) =	sbr.rel .LBB2_24-.Ltmp25, $1  }
0x16b: {  	_ =	sdelay $0x3  }
.LBB2_27:
0x16c: {  	_ =	sfence.sel $0x180000  }
0x16d: {  	[bflag:$0x0] =	sbarrier.arrive $0xFFFF  }
0x16e: {  	_ =	strace $0x90000050  }
0x16f: {  	s0 =	stileid.u32;
	[bflag:$0x2] =	sbarrier.arrive $0xFFFF  }
0x170: {  	p0 =	sne.s32 s0, $0x0;
	s0 =	rddreg [dreg:$0x1]  }
0x171: {  	s0 =	sadd.s32 @!p0 $0x100000, s0  }
0x172: {  	[sflag:s0] =	ssyncadd.tile.s32 @!p0 $0x1;
	_ =	shalt  }
.Lfunc_end2:
_tile_overlayer_lowered:
.L_overlay_start_2:
0x173: {  	(tag) =	ssettag $0x2  }
0x174: {  	s0 =	rddreg [dreg:$0x0];
	s2 =	stileid.u32  }
0x175: {  	s1 =	rddreg [dreg:$0x1];
	p0 =	sne.s32 s2, $0x0  }
0x176: {  	s3 =	rddreg [dreg:$0x2];
	[bflag:$0x3] =	sbarrier.arrive $0xFFFF;
	s2 =	simm.s32 @!p0 $0x1C01  }
0x177: {  	[timem:s3], [sflag:s2] =	dma.local @!p0 [hbm:s0], s1  }
0x178: {  	s0 =	simm.s32 @!p0 $0x1  }
0x179: {  	_ =	swait.ge @!p0 [sflag:s0], s1  }
0x17a: {  	s1 =	ssub.s32 @!p0 $0x0, s1;
	[sflag:s0] =	ssyncset.done @!p0 $0x0  }
0x17b: {  	[sflag:s0] =	ssyncadd.s32 @!p0 s1  }
0x17c: {  	[bflag:$0x3] =	sbarrier.arrive $0xFFFF  }
0x17d: {  	_ =	shalt  }

// kernel: kernel.26.cloned.1.call-start
scs
__scs_entry_jumppad:
0x0: {  	(pc) =	sbr.rel $0x88, $3  }
0x1: {  	(tag) =	ssettag $0x0;
	lr =	simm.s32 $0x1  }
0x2: {  	[smem:$0x3F85] =	sst lr;
	_ =	strace $0xD0000000  }
0x3: {  	_ = 	snop  }
0x4: {  	_ = 	snop  }
0x5: {  	_ = 	snop  }
0x6: {  	_ = 	snop  }
0x7: {  	_ = 	snop  }
__scs_overlays_trampoline_lowered:
0x8: {  	[smem:$0x3F94] =	sst s0  }
0x9: {  	[smem:$0x3F95] =	sst s1  }
0xa: {  	[smem:$0x3F96] =	sst s2  }
0xb: {  	[smem:$0x3F97] =	sst s3  }
0xc: {  	[smem:$0x3F98] =	sst s4  }
0xd: {  	[smem:$0x3F99] =	sst s5  }
0xe: {  	[smem:$0x3F9A] =	sst s6  }
0xf: {  	[smem:$0x3F9B] =	sst s7  }
0x10: {  	[smem:$0x3F9C] =	sst s8  }
0x11: {  	[smem:$0x3F9D] =	sst s9;
	s0 =	simm.s32 @!p0 $0x0  }
0x12: {  	s1 =	sld [smem:$0x3F83];
	s0 =	simm.s32 @p0 $0x1  }
0x13: {  	[smem:$0x3F9E] =	sst s0;
	s0 =	simm.s32 @!p1 $0x0  }
0x14: {  	s2 =	sld [smem:$0x3F82];
	s0 =	simm.s32 @p1 $0x1  }
0x15: {  	[smem:$0x3F9F] =	sst s0;
	s0 =	simm.s32 @!p2 $0x0  }
0x16: {  	s3 =	sld [smem:$0x3FDB];
	s0 =	simm.s32 @p2 $0x1  }
0x17: {  	s4 =	simm.s32 $0x1BF5;
	[smem:$0x3FA1] =	sst s0  }
0x18: {  	s0 =	sld [smem:$0x3F84];
	_ =	swait.ge [sflag:s4], $0x0  }
0x19: {  	s7 =	sld [smem:$0x3F85]  }
0x1a: {  	s8 =	sadd.s32 $0xFFFFE003, lr  }
0x1b: {  	s9 =	sadd.s32 $0xFFFFFEF7, lr;
	s5 =	simm.s32 $0xFFFFFFFF;
	p2 =	slt.u32 s8, $0xFFFFF086  }
0x1c: {  	p1 =	slt.u32 s9, $0xF7A;
	s5 =	simm.s32 @!p2 $0x0  }
0x1d: {  	s5 =	simm.s32 @p1 $0x1;
	p0 =	seq.s32 s7, s2  }
0x1e: {  	s7 =	smul.u32 @!p0 $0xF7A, s2;
	p2 =	seq.s32 @!p0 s5, $0x0  }
0x1f: {  	s9 =	smul.u32 $0xF7A, s1;
	s8 =	simm.s32 @!p0 $0x1BF5;
	p2 =	por !p2, p0  }
0x20: {  	[sflag:s8] =	ssyncset.s32 @!p0 $0xFFFFF086;
	s6 =	sadd.s32 @!p0 s3, s7;
	s7 =	simm.s32 @!p0 $0x108  }
0x21: {  	s3 =	sadd.s32 s3, s9;
	s6 =	sadd.s32 @!p0 $0x88, s6;
	s7 =	simm.s32 @p2 $0x1082  }
0x22: {  	[simem:s7], [sflag:s8] =	dma.local @!p0 [hbm:s6], $0xF7A  }
0x23: {  	s9 =	sor.u32 $0xD0000000, s2;
	s6 =	simm.s32 $0x108;
	_ =	swait.ge @!p0 [sflag:s8], $0x0  }
0x24: {  	s3 =	sadd.s32 $0x88, s3;
	s6 =	simm.s32 @!p1 $0x1082;
	[sflag:s4] =	ssyncset.s32 $0xFFFFF086  }
0x25: {  	[simem:s6], [sflag:s4] =	dma.local [hbm:s3], $0xF7A  }
0x26: {  	[smem:$0x3F85] =	sst s1;
	(tag) =	ssettag s2;
	_ =	strace s9  }
0x27: {  	s1 =	sld [smem:$0x3F95]  }
0x28: {  	s2 =	sld [smem:$0x3F96]  }
0x29: {  	s4 =	sld [smem:$0x3F98]  }
0x2a: {  	p0 =	seq.s32 s5, $0x0;
	s5 =	sld [smem:$0x3F99]  }
0x2b: {  	s6 =	sld [smem:$0x3F9A]  }
0x2c: {  	s7 =	sld [smem:$0x3F9B]  }
0x2d: {  	s3 =	simm.s32 $0x108;
	s8 =	sld [smem:$0x3F9C]  }
0x2e: {  	s3 =	simm.s32 @!p0 $0x1082;
	s9 =	sld [smem:$0x3F9D]  }
0x2f: {  	lr =	sadd.s32 s0, s3;
	s0 =	sld [smem:$0x3F94]  }
0x30: {  	s3 =	sld [smem:$0x3F97]  }
0x31: {  	[smem:$0x3FA0] =	sst s10  }
0x32: {  	s10 =	sld [smem:$0x3F9E];
	_ =	sdelay $0x3  }
0x33: {  	p0 =	seq.s32 s10, $0x1;
	s10 =	sld [smem:$0x3FA0];
	_ =	sdelay $0x3  }
0x34: {  	[smem:$0x3FA0] =	sst s10  }
0x35: {  	s10 =	sld [smem:$0x3F9F];
	_ =	sdelay $0x3  }
0x36: {  	p1 =	seq.s32 s10, $0x1;
	s10 =	sld [smem:$0x3FA0];
	_ =	sdelay $0x3  }
0x37: {  	[smem:$0x3FA0] =	sst s10  }
0x38: {  	s10 =	sld [smem:$0x3FA1]  }
0x39: {  	_ = 	snop;
	(pc) =	sbr.ind lr, $3  }
0x3a: {  	_ = 	snop  }
0x3b: {  	_ = 	snop  }
0x3c: {  	p2 =	seq.s32 s10, $0x1;
	s10 =	sld [smem:$0x3FA0]  }
0x3d: {  	_ =	shalt  }
0x3e: {  	_ =	shalt  }
0x3f: {  	_ =	shalt  }
0x40: {  	_ =	shalt  }
0x41: {  	_ =	shalt  }
0x42: {  	_ =	shalt  }
0x43: {  	_ =	shalt  }
0x44: {  	_ =	shalt  }
0x45: {  	_ =	shalt  }
0x46: {  	_ =	shalt  }
0x47: {  	_ =	shalt  }
0x48: {  	_ =	shalt  }
0x49: {  	_ =	shalt  }
0x4a: {  	_ =	shalt  }
0x4b: {  	_ =	shalt  }
0x4c: {  	_ =	shalt  }
0x4d: {  	_ =	shalt  }
0x4e: {  	_ =	shalt  }
0x4f: {  	_ =	shalt  }
0x50: {  	_ =	shalt  }
0x51: {  	_ =	shalt  }
0x52: {  	_ =	shalt  }
0x53: {  	_ =	shalt  }
0x54: {  	_ =	shalt  }
0x55: {  	_ =	shalt  }
0x56: {  	_ =	shalt  }
0x57: {  	_ =	shalt  }
0x58: {  	_ =	shalt  }
0x59: {  	_ =	shalt  }
0x5a: {  	_ =	shalt  }
0x5b: {  	_ =	shalt  }
0x5c: {  	_ =	shalt  }
0x5d: {  	_ =	shalt  }
0x5e: {  	_ =	shalt  }
0x5f: {  	_ =	shalt  }
0x60: {  	_ =	shalt  }
0x61: {  	_ =	shalt  }
0x62: {  	_ =	shalt  }
0x63: {  	_ =	shalt  }
0x64: {  	_ =	shalt  }
0x65: {  	_ =	shalt  }
0x66: {  	_ =	shalt  }
0x67: {  	_ =	shalt  }
0x68: {  	_ =	shalt  }
0x69: {  	_ =	shalt  }
0x6a: {  	_ =	shalt  }
0x6b: {  	_ =	shalt  }
0x6c: {  	_ =	shalt  }
0x6d: {  	_ =	shalt  }
0x6e: {  	_ =	shalt  }
0x6f: {  	_ =	shalt  }
0x70: {  	_ =	shalt  }
0x71: {  	_ =	shalt  }
0x72: {  	_ =	shalt  }
0x73: {  	_ =	shalt  }
0x74: {  	_ =	shalt  }
0x75: {  	_ =	shalt  }
0x76: {  	_ =	shalt  }
0x77: {  	_ =	shalt  }
0x78: {  	_ =	shalt  }
0x79: {  	_ =	shalt  }
0x7a: {  	_ =	shalt  }
0x7b: {  	_ =	shalt  }
0x7c: {  	_ =	shalt  }
0x7d: {  	_ =	shalt  }
0x7e: {  	_ =	shalt  }
0x7f: {  	_ =	shalt  }
0x80: {  	_ =	shalt  }
0x81: {  	_ =	shalt  }
0x82: {  	_ =	shalt  }
0x83: {  	_ =	shalt  }
0x84: {  	_ =	shalt  }
0x85: {  	_ =	shalt  }
0x86: {  	_ =	shalt  }
0x87: {  	_ =	shalt  }
.Lfunc_end0:
.L_simem_size_0:
called_computation.4_lowered:
.L_overlay_start_0:
0x88: {  	s2 =	sld [smem:$0x3FD9]  }
0x89: {  	s3 =	sld [smem:$0x3FFE];
	_ =	sdelay $0x1  }
0x8a: {  	s1 =	srdreg.scid  }
0x8b: {  	s0 =	sand.u32 $0x1, s1  }
0x8c: {  	s16 =	sshll.u32 s0, $0xA;
	s2 =	sadd.s32 s3, s2  }
0x8d: {  	s2 =	sadd.s32 s2, s16  }
0x8e: {  	[smem:$0x3FAC] =	sst s2  }
0x8f: {  	_ = 	snop  }
0x90: {  	(tm) =	ssettm $0x1  }
0x91: {  	s17 =	sld [smem:$0x3FFB];
	_ =	sdelay $0x3  }
0x92: {  	_ =	strace s17  }
0x93: {  	s2 =	sld [smem:$0x3FFC];
	_ =	sdelay $0x3  }
0x94: {  	_ =	strace s2  }
0x95: {  	s2 =	sld [smem:$0x3FFD];
	_ =	sdelay $0x3  }
0x96: {  	_ =	strace s2  }
0x97: {  	_ =	strace $0x8FFFFFFF  }
0x98: {  	s18 =	sld [smem:$0x3FDB];
	_ =	sdelay $0x1  }
0x99: {  	s19 =	simm.s32 $_scs_section_size  }
0x9a: {  	s4 =	simm.s32 $_size__tile_overlayer_lowered;
	s5 =	simm.s32 $_tile_overlayer_lowered  }
0x9b: {  	s22 =	simm.s32 $0x1BFF;
	s21 =	sshll.u32 s5, $0x1;
	s2 =	sadd.s32 s19, s18  }
0x9c: {  	s6 =	simm.s32 $0x0;
	s20 =	sshll.u32 s4, $0x1;
	s4 =	sadd.s32 s21, s2  }
0x9d: {  	[timem:s6], [sflag:s22] =	dma.local [hbm:s4], s20  }
0x9e: {  	_ =	swait.ge [sflag:s22], s20  }
0x9f: {  	s3 =	ssub.s32 $0x0, s20;
	[sflag:s22] =	ssyncset.done $0x0  }
0xa0: {  	[sflag:s22] =	ssyncadd.s32 s3;
	_ =	sdelay $0x1  }
0xa1: {  	s23 =	simm.s32 $0x1B8B  }
0xa2: {  	_ =	swait.ge [sflag:s23], $0x1  }
0xa3: {  	[sflag:s23] =	ssyncset.done $0x0  }
0xa4: {  	s25 =	simm.s32 $0x1B8E;
	s24 =	sld [smem:$0x3FFE];
	[sflag:s23] =	ssyncadd.s32 $0xFFFFFFFF  }
0xa5: {  	s26 =	simm.s32 $execute0_lowered;
	[smem:$0x3FD2] =	sst s25  }
0xa6: {  	s4 =	sshll.u32 s26, $0x1;
	_ =	strace $0x80000052;
	[dreg:$0x1] =	wrdreg $0xFFFFFFFF  }
0xa7: {  	s28 =	simm.s32 $_size_execute0_lowered;
	s2 =	sadd.s32 s2, s4;
	[dreg:$0x0] =	wrdreg $0x0  }
0xa8: {  	s4 =	sshll.u32 s28, $0x1;
	[dreg:$0x2] =	wrdreg s2  }
0xa9: {  	[dreg:$0x3] =	wrdreg s4  }
0xaa: {  	[dreg:$0x4] =	wrdreg $0xC0  }
0xab: {  	_ =	task [dreg:s6], $0x5FFFF  }
0xac: {  	[dreg:$0x1] =	wrdreg $0xFFFFFFFF  }
0xad: {  	[dreg:$0x0] =	wrdreg $0x60  }
0xae: {  	[dreg:$0x2] =	wrdreg s24  }
0xaf: {  	[dreg:$0x3] =	wrdreg $0x9  }
0xb0: {  	_ =	task.clear_ibuf [dreg:s6], $0x4FFFF;
	_ =	strace $0x90000052  }
0xb1: {  	s29 =	simm.s32 $0x9;
	_ =	strace $0x80000054  }
0xb2: {  	_ =	swait.ge [sflag:s29], $0x1  }
0xb3: {  	[sflag:s29] =	ssyncadd.s32 $0xFFFFFFFF  }
0xb4: {  	_ =	strace $0x90000054  }
0xb5: {  	_ =	sfence  }
0xb6: {  	s30 =	sld [smem:$0x0];
	_ =	sdelay $0x2  }
0xb7: {  	s31 =	sshll.u32 s1, $0xD;
	s1 =	sshrl.u32 s1, $0x2  }
0xb8: {  	s3 =	sand.u32 $0x4000, s31;
	s1 =	sadd.s32 s1, s30  }
0xb9: {  	s0 =	sor.u32 s3, s0;
	s1 =	sshll.u32 s1, $0x11  }
0xba: {  	s0 =	sor.u32 s1, s0  }
0xbb: {  	s0 =	sadd.s32 $0x8F2B, s0  }
0xbc: {  	[sflag:s0] =	ssyncadd.remote.s32 $0x1  }
0xbd: {  	_ =	sfence.sel $0xFFFF  }
0xbe: {  	[dreg:$0x0] =	wrdreg $0xFFFFFFFF;
	(pc) =	sbr.abs _section_cstart, $3  }
0xbf: {  	[dreg:$0x1] =	wrdreg $0xFFFFFFFF  }
0xc0: {  	_ =	task.clear_ibuf [dreg:s6], $0x2FFFF;
	_ =	strace $0x9FFFFFFF  }
0xc1: {  	(tm) =	ssettm $0x7FFFFFFF  }
tec
execute0_lowered:
.L_overlay_start_1:
0x0: {  	(tag) =	ssettag $0x1  }
0x1: {  	s6 =	rddreg [dreg:$0x0]  }
0x2: {  	s0 =	rddreg [dreg:$0x1];
	s1 =	simm.s32 $0x0;
	s2 =	srdreg.scid  }
0x3: {  	s11 =	simm.s32 $0xC8;
	s12 =	simm.s32 $0x200;
	s13 =	simm.s32 $0x6600  }
0x4: {  	s14 =	simm.s32 $0x1;
	s15 =	simm.s32 $0x2;
	s16 =	simm.s32 $0xCA00  }
0x5: {  	s17 =	simm.s32 $0x0;
	[smem:$0x7FF] =	sst s1;
	s7 =	sand.u32 $0x1, s2  }
0x6: {  	s3 =	sadd.s32 $0x4800, s6;
	s2 =	stileid.u32;
	s4 =	sadd.s32 $0xE600, s6  }
0x7: {  	s5 =	sadd.s32 $0x18400, s6;
	s6 =	sadd.s32 $0x3F600, s6;
	s8 =	ssub.s32 $0x2, s7  }
0x8: {  	_ =	strace $0x80000053;
	s10 =	sshll.u32 s2, $0x1;
	s9 =	sshrl.u32 s8, $0x1  }
0x9: {  	s7 =	sor.u32 s7, s10;
	s10 =	simm.s32 $0x100;
	s8 =	ssub.s32 s8, s9  }
0xa: {  	s7 =	smul.u32 $0x2710, s7;
	s9 =	simm.s32 $0x3;
	s8 =	smax.u32 s8, $0x1  }
.LBB2_1:
0xb: {  	s18 =	simm.s32 $0x0  }
.LBB2_2:
0xc: {  	s19 =	smul.u32 $0xC8, s18;
	_ =	sdelay $0x1  }
0xd: {  	s19 =	sadd.s32 s7, s19  }
0xe: {  	s20 =	sshrl.u32 s19, $0x3  }
0xf: {  	s22 =	simm.s32 $0x0;
	s21 =	sadd.s32 s4, s20  }
0x10: {  	[tilespmem:s22], [sflag:$0x3] =	stream.linear.gather [hbm4b:s21+s22], $0xC8, $0x38;
	[tilespmem:$0x12E00] =	vst v63  }
0x11: {  	_ =	swait.ge [sflag:s9], $0xC8  }
0x12: {  	[sflag:s9] =	ssyncset.done $0x0  }
0x13: {  	s20 =	sadd.s32 s3, s20;
	[sflag:s9] =	ssyncadd.s32 $0xFFFFFF38  }
0x14: {  	[tilespmem:s10], [sflag:$0x3] =	stream.linear.gather [hbm4b:s20+s22], $0xC8, $0x38;
	[tilespmem:$0x12E00] =	vst v63  }
0x15: {  	_ =	swait.ge [sflag:s9], $0xC8  }
0x16: {  	[sflag:s9] =	ssyncset.done $0x0  }
0x17: {  	[sflag:s9] =	ssyncadd.s32 $0xFFFFFF38  }
0x18: {  	[tilespmem:s12], [sflag:$0x1] =	stream.indirect.gather [hbm4b:s5+s11], $0x80, s22, s11, $0xb8;
	[tilespmem:$0x12E00] =	vst v63  }
0x19: {  	_ = 	snop  }
0x1a: {  	[tilespmem:s13], [sflag:$0x2] =	stream.indirect.gather [hbm4b:s5+s11], $0x80, s10, s11, $0xb8;
	[tilespmem:$0x12E00] =	vst v63  }
0x1b: {  	_ =	swait.ge [sflag:s14], $0x6400  }
0x1c: {  	[sflag:s14] =	ssyncset.done $0x0  }
0x1d: {  	[sflag:s14] =	ssyncadd.s32 $0xFFFF9C00  }
0x1e: {  	_ =	swait.ge [sflag:s15], $0x6400  }
0x1f: {  	[sflag:s15] =	ssyncset.done $0x0  }
0x20: {  	s21 =	simm.s32 $0x0;
	[sflag:s15] =	ssyncadd.s32 $0xFFFF9C00  }
0x21: {  	v2 =	vld [tilespmem:s21+$0x230]  }
0x22: {  	v4 =	vld [tilespmem:s21+$0x6630]  }
0x23: {  	v5 =	vld [tilespmem:s21+$0x200]  }
0x24: {  	v6 =	vld [tilespmem:s21+$0x6600]  }
0x25: {  	v1 =	vld [tilespmem:s21+$0x210]  }
0x26: {  	v3 =	vld [tilespmem:s21+$0x6610]  }
0x27: {  	v0 =	vld [tilespmem:s21+$0x220];
	[tilespmem:s21+$0xCA30] =	vst v2;
	v7 =	vsub.f32 v4, v2  }
0x28: {  	s20 =	simm.s32 $0x80;
	[tilespmem:s21+$0xCA00] =	vst v5;
	v4 =	vld [tilespmem:s21+$0x6620]  }
0x29: {  	s22 =	simm.s32 $0x400;
	v5 =	vsub.f32 v6, v5;
	v2 =	vld [tilespmem:s20+$0x230];
	[tilespmem:s21+$0xCA70] =	vst v7  }
.LBB2_3:
0x2a: {  	p0 =	sne.s32 s22, $0x18E00;
	v6 =	vld [tilespmem:s20+$0x6630];
	[tilespmem:s21+$0xCA10] =	vst v1  }
0x2b: {  	v7 =	vld [tilespmem:s20+$0x200];
	[tilespmem:s21+$0xCA40] =	vst v5;
	v3 =	vsub.f32 v3, v1  }
0x2c: {  	v5 =	vld [tilespmem:s20+$0x6600];
	[tilespmem:s21+$0xCA20] =	vst v0  }
.Ltmp0:
0x2d: {  	v1 =	vld [tilespmem:s20+$0x210];
	[tilespmem:s21+$0xCA50] =	vst v3;
	v4 =	vsub.f32 v4, v0;
	(pc) =	sbr.rel @p0 .LBB2_3-.Ltmp0, $4  }
0x2e: {  	v3 =	vld [tilespmem:s20+$0x6610];
	[tilespmem:s20+$0xCA30] =	vst v2  }
0x2f: {  	v0 =	vld [tilespmem:s20+$0x220];
	v6 =	vsub.f32 v6, v2;
	[tilespmem:s21+$0xCA60] =	vst v4;
	s21 =	smov.u32 s20  }
0x30: {  	s20 =	sshra.s32 s22, $0x2;
	[tilespmem:s21+$0xCA00] =	vst v7;
	v4 =	vld [tilespmem:s21+$0x6620]  }
0x31: {  	s22 =	sadd.s32 $0x200, s22;
	v2 =	vld [tilespmem:s20+$0x230];
	v5 =	vsub.f32 v5, v7;
	[tilespmem:s21+$0xCA70] =	vst v6  }
0x32: {  	v6 =	vld [tilespmem:s20+$0x6630];
	[tilespmem:s21+$0xCA10] =	vst v1  }
0x33: {  	v7 =	vld [tilespmem:s20+$0x200];
	[tilespmem:s21+$0xCA40] =	vst v5;
	v56 =	vsub.f32 v3, v1  }
0x34: {  	v5 =	vld [tilespmem:s20+$0x6600];
	[tilespmem:s21+$0xCA20] =	vst v0  }
0x35: {  	v57 =	vld [tilespmem:s20+$0x210];
	[tilespmem:s21+$0xCA50] =	vst v56;
	v58 =	vsub.f32 v4, v0  }
0x36: {  	v1 =	vld [tilespmem:s20+$0x6610];
	[tilespmem:s20+$0xCA30] =	vst v2  }
0x37: {  	v59 =	vld [tilespmem:s20+$0x220];
	[tilespmem:s21+$0xCA60] =	vst v58  }
0x38: {  	v60 =	vsub.f32 v6, v2;
	v61 =	vld [tilespmem:s20+$0x6620]  }
0x39: {  	[tilespmem:s20+$0xCA00] =	vst v7  }
0x3a: {  	v5 =	vsub.f32 v5, v7;
	[tilespmem:s20+$0xCA70] =	vst v60  }
0x3b: {  	[tilespmem:s20+$0xCA10] =	vst v57  }
0x3c: {  	[tilespmem:s20+$0xCA40] =	vst v5;
	v62 =	vsub.f32 v1, v57  }
0x3d: {  	s18 =	sadd.s32 $0x1, s18;
	[tilespmem:s20+$0xCA20] =	vst v59;
	v63 =	vsub.f32 v61, v59  }
0x3e: {  	s19 =	sshll.u32 s19, $0x4;
	p0 =	sne.s32 s18, $0x32;
	[tilespmem:s20+$0xCA50] =	vst v62  }
.Ltmp1:
0x3f: {  	s19 =	sadd.s32 s6, s19;
	[tilespmem:s20+$0xCA60] =	vst v63;
	(pc) =	sbr.rel @p0 .LBB2_2-.Ltmp1, $4  }
0x40: {  	[hbm4b:s19+s1] =	stream.linear.scatter [tilespmem:s16], [sflag:$0x3], $0x6400, $0x38;
	[tilespmem:$0x12E00] =	vst v63  }
0x41: {  	_ =	swait.ge [sflag:s9], $0x6400  }
0x42: {  	[sflag:s9] =	ssyncset.done $0x0  }
0x43: {  	[sflag:s9] =	ssyncadd.s32 $0xFFFF9C00  }
0x44: {  	s17 =	sadd.s32 $0x1, s17  }
0x45: {  	p0 =	sne.s32 s17, s8  }
.Ltmp2:
0x46: {  	_ = 	snop;
	(pc) =	sbr.rel @p0 .LBB2_1-.Ltmp2, $1  }
0x47: {  	_ =	sdelay $0x3  }
0x48: {  	_ =	sfence.sel $0x180000  }
0x49: {  	[bflag:$0x0] =	sbarrier.arrive $0xFFFF  }
0x4a: {  	p0 =	sne.s32 s2, $0x0;
	_ =	strace $0x90000053  }
0x4b: {  	s0 =	sadd.s32 @!p0 $0x100000, s0;
	[bflag:$0x2] =	sbarrier.arrive $0xFFFF  }
0x4c: {  	[sflag:s0] =	ssyncadd.tile.s32 @!p0 $0x1;
	_ =	shalt  }
.Lfunc_end2:
_tile_overlayer_lowered:
.L_overlay_start_2:
0x4d: {  	(tag) =	ssettag $0x2  }
0x4e: {  	s0 =	rddreg [dreg:$0x0];
	s2 =	stileid.u32  }
0x4f: {  	s1 =	rddreg [dreg:$0x1];
	p0 =	sne.s32 s2, $0x0  }
0x50: {  	s3 =	rddreg [dreg:$0x2];
	[bflag:$0x3] =	sbarrier.arrive $0xFFFF;
	s2 =	simm.s32 @!p0 $0x1C03  }
0x51: {  	[timem:s3], [sflag:s2] =	dma.local @!p0 [hbm:s0], s1  }
0x52: {  	s0 =	simm.s32 @!p0 $0x3  }
0x53: {  	_ =	swait.ge @!p0 [sflag:s0], s1  }
0x54: {  	s1 =	ssub.s32 @!p0 $0x0, s1;
	[sflag:s0] =	ssyncset.done @!p0 $0x0  }
0x55: {  	[sflag:s0] =	ssyncadd.s32 @!p0 s1  }
0x56: {  	[bflag:$0x3] =	sbarrier.arrive $0xFFFF  }
0x57: {  	_ =	shalt  }

// kernel: kernel.29.cloned.1.call-start
scs
__scs_entry_jumppad:
0x0: {  	(pc) =	sbr.rel $0x88, $3  }
0x1: {  	(tag) =	ssettag $0x0;
	lr =	simm.s32 $0x1  }
0x2: {  	[smem:$0x3F85] =	sst lr;
	_ =	strace $0xD0000000  }
0x3: {  	_ = 	snop  }
0x4: {  	_ = 	snop  }
0x5: {  	_ = 	snop  }
0x6: {  	_ = 	snop  }
0x7: {  	_ = 	snop  }
__scs_overlays_trampoline_lowered:
0x8: {  	[smem:$0x3F94] =	sst s0  }
0x9: {  	[smem:$0x3F95] =	sst s1  }
0xa: {  	[smem:$0x3F96] =	sst s2  }
0xb: {  	[smem:$0x3F97] =	sst s3  }
0xc: {  	[smem:$0x3F98] =	sst s4  }
0xd: {  	[smem:$0x3F99] =	sst s5  }
0xe: {  	[smem:$0x3F9A] =	sst s6  }
0xf: {  	[smem:$0x3F9B] =	sst s7  }
0x10: {  	[smem:$0x3F9C] =	sst s8  }
0x11: {  	[smem:$0x3F9D] =	sst s9;
	s0 =	simm.s32 @!p0 $0x0  }
0x12: {  	s1 =	sld [smem:$0x3F83];
	s0 =	simm.s32 @p0 $0x1  }
0x13: {  	[smem:$0x3F9E] =	sst s0;
	s0 =	simm.s32 @!p1 $0x0  }
0x14: {  	s2 =	sld [smem:$0x3F82];
	s0 =	simm.s32 @p1 $0x1  }
0x15: {  	[smem:$0x3F9F] =	sst s0;
	s0 =	simm.s32 @!p2 $0x0  }
0x16: {  	s3 =	sld [smem:$0x3FDB];
	s0 =	simm.s32 @p2 $0x1  }
0x17: {  	s4 =	simm.s32 $0x1BF5;
	[smem:$0x3FA1] =	sst s0  }
0x18: {  	s0 =	sld [smem:$0x3F84];
	_ =	swait.ge [sflag:s4], $0x0  }
0x19: {  	s7 =	sld [smem:$0x3F85]  }
0x1a: {  	s8 =	sadd.s32 $0xFFFFE003, lr  }
0x1b: {  	s9 =	sadd.s32 $0xFFFFFEF7, lr;
	s5 =	simm.s32 $0xFFFFFFFF;
	p2 =	slt.u32 s8, $0xFFFFF086  }
0x1c: {  	p1 =	slt.u32 s9, $0xF7A;
	s5 =	simm.s32 @!p2 $0x0  }
0x1d: {  	s5 =	simm.s32 @p1 $0x1;
	p0 =	seq.s32 s7, s2  }
0x1e: {  	s7 =	smul.u32 @!p0 $0xF7A, s2;
	p2 =	seq.s32 @!p0 s5, $0x0  }
0x1f: {  	s9 =	smul.u32 $0xF7A, s1;
	s8 =	simm.s32 @!p0 $0x1BF5;
	p2 =	por !p2, p0  }
0x20: {  	[sflag:s8] =	ssyncset.s32 @!p0 $0xFFFFF086;
	s6 =	sadd.s32 @!p0 s3, s7;
	s7 =	simm.s32 @!p0 $0x108  }
0x21: {  	s3 =	sadd.s32 s3, s9;
	s6 =	sadd.s32 @!p0 $0x88, s6;
	s7 =	simm.s32 @p2 $0x1082  }
0x22: {  	[simem:s7], [sflag:s8] =	dma.local @!p0 [hbm:s6], $0xF7A  }
0x23: {  	s9 =	sor.u32 $0xD0000000, s2;
	s6 =	simm.s32 $0x108;
	_ =	swait.ge @!p0 [sflag:s8], $0x0  }
0x24: {  	s3 =	sadd.s32 $0x88, s3;
	s6 =	simm.s32 @!p1 $0x1082;
	[sflag:s4] =	ssyncset.s32 $0xFFFFF086  }
0x25: {  	[simem:s6], [sflag:s4] =	dma.local [hbm:s3], $0xF7A  }
0x26: {  	[smem:$0x3F85] =	sst s1;
	(tag) =	ssettag s2;
	_ =	strace s9  }
0x27: {  	s1 =	sld [smem:$0x3F95]  }
0x28: {  	s2 =	sld [smem:$0x3F96]  }
0x29: {  	s4 =	sld [smem:$0x3F98]  }
0x2a: {  	p0 =	seq.s32 s5, $0x0;
	s5 =	sld [smem:$0x3F99]  }
0x2b: {  	s6 =	sld [smem:$0x3F9A]  }
0x2c: {  	s7 =	sld [smem:$0x3F9B]  }
0x2d: {  	s3 =	simm.s32 $0x108;
	s8 =	sld [smem:$0x3F9C]  }
0x2e: {  	s3 =	simm.s32 @!p0 $0x1082;
	s9 =	sld [smem:$0x3F9D]  }
0x2f: {  	lr =	sadd.s32 s0, s3;
	s0 =	sld [smem:$0x3F94]  }
0x30: {  	s3 =	sld [smem:$0x3F97]  }
0x31: {  	[smem:$0x3FA0] =	sst s10  }
0x32: {  	s10 =	sld [smem:$0x3F9E];
	_ =	sdelay $0x3  }
0x33: {  	p0 =	seq.s32 s10, $0x1;
	s10 =	sld [smem:$0x3FA0];
	_ =	sdelay $0x3  }
0x34: {  	[smem:$0x3FA0] =	sst s10  }
0x35: {  	s10 =	sld [smem:$0x3F9F];
	_ =	sdelay $0x3  }
0x36: {  	p1 =	seq.s32 s10, $0x1;
	s10 =	sld [smem:$0x3FA0];
	_ =	sdelay $0x3  }
0x37: {  	[smem:$0x3FA0] =	sst s10  }
0x38: {  	s10 =	sld [smem:$0x3FA1]  }
0x39: {  	_ = 	snop;
	(pc) =	sbr.ind lr, $3  }
0x3a: {  	_ = 	snop  }
0x3b: {  	_ = 	snop  }
0x3c: {  	p2 =	seq.s32 s10, $0x1;
	s10 =	sld [smem:$0x3FA0]  }
0x3d: {  	_ =	shalt  }
0x3e: {  	_ =	shalt  }
0x3f: {  	_ =	shalt  }
0x40: {  	_ =	shalt  }
0x41: {  	_ =	shalt  }
0x42: {  	_ =	shalt  }
0x43: {  	_ =	shalt  }
0x44: {  	_ =	shalt  }
0x45: {  	_ =	shalt  }
0x46: {  	_ =	shalt  }
0x47: {  	_ =	shalt  }
0x48: {  	_ =	shalt  }
0x49: {  	_ =	shalt  }
0x4a: {  	_ =	shalt  }
0x4b: {  	_ =	shalt  }
0x4c: {  	_ =	shalt  }
0x4d: {  	_ =	shalt  }
0x4e: {  	_ =	shalt  }
0x4f: {  	_ =	shalt  }
0x50: {  	_ =	shalt  }
0x51: {  	_ =	shalt  }
0x52: {  	_ =	shalt  }
0x53: {  	_ =	shalt  }
0x54: {  	_ =	shalt  }
0x55: {  	_ =	shalt  }
0x56: {  	_ =	shalt  }
0x57: {  	_ =	shalt  }
0x58: {  	_ =	shalt  }
0x59: {  	_ =	shalt  }
0x5a: {  	_ =	shalt  }
0x5b: {  	_ =	shalt  }
0x5c: {  	_ =	shalt  }
0x5d: {  	_ =	shalt  }
0x5e: {  	_ =	shalt  }
0x5f: {  	_ =	shalt  }
0x60: {  	_ =	shalt  }
0x61: {  	_ =	shalt  }
0x62: {  	_ =	shalt  }
0x63: {  	_ =	shalt  }
0x64: {  	_ =	shalt  }
0x65: {  	_ =	shalt  }
0x66: {  	_ =	shalt  }
0x67: {  	_ =	shalt  }
0x68: {  	_ =	shalt  }
0x69: {  	_ =	shalt  }
0x6a: {  	_ =	shalt  }
0x6b: {  	_ =	shalt  }
0x6c: {  	_ =	shalt  }
0x6d: {  	_ =	shalt  }
0x6e: {  	_ =	shalt  }
0x6f: {  	_ =	shalt  }
0x70: {  	_ =	shalt  }
0x71: {  	_ =	shalt  }
0x72: {  	_ =	shalt  }
0x73: {  	_ =	shalt  }
0x74: {  	_ =	shalt  }
0x75: {  	_ =	shalt  }
0x76: {  	_ =	shalt  }
0x77: {  	_ =	shalt  }
0x78: {  	_ =	shalt  }
0x79: {  	_ =	shalt  }
0x7a: {  	_ =	shalt  }
0x7b: {  	_ =	shalt  }
0x7c: {  	_ =	shalt  }
0x7d: {  	_ =	shalt  }
0x7e: {  	_ =	shalt  }
0x7f: {  	_ =	shalt  }
0x80: {  	_ =	shalt  }
0x81: {  	_ =	shalt  }
0x82: {  	_ =	shalt  }
0x83: {  	_ =	shalt  }
0x84: {  	_ =	shalt  }
0x85: {  	_ =	shalt  }
0x86: {  	_ =	shalt  }
0x87: {  	_ =	shalt  }
.Lfunc_end0:
.L_simem_size_0:
called_computation.5_lowered:
.L_overlay_start_0:
0x88: {  	s2 =	sld [smem:$0x3FD9]  }
0x89: {  	s3 =	sld [smem:$0x3FFE];
	_ =	sdelay $0x1  }
0x8a: {  	s1 =	srdreg.scid  }
0x8b: {  	s0 =	sand.u32 $0x1, s1  }
0x8c: {  	s16 =	sshll.u32 s0, $0xA;
	s2 =	sadd.s32 s3, s2  }
0x8d: {  	s2 =	sadd.s32 s2, s16  }
0x8e: {  	[smem:$0x3FAC] =	sst s2  }
0x8f: {  	_ = 	snop  }
0x90: {  	(tm) =	ssettm $0x1  }
0x91: {  	s17 =	sld [smem:$0x3FFB];
	_ =	sdelay $0x3  }
0x92: {  	_ =	strace s17  }
0x93: {  	s2 =	sld [smem:$0x3FFC];
	_ =	sdelay $0x3  }
0x94: {  	_ =	strace s2  }
0x95: {  	s2 =	sld [smem:$0x3FFD];
	_ =	sdelay $0x3  }
0x96: {  	_ =	strace s2  }
0x97: {  	_ =	strace $0x8FFFFFFF  }
0x98: {  	s18 =	sld [smem:$0x3FDB];
	_ =	sdelay $0x1  }
0x99: {  	s19 =	simm.s32 $_scs_section_size  }
0x9a: {  	s4 =	simm.s32 $_size__tile_overlayer_lowered;
	s5 =	simm.s32 $_tile_overlayer_lowered  }
0x9b: {  	s22 =	simm.s32 $0x1BFF;
	s21 =	sshll.u32 s5, $0x1;
	s2 =	sadd.s32 s19, s18  }
0x9c: {  	s6 =	simm.s32 $0x0;
	s20 =	sshll.u32 s4, $0x1;
	s4 =	sadd.s32 s21, s2  }
0x9d: {  	[timem:s6], [sflag:s22] =	dma.local [hbm:s4], s20  }
0x9e: {  	_ =	swait.ge [sflag:s22], s20  }
0x9f: {  	s3 =	ssub.s32 $0x0, s20;
	[sflag:s22] =	ssyncset.done $0x0  }
0xa0: {  	[sflag:s22] =	ssyncadd.s32 s3;
	_ =	sdelay $0x1  }
0xa1: {  	s23 =	simm.s32 $0x1B8B  }
0xa2: {  	_ =	swait.ge [sflag:s23], $0x1  }
0xa3: {  	[sflag:s23] =	ssyncset.done $0x0  }
0xa4: {  	s25 =	simm.s32 $0x1B8E;
	s24 =	sld [smem:$0x3FFE];
	[sflag:s23] =	ssyncadd.s32 $0xFFFFFFFF  }
0xa5: {  	s26 =	simm.s32 $execute0_lowered;
	[smem:$0x3FD2] =	sst s25  }
0xa6: {  	s4 =	sshll.u32 s26, $0x1;
	_ =	strace $0x80000055;
	[dreg:$0x1] =	wrdreg $0xFFFFFFFF  }
0xa7: {  	s28 =	simm.s32 $_size_execute0_lowered;
	s2 =	sadd.s32 s2, s4;
	[dreg:$0x0] =	wrdreg $0x0  }
0xa8: {  	s4 =	sshll.u32 s28, $0x1;
	[dreg:$0x2] =	wrdreg s2  }
0xa9: {  	[dreg:$0x3] =	wrdreg s4  }
0xaa: {  	[dreg:$0x4] =	wrdreg $0xC0  }
0xab: {  	_ =	task [dreg:s6], $0x5FFFF  }
0xac: {  	[dreg:$0x1] =	wrdreg $0xFFFFFFFF  }
0xad: {  	[dreg:$0x0] =	wrdreg $0x60  }
0xae: {  	[dreg:$0x2] =	wrdreg s24  }
0xaf: {  	[dreg:$0x3] =	wrdreg $0x9  }
0xb0: {  	_ =	task.clear_ibuf [dreg:s6], $0x4FFFF;
	_ =	strace $0x90000055  }
0xb1: {  	s29 =	simm.s32 $0x9;
	_ =	strace $0x80000057  }
0xb2: {  	_ =	swait.ge [sflag:s29], $0x1  }
0xb3: {  	[sflag:s29] =	ssyncadd.s32 $0xFFFFFFFF  }
0xb4: {  	_ =	strace $0x90000057  }
0xb5: {  	_ =	sfence  }
0xb6: {  	s30 =	sld [smem:$0x0];
	_ =	sdelay $0x2  }
0xb7: {  	s31 =	sshll.u32 s1, $0xD;
	s1 =	sshrl.u32 s1, $0x2  }
0xb8: {  	s3 =	sand.u32 $0x4000, s31;
	s1 =	sadd.s32 s1, s30  }
0xb9: {  	s0 =	sor.u32 s3, s0;
	s1 =	sshll.u32 s1, $0x11  }
0xba: {  	s0 =	sor.u32 s1, s0  }
0xbb: {  	s0 =	sadd.s32 $0x8F2B, s0  }
0xbc: {  	[sflag:s0] =	ssyncadd.remote.s32 $0x1  }
0xbd: {  	_ =	sfence.sel $0xFFFF  }
0xbe: {  	[dreg:$0x0] =	wrdreg $0xFFFFFFFF;
	(pc) =	sbr.abs _section_cstart, $3  }
0xbf: {  	[dreg:$0x1] =	wrdreg $0xFFFFFFFF  }
0xc0: {  	_ =	task.clear_ibuf [dreg:s6], $0x2FFFF;
	_ =	strace $0x9FFFFFFF  }
0xc1: {  	(tm) =	ssettm $0x7FFFFFFF  }
tec
execute0_lowered:
.L_overlay_start_1:
0x0: {  	(tag) =	ssettag $0x1  }
0x1: {  	s0 =	stileid.u32  }
0x2: {  	s1 =	srdreg.scid;
	v0 =	vimm.f32 $1.500000000e+01;
	vm0 =	vcmask $0x300;
	s5 =	rddreg [dreg:$0x0]  }
0x3: {  	vm14 =	vcmask $0x704;
	s15 =	simm.s32 $0x1;
	s16 =	simm.s32 $0xC80;
	s17 =	simm.s32 $0x7080;
	v0 =	vsel vm0, $0x0, v0  }
0x4: {  	vm15 =	vcmask $0xB08;
	s18 =	simm.s32 $0xA480;
	s19 =	simm.s32 $0xCC00;
	s20 =	simm.s32 $0xF380;
	v0 =	vsel vm14, $0x3F800000, v0  }
0x5: {  	vm4 =	vcmask $0xF0C;
	s21 =	simm.s32 $0x11B00;
	s22 =	simm.s32 $0x14280;
	s23 =	simm.s32 $0x16A00;
	v0 =	vsel vm15, $0x40000000, v0  }
0x6: {  	vm5 =	vcmask $0x1310;
	s24 =	simm.s32 $0x19180;
	s25 =	simm.s32 $0x1B900;
	s2 =	sshll.u32 s0, $0x1;
	v0 =	vsel vm4, $0x40400000, v0  }
0x7: {  	vm6 =	vcmask $0x1714;
	s1 =	sand.u32 $0x1, s1;
	s4 =	sshrl.u32 s0, $0x2;
	s2 =	sand.u32 $0x6, s2;
	v0 =	vsel vm5, $0x40800000, v0  }
0x8: {  	vm7 =	vcmask $0x1B18;
	s26 =	simm.s32 $0x0;
	s7 =	sshll.u32 s4, $0x6;
	s3 =	sor.u32 s1, s2;
	v0 =	vsel vm6, $0x40A00000, v0  }
0x9: {  	vm8 =	vcmask $0x1F1C;
	s4 =	smul.u32 $0x13880, s4;
	s2 =	simm.s32 $0x0;
	s6 =	sshll.u32 s3, $0x3;
	v0 =	vsel vm7, $0x40C00000, v0  }
0xa: {  	vm9 =	vcmask $0x2320;
	s1 =	ssub.s32 $0x2, s1;
	s29 =	smul.u32 $0x4E200, s3;
	s6 =	sor.u32 s7, s6;
	v0 =	vsel vm8, $0x40E00000, v0  }
0xb: {  	vm10 =	vcmask $0x2724;
	[smem:$0x7FF] =	sst s2;
	s30 =	sshrl.u32 s1, $0x1;
	s6 =	smul.u32 $0x2710, s6;
	v0 =	vsel vm9, $0x41000000, v0  }
0xc: {  	vm11 =	vcmask $0x2B28;
	s3 =	sadd.s32 $0xE600, s5;
	_ =	strace $0x80000056;
	s1 =	ssub.s32 s1, s30;
	v0 =	vsel vm10, $0x41100000, v0  }
.Ltmp0:
0xd: {  	vm12 =	vcmask $0x2F2C;
	s7 =	sadd.s32 s29, s5;
	s6 =	sshrl.u32 s6, $0x3;
	v0 =	vsel vm11, $0x41200000, v0;
	(pc) =	sbr.rel .LBB2_1-.Ltmp0, $4  }
0xe: {  	vm13 =	vcmask $0x3330;
	s14 =	smax.u32 s1, $0x1;
	s13 =	sadd.s32 s6, s5;
	s5 =	sadd.s32 $0x521600, s7;
	v0 =	vsel vm12, $0x41300000, v0  }
0xf: {  	vm14 =	vcmask $0x3734;
	s31 =	sadd.s32 $0x18400, s13;
	s7 =	sadd.s32 $0x188E2, s13;
	s8 =	sadd.s32 $0x18DC4, s13;
	v0 =	vsel vm13, $0x41400000, v0  }
0x10: {  	vm15 =	vcmask $0x3B38;
	s9 =	sadd.s32 $0x192A6, s13;
	s10 =	sadd.s32 $0x19788, s13;
	s11 =	sadd.s32 $0x19C6A, s13;
	v1 =	vsel vm14, $0x41500000, v0  }
0x11: {  	v2 =	vimm.s32 $0x0;
	s12 =	sadd.s32 $0x1A14C, s13;
	s13 =	sadd.s32 $0x1A62E, s13;
	[dreg:$0x2] =	wrdreg s31;
	v0 =	vimm.f32 $-Inf;
	v1 =	vsel vm15, $0x41600000, v1  }
.LBB2_26:
0x12: {  	s0 =	rddreg [dreg:$0x2]  }
0x13: {  	[hbm4b:s0+s2] =	stream.linear.scatter [tilespmem:s18], [sflag:$0x1], $0x2710, $0x38;
	[tilespmem:$0x1E080] =	vst v63  }
0x14: {  	_ =	swait.ge [sflag:s15], $0x2710  }
0x15: {  	[sflag:s15] =	ssyncset.done $0x0  }
0x16: {  	[sflag:s15] =	ssyncadd.s32 $0xFFFFD8F0  }
0x17: {  	[hbm4b:s7+s2] =	stream.linear.scatter [tilespmem:s19], [sflag:$0x1], $0x2710, $0x38;
	[tilespmem:$0x1E080] =	vst v63  }
0x18: {  	_ =	swait.ge [sflag:s15], $0x2710  }
0x19: {  	[sflag:s15] =	ssyncset.done $0x0  }
0x1a: {  	[sflag:s15] =	ssyncadd.s32 $0xFFFFD8F0  }
0x1b: {  	[hbm4b:s8+s2] =	stream.linear.scatter [tilespmem:s20], [sflag:$0x1], $0x2710, $0x38;
	[tilespmem:$0x1E080] =	vst v63  }
0x1c: {  	_ =	swait.ge [sflag:s15], $0x2710  }
0x1d: {  	[sflag:s15] =	ssyncset.done $0x0  }
0x1e: {  	[sflag:s15] =	ssyncadd.s32 $0xFFFFD8F0  }
0x1f: {  	[hbm4b:s9+s2] =	stream.linear.scatter [tilespmem:s21], [sflag:$0x1], $0x2710, $0x38;
	[tilespmem:$0x1E080] =	vst v63  }
0x20: {  	_ =	swait.ge [sflag:s15], $0x2710  }
0x21: {  	[sflag:s15] =	ssyncset.done $0x0  }
0x22: {  	[sflag:s15] =	ssyncadd.s32 $0xFFFFD8F0  }
0x23: {  	[hbm4b:s10+s2] =	stream.linear.scatter [tilespmem:s22], [sflag:$0x1], $0x2710, $0x38;
	[tilespmem:$0x1E080] =	vst v63  }
0x24: {  	_ =	swait.ge [sflag:s15], $0x2710  }
0x25: {  	[sflag:s15] =	ssyncset.done $0x0  }
0x26: {  	[sflag:s15] =	ssyncadd.s32 $0xFFFFD8F0  }
0x27: {  	[hbm4b:s11+s2] =	stream.linear.scatter [tilespmem:s23], [sflag:$0x1], $0x2710, $0x38;
	[tilespmem:$0x1E080] =	vst v63  }
0x28: {  	_ =	swait.ge [sflag:s15], $0x2710  }
0x29: {  	[sflag:s15] =	ssyncset.done $0x0  }
0x2a: {  	[sflag:s15] =	ssyncadd.s32 $0xFFFFD8F0  }
0x2b: {  	[hbm4b:s12+s2] =	stream.linear.scatter [tilespmem:s24], [sflag:$0x1], $0x2710, $0x38;
	[tilespmem:$0x1E080] =	vst v63  }
0x2c: {  	s26 =	sadd.s32 $0x1, s26;
	_ =	swait.ge [sflag:s15], $0x2710  }
0x2d: {  	p0 =	sne.s32 s26, s14;
	[sflag:s15] =	ssyncset.done $0x0  }
.Ltmp1:
0x2e: {  	[sflag:s15] =	ssyncadd.s32 $0xFFFFD8F0;
	(pc) =	sbr.rel @!p0 .LBB2_27-.Ltmp1, $4  }
0x2f: {  	[hbm4b:s13+s2] =	stream.linear.scatter [tilespmem:s25], [sflag:$0x1], $0x2710, $0x38;
	[tilespmem:$0x1E080] =	vst v63  }
0x30: {  	_ =	swait.ge [sflag:s15], $0x2710  }
0x31: {  	[sflag:s15] =	ssyncset.done $0x0  }
0x32: {  	[sflag:s15] =	ssyncadd.s32 $0xFFFFD8F0  }
.LBB2_1:
0x33: {  	s1 =	simm.s32 $0x0;
	s28 =	simm.s32 $0x40  }
.LBB2_2:
0x34: {  	p0 =	sne.s32 s28, $0x9C00;
	[tilespmem:s1+$0x1B900] =	vst v0  }
0x35: {  	[tilespmem:s1+$0xA480] =	vst v0  }
0x36: {  	[tilespmem:s1+$0xCC00] =	vst v0  }
.Ltmp2:
0x37: {  	[tilespmem:s1+$0xF380] =	vst v0;
	(pc) =	sbr.rel @p0 .LBB2_2-.Ltmp2, $4  }
0x38: {  	[tilespmem:s1+$0x11B00] =	vst v0  }
0x39: {  	[tilespmem:s1+$0x14280] =	vst v0  }
0x3a: {  	[tilespmem:s1+$0x16A00] =	vst v0  }
0x3b: {  	[tilespmem:s1+$0x19180] =	vst v0;
	s1 =	sshra.s32 s28, $0x2;
	s28 =	sadd.s32 $0x40, s28  }
0x3c: {  	[tilespmem:s1+$0x1B900] =	vst v0  }
0x3d: {  	[tilespmem:s1+$0xA480] =	vst v0  }
0x3e: {  	[tilespmem:s1+$0xCC00] =	vst v0  }
.Ltmp3:
0x3f: {  	[tilespmem:s1+$0xF380] =	vst v0;
	(pc) =	sbr.rel .LBB2_4-.Ltmp3, $4  }
0x40: {  	[tilespmem:s1+$0x11B00] =	vst v0  }
0x41: {  	[tilespmem:s1+$0x14280] =	vst v0  }
0x42: {  	[tilespmem:s1+$0x16A00] =	vst v0  }
0x43: {  	s28 =	simm.s32 $0x0;
	[tilespmem:s1+$0x19180] =	vst v0;
	s29 =	simm.s32 $0x0  }
.LBB2_25:
0x44: {  	s29 =	sadd.s32 $0x1, s29  }
0x45: {  	p0 =	sne.s32 s29, $0x19  }
.Ltmp4:
0x46: {  	_ = 	snop;
	(pc) =	sbr.rel @!p0 .LBB2_26-.Ltmp4, $1  }
0x47: {  	_ =	sdelay $0x3  }
.LBB2_4:
0x48: {  	s1 =	smul.u32 $0xC80, s29;
	_ =	sdelay $0x1  }
0x49: {  	s1 =	sadd.s32 s4, s1  }
0x4a: {  	s30 =	sshrl.u32 s1, $0x3  }
0x4b: {  	s30 =	sadd.s32 s3, s30  }
0x4c: {  	[tilespmem:s28], [sflag:$0x1] =	stream.linear.gather [hbm4b:s30+s28], $0xC80, $0x38;
	[tilespmem:$0x1E080] =	vst v63  }
0x4d: {  	_ =	swait.ge [sflag:s15], $0xC80  }
0x4e: {  	[sflag:s15] =	ssyncset.done $0x0  }
0x4f: {  	s1 =	sadd.s32 s1, s5;
	[sflag:s15] =	ssyncadd.s32 $0xFFFFF380  }
0x50: {  	[tilespmem:s16], [sflag:$0x1] =	stream.linear.gather [hbm4b:s1+s28], $0x6400, $0x38;
	[tilespmem:$0x1E080] =	vst v63  }
0x51: {  	_ =	swait.ge [sflag:s15], $0x6400  }
0x52: {  	[sflag:s15] =	ssyncset.done $0x0  }
0x53: {  	s1 =	simm.s32 $0x0;
	[sflag:s15] =	ssyncadd.s32 $0xFFFF9C00  }
0x54: {  	v3 =	vld [tilespmem:s1+$0x0];
	_ =	sdelay $0x7  }
0x55: {  	[tilespmem:v3+s17+$0x0] =	vst.idx.msk $0xffff, v1  }
0x56: {  	v3 =	vld.idx.msk [tilespmem:v3+s17+$0x0], $0xffff  }
0x57: {  	s31 =	simm.s32 $0x80;
	s30 =	simm.s32 $0x10  }
.LBB2_5:
0x58: {  	p0 =	sne.s32 s31, $0x31C0;
	v4 =	vld [tilespmem:s30+$0x0];
	_ =	sdelay $0x2  }
0x59: {  	vm0 =	vlt.f32 v3, v1;
	vm1 =	vgt.f32 v3, v1  }
0x5a: {  	vm0 =	vmor vm1, vm0  }
0x5b: {  	v3 =	vmpcnt.ones.xlane vm0;
	_ =	sdelay $0x1  }
.Ltmp5:
0x5c: {  	[tilespmem:s1+$0x9800] =	vst v3;
	s1 =	smov.u32 s30;
	(pc) =	sbr.rel @p0 .LBB2_5-.Ltmp5, $3  }
0x5d: {  	[tilespmem:v4+s17+$0x0] =	vst.idx.msk $0xffff, v1  }
0x5e: {  	v3 =	vld.idx.msk [tilespmem:v4+s17+$0x0], $0xffff;
	_ =	sdelay $0x1  }
0x5f: {  	s30 =	sshra.s32 s31, $0x2;
	s31 =	sadd.s32 $0x40, s31  }
0x60: {  	v4 =	vld [tilespmem:s30+$0x0];
	_ =	sdelay $0x2  }
0x61: {  	vm0 =	vlt.f32 v3, v1;
	vm1 =	vgt.f32 v3, v1  }
0x62: {  	vm0 =	vmor vm1, vm0  }
0x63: {  	v3 =	vmpcnt.ones.xlane vm0;
	_ =	sdelay $0x1  }
0x64: {  	[tilespmem:s1+$0x9800] =	vst v3  }
0x65: {  	[tilespmem:v4+s17+$0x0] =	vst.idx.msk $0xffff, v1  }
0x66: {  	v3 =	vld.idx.msk [tilespmem:v4+s17+$0x0], $0xffff;
	_ =	sdelay $0x4  }
.Ltmp6:
0x67: {  	vm14 =	vlt.f32 v3, v1;
	vm15 =	vgt.f32 v3, v1;
	(pc) =	sbr.rel .LBB2_7-.Ltmp6, $3  }
0x68: {  	vm0 =	vmor vm15, vm14  }
0x69: {  	v3 =	vmpcnt.ones.xlane vm0;
	_ =	sdelay $0x1  }
0x6a: {  	[tilespmem:s30+$0x9800] =	vst v3;
	s30 =	simm.s32 $0x0  }
.LBB2_24:
0x6b: {  	s30 =	sadd.s32 $0x1, s30  }
0x6c: {  	p0 =	sne.s32 s30, $0xC8  }
.Ltmp7:
0x6d: {  	_ = 	snop;
	(pc) =	sbr.rel @!p0 .LBB2_25-.Ltmp7, $1  }
0x6e: {  	_ =	sdelay $0x3  }
.LBB2_7:
0x6f: {  	s0 =	sshll.u32 s30, $0x4  }
0x70: {  	v3 =	vld [tilespmem:s0+$0x0];
	_ =	sdelay $0x3  }
0x71: {  	s31 =	sshll.u32 s30, $0x7  }
0x72: {  	s6 =	sand.u32 $0x70, s0;
	s1 =	sand.u32 $0x7C00, s31  }
0x73: {  	s1 =	sor.u32 s6, s1  }
0x74: {  	v4 =	vld [tilespmem:s1+$0xC80]  }
0x75: {  	v5 =	vld.idx.msk [tilespmem:v3+s18+$0x0], $0xffff;
	_ =	sdelay $0x4  }
0x76: {  	v4 =	vmax.f32 v4, v5  }
0x77: {  	[tilespmem:v3+s18+$0x0] =	vst.idx.msk $0xffff, v4  }
0x78: {  	v4 =	vld [tilespmem:s1+$0xD00]  }
0x79: {  	v5 =	vld.idx.msk [tilespmem:v3+s19+$0x0], $0xffff;
	_ =	sdelay $0x4  }
0x7a: {  	v4 =	vmax.f32 v4, v5  }
0x7b: {  	[tilespmem:v3+s19+$0x0] =	vst.idx.msk $0xffff, v4  }
0x7c: {  	v4 =	vld [tilespmem:s1+$0xD80]  }
0x7d: {  	v5 =	vld.idx.msk [tilespmem:v3+s20+$0x0], $0xffff;
	_ =	sdelay $0x4  }
0x7e: {  	v4 =	vmax.f32 v4, v5  }
0x7f: {  	[tilespmem:v3+s20+$0x0] =	vst.idx.msk $0xffff, v4  }
0x80: {  	v4 =	vld [tilespmem:s1+$0xE00]  }
0x81: {  	v5 =	vld.idx.msk [tilespmem:v3+s21+$0x0], $0xffff;
	_ =	sdelay $0x4  }
0x82: {  	v4 =	vmax.f32 v4, v5  }
0x83: {  	[tilespmem:v3+s21+$0x0] =	vst.idx.msk $0xffff, v4  }
0x84: {  	v4 =	vld [tilespmem:s1+$0xE80]  }
0x85: {  	v5 =	vld.idx.msk [tilespmem:v3+s22+$0x0], $0xffff;
	_ =	sdelay $0x4  }
0x86: {  	v4 =	vmax.f32 v4, v5  }
0x87: {  	[tilespmem:v3+s22+$0x0] =	vst.idx.msk $0xffff, v4  }
0x88: {  	v4 =	vld [tilespmem:s1+$0xF00]  }
0x89: {  	v5 =	vld.idx.msk [tilespmem:v3+s23+$0x0], $0xffff;
	_ =	sdelay $0x4  }
0x8a: {  	v4 =	vmax.f32 v4, v5  }
0x8b: {  	[tilespmem:v3+s23+$0x0] =	vst.idx.msk $0xffff, v4  }
0x8c: {  	v4 =	vld [tilespmem:s1+$0xF80]  }
0x8d: {  	v5 =	vld.idx.msk [tilespmem:v3+s24+$0x0], $0xffff;
	_ =	sdelay $0x4  }
0x8e: {  	s6 =	sor.u32 s6, s31;
	v4 =	vmax.f32 v4, v5  }
0x8f: {  	s31 =	sor.u32 $0x380, s6;
	[tilespmem:v3+s24+$0x0] =	vst.idx.msk $0xffff, v4  }
0x90: {  	v4 =	vld [tilespmem:s31+$0xC80]  }
0x91: {  	v5 =	vld.idx.msk [tilespmem:v3+s25+$0x0], $0xffff;
	_ =	sdelay $0x4  }
0x92: {  	v4 =	vmax.f32 v4, v5  }
0x93: {  	[tilespmem:v3+s25+$0x0] =	vst.idx.msk $0xffff, v4  }
0x94: {  	v4 =	vld [tilespmem:s0+$0x9800];
	_ =	sdelay $0x4  }
0x95: {  	(v2sf) =	vpush v4, $0x0;
	_ =	sdelay $0xe  }
0x96: {  	s6 =	spop (v2sf)  }
0x97: {  	p0 =	slt.s32 s6, $0x1  }
.Ltmp8:
0x98: {  	_ = 	snop;
	(pc) =	sbr.rel @p0 .LBB2_24-.Ltmp8, $1  }
0x99: {  	_ =	sdelay $0x3  }
0x9a: {  	_ =	sdelay $0x2  }
0x9b: {  	v4 =	vld [tilespmem:s1+$0xC80]  }
0x9c: {  	v5 =	vld.idx.msk [tilespmem:v3+s18+$0x0], $0xffff;
	_ =	sdelay $0x4  }
0x9d: {  	v4 =	vmax.f32 v4, v5  }
0x9e: {  	vm0 =	vlt.f32 v5, v4  }
0x9f: {  	v5 =	vsel vm0, $0x1, v2  }
0xa0: {  	(xrf0) =	vadd.scan.msk.s32 $0xffff, v5;
	_ =	sdelay $0x5  }
0xa1: {  	v5, _, _ =	vpop (xrf0)  }
0xa2: {  	(v2sf) =	vpush v5, $0xF;
	_ =	sdelay $0xe  }
0xa3: {  	s0 =	spop (v2sf)  }
0xa4: {  	p0 =	slt.s32 s0, $0x1  }
.Ltmp9:
0xa5: {  	_ = 	snop;
	(pc) =	sbr.rel @p0 .LBB2_10-.Ltmp9, $1  }
0xa6: {  	_ =	sdelay $0x3  }
.LBB2_9:
0xa7: {  	v5 =	vld.idx.msk [tilespmem:v3+s18+$0x0], $0xffff;
	_ =	sdelay $0x4  }
0xa8: {  	vm0 =	vlt.f32 v5, v4;
	_ =	sdelay $0x5  }
0xa9: {  	[tilespmem:v3+s18+$0x0] =	vst.idx.msk vm0, v4  }
0xaa: {  	v5 =	vld.idx.msk [tilespmem:v3+s18+$0x0], $0xffff;
	_ =	sdelay $0x4  }
0xab: {  	vm15 =	vlt.f32 v5, v4  }
0xac: {  	v5 =	vsel vm15, $0x1, v2  }
0xad: {  	(xrf0) =	vadd.scan.msk.s32 $0xffff, v5;
	_ =	sdelay $0x5  }
0xae: {  	v5, _, _ =	vpop (xrf0)  }
0xaf: {  	(v2sf) =	vpush v5, $0xF;
	_ =	sdelay $0xe  }
0xb0: {  	s0 =	spop (v2sf)  }
0xb1: {  	p0 =	sgt.s32 s0, $0x0  }
.Ltmp10:
0xb2: {  	_ = 	snop;
	(pc) =	sbr.rel @p0 .LBB2_9-.Ltmp10, $1  }
0xb3: {  	_ =	sdelay $0x3  }
.LBB2_10:
0xb4: {  	_ =	sdelay $0x3  }
0xb5: {  	s1 =	sadd.s32 $0xC80, s1;
	v5 =	vld.idx.msk [tilespmem:v3+s19+$0x0], $0xffff  }
0xb6: {  	v4 =	vld [tilespmem:s1+$0x80];
	_ =	sdelay $0x4  }
0xb7: {  	v4 =	vmax.f32 v4, v5  }
0xb8: {  	vm0 =	vlt.f32 v5, v4  }
0xb9: {  	v5 =	vsel vm0, $0x1, v2  }
0xba: {  	(xrf0) =	vadd.scan.msk.s32 $0xffff, v5;
	_ =	sdelay $0x5  }
0xbb: {  	v5, _, _ =	vpop (xrf0)  }
0xbc: {  	(v2sf) =	vpush v5, $0xF;
	_ =	sdelay $0xe  }
0xbd: {  	s0 =	spop (v2sf)  }
0xbe: {  	p0 =	slt.s32 s0, $0x1  }
.Ltmp11:
0xbf: {  	_ = 	snop;
	(pc) =	sbr.rel @p0 .LBB2_12-.Ltmp11, $1  }
0xc0: {  	_ =	sdelay $0x3  }
.LBB2_11:
0xc1: {  	v5 =	vld.idx.msk [tilespmem:v3+s19+$0x0], $0xffff;
	_ =	sdelay $0x4  }
0xc2: {  	vm0 =	vlt.f32 v5, v4;
	_ =	sdelay $0x5  }
0xc3: {  	[tilespmem:v3+s19+$0x0] =	vst.idx.msk vm0, v4  }
0xc4: {  	v5 =	vld.idx.msk [tilespmem:v3+s19+$0x0], $0xffff;
	_ =	sdelay $0x4  }
0xc5: {  	vm15 =	vlt.f32 v5, v4  }
0xc6: {  	v5 =	vsel vm15, $0x1, v2  }
0xc7: {  	(xrf0) =	vadd.scan.msk.s32 $0xffff, v5;
	_ =	sdelay $0x5  }
0xc8: {  	v5, _, _ =	vpop (xrf0)  }
0xc9: {  	(v2sf) =	vpush v5, $0xF;
	_ =	sdelay $0xe  }
0xca: {  	s0 =	spop (v2sf)  }
0xcb: {  	p0 =	sgt.s32 s0, $0x0  }
.Ltmp12:
0xcc: {  	_ = 	snop;
	(pc) =	sbr.rel @p0 .LBB2_11-.Ltmp12, $1  }
0xcd: {  	_ =	sdelay $0x3  }
.LBB2_12:
0xce: {  	_ =	sdelay $0x2  }
0xcf: {  	v4 =	vld [tilespmem:s1+$0x100]  }
0xd0: {  	v5 =	vld.idx.msk [tilespmem:v3+s20+$0x0], $0xffff;
	_ =	sdelay $0x4  }
0xd1: {  	v4 =	vmax.f32 v4, v5  }
0xd2: {  	vm0 =	vlt.f32 v5, v4  }
0xd3: {  	v5 =	vsel vm0, $0x1, v2  }
0xd4: {  	(xrf0) =	vadd.scan.msk.s32 $0xffff, v5;
	_ =	sdelay $0x5  }
0xd5: {  	v5, _, _ =	vpop (xrf0)  }
0xd6: {  	(v2sf) =	vpush v5, $0xF;
	_ =	sdelay $0xe  }
0xd7: {  	s0 =	spop (v2sf)  }
0xd8: {  	p0 =	slt.s32 s0, $0x1  }
.Ltmp13:
0xd9: {  	_ = 	snop;
	(pc) =	sbr.rel @p0 .LBB2_14-.Ltmp13, $1  }
0xda: {  	_ =	sdelay $0x3  }
.LBB2_13:
0xdb: {  	v5 =	vld.idx.msk [tilespmem:v3+s20+$0x0], $0xffff;
	_ =	sdelay $0x4  }
0xdc: {  	vm0 =	vlt.f32 v5, v4;
	_ =	sdelay $0x5  }
0xdd: {  	[tilespmem:v3+s20+$0x0] =	vst.idx.msk vm0, v4  }
0xde: {  	v5 =	vld.idx.msk [tilespmem:v3+s20+$0x0], $0xffff;
	_ =	sdelay $0x4  }
0xdf: {  	vm15 =	vlt.f32 v5, v4  }
0xe0: {  	v5 =	vsel vm15, $0x1, v2  }
0xe1: {  	(xrf0) =	vadd.scan.msk.s32 $0xffff, v5;
	_ =	sdelay $0x5  }
0xe2: {  	v5, _, _ =	vpop (xrf0)  }
0xe3: {  	(v2sf) =	vpush v5, $0xF;
	_ =	sdelay $0xe  }
0xe4: {  	s0 =	spop (v2sf)  }
0xe5: {  	p0 =	sgt.s32 s0, $0x0  }
.Ltmp14:
0xe6: {  	_ = 	snop;
	(pc) =	sbr.rel @p0 .LBB2_13-.Ltmp14, $1  }
0xe7: {  	_ =	sdelay $0x3  }
.LBB2_14:
0xe8: {  	_ =	sdelay $0x2  }
0xe9: {  	v4 =	vld [tilespmem:s1+$0x180]  }
0xea: {  	v5 =	vld.idx.msk [tilespmem:v3+s21+$0x0], $0xffff;
	_ =	sdelay $0x4  }
0xeb: {  	v4 =	vmax.f32 v4, v5  }
0xec: {  	vm0 =	vlt.f32 v5, v4  }
0xed: {  	v5 =	vsel vm0, $0x1, v2  }
0xee: {  	(xrf0) =	vadd.scan.msk.s32 $0xffff, v5;
	_ =	sdelay $0x5  }
0xef: {  	v5, _, _ =	vpop (xrf0)  }
0xf0: {  	(v2sf) =	vpush v5, $0xF;
	_ =	sdelay $0xe  }
0xf1: {  	s0 =	spop (v2sf)  }
0xf2: {  	p0 =	slt.s32 s0, $0x1  }
.Ltmp15:
0xf3: {  	_ = 	snop;
	(pc) =	sbr.rel @p0 .LBB2_16-.Ltmp15, $1  }
0xf4: {  	_ =	sdelay $0x3  }
.LBB2_15:
0xf5: {  	v5 =	vld.idx.msk [tilespmem:v3+s21+$0x0], $0xffff;
	_ =	sdelay $0x4  }
0xf6: {  	vm0 =	vlt.f32 v5, v4;
	_ =	sdelay $0x5  }
0xf7: {  	[tilespmem:v3+s21+$0x0] =	vst.idx.msk vm0, v4  }
0xf8: {  	v5 =	vld.idx.msk [tilespmem:v3+s21+$0x0], $0xffff;
	_ =	sdelay $0x4  }
0xf9: {  	vm15 =	vlt.f32 v5, v4  }
0xfa: {  	v5 =	vsel vm15, $0x1, v2  }
0xfb: {  	(xrf0) =	vadd.scan.msk.s32 $0xffff, v5;
	_ =	sdelay $0x5  }
0xfc: {  	v5, _, _ =	vpop (xrf0)  }
0xfd: {  	(v2sf) =	vpush v5, $0xF;
	_ =	sdelay $0xe  }
0xfe: {  	s0 =	spop (v2sf)  }
0xff: {  	p0 =	sgt.s32 s0, $0x0  }
.Ltmp16:
0x100: {  	_ = 	snop;
	(pc) =	sbr.rel @p0 .LBB2_15-.Ltmp16, $1  }
0x101: {  	_ =	sdelay $0x3  }
.LBB2_16:
0x102: {  	_ =	sdelay $0x2  }
0x103: {  	v4 =	vld [tilespmem:s1+$0x200]  }
0x104: {  	v5 =	vld.idx.msk [tilespmem:v3+s22+$0x0], $0xffff;
	_ =	sdelay $0x4  }
0x105: {  	v4 =	vmax.f32 v4, v5  }
0x106: {  	vm0 =	vlt.f32 v5, v4  }
0x107: {  	v5 =	vsel vm0, $0x1, v2  }
0x108: {  	(xrf0) =	vadd.scan.msk.s32 $0xffff, v5;
	_ =	sdelay $0x5  }
0x109: {  	v5, _, _ =	vpop (xrf0)  }
0x10a: {  	(v2sf) =	vpush v5, $0xF;
	_ =	sdelay $0xe  }
0x10b: {  	s0 =	spop (v2sf)  }
0x10c: {  	p0 =	slt.s32 s0, $0x1  }
.Ltmp17:
0x10d: {  	_ = 	snop;
	(pc) =	sbr.rel @p0 .LBB2_18-.Ltmp17, $1  }
0x10e: {  	_ =	sdelay $0x3  }
.LBB2_17:
0x10f: {  	v5 =	vld.idx.msk [tilespmem:v3+s22+$0x0], $0xffff;
	_ =	sdelay $0x4  }
0x110: {  	vm0 =	vlt.f32 v5, v4;
	_ =	sdelay $0x5  }
0x111: {  	[tilespmem:v3+s22+$0x0] =	vst.idx.msk vm0, v4  }
0x112: {  	v5 =	vld.idx.msk [tilespmem:v3+s22+$0x0], $0xffff;
	_ =	sdelay $0x4  }
0x113: {  	vm15 =	vlt.f32 v5, v4  }
0x114: {  	v5 =	vsel vm15, $0x1, v2  }
0x115: {  	(xrf0) =	vadd.scan.msk.s32 $0xffff, v5;
	_ =	sdelay $0x5  }
0x116: {  	v5, _, _ =	vpop (xrf0)  }
0x117: {  	(v2sf) =	vpush v5, $0xF;
	_ =	sdelay $0xe  }
0x118: {  	s0 =	spop (v2sf)  }
0x119: {  	p0 =	sgt.s32 s0, $0x0  }
.Ltmp18:
0x11a: {  	_ = 	snop;
	(pc) =	sbr.rel @p0 .LBB2_17-.Ltmp18, $1  }
0x11b: {  	_ =	sdelay $0x3  }
.LBB2_18:
0x11c: {  	_ =	sdelay $0x2  }
0x11d: {  	v4 =	vld [tilespmem:s1+$0x280]  }
0x11e: {  	v5 =	vld.idx.msk [tilespmem:v3+s23+$0x0], $0xffff;
	_ =	sdelay $0x4  }
0x11f: {  	v4 =	vmax.f32 v4, v5  }
0x120: {  	vm0 =	vlt.f32 v5, v4  }
0x121: {  	v5 =	vsel vm0, $0x1, v2  }
0x122: {  	(xrf0) =	vadd.scan.msk.s32 $0xffff, v5;
	_ =	sdelay $0x5  }
0x123: {  	v5, _, _ =	vpop (xrf0)  }
0x124: {  	(v2sf) =	vpush v5, $0xF;
	_ =	sdelay $0xe  }
0x125: {  	s0 =	spop (v2sf)  }
0x126: {  	p0 =	slt.s32 s0, $0x1  }
.Ltmp19:
0x127: {  	_ = 	snop;
	(pc) =	sbr.rel @p0 .LBB2_20-.Ltmp19, $1  }
0x128: {  	_ =	sdelay $0x3  }
.LBB2_19:
0x129: {  	v5 =	vld.idx.msk [tilespmem:v3+s23+$0x0], $0xffff;
	_ =	sdelay $0x4  }
0x12a: {  	vm0 =	vlt.f32 v5, v4;
	_ =	sdelay $0x5  }
0x12b: {  	[tilespmem:v3+s23+$0x0] =	vst.idx.msk vm0, v4  }
0x12c: {  	v5 =	vld.idx.msk [tilespmem:v3+s23+$0x0], $0xffff;
	_ =	sdelay $0x4  }
0x12d: {  	vm15 =	vlt.f32 v5, v4  }
0x12e: {  	v5 =	vsel vm15, $0x1, v2  }
0x12f: {  	(xrf0) =	vadd.scan.msk.s32 $0xffff, v5;
	_ =	sdelay $0x5  }
0x130: {  	v5, _, _ =	vpop (xrf0)  }
0x131: {  	(v2sf) =	vpush v5, $0xF;
	_ =	sdelay $0xe  }
0x132: {  	s0 =	spop (v2sf)  }
0x133: {  	p0 =	sgt.s32 s0, $0x0  }
.Ltmp20:
0x134: {  	_ = 	snop;
	(pc) =	sbr.rel @p0 .LBB2_19-.Ltmp20, $1  }
0x135: {  	_ =	sdelay $0x3  }
.LBB2_20:
0x136: {  	_ =	sdelay $0x2  }
0x137: {  	v4 =	vld [tilespmem:s1+$0x300]  }
0x138: {  	v5 =	vld.idx.msk [tilespmem:v3+s24+$0x0], $0xffff;
	_ =	sdelay $0x4  }
0x139: {  	v4 =	vmax.f32 v4, v5  }
0x13a: {  	vm0 =	vlt.f32 v5, v4  }
0x13b: {  	v5 =	vsel vm0, $0x1, v2  }
0x13c: {  	(xrf0) =	vadd.scan.msk.s32 $0xffff, v5;
	_ =	sdelay $0x5  }
0x13d: {  	v5, _, _ =	vpop (xrf0)  }
0x13e: {  	(v2sf) =	vpush v5, $0xF;
	_ =	sdelay $0xe  }
0x13f: {  	s0 =	spop (v2sf)  }
0x140: {  	p0 =	slt.s32 s0, $0x1  }
.Ltmp21:
0x141: {  	_ = 	snop;
	(pc) =	sbr.rel @p0 .LBB2_22-.Ltmp21, $1  }
0x142: {  	_ =	sdelay $0x3  }
.LBB2_21:
0x143: {  	v5 =	vld.idx.msk [tilespmem:v3+s24+$0x0], $0xffff;
	_ =	sdelay $0x4  }
0x144: {  	vm0 =	vlt.f32 v5, v4;
	_ =	sdelay $0x5  }
0x145: {  	[tilespmem:v3+s24+$0x0] =	vst.idx.msk vm0, v4  }
0x146: {  	v5 =	vld.idx.msk [tilespmem:v3+s24+$0x0], $0xffff;
	_ =	sdelay $0x4  }
0x147: {  	vm15 =	vlt.f32 v5, v4  }
0x148: {  	v5 =	vsel vm15, $0x1, v2  }
0x149: {  	(xrf0) =	vadd.scan.msk.s32 $0xffff, v5;
	_ =	sdelay $0x5  }
0x14a: {  	v5, _, _ =	vpop (xrf0)  }
0x14b: {  	(v2sf) =	vpush v5, $0xF;
	_ =	sdelay $0xe  }
0x14c: {  	s0 =	spop (v2sf)  }
0x14d: {  	p0 =	sgt.s32 s0, $0x0  }
.Ltmp22:
0x14e: {  	_ = 	snop;
	(pc) =	sbr.rel @p0 .LBB2_21-.Ltmp22, $1  }
0x14f: {  	_ =	sdelay $0x3  }
.LBB2_22:
0x150: {  	_ =	sdelay $0x2  }
0x151: {  	v4 =	vld [tilespmem:s31+$0xC80]  }
0x152: {  	v5 =	vld.idx.msk [tilespmem:v3+s25+$0x0], $0xffff;
	_ =	sdelay $0x4  }
0x153: {  	v4 =	vmax.f32 v4, v5  }
0x154: {  	vm0 =	vlt.f32 v5, v4  }
0x155: {  	v5 =	vsel vm0, $0x1, v2  }
0x156: {  	(xrf0) =	vadd.scan.msk.s32 $0xffff, v5;
	_ =	sdelay $0x5  }
0x157: {  	v5, _, _ =	vpop (xrf0)  }
0x158: {  	(v2sf) =	vpush v5, $0xF;
	_ =	sdelay $0xe  }
0x159: {  	s0 =	spop (v2sf)  }
0x15a: {  	p0 =	slt.s32 s0, $0x1  }
.Ltmp23:
0x15b: {  	_ = 	snop;
	(pc) =	sbr.rel @p0 .LBB2_24-.Ltmp23, $1  }
0x15c: {  	_ =	sdelay $0x3  }
.LBB2_23:
0x15d: {  	v5 =	vld.idx.msk [tilespmem:v3+s25+$0x0], $0xffff;
	_ =	sdelay $0x4  }
0x15e: {  	vm0 =	vlt.f32 v5, v4;
	_ =	sdelay $0x5  }
0x15f: {  	[tilespmem:v3+s25+$0x0] =	vst.idx.msk vm0, v4  }
0x160: {  	v5 =	vld.idx.msk [tilespmem:v3+s25+$0x0], $0xffff;
	_ =	sdelay $0x4  }
0x161: {  	vm15 =	vlt.f32 v5, v4  }
0x162: {  	v5 =	vsel vm15, $0x1, v2  }
0x163: {  	(xrf0) =	vadd.scan.msk.s32 $0xffff, v5;
	_ =	sdelay $0x5  }
0x164: {  	v5, _, _ =	vpop (xrf0)  }
0x165: {  	(v2sf) =	vpush v5, $0xF;
	_ =	sdelay $0xe  }
0x166: {  	s0 =	spop (v2sf)  }
0x167: {  	p0 =	sgt.s32 s0, $0x0  }
.Ltmp24:
0x168: {  	_ = 	snop;
	(pc) =	sbr.rel @p0 .LBB2_23-.Ltmp24, $1  }
0x169: {  	_ =	sdelay $0x3  }
.Ltmp25:
0x16a: {  	_ = 	snop;
	(pc) =	sbr.rel .LBB2_24-.Ltmp25, $1  }
0x16b: {  	_ =	sdelay $0x3  }
.LBB2_27:
0x16c: {  	_ =	sfence.sel $0x180000  }
0x16d: {  	[bflag:$0x0] =	sbarrier.arrive $0xFFFF  }
0x16e: {  	_ =	strace $0x90000056  }
0x16f: {  	s0 =	stileid.u32;
	[bflag:$0x2] =	sbarrier.arrive $0xFFFF  }
0x170: {  	p0 =	sne.s32 s0, $0x0;
	s0 =	rddreg [dreg:$0x1]  }
0x171: {  	s0 =	sadd.s32 @!p0 $0x100000, s0  }
0x172: {  	[sflag:s0] =	ssyncadd.tile.s32 @!p0 $0x1;
	_ =	shalt  }
.Lfunc_end2:
_tile_overlayer_lowered:
.L_overlay_start_2:
0x173: {  	(tag) =	ssettag $0x2  }
0x174: {  	s0 =	rddreg [dreg:$0x0];
	s2 =	stileid.u32  }
0x175: {  	s1 =	rddreg [dreg:$0x1];
	p0 =	sne.s32 s2, $0x0  }
0x176: {  	s3 =	rddreg [dreg:$0x2];
	[bflag:$0x3] =	sbarrier.arrive $0xFFFF;
	s2 =	simm.s32 @!p0 $0x1C01  }
0x177: {  	[timem:s3], [sflag:s2] =	dma.local @!p0 [hbm:s0], s1  }
0x178: {  	s0 =	simm.s32 @!p0 $0x1  }
0x179: {  	_ =	swait.ge @!p0 [sflag:s0], s1  }
0x17a: {  	s1 =	ssub.s32 @!p0 $0x0, s1;
	[sflag:s0] =	ssyncset.done @!p0 $0x0  }
0x17b: {  	[sflag:s0] =	ssyncadd.s32 @!p0 s1  }
0x17c: {  	[bflag:$0x3] =	sbarrier.arrive $0xFFFF  }
0x17d: {  	_ =	shalt  }

</sc_bundles>
